<compile_context>
chip_gen: v7x
topology: tpu7x:2x2x1
jax: 0.10.2.dev20260603
libtpu: 0.0.44.dev20260713+nightly
codegen_flags: <defaults>
</compile_context>

<pallas_src>
import functools

import jax
import jax.numpy as jnp
from jax import lax
from jax.experimental import pallas as pl
from jax.experimental.pallas import tpu as pltpu
from jax.experimental.pallas import tpu_sc as plsc

F32 = jnp.float32
I32 = jnp.int32

_B, _T = 1024, 50
_N = _B * _T
_P = 25
_E = 32
_IMG = _P * _E
_TAIL = 34
_ROW = _IMG + _TAIL
_CW = 64
_NW = 32
_BPW = _B // _NW
_GB = 4
_TA, _TB = 24, 26
_MB = 3200


def _tc_setup_body(obs_ref, dir_ref, act_ref, rew_ref, done_ref, tile_ref,
                   color_ref, atab_ref, w_ref, b_ref, selt_ref, selc_ref,
                   combo_ref, fused_ref):
    x = obs_ref[...].astype(F32)
    t = jnp.dot(x, selt_ref[...], preferred_element_type=F32)
    c = jnp.dot(x, selc_ref[...], preferred_element_type=F32)
    combo_ref[:, 0:_P] = t * 16.0 + c

    de = jnp.dot(dir_ref[...], w_ref[...], preferred_element_type=F32) + b_ref[...]
    oh = (act_ref[...] == lax.broadcasted_iota(I32, (_MB, 16), 1)).astype(F32)
    ae = jnp.dot(oh, atab_ref[...], preferred_element_type=F32)
    combo_ref[:, _P:_P + 16] = de
    combo_ref[:, _P + 16:_P + 32] = ae
    combo_ref[:, _P + 32:_P + 33] = rew_ref[...]
    combo_ref[:, _P + 33:_P + 34] = done_ref[...]
    combo_ref[:, _P + 34:] = jnp.zeros((_MB, _CW - _P - _TAIL), F32)

    r = lax.broadcasted_iota(I32, (256, 16), 0)
    k = lax.broadcasted_iota(I32, (256, 16), 1)
    oht = ((r // 16) == k).astype(F32)
    ohc = ((r % 16) == k).astype(F32)
    fused_ref[:, 0:16] = jnp.dot(oht, tile_ref[...], preferred_element_type=F32)
    fused_ref[:, 16:32] = jnp.dot(ohc, color_ref[...], preferred_element_type=F32)


def _tc_setup(obs2, dir2, act2, rew2, done2, tile_table, color_table,
              action_table, dir_W, dir_b, selt, selc):
    grid = _N // _MB
    bspec = lambda w: pl.BlockSpec((_MB, w), lambda i: (i, 0))
    fullspec = lambda s: pl.BlockSpec(s, lambda i: (0, 0))
    return pl.pallas_call(
        _tc_setup_body,
        grid=(grid,),
        in_specs=[
            bspec(2 * _P),
            bspec(4),
            bspec(1),
            bspec(1),
            bspec(1),
            fullspec((16, 16)),
            fullspec((16, 16)),
            fullspec((16, 16)),
            fullspec((4, 16)),
            fullspec((1, 16)),
            fullspec((2 * _P, _P)),
            fullspec((2 * _P, _P)),
        ],
        out_specs=[
            bspec(_CW),
            fullspec((256, 32)),
        ],
        out_shape=[
            jax.ShapeDtypeStruct((_N, _CW), F32),
            jax.ShapeDtypeStruct((256, 32), F32),
        ],
    )(obs2, dir2, act2, rew2, done2, tile_table, color_table,
      action_table, dir_W, dir_b, selt, selc)


@functools.partial(
    pl.kernel,
    mesh=plsc.VectorSubcoreMesh(core_axis_name="c", subcore_axis_name="s"),
    compiler_params=pltpu.CompilerParams(use_tc_tiling_on_sc=True,
                                         needs_layout_passes=False),
    out_type=jax.ShapeDtypeStruct((_B, _T, _ROW), F32),
    scratch_types=[
        pltpu.VMEM((256 * _E,), F32),
        pltpu.VMEM((_GB * _T, _CW), F32),
        pltpu.VMEM((_TA, _ROW), F32),
        pltpu.VMEM((_TB, _ROW), F32),
        pltpu.SemaphoreType.DMA,
        pltpu.SemaphoreType.DMA,
    ],
)
def _sc_encode(combo_hbm, fused_hbm, out_hbm,
               fused_v, combo_v, rowa, rowb, asem, bsem):
    wid = lax.axis_index("s") * 2 + lax.axis_index("c")
    b0 = wid * _BPW
    r0 = wid * _BPW * _T
    pltpu.sync_copy(fused_hbm, fused_v)

    iota = lax.iota(I32, 16)
    dnums = lax.GatherDimensionNumbers(offset_dims=(),
                                       collapsed_slice_dims=(0,),
                                       start_index_map=(0,))

    def assemble(base, n, rowbuf):
        def body(r, c):
            pv = combo_v[base + r, pl.ds(0, 16)].astype(I32) * _E
            qv = combo_v[base + r, pl.ds(9, 16)].astype(I32) * _E
            for p0 in range(0, _P, 8):
                vals = []
                for p in range(p0, min(p0 + 8, _P)):
                    src, lane = (pv, p) if p < 16 else (qv, p - 9)
                    offv = lax.gather(
                        src, jnp.full((16, 1), lane, I32), dnums, (1,),
                        mode=lax.GatherScatterMode.PROMISE_IN_BOUNDS)
                    ia = offv + iota
                    vals.append(plsc.load_gather(fused_v, [ia]))
                    vals.append(plsc.load_gather(fused_v, [ia + 16]))
                for k, v in enumerate(vals):
                    rowbuf[r, pl.ds(_E * p0 + 16 * k, 16)] = v
            rowbuf[r, pl.ds(_IMG, 16)] = combo_v[base + r, pl.ds(_P, 16)]
            rowbuf[r, pl.ds(_IMG + 16, 16)] = combo_v[base + r, pl.ds(_P + 16, 16)]
            rowbuf[r, pl.ds(_IMG + 18, 16)] = combo_v[base + r, pl.ds(_P + 18, 16)]
            return c

        lax.fori_loop(0, n, body, 0)

    def group_body(g, carry):
        pltpu.sync_copy(combo_hbm.at[pl.ds(r0 + g * _GB * _T, _GB * _T), :],
                        combo_v)
        for jb in range(_GB):
            b = b0 + g * _GB + jb
            if jb == 0:
                @pl.when(g > 0)
                def _():
                    pltpu.make_async_copy(rowa, out_hbm.at[b, pl.ds(0, _TA)],
                                          asem).wait()
            else:
                pltpu.make_async_copy(rowa, out_hbm.at[b, pl.ds(0, _TA)],
                                      asem).wait()
            assemble(jb * _T, _TA, rowa)
            pltpu.async_copy(rowa, out_hbm.at[b, pl.ds(0, _TA)], asem)
            if jb == 0:
                @pl.when(g > 0)
                def _():
                    pltpu.make_async_copy(rowb, out_hbm.at[b, pl.ds(_TA, _TB)],
                                          bsem).wait()
            else:
                pltpu.make_async_copy(rowb, out_hbm.at[b, pl.ds(_TA, _TB)],
                                      bsem).wait()
            assemble(jb * _T + _TA, _TB, rowb)
            pltpu.async_copy(rowb, out_hbm.at[b, pl.ds(_TA, _TB)], bsem)
        return carry

    lax.fori_loop(0, _BPW // _GB, group_body, 0)
    pltpu.make_async_copy(rowa, out_hbm.at[b0, pl.ds(0, _TA)], asem).wait()
    pltpu.make_async_copy(rowb, out_hbm.at[b0, pl.ds(_TA, _TB)], bsem).wait()


def kernel(obs_img, obs_dir, prev_action, prev_reward, done, tile_table,
           color_table, action_table, dir_W, dir_b):
    obs2 = obs_img.reshape(_N, 2 * _P).astype(I32)
    ii = jnp.arange(2 * _P)[:, None]
    jj = jnp.arange(_P)[None, :]
    selt = (ii == 2 * jj).astype(F32)
    selc = (ii == 2 * jj + 1).astype(F32)
    combo, fused = _tc_setup(
        obs2, obs_dir.reshape(_N, 4), prev_action.reshape(_N, 1).astype(I32),
        prev_reward.reshape(_N, 1), done.reshape(_N, 1),
        tile_table, color_table, action_table, dir_W, dir_b.reshape(1, 16),
        selt, selc)
    return _sc_encode(combo, fused.reshape(-1))

# --- scband reference (transcript-rebuilt; emitter-appended) ---
"""Pipeline reference for scband-obs-encoder-1030792151350 (READ-ONLY COPY).

The authoritative reference and input builder live on the scoring server;
editing this copy changes nothing except your own understanding.
"""

import jax, jax.numpy as jnp
import numpy as np

NUM_TILES = 16
NUM_COLORS = 16
NUM_ACTIONS = 16
OBS_EMB = 16
ACT_EMB = 16
B, T, H, W = 1024, 50, 5, 5


def setup_inputs(seed: int = 0) -> dict:
    key = jax.random.key(seed)
    ks = jax.random.split(key, 10)
    obs_img = jax.random.randint(ks[0], (B, T, H, W, 2), 0, NUM_TILES, dtype=jnp.int32)
    obs_dir = jax.random.uniform(ks[1], (B, T, 4), dtype=jnp.float32)
    prev_action = jax.random.randint(ks[2], (B, T), 0, NUM_ACTIONS, dtype=jnp.int32)
    prev_reward = jax.random.normal(ks[3], (B, T), dtype=jnp.float32)
    done = jax.random.uniform(ks[4], (B, T), dtype=jnp.float32)
    tile_table = jax.random.normal(ks[5], (NUM_TILES, OBS_EMB), dtype=jnp.float32) * 0.02
    color_table = jax.random.normal(ks[6], (NUM_COLORS, OBS_EMB), dtype=jnp.float32) * 0.02
    action_table = jax.random.normal(ks[7], (NUM_ACTIONS, ACT_EMB), dtype=jnp.float32) * 0.02
    dir_W = jax.random.normal(ks[8], (4, ACT_EMB), dtype=jnp.float32) * 0.5
    dir_b = jnp.zeros((ACT_EMB,), dtype=jnp.float32)
    return {
        "obs_img": obs_img,
        "obs_dir": obs_dir,
        "prev_action": prev_action,
        "prev_reward": prev_reward,
        "done": done,
        "tile_table": tile_table,
        "color_table": color_table,
        "action_table": action_table,
        "dir_W": dir_W,
        "dir_b": dir_b,
    }


def reference(obs_img, obs_dir, prev_action, prev_reward, done, tile_table, color_table, action_table, dir_W, dir_b):
    tile_enc = jnp.take(tile_table, obs_img[..., 0].astype(jnp.int32), axis=0)
    color_enc = jnp.take(color_table, obs_img[..., 1].astype(jnp.int32), axis=0)
    img_enc = jnp.concatenate([tile_enc, color_enc], axis=-1)
    img_flat = img_enc.reshape(*obs_img.shape[:-3], -1)
    dir_enc = obs_dir @ dir_W + dir_b
    act_enc = jnp.take(action_table, prev_action.astype(jnp.int32), axis=0)
    return jnp.concatenate([img_flat, dir_enc, act_enc, prev_reward[..., None], done[..., None]], axis=-1)

if __name__ == "__main__":
    import jax
    _d = setup_inputs()
    print(jax.jit(kernel)(*tuple(_d.values())))

</pallas_src>

<mosaic_0001>
#map = affine_map<(d0, d1) -> (0, 0)>
#map1 = affine_map<(d0, d1) -> (0)>
#map2 = affine_map<(d0, d1) -> (0, 0, 0)>
module attributes {stable_mosaic.version = 14 : i64} {
  func.func @_sc_encode(%arg0: i32, %arg1: i32, %arg2: memref<51200x64xf32, #tpu.memory_space<hbm>>, %arg3: memref<8192xf32, #tpu.memory_space<hbm>>, %arg4: memref<1024x50x834xf32, #tpu.memory_space<hbm>>, %arg5: memref<8192xf32, #tpu.memory_space<vmem>>, %arg6: memref<200x64xf32, #tpu.memory_space<vmem>>, %arg7: memref<24x834xf32, #tpu.memory_space<vmem>>, %arg8: memref<26x834xf32, #tpu.memory_space<vmem>>, %arg9: memref<!tpu.dma_semaphore, #tpu.memory_space<semaphore_mem>>, %arg10: memref<!tpu.dma_semaphore, #tpu.memory_space<semaphore_mem>>) attributes {dimension_semantics = [#tpu.dimension_semantics<core_parallel>, #tpu.dimension_semantics<subcore_parallel>], iteration_bounds = array<i64: 2, 16>, scalar_prefetch = 0 : i64, scratch_operands = 6 : i64, tpu.core_type = #tpu.core_type<sc_vector_subcore>, window_params = [{transform_indices = #map}, {transform_indices = #map1}, {transform_indices = #map2}]} {
    %mul3A = arith.constant 2 : i32
    %mul3A_0 = arith.muli %arg1, %mul3A : i32
    %add3A = arith.addi %mul3A_0, %arg0 : i32
    %mul3A_1 = arith.constant 32 : i32
    %mul3A_2 = arith.muli %add3A, %mul3A_1 : i32
    %mul3A_3 = arith.constant 32 : i32
    %mul3A_4 = arith.muli %add3A, %mul3A_3 : i32
    %mul3A_5 = arith.constant 50 : i32
    %mul3A_6 = arith.muli %mul3A_4, %mul3A_5 : i32
    "tpu.region"() ({
      %run_scoped3A = tpu.sem_alloc : memref<!tpu.dma_semaphore, #tpu.memory_space<semaphore_mem>>
      tpu.enqueue_dma source(%arg3 : memref<8192xf32, #tpu.memory_space<hbm>>) target(%arg5 : memref<8192xf32, #tpu.memory_space<vmem>>) target_semaphore(%run_scoped3A : memref<!tpu.dma_semaphore, #tpu.memory_space<semaphore_mem>>)
      tpu.wait_dma2 semaphore(%run_scoped3A : memref<!tpu.dma_semaphore, #tpu.memory_space<semaphore_mem>>) src(%arg3 : memref<8192xf32, #tpu.memory_space<hbm>>) dst(%arg5 : memref<8192xf32, #tpu.memory_space<vmem>>)
      tpu.yield
    }) : () -> ()
    %iota3A = tpu.iota {dimensions = array<i32: 0>} : vector<16xi32>
    %scan3A = arith.constant 0 : i32
    %scan3A_7 = arith.constant 0 : i32
    %scan3A_8 = arith.constant 8 : i32
    %scan3A_9 = arith.addi %scan3A_7, %scan3A_8 : i32
    %scan3A_10 = arith.constant 1 : i32
    scf.for %scan3A_27 = %scan3A_7 to %scan3A_9 step %scan3A_10  : i32 {
      %mul3A_28 = arith.constant 4 : i32
      %mul3A_29 = arith.muli %scan3A_27, %mul3A_28 : i32
      %mul3A_30 = arith.constant 50 : i32
      %mul3A_31 = arith.muli %mul3A_29, %mul3A_30 : i32
      %add3A_32 = arith.addi %mul3A_6, %mul3A_31 : i32
      "tpu.region"() ({
        %run_scoped3A = tpu.sem_alloc : memref<!tpu.dma_semaphore, #tpu.memory_space<semaphore_mem>>
        %dma_start3A_219 = arith.constant 0 : i32
        %dma_start3A_220 = tpu.memref_slice %arg2[%add3A_32, %dma_start3A_219] : memref<51200x64xf32, #tpu.memory_space<hbm>> -> memref<200x64xf32, #tpu.memory_space<hbm>>
        %dma_start3A_221 = arith.constant 0 : i32
        %dma_start3A_222 = tpu.memref_slice %arg2[%add3A_32, %dma_start3A_221] : memref<51200x64xf32, #tpu.memory_space<hbm>> -> memref<200x64xf32, #tpu.memory_space<hbm>>
        tpu.enqueue_dma source(%dma_start3A_222 : memref<200x64xf32, #tpu.memory_space<hbm>>) target(%arg6 : memref<200x64xf32, #tpu.memory_space<vmem>>) target_semaphore(%run_scoped3A : memref<!tpu.dma_semaphore, #tpu.memory_space<semaphore_mem>>)
        %dma_wait3A_223 = arith.constant 0 : i32
        %dma_wait3A_224 = tpu.memref_slice %arg2[%add3A_32, %dma_wait3A_223] : memref<51200x64xf32, #tpu.memory_space<hbm>> -> memref<200x64xf32, #tpu.memory_space<hbm>>
        %dma_wait3A_225 = arith.constant 0 : i32
        %dma_wait3A_226 = tpu.memref_slice %arg2[%add3A_32, %dma_wait3A_225] : memref<51200x64xf32, #tpu.memory_space<hbm>> -> memref<200x64xf32, #tpu.memory_space<hbm>>
        tpu.wait_dma2 semaphore(%run_scoped3A : memref<!tpu.dma_semaphore, #tpu.memory_space<semaphore_mem>>) src(%dma_wait3A_226 : memref<200x64xf32, #tpu.memory_space<hbm>>) dst(%arg6 : memref<200x64xf32, #tpu.memory_space<vmem>>)
        tpu.yield
      }) : () -> ()
      %mul3A_33 = arith.constant 4 : i32
      %mul3A_34 = arith.muli %scan3A_27, %mul3A_33 : i32
      %add3A_35 = arith.addi %mul3A_2, %mul3A_34 : i32
      %add3A_36 = arith.constant 0 : i32
      %add3A_37 = arith.addi %add3A_35, %add3A_36 : i32
      %gt3A = arith.constant 0 : i32
      %gt3A_38 = arith.cmpi sgt, %scan3A_27, %gt3A : i32
      %convert_element_type3A = arith.extui %gt3A_38 : i1 to i32
      %cond3A = arith.constant 0 : i32
      %cond3A_39 = arith.cmpi ne, %convert_element_type3A, %cond3A : i32
      scf.if %cond3A_39 {
        %dma_wait3A_219 = arith.constant 0 : i32
        %dma_wait3A_220 = arith.constant 0 : i32
        %dma_wait3A_221 = tpu.memref_slice %arg4[%add3A_37, %dma_wait3A_219, %dma_wait3A_220] : memref<1024x50x834xf32, #tpu.memory_space<hbm>> -> memref<1x24x834xf32, #tpu.memory_space<hbm>>
        %dma_wait3A_222 = tpu.memref_squeeze %dma_wait3A_221 : memref<1x24x834xf32, #tpu.memory_space<hbm>> -> memref<24x834xf32, #tpu.memory_space<hbm>>
        %dma_wait3A_223 = arith.constant 0 : i32
        %dma_wait3A_224 = arith.constant 0 : i32
        %dma_wait3A_225 = tpu.memref_slice %arg4[%add3A_37, %dma_wait3A_223, %dma_wait3A_224] : memref<1024x50x834xf32, #tpu.memory_space<hbm>> -> memref<1x24x834xf32, #tpu.memory_space<hbm>>
        %dma_wait3A_226 = tpu.memref_squeeze %dma_wait3A_225 : memref<1x24x834xf32, #tpu.memory_space<hbm>> -> memref<24x834xf32, #tpu.memory_space<hbm>>
        tpu.wait_dma2 semaphore(%arg9 : memref<!tpu.dma_semaphore, #tpu.memory_space<semaphore_mem>>) src(%arg7 : memref<24x834xf32, #tpu.memory_space<vmem>>) dst(%dma_wait3A_226 : memref<24x834xf32, #tpu.memory_space<hbm>>)
      } else {
      }
      %scan3A_40 = arith.constant 0 : i32
      %scan3A_41 = arith.constant 0 : i32
      %scan3A_42 = arith.constant 24 : i32
      %scan3A_43 = arith.addi %scan3A_41, %scan3A_42 : i32
      %scan3A_44 = arith.constant 1 : i32
      scf.for %scan3A_219 = %scan3A_41 to %scan3A_43 step %scan3A_44  : i32 {
        %add3A_220 = arith.constant 0 : i32
        %add3A_221 = arith.addi %add3A_220, %scan3A_219 : i32
        %get3A = arith.index_cast %add3A_221 : i32 to index
        %get3A_222 = arith.constant 0 : index
        %get3A_223 = tpu.vector_load %arg6[%get3A, %get3A_222] {strides = array<i32>} : memref<200x64xf32, #tpu.memory_space<vmem>>, vector<16xf32>,
        %convert_element_type3A_224 = arith.fptosi %get3A_223 : vector<16xf32> to vector<16xi32>
        %mul3A_225 = arith.constant 32 : i32
        %mul3A_226 = vector.broadcast %mul3A_225 : i32 to vector<16xi32>
        %mul3A_227 = arith.muli %convert_element_type3A_224, %mul3A_226 : vector<16xi32>
        %add3A_228 = arith.constant 0 : i32
        %add3A_229 = arith.addi %add3A_228, %scan3A_219 : i32
        %get3A_230 = arith.index_cast %add3A_229 : i32 to index
        %get3A_231 = arith.constant 9 : index
        %get3A_232 = tpu.vector_load %arg6[%get3A_230, %get3A_231] {strides = array<i32>} : memref<200x64xf32, #tpu.memory_space<vmem>>, vector<16xf32>,
        %convert_element_type3A_233 = arith.fptosi %get3A_232 : vector<16xf32> to vector<16xi32>
        %mul3A_234 = arith.constant 32 : i32
        %mul3A_235 = vector.broadcast %mul3A_234 : i32 to vector<16xi32>
        %mul3A_236 = arith.muli %convert_element_type3A_233, %mul3A_235 : vector<16xi32>
        %broadcast_in_dim3A = arith.constant 0 : i32
        %broadcast_in_dim3A_237 = vector.broadcast %broadcast_in_dim3A : i32 to vector<16x1xi32>
        %gather3A = vector.shape_cast %broadcast_in_dim3A_237 : vector<16x1xi32> to vector<16xi32>
        %gather3A_238 = tpu.dynamic_gather %mul3A_227[%gather3A] in [0] : vector<16xi32>, vector<16xi32> -> vector<16xi32>
        %add3A_239 = arith.addi %gather3A_238, %iota3A : vector<16xi32>
        %gather3A_240 = tpu.vector_load_idx %arg5[%add3A_239] : memref<8192xf32, #tpu.memory_space<vmem>>[vector<16xi32>], vector<16xf32>,
        %add3A_241 = arith.constant 16 : i32
        %add3A_242 = vector.broadcast %add3A_241 : i32 to vector<16xi32>
        %add3A_243 = arith.addi %add3A_239, %add3A_242 : vector<16xi32>
        %gather3A_244 = tpu.vector_load_idx %arg5[%add3A_243] : memref<8192xf32, #tpu.memory_space<vmem>>[vector<16xi32>], vector<16xf32>,
        %broadcast_in_dim3A_245 = arith.constant 1 : i32
        %broadcast_in_dim3A_246 = vector.broadcast %broadcast_in_dim3A_245 : i32 to vector<16x1xi32>
        %gather3A_247 = vector.shape_cast %broadcast_in_dim3A_246 : vector<16x1xi32> to vector<16xi32>
        %gather3A_248 = tpu.dynamic_gather %mul3A_227[%gather3A_247] in [0] : vector<16xi32>, vector<16xi32> -> vector<16xi32>
        %add3A_249 = arith.addi %gather3A_248, %iota3A : vector<16xi32>
        %gather3A_250 = tpu.vector_load_idx %arg5[%add3A_249] : memref<8192xf32, #tpu.memory_space<vmem>>[vector<16xi32>], vector<16xf32>,
        %add3A_251 = arith.constant 16 : i32
        %add3A_252 = vector.broadcast %add3A_251 : i32 to vector<16xi32>
        %add3A_253 = arith.addi %add3A_249, %add3A_252 : vector<16xi32>
        %gather3A_254 = tpu.vector_load_idx %arg5[%add3A_253] : memref<8192xf32, #tpu.memory_space<vmem>>[vector<16xi32>], vector<16xf32>,
        %broadcast_in_dim3A_255 = arith.constant 2 : i32
        %broadcast_in_dim3A_256 = vector.broadcast %broadcast_in_dim3A_255 : i32 to vector<16x1xi32>
        %gather3A_257 = vector.shape_cast %broadcast_in_dim3A_256 : vector<16x1xi32> to vector<16xi32>
        %gather3A_258 = tpu.dynamic_gather %mul3A_227[%gather3A_257] in [0] : vector<16xi32>, vector<16xi32> -> vector<16xi32>
        %add3A_259 = arith.addi %gather3A_258, %iota3A : vector<16xi32>
        %gather3A_260 = tpu.vector_load_idx %arg5[%add3A_259] : memref<8192xf32, #tpu.memory_space<vmem>>[vector<16xi32>], vector<16xf32>,
        %add3A_261 = arith.constant 16 : i32
        %add3A_262 = vector.broadcast %add3A_261 : i32 to vector<16xi32>
        %add3A_263 = arith.addi %add3A_259, %add3A_262 : vector<16xi32>
        %gather3A_264 = tpu.vector_load_idx %arg5[%add3A_263] : memref<8192xf32, #tpu.memory_space<vmem>>[vector<16xi32>], vector<16xf32>,
        %broadcast_in_dim3A_265 = arith.constant 3 : i32
        %broadcast_in_dim3A_266 = vector.broadcast %broadcast_in_dim3A_265 : i32 to vector<16x1xi32>
        %gather3A_267 = vector.shape_cast %broadcast_in_dim3A_266 : vector<16x1xi32> to vector<16xi32>
        %gather3A_268 = tpu.dynamic_gather %mul3A_227[%gather3A_267] in [0] : vector<16xi32>, vector<16xi32> -> vector<16xi32>
        %add3A_269 = arith.addi %gather3A_268, %iota3A : vector<16xi32>
        %gather3A_270 = tpu.vector_load_idx %arg5[%add3A_269] : memref<8192xf32, #tpu.memory_space<vmem>>[vector<16xi32>], vector<16xf32>,
        %add3A_271 = arith.constant 16 : i32
        %add3A_272 = vector.broadcast %add3A_271 : i32 to vector<16xi32>
        %add3A_273 = arith.addi %add3A_269, %add3A_272 : vector<16xi32>
        %gather3A_274 = tpu.vector_load_idx %arg5[%add3A_273] : memref<8192xf32, #tpu.memory_space<vmem>>[vector<16xi32>], vector<16xf32>,
        %broadcast_in_dim3A_275 = arith.constant 4 : i32
        %broadcast_in_dim3A_276 = vector.broadcast %broadcast_in_dim3A_275 : i32 to vector<16x1xi32>
        %gather3A_277 = vector.shape_cast %broadcast_in_dim3A_276 : vector<16x1xi32> to vector<16xi32>
        %gather3A_278 = tpu.dynamic_gather %mul3A_227[%gather3A_277] in [0] : vector<16xi32>, vector<16xi32> -> vector<16xi32>
        %add3A_279 = arith.addi %gather3A_278, %iota3A : vector<16xi32>
        %gather3A_280 = tpu.vector_load_idx %arg5[%add3A_279] : memref<8192xf32, #tpu.memory_space<vmem>>[vector<16xi32>], vector<16xf32>,
        %add3A_281 = arith.constant 16 : i32
        %add3A_282 = vector.broadcast %add3A_281 : i32 to vector<16xi32>
        %add3A_283 = arith.addi %add3A_279, %add3A_282 : vector<16xi32>
        %gather3A_284 = tpu.vector_load_idx %arg5[%add3A_283] : memref<8192xf32, #tpu.memory_space<vmem>>[vector<16xi32>], vector<16xf32>,
        %broadcast_in_dim3A_285 = arith.constant 5 : i32
        %broadcast_in_dim3A_286 = vector.broadcast %broadcast_in_dim3A_285 : i32 to vector<16x1xi32>
        %gather3A_287 = vector.shape_cast %broadcast_in_dim3A_286 : vector<16x1xi32> to vector<16xi32>
        %gather3A_288 = tpu.dynamic_gather %mul3A_227[%gather3A_287] in [0] : vector<16xi32>, vector<16xi32> -> vector<16xi32>
        %add3A_289 = arith.addi %gather3A_288, %iota3A : vector<16xi32>
        %gather3A_290 = tpu.vector_load_idx %arg5[%add3A_289] : memref<8192xf32, #tpu.memory_space<vmem>>[vector<16xi32>], vector<16xf32>,
        %add3A_291 = arith.constant 16 : i32
        %add3A_292 = vector.broadcast %add3A_291 : i32 to vector<16xi32>
        %add3A_293 = arith.addi %add3A_289, %add3A_292 : vector<16xi32>
        %gather3A_294 = tpu.vector_load_idx %arg5[%add3A_293] : memref<8192xf32, #tpu.memory_space<vmem>>[vector<16xi32>], vector<16xf32>,
        %broadcast_in_dim3A_295 = arith.constant 6 : i32
        %broadcast_in_dim3A_296 = vector.broadcast %broadcast_in_dim3A_295 : i32 to vector<16x1xi32>
        %gather3A_297 = vector.shape_cast %broadcast_in_dim3A_296 : vector<16x1xi32> to vector<16xi32>
        %gather3A_298 = tpu.dynamic_gather %mul3A_227[%gather3A_297] in [0] : vector<16xi32>, vector<16xi32> -> vector<16xi32>
        %add3A_299 = arith.addi %gather3A_298, %iota3A : vector<16xi32>
        %gather3A_300 = tpu.vector_load_idx %arg5[%add3A_299] : memref<8192xf32, #tpu.memory_space<vmem>>[vector<16xi32>], vector<16xf32>,
        %add3A_301 = arith.constant 16 : i32
        %add3A_302 = vector.broadcast %add3A_301 : i32 to vector<16xi32>
        %add3A_303 = arith.addi %add3A_299, %add3A_302 : vector<16xi32>
        %gather3A_304 = tpu.vector_load_idx %arg5[%add3A_303] : memref<8192xf32, #tpu.memory_space<vmem>>[vector<16xi32>], vector<16xf32>,
        %broadcast_in_dim3A_305 = arith.constant 7 : i32
        %broadcast_in_dim3A_306 = vector.broadcast %broadcast_in_dim3A_305 : i32 to vector<16x1xi32>
        %gather3A_307 = vector.shape_cast %broadcast_in_dim3A_306 : vector<16x1xi32> to vector<16xi32>
        %gather3A_308 = tpu.dynamic_gather %mul3A_227[%gather3A_307] in [0] : vector<16xi32>, vector<16xi32> -> vector<16xi32>
        %add3A_309 = arith.addi %gather3A_308, %iota3A : vector<16xi32>
        %gather3A_310 = tpu.vector_load_idx %arg5[%add3A_309] : memref<8192xf32, #tpu.memory_space<vmem>>[vector<16xi32>], vector<16xf32>,
        %add3A_311 = arith.constant 16 : i32
        %add3A_312 = vector.broadcast %add3A_311 : i32 to vector<16xi32>
        %add3A_313 = arith.addi %add3A_309, %add3A_312 : vector<16xi32>
        %gather3A_314 = tpu.vector_load_idx %arg5[%add3A_313] : memref<8192xf32, #tpu.memory_space<vmem>>[vector<16xi32>], vector<16xf32>,
        %swap3A = arith.index_cast %scan3A_219 : i32 to index
        %swap3A_315 = arith.constant 0 : index
        %swap3A_316 = tpu.vector_load %arg7[%swap3A, %swap3A_315] {strides = array<i32>} : memref<24x834xf32, #tpu.memory_space<vmem>>, vector<16xf32>,
        tpu.vector_store %arg7[%swap3A, %swap3A_315], %gather3A_240 {strides = array<i32>} : memref<24x834xf32, #tpu.memory_space<vmem>>, vector<16xf32>,
        %swap3A_317 = arith.index_cast %scan3A_219 : i32 to index
        %swap3A_318 = arith.constant 16 : index
        %swap3A_319 = tpu.vector_load %arg7[%swap3A_317, %swap3A_318] {strides = array<i32>} : memref<24x834xf32, #tpu.memory_space<vmem>>, vector<16xf32>,
        tpu.vector_store %arg7[%swap3A_317, %swap3A_318], %gather3A_244 {strides = array<i32>} : memref<24x834xf32, #tpu.memory_space<vmem>>, vector<16xf32>,
        %swap3A_320 = arith.index_cast %scan3A_219 : i32 to index
        %swap3A_321 = arith.constant 32 : index
        %swap3A_322 = tpu.vector_load %arg7[%swap3A_320, %swap3A_321] {strides = array<i32>} : memref<24x834xf32, #tpu.memory_space<vmem>>, vector<16xf32>,
        tpu.vector_store %arg7[%swap3A_320, %swap3A_321], %gather3A_250 {strides = array<i32>} : memref<24x834xf32, #tpu.memory_space<vmem>>, vector<16xf32>,
        %swap3A_323 = arith.index_cast %scan3A_219 : i32 to index
        %swap3A_324 = arith.constant 48 : index
        %swap3A_325 = tpu.vector_load %arg7[%swap3A_323, %swap3A_324] {strides = array<i32>} : memref<24x834xf32, #tpu.memory_space<vmem>>, vector<16xf32>,
        tpu.vector_store %arg7[%swap3A_323, %swap3A_324], %gather3A_254 {strides = array<i32>} : memref<24x834xf32, #tpu.memory_space<vmem>>, vector<16xf32>,
        %swap3A_326 = arith.index_cast %scan3A_219 : i32 to index
        %swap3A_327 = arith.constant 64 : index
        %swap3A_328 = tpu.vector_load %arg7[%swap3A_326, %swap3A_327] {strides = array<i32>} : memref<24x834xf32, #tpu.memory_space<vmem>>, vector<16xf32>,
        tpu.vector_store %arg7[%swap3A_326, %swap3A_327], %gather3A_260 {strides = array<i32>} : memref<24x834xf32, #tpu.memory_space<vmem>>, vector<16xf32>,
        %swap3A_329 = arith.index_cast %scan3A_219 : i32 to index
        %swap3A_330 = arith.constant 80 : index
        %swap3A_331 = tpu.vector_load %arg7[%swap3A_329, %swap3A_330] {strides = array<i32>} : memref<24x834xf32, #tpu.memory_space<vmem>>, vector<16xf32>,
        tpu.vector_store %arg7[%swap3A_329, %swap3A_330], %gather3A_264 {strides = array<i32>} : memref<24x834xf32, #tpu.memory_space<vmem>>, vector<16xf32>,
        %swap3A_332 = arith.index_cast %scan3A_219 : i32 to index
        %swap3A_333 = arith.constant 96 : index
        %swap3A_334 = tpu.vector_load %arg7[%swap3A_332, %swap3A_333] {strides = array<i32>} : memref<24x834xf32, #tpu.memory_space<vmem>>, vector<16xf32>,
        tpu.vector_store %arg7[%swap3A_332, %swap3A_333], %gather3A_270 {strides = array<i32>} : memref<24x834xf32, #tpu.memory_space<vmem>>, vector<16xf32>,
        %swap3A_335 = arith.index_cast %scan3A_219 : i32 to index
        %swap3A_336 = arith.constant 112 : index
        %swap3A_337 = tpu.vector_load %arg7[%swap3A_335, %swap3A_336] {strides = array<i32>} : memref<24x834xf32, #tpu.memory_space<vmem>>, vector<16xf32>,
        tpu.vector_store %arg7[%swap3A_335, %swap3A_336], %gather3A_274 {strides = array<i32>} : memref<24x834xf32, #tpu.memory_space<vmem>>, vector<16xf32>,
        %swap3A_338 = arith.index_cast %scan3A_219 : i32 to index
        %swap3A_339 = arith.constant 128 : index
        %swap3A_340 = tpu.vector_load %arg7[%swap3A_338, %swap3A_339] {strides = array<i32>} : memref<24x834xf32, #tpu.memory_space<vmem>>, vector<16xf32>,
        tpu.vector_store %arg7[%swap3A_338, %swap3A_339], %gather3A_280 {strides = array<i32>} : memref<24x834xf32, #tpu.memory_space<vmem>>, vector<16xf32>,
        %swap3A_341 = arith.index_cast %scan3A_219 : i32 to index
        %swap3A_342 = arith.constant 144 : index
        %swap3A_343 = tpu.vector_load %arg7[%swap3A_341, %swap3A_342] {strides = array<i32>} : memref<24x834xf32, #tpu.memory_space<vmem>>, vector<16xf32>,
        tpu.vector_store %arg7[%swap3A_341, %swap3A_342], %gather3A_284 {strides = array<i32>} : memref<24x834xf32, #tpu.memory_space<vmem>>, vector<16xf32>,
        %swap3A_344 = arith.index_cast %scan3A_219 : i32 to index
        %swap3A_345 = arith.constant 160 : index
        %swap3A_346 = tpu.vector_load %arg7[%swap3A_344, %swap3A_345] {strides = array<i32>} : memref<24x834xf32, #tpu.memory_space<vmem>>, vector<16xf32>,
        tpu.vector_store %arg7[%swap3A_344, %swap3A_345], %gather3A_290 {strides = array<i32>} : memref<24x834xf32, #tpu.memory_space<vmem>>, vector<16xf32>,
        %swap3A_347 = arith.index_cast %scan3A_219 : i32 to index
        %swap3A_348 = arith.constant 176 : index
        %swap3A_349 = tpu.vector_load %arg7[%swap3A_347, %swap3A_348] {strides = array<i32>} : memref<24x834xf32, #tpu.memory_space<vmem>>, vector<16xf32>,
        tpu.vector_store %arg7[%swap3A_347, %swap3A_348], %gather3A_294 {strides = array<i32>} : memref<24x834xf32, #tpu.memory_space<vmem>>, vector<16xf32>,
        %swap3A_350 = arith.index_cast %scan3A_219 : i32 to index
        %swap3A_351 = arith.constant 192 : index
        %swap3A_352 = tpu.vector_load %arg7[%swap3A_350, %swap3A_351] {strides = array<i32>} : memref<24x834xf32, #tpu.memory_space<vmem>>, vector<16xf32>,
        tpu.vector_store %arg7[%swap3A_350, %swap3A_351], %gather3A_300 {strides = array<i32>} : memref<24x834xf32, #tpu.memory_space<vmem>>, vector<16xf32>,
        %swap3A_353 = arith.index_cast %scan3A_219 : i32 to index
        %swap3A_354 = arith.constant 208 : index
        %swap3A_355 = tpu.vector_load %arg7[%swap3A_353, %swap3A_354] {strides = array<i32>} : memref<24x834xf32, #tpu.memory_space<vmem>>, vector<16xf32>,
        tpu.vector_store %arg7[%swap3A_353, %swap3A_354], %gather3A_304 {strides = array<i32>} : memref<24x834xf32, #tpu.memory_space<vmem>>, vector<16xf32>,
        %swap3A_356 = arith.index_cast %scan3A_219 : i32 to index
        %swap3A_357 = arith.constant 224 : index
        %swap3A_358 = tpu.vector_load %arg7[%swap3A_356, %swap3A_357] {strides = array<i32>} : memref<24x834xf32, #tpu.memory_space<vmem>>, vector<16xf32>,
        tpu.vector_store %arg7[%swap3A_356, %swap3A_357], %gather3A_310 {strides = array<i32>} : memref<24x834xf32, #tpu.memory_space<vmem>>, vector<16xf32>,
        %swap3A_359 = arith.index_cast %scan3A_219 : i32 to index
        %swap3A_360 = arith.constant 240 : index
        %swap3A_361 = tpu.vector_load %arg7[%swap3A_359, %swap3A_360] {strides = array<i32>} : memref<24x834xf32, #tpu.memory_space<vmem>>, vector<16xf32>,
        tpu.vector_store %arg7[%swap3A_359, %swap3A_360], %gather3A_314 {strides = array<i32>} : memref<24x834xf32, #tpu.memory_space<vmem>>, vector<16xf32>,
        %broadcast_in_dim3A_362 = arith.constant 8 : i32
        %broadcast_in_dim3A_363 = vector.broadcast %broadcast_in_dim3A_362 : i32 to vector<16x1xi32>
        %gather3A_364 = vector.shape_cast %broadcast_in_dim3A_363 : vector<16x1xi32> to vector<16xi32>
        %gather3A_365 = tpu.dynamic_gather %mul3A_227[%gather3A_364] in [0] : vector<16xi32>, vector<16xi32> -> vector<16xi32>
        %add3A_366 = arith.addi %gather3A_365, %iota3A : vector<16xi32>
        %gather3A_367 = tpu.vector_load_idx %arg5[%add3A_366] : memref<8192xf32, #tpu.memory_space<vmem>>[vector<16xi32>], vector<16xf32>,
        %add3A_368 = arith.constant 16 : i32
        %add3A_369 = vector.broadcast %add3A_368 : i32 to vector<16xi32>
        %add3A_370 = arith.addi %add3A_366, %add3A_369 : vector<16xi32>
        %gather3A_371 = tpu.vector_load_idx %arg5[%add3A_370] : memref<8192xf32, #tpu.memory_space<vmem>>[vector<16xi32>], vector<16xf32>,
        %broadcast_in_dim3A_372 = arith.constant 9 : i32
        %broadcast_in_dim3A_373 = vector.broadcast %broadcast_in_dim3A_372 : i32 to vector<16x1xi32>
        %gather3A_374 = vector.shape_cast %broadcast_in_dim3A_373 : vector<16x1xi32> to vector<16xi32>
        %gather3A_375 = tpu.dynamic_gather %mul3A_227[%gather3A_374] in [0] : vector<16xi32>, vector<16xi32> -> vector<16xi32>
        %add3A_376 = arith.addi %gather3A_375, %iota3A : vector<16xi32>
        %gather3A_377 = tpu.vector_load_idx %arg5[%add3A_376] : memref<8192xf32, #tpu.memory_space<vmem>>[vector<16xi32>], vector<16xf32>,
        %add3A_378 = arith.constant 16 : i32
        %add3A_379 = vector.broadcast %add3A_378 : i32 to vector<16xi32>
        %add3A_380 = arith.addi %add3A_376, %add3A_379 : vector<16xi32>
        %gather3A_381 = tpu.vector_load_idx %arg5[%add3A_380] : memref<8192xf32, #tpu.memory_space<vmem>>[vector<16xi32>], vector<16xf32>,
        %broadcast_in_dim3A_382 = arith.constant 10 : i32
        %broadcast_in_dim3A_383 = vector.broadcast %broadcast_in_dim3A_382 : i32 to vector<16x1xi32>
        %gather3A_384 = vector.shape_cast %broadcast_in_dim3A_383 : vector<16x1xi32> to vector<16xi32>
        %gather3A_385 = tpu.dynamic_gather %mul3A_227[%gather3A_384] in [0] : vector<16xi32>, vector<16xi32> -> vector<16xi32>
        %add3A_386 = arith.addi %gather3A_385, %iota3A : vector<16xi32>
        %gather3A_387 = tpu.vector_load_idx %arg5[%add3A_386] : memref<8192xf32, #tpu.memory_space<vmem>>[vector<16xi32>], vector<16xf32>,
        %add3A_388 = arith.constant 16 : i32
        %add3A_389 = vector.broadcast %add3A_388 : i32 to vector<16xi32>
        %add3A_390 = arith.addi %add3A_386, %add3A_389 : vector<16xi32>
        %gather3A_391 = tpu.vector_load_idx %arg5[%add3A_390] : memref<8192xf32, #tpu.memory_space<vmem>>[vector<16xi32>], vector<16xf32>,
        %broadcast_in_dim3A_392 = arith.constant 11 : i32
        %broadcast_in_dim3A_393 = vector.broadcast %broadcast_in_dim3A_392 : i32 to vector<16x1xi32>
        %gather3A_394 = vector.shape_cast %broadcast_in_dim3A_393 : vector<16x1xi32> to vector<16xi32>
        %gather3A_395 = tpu.dynamic_gather %mul3A_227[%gather3A_394] in [0] : vector<16xi32>, vector<16xi32> -> vector<16xi32>
        %add3A_396 = arith.addi %gather3A_395, %iota3A : vector<16xi32>
        %gather3A_397 = tpu.vector_load_idx %arg5[%add3A_396] : memref<8192xf32, #tpu.memory_space<vmem>>[vector<16xi32>], vector<16xf32>,
        %add3A_398 = arith.constant 16 : i32
        %add3A_399 = vector.broadcast %add3A_398 : i32 to vector<16xi32>
        %add3A_400 = arith.addi %add3A_396, %add3A_399 : vector<16xi32>
        %gather3A_401 = tpu.vector_load_idx %arg5[%add3A_400] : memref<8192xf32, #tpu.memory_space<vmem>>[vector<16xi32>], vector<16xf32>,
        %broadcast_in_dim3A_402 = arith.constant 12 : i32
        %broadcast_in_dim3A_403 = vector.broadcast %broadcast_in_dim3A_402 : i32 to vector<16x1xi32>
        %gather3A_404 = vector.shape_cast %broadcast_in_dim3A_403 : vector<16x1xi32> to vector<16xi32>
        %gather3A_405 = tpu.dynamic_gather %mul3A_227[%gather3A_404] in [0] : vector<16xi32>, vector<16xi32> -> vector<16xi32>
        %add3A_406 = arith.addi %gather3A_405, %iota3A : vector<16xi32>
        %gather3A_407 = tpu.vector_load_idx %arg5[%add3A_406] : memref<8192xf32, #tpu.memory_space<vmem>>[vector<16xi32>], vector<16xf32>,
        %add3A_408 = arith.constant 16 : i32
        %add3A_409 = vector.broadcast %add3A_408 : i32 to vector<16xi32>
        %add3A_410 = arith.addi %add3A_406, %add3A_409 : vector<16xi32>
        %gather3A_411 = tpu.vector_load_idx %arg5[%add3A_410] : memref<8192xf32, #tpu.memory_space<vmem>>[vector<16xi32>], vector<16xf32>,
        %broadcast_in_dim3A_412 = arith.constant 13 : i32
        %broadcast_in_dim3A_413 = vector.broadcast %broadcast_in_dim3A_412 : i32 to vector<16x1xi32>
        %gather3A_414 = vector.shape_cast %broadcast_in_dim3A_413 : vector<16x1xi32> to vector<16xi32>
        %gather3A_415 = tpu.dynamic_gather %mul3A_227[%gather3A_414] in [0] : vector<16xi32>, vector<16xi32> -> vector<16xi32>
        %add3A_416 = arith.addi %gather3A_415, %iota3A : vector<16xi32>
        %gather3A_417 = tpu.vector_load_idx %arg5[%add3A_416] : memref<8192xf32, #tpu.memory_space<vmem>>[vector<16xi32>], vector<16xf32>,
        %add3A_418 = arith.constant 16 : i32
        %add3A_419 = vector.broadcast %add3A_418 : i32 to vector<16xi32>
        %add3A_420 = arith.addi %add3A_416, %add3A_419 : vector<16xi32>
        %gather3A_421 = tpu.vector_load_idx %arg5[%add3A_420] : memref<8192xf32, #tpu.memory_space<vmem>>[vector<16xi32>], vector<16xf32>,
        %broadcast_in_dim3A_422 = arith.constant 14 : i32
        %broadcast_in_dim3A_423 = vector.broadcast %broadcast_in_dim3A_422 : i32 to vector<16x1xi32>
        %gather3A_424 = vector.shape_cast %broadcast_in_dim3A_423 : vector<16x1xi32> to vector<16xi32>
        %gather3A_425 = tpu.dynamic_gather %mul3A_227[%gather3A_424] in [0] : vector<16xi32>, vector<16xi32> -> vector<16xi32>
        %add3A_426 = arith.addi %gather3A_425, %iota3A : vector<16xi32>
        %gather3A_427 = tpu.vector_load_idx %arg5[%add3A_426] : memref<8192xf32, #tpu.memory_space<vmem>>[vector<16xi32>], vector<16xf32>,
        %add3A_428 = arith.constant 16 : i32
        %add3A_429 = vector.broadcast %add3A_428 : i32 to vector<16xi32>
        %add3A_430 = arith.addi %add3A_426, %add3A_429 : vector<16xi32>
        %gather3A_431 = tpu.vector_load_idx %arg5[%add3A_430] : memref<8192xf32, #tpu.memory_space<vmem>>[vector<16xi32>], vector<16xf32>,
        %broadcast_in_dim3A_432 = arith.constant 15 : i32
        %broadcast_in_dim3A_433 = vector.broadcast %broadcast_in_dim3A_432 : i32 to vector<16x1xi32>
        %gather3A_434 = vector.shape_cast %broadcast_in_dim3A_433 : vector<16x1xi32> to vector<16xi32>
        %gather3A_435 = tpu.dynamic_gather %mul3A_227[%gather3A_434] in [0] : vector<16xi32>, vector<16xi32> -> vector<16xi32>
        %add3A_436 = arith.addi %gather3A_435, %iota3A : vector<16xi32>
        %gather3A_437 = tpu.vector_load_idx %arg5[%add3A_436] : memref<8192xf32, #tpu.memory_space<vmem>>[vector<16xi32>], vector<16xf32>,
        %add3A_438 = arith.constant 16 : i32
        %add3A_439 = vector.broadcast %add3A_438 : i32 to vector<16xi32>
        %add3A_440 = arith.addi %add3A_436, %add3A_439 : vector<16xi32>
        %gather3A_441 = tpu.vector_load_idx %arg5[%add3A_440] : memref<8192xf32, #tpu.memory_space<vmem>>[vector<16xi32>], vector<16xf32>,
        %swap3A_442 = arith.index_cast %scan3A_219 : i32 to index
        %swap3A_443 = arith.constant 256 : index
        %swap3A_444 = tpu.vector_load %arg7[%swap3A_442, %swap3A_443] {strides = array<i32>} : memref<24x834xf32, #tpu.memory_space<vmem>>, vector<16xf32>,
        tpu.vector_store %arg7[%swap3A_442, %swap3A_443], %gather3A_367 {strides = array<i32>} : memref<24x834xf32, #tpu.memory_space<vmem>>, vector<16xf32>,
        %swap3A_445 = arith.index_cast %scan3A_219 : i32 to index
        %swap3A_446 = arith.constant 272 : index
        %swap3A_447 = tpu.vector_load %arg7[%swap3A_445, %swap3A_446] {strides = array<i32>} : memref<24x834xf32, #tpu.memory_space<vmem>>, vector<16xf32>,
        tpu.vector_store %arg7[%swap3A_445, %swap3A_446], %gather3A_371 {strides = array<i32>} : memref<24x834xf32, #tpu.memory_space<vmem>>, vector<16xf32>,
        %swap3A_448 = arith.index_cast %scan3A_219 : i32 to index
        %swap3A_449 = arith.constant 288 : index
        %swap3A_450 = tpu.vector_load %arg7[%swap3A_448, %swap3A_449] {strides = array<i32>} : memref<24x834xf32, #tpu.memory_space<vmem>>, vector<16xf32>,
        tpu.vector_store %arg7[%swap3A_448, %swap3A_449], %gather3A_377 {strides = array<i32>} : memref<24x834xf32, #tpu.memory_space<vmem>>, vector<16xf32>,
        %swap3A_451 = arith.index_cast %scan3A_219 : i32 to index
        %swap3A_452 = arith.constant 304 : index
        %swap3A_453 = tpu.vector_load %arg7[%swap3A_451, %swap3A_452] {strides = array<i32>} : memref<24x834xf32, #tpu.memory_space<vmem>>, vector<16xf32>,
        tpu.vector_store %arg7[%swap3A_451, %swap3A_452], %gather3A_381 {strides = array<i32>} : memref<24x834xf32, #tpu.memory_space<vmem>>, vector<16xf32>,
        %swap3A_454 = arith.index_cast %scan3A_219 : i32 to index
        %swap3A_455 = arith.constant 320 : index
        %swap3A_456 = tpu.vector_load %arg7[%swap3A_454, %swap3A_455] {strides = array<i32>} : memref<24x834xf32, #tpu.memory_space<vmem>>, vector<16xf32>,
        tpu.vector_store %arg7[%swap3A_454, %swap3A_455], %gather3A_387 {strides = array<i32>} : memref<24x834xf32, #tpu.memory_space<vmem>>, vector<16xf32>,
        %swap3A_457 = arith.index_cast %scan3A_219 : i32 to index
        %swap3A_458 = arith.constant 336 : index
        %swap3A_459 = tpu.vector_load %arg7[%swap3A_457, %swap3A_458] {strides = array<i32>} : memref<24x834xf32, #tpu.memory_space<vmem>>, vector<16xf32>,
        tpu.vector_store %arg7[%swap3A_457, %swap3A_458], %gather3A_391 {strides = array<i32>} : memref<24x834xf32, #tpu.memory_space<vmem>>, vector<16xf32>,
        %swap3A_460 = arith.index_cast %scan3A_219 : i32 to index
        %swap3A_461 = arith.constant 352 : index
        %swap3A_462 = tpu.vector_load %arg7[%swap3A_460, %swap3A_461] {strides = array<i32>} : memref<24x834xf32, #tpu.memory_space<vmem>>, vector<16xf32>,
        tpu.vector_store %arg7[%swap3A_460, %swap3A_461], %gather3A_397 {strides = array<i32>} : memref<24x834xf32, #tpu.memory_space<vmem>>, vector<16xf32>,
        %swap3A_463 = arith.index_cast %scan3A_219 : i32 to index
        %swap3A_464 = arith.constant 368 : index
        %swap3A_465 = tpu.vector_load %arg7[%swap3A_463, %swap3A_464] {strides = array<i32>} : memref<24x834xf32, #tpu.memory_space<vmem>>, vector<16xf32>,
        tpu.vector_store %arg7[%swap3A_463, %swap3A_464], %gather3A_401 {strides = array<i32>} : memref<24x834xf32, #tpu.memory_space<vmem>>, vector<16xf32>,
        %swap3A_466 = arith.index_cast %scan3A_219 : i32 to index
        %swap3A_467 = arith.constant 384 : index
        %swap3A_468 = tpu.vector_load %arg7[%swap3A_466, %swap3A_467] {strides = array<i32>} : memref<24x834xf32, #tpu.memory_space<vmem>>, vector<16xf32>,
        tpu.vector_store %arg7[%swap3A_466, %swap3A_467], %gather3A_407 {strides = array<i32>} : memref<24x834xf32, #tpu.memory_space<vmem>>, vector<16xf32>,
        %swap3A_469 = arith.index_cast %scan3A_219 : i32 to index
        %swap3A_470 = arith.constant 400 : index
        %swap3A_471 = tpu.vector_load %arg7[%swap3A_469, %swap3A_470] {strides = array<i32>} : memref<24x834xf32, #tpu.memory_space<vmem>>, vector<16xf32>,
        tpu.vector_store %arg7[%swap3A_469, %swap3A_470], %gather3A_411 {strides = array<i32>} : memref<24x834xf32, #tpu.memory_space<vmem>>, vector<16xf32>,
        %swap3A_472 = arith.index_cast %scan3A_219 : i32 to index
        %swap3A_473 = arith.constant 416 : index
        %swap3A_474 = tpu.vector_load %arg7[%swap3A_472, %swap3A_473] {strides = array<i32>} : memref<24x834xf32, #tpu.memory_space<vmem>>, vector<16xf32>,
        tpu.vector_store %arg7[%swap3A_472, %swap3A_473], %gather3A_417 {strides = array<i32>} : memref<24x834xf32, #tpu.memory_space<vmem>>, vector<16xf32>,
        %swap3A_475 = arith.index_cast %scan3A_219 : i32 to index
        %swap3A_476 = arith.constant 432 : index
        %swap3A_477 = tpu.vector_load %arg7[%swap3A_475, %swap3A_476] {strides = array<i32>} : memref<24x834xf32, #tpu.memory_space<vmem>>, vector<16xf32>,
        tpu.vector_store %arg7[%swap3A_475, %swap3A_476], %gather3A_421 {strides = array<i32>} : memref<24x834xf32, #tpu.memory_space<vmem>>, vector<16xf32>,
        %swap3A_478 = arith.index_cast %scan3A_219 : i32 to index
        %swap3A_479 = arith.constant 448 : index
        %swap3A_480 = tpu.vector_load %arg7[%swap3A_478, %swap3A_479] {strides = array<i32>} : memref<24x834xf32, #tpu.memory_space<vmem>>, vector<16xf32>,
        tpu.vector_store %arg7[%swap3A_478, %swap3A_479], %gather3A_427 {strides = array<i32>} : memref<24x834xf32, #tpu.memory_space<vmem>>, vector<16xf32>,
        %swap3A_481 = arith.index_cast %scan3A_219 : i32 to index
        %swap3A_482 = arith.constant 464 : index
        %swap3A_483 = tpu.vector_load %arg7[%swap3A_481, %swap3A_482] {strides = array<i32>} : memref<24x834xf32, #tpu.memory_space<vmem>>, vector<16xf32>,
        tpu.vector_store %arg7[%swap3A_481, %swap3A_482], %gather3A_431 {strides = array<i32>} : memref<24x834xf32, #tpu.memory_space<vmem>>, vector<16xf32>,
        %swap3A_484 = arith.index_cast %scan3A_219 : i32 to index
        %swap3A_485 = arith.constant 480 : index
        %swap3A_486 = tpu.vector_load %arg7[%swap3A_484, %swap3A_485] {strides = array<i32>} : memref<24x834xf32, #tpu.memory_space<vmem>>, vector<16xf32>,
        tpu.vector_store %arg7[%swap3A_484, %swap3A_485], %gather3A_437 {strides = array<i32>} : memref<24x834xf32, #tpu.memory_space<vmem>>, vector<16xf32>,
        %swap3A_487 = arith.index_cast %scan3A_219 : i32 to index
        %swap3A_488 = arith.constant 496 : index
        %swap3A_489 = tpu.vector_load %arg7[%swap3A_487, %swap3A_488] {strides = array<i32>} : memref<24x834xf32, #tpu.memory_space<vmem>>, vector<16xf32>,
        tpu.vector_store %arg7[%swap3A_487, %swap3A_488], %gather3A_441 {strides = array<i32>} : memref<24x834xf32, #tpu.memory_space<vmem>>, vector<16xf32>,
        %broadcast_in_dim3A_490 = arith.constant 7 : i32
        %broadcast_in_dim3A_491 = vector.broadcast %broadcast_in_dim3A_490 : i32 to vector<16x1xi32>
        %gather3A_492 = vector.shape_cast %broadcast_in_dim3A_491 : vector<16x1xi32> to vector<16xi32>
        %gather3A_493 = tpu.dynamic_gather %mul3A_236[%gather3A_492] in [0] : vector<16xi32>, vector<16xi32> -> vector<16xi32>
        %add3A_494 = arith.addi %gather3A_493, %iota3A : vector<16xi32>
        %gather3A_495 = tpu.vector_load_idx %arg5[%add3A_494] : memref<8192xf32, #tpu.memory_space<vmem>>[vector<16xi32>], vector<16xf32>,
        %add3A_496 = arith.constant 16 : i32
        %add3A_497 = vector.broadcast %add3A_496 : i32 to vector<16xi32>
        %add3A_498 = arith.addi %add3A_494, %add3A_497 : vector<16xi32>
        %gather3A_499 = tpu.vector_load_idx %arg5[%add3A_498] : memref<8192xf32, #tpu.memory_space<vmem>>[vector<16xi32>], vector<16xf32>,
        %broadcast_in_dim3A_500 = arith.constant 8 : i32
        %broadcast_in_dim3A_501 = vector.broadcast %broadcast_in_dim3A_500 : i32 to vector<16x1xi32>
        %gather3A_502 = vector.shape_cast %broadcast_in_dim3A_501 : vector<16x1xi32> to vector<16xi32>
        %gather3A_503 = tpu.dynamic_gather %mul3A_236[%gather3A_502] in [0] : vector<16xi32>, vector<16xi32> -> vector<16xi32>
        %add3A_504 = arith.addi %gather3A_503, %iota3A : vector<16xi32>
        %gather3A_505 = tpu.vector_load_idx %arg5[%add3A_504] : memref<8192xf32, #tpu.memory_space<vmem>>[vector<16xi32>], vector<16xf32>,
        %add3A_506 = arith.constant 16 : i32
        %add3A_507 = vector.broadcast %add3A_506 : i32 to vector<16xi32>
        %add3A_508 = arith.addi %add3A_504, %add3A_507 : vector<16xi32>
        %gather3A_509 = tpu.vector_load_idx %arg5[%add3A_508] : memref<8192xf32, #tpu.memory_space<vmem>>[vector<16xi32>], vector<16xf32>,
        %broadcast_in_dim3A_510 = arith.constant 9 : i32
        %broadcast_in_dim3A_511 = vector.broadcast %broadcast_in_dim3A_510 : i32 to vector<16x1xi32>
        %gather3A_512 = vector.shape_cast %broadcast_in_dim3A_511 : vector<16x1xi32> to vector<16xi32>
        %gather3A_513 = tpu.dynamic_gather %mul3A_236[%gather3A_512] in [0] : vector<16xi32>, vector<16xi32> -> vector<16xi32>
        %add3A_514 = arith.addi %gather3A_513, %iota3A : vector<16xi32>
        %gather3A_515 = tpu.vector_load_idx %arg5[%add3A_514] : memref<8192xf32, #tpu.memory_space<vmem>>[vector<16xi32>], vector<16xf32>,
        %add3A_516 = arith.constant 16 : i32
        %add3A_517 = vector.broadcast %add3A_516 : i32 to vector<16xi32>
        %add3A_518 = arith.addi %add3A_514, %add3A_517 : vector<16xi32>
        %gather3A_519 = tpu.vector_load_idx %arg5[%add3A_518] : memref<8192xf32, #tpu.memory_space<vmem>>[vector<16xi32>], vector<16xf32>,
        %broadcast_in_dim3A_520 = arith.constant 10 : i32
        %broadcast_in_dim3A_521 = vector.broadcast %broadcast_in_dim3A_520 : i32 to vector<16x1xi32>
        %gather3A_522 = vector.shape_cast %broadcast_in_dim3A_521 : vector<16x1xi32> to vector<16xi32>
        %gather3A_523 = tpu.dynamic_gather %mul3A_236[%gather3A_522] in [0] : vector<16xi32>, vector<16xi32> -> vector<16xi32>
        %add3A_524 = arith.addi %gather3A_523, %iota3A : vector<16xi32>
        %gather3A_525 = tpu.vector_load_idx %arg5[%add3A_524] : memref<8192xf32, #tpu.memory_space<vmem>>[vector<16xi32>], vector<16xf32>,
        %add3A_526 = arith.constant 16 : i32
        %add3A_527 = vector.broadcast %add3A_526 : i32 to vector<16xi32>
        %add3A_528 = arith.addi %add3A_524, %add3A_527 : vector<16xi32>
        %gather3A_529 = tpu.vector_load_idx %arg5[%add3A_528] : memref<8192xf32, #tpu.memory_space<vmem>>[vector<16xi32>], vector<16xf32>,
        %broadcast_in_dim3A_530 = arith.constant 11 : i32
        %broadcast_in_dim3A_531 = vector.broadcast %broadcast_in_dim3A_530 : i32 to vector<16x1xi32>
        %gather3A_532 = vector.shape_cast %broadcast_in_dim3A_531 : vector<16x1xi32> to vector<16xi32>
        %gather3A_533 = tpu.dynamic_gather %mul3A_236[%gather3A_532] in [0] : vector<16xi32>, vector<16xi32> -> vector<16xi32>
        %add3A_534 = arith.addi %gather3A_533, %iota3A : vector<16xi32>
        %gather3A_535 = tpu.vector_load_idx %arg5[%add3A_534] : memref<8192xf32, #tpu.memory_space<vmem>>[vector<16xi32>], vector<16xf32>,
        %add3A_536 = arith.constant 16 : i32
        %add3A_537 = vector.broadcast %add3A_536 : i32 to vector<16xi32>
        %add3A_538 = arith.addi %add3A_534, %add3A_537 : vector<16xi32>
        %gather3A_539 = tpu.vector_load_idx %arg5[%add3A_538] : memref<8192xf32, #tpu.memory_space<vmem>>[vector<16xi32>], vector<16xf32>,
        %broadcast_in_dim3A_540 = arith.constant 12 : i32
        %broadcast_in_dim3A_541 = vector.broadcast %broadcast_in_dim3A_540 : i32 to vector<16x1xi32>
        %gather3A_542 = vector.shape_cast %broadcast_in_dim3A_541 : vector<16x1xi32> to vector<16xi32>
        %gather3A_543 = tpu.dynamic_gather %mul3A_236[%gather3A_542] in [0] : vector<16xi32>, vector<16xi32> -> vector<16xi32>
        %add3A_544 = arith.addi %gather3A_543, %iota3A : vector<16xi32>
        %gather3A_545 = tpu.vector_load_idx %arg5[%add3A_544] : memref<8192xf32, #tpu.memory_space<vmem>>[vector<16xi32>], vector<16xf32>,
        %add3A_546 = arith.constant 16 : i32
        %add3A_547 = vector.broadcast %add3A_546 : i32 to vector<16xi32>
        %add3A_548 = arith.addi %add3A_544, %add3A_547 : vector<16xi32>
        %gather3A_549 = tpu.vector_load_idx %arg5[%add3A_548] : memref<8192xf32, #tpu.memory_space<vmem>>[vector<16xi32>], vector<16xf32>,
        %broadcast_in_dim3A_550 = arith.constant 13 : i32
        %broadcast_in_dim3A_551 = vector.broadcast %broadcast_in_dim3A_550 : i32 to vector<16x1xi32>
        %gather3A_552 = vector.shape_cast %broadcast_in_dim3A_551 : vector<16x1xi32> to vector<16xi32>
        %gather3A_553 = tpu.dynamic_gather %mul3A_236[%gather3A_552] in [0] : vector<16xi32>, vector<16xi32> -> vector<16xi32>
        %add3A_554 = arith.addi %gather3A_553, %iota3A : vector<16xi32>
        %gather3A_555 = tpu.vector_load_idx %arg5[%add3A_554] : memref<8192xf32, #tpu.memory_space<vmem>>[vector<16xi32>], vector<16xf32>,
        %add3A_556 = arith.constant 16 : i32
        %add3A_557 = vector.broadcast %add3A_556 : i32 to vector<16xi32>
        %add3A_558 = arith.addi %add3A_554, %add3A_557 : vector<16xi32>
        %gather3A_559 = tpu.vector_load_idx %arg5[%add3A_558] : memref<8192xf32, #tpu.memory_space<vmem>>[vector<16xi32>], vector<16xf32>,
        %broadcast_in_dim3A_560 = arith.constant 14 : i32
        %broadcast_in_dim3A_561 = vector.broadcast %broadcast_in_dim3A_560 : i32 to vector<16x1xi32>
        %gather3A_562 = vector.shape_cast %broadcast_in_dim3A_561 : vector<16x1xi32> to vector<16xi32>
        %gather3A_563 = tpu.dynamic_gather %mul3A_236[%gather3A_562] in [0] : vector<16xi32>, vector<16xi32> -> vector<16xi32>
        %add3A_564 = arith.addi %gather3A_563, %iota3A : vector<16xi32>
        %gather3A_565 = tpu.vector_load_idx %arg5[%add3A_564] : memref<8192xf32, #tpu.memory_space<vmem>>[vector<16xi32>], vector<16xf32>,
        %add3A_566 = arith.constant 16 : i32
        %add3A_567 = vector.broadcast %add3A_566 : i32 to vector<16xi32>
        %add3A_568 = arith.addi %add3A_564, %add3A_567 : vector<16xi32>
        %gather3A_569 = tpu.vector_load_idx %arg5[%add3A_568] : memref<8192xf32, #tpu.memory_space<vmem>>[vector<16xi32>], vector<16xf32>,
        %swap3A_570 = arith.index_cast %scan3A_219 : i32 to index
        %swap3A_571 = arith.constant 512 : index
        %swap3A_572 = tpu.vector_load %arg7[%swap3A_570, %swap3A_571] {strides = array<i32>} : memref<24x834xf32, #tpu.memory_space<vmem>>, vector<16xf32>,
        tpu.vector_store %arg7[%swap3A_570, %swap3A_571], %gather3A_495 {strides = array<i32>} : memref<24x834xf32, #tpu.memory_space<vmem>>, vector<16xf32>,
        %swap3A_573 = arith.index_cast %scan3A_219 : i32 to index
        %swap3A_574 = arith.constant 528 : index
        %swap3A_575 = tpu.vector_load %arg7[%swap3A_573, %swap3A_574] {strides = array<i32>} : memref<24x834xf32, #tpu.memory_space<vmem>>, vector<16xf32>,
        tpu.vector_store %arg7[%swap3A_573, %swap3A_574], %gather3A_499 {strides = array<i32>} : memref<24x834xf32, #tpu.memory_space<vmem>>, vector<16xf32>,
        %swap3A_576 = arith.index_cast %scan3A_219 : i32 to index
        %swap3A_577 = arith.constant 544 : index
        %swap3A_578 = tpu.vector_load %arg7[%swap3A_576, %swap3A_577] {strides = array<i32>} : memref<24x834xf32, #tpu.memory_space<vmem>>, vector<16xf32>,
        tpu.vector_store %arg7[%swap3A_576, %swap3A_577], %gather3A_505 {strides = array<i32>} : memref<24x834xf32, #tpu.memory_space<vmem>>, vector<16xf32>,
        %swap3A_579 = arith.index_cast %scan3A_219 : i32 to index
        %swap3A_580 = arith.constant 560 : index
        %swap3A_581 = tpu.vector_load %arg7[%swap3A_579, %swap3A_580] {strides = array<i32>} : memref<24x834xf32, #tpu.memory_space<vmem>>, vector<16xf32>,
        tpu.vector_store %arg7[%swap3A_579, %swap3A_580], %gather3A_509 {strides = array<i32>} : memref<24x834xf32, #tpu.memory_space<vmem>>, vector<16xf32>,
        %swap3A_582 = arith.index_cast %scan3A_219 : i32 to index
        %swap3A_583 = arith.constant 576 : index
        %swap3A_584 = tpu.vector_load %arg7[%swap3A_582, %swap3A_583] {strides = array<i32>} : memref<24x834xf32, #tpu.memory_space<vmem>>, vector<16xf32>,
        tpu.vector_store %arg7[%swap3A_582, %swap3A_583], %gather3A_515 {strides = array<i32>} : memref<24x834xf32, #tpu.memory_space<vmem>>, vector<16xf32>,
        %swap3A_585 = arith.index_cast %scan3A_219 : i32 to index
        %swap3A_586 = arith.constant 592 : index
        %swap3A_587 = tpu.vector_load %arg7[%swap3A_585, %swap3A_586] {strides = array<i32>} : memref<24x834xf32, #tpu.memory_space<vmem>>, vector<16xf32>,
        tpu.vector_store %arg7[%swap3A_585, %swap3A_586], %gather3A_519 {strides = array<i32>} : memref<24x834xf32, #tpu.memory_space<vmem>>, vector<16xf32>,
        %swap3A_588 = arith.index_cast %scan3A_219 : i32 to index
        %swap3A_589 = arith.constant 608 : index
        %swap3A_590 = tpu.vector_load %arg7[%swap3A_588, %swap3A_589] {strides = array<i32>} : memref<24x834xf32, #tpu.memory_space<vmem>>, vector<16xf32>,
        tpu.vector_store %arg7[%swap3A_588, %swap3A_589], %gather3A_525 {strides = array<i32>} : memref<24x834xf32, #tpu.memory_space<vmem>>, vector<16xf32>,
        %swap3A_591 = arith.index_cast %scan3A_219 : i32 to index
        %swap3A_592 = arith.constant 624 : index
        %swap3A_593 = tpu.vector_load %arg7[%swap3A_591, %swap3A_592] {strides = array<i32>} : memref<24x834xf32, #tpu.memory_space<vmem>>, vector<16xf32>,
        tpu.vector_store %arg7[%swap3A_591, %swap3A_592], %gather3A_529 {strides = array<i32>} : memref<24x834xf32, #tpu.memory_space<vmem>>, vector<16xf32>,
        %swap3A_594 = arith.index_cast %scan3A_219 : i32 to index
        %swap3A_595 = arith.constant 640 : index
        %swap3A_596 = tpu.vector_load %arg7[%swap3A_594, %swap3A_595] {strides = array<i32>} : memref<24x834xf32, #tpu.memory_space<vmem>>, vector<16xf32>,
        tpu.vector_store %arg7[%swap3A_594, %swap3A_595], %gather3A_535 {strides = array<i32>} : memref<24x834xf32, #tpu.memory_space<vmem>>, vector<16xf32>,
        %swap3A_597 = arith.index_cast %scan3A_219 : i32 to index
        %swap3A_598 = arith.constant 656 : index
        %swap3A_599 = tpu.vector_load %arg7[%swap3A_597, %swap3A_598] {strides = array<i32>} : memref<24x834xf32, #tpu.memory_space<vmem>>, vector<16xf32>,
        tpu.vector_store %arg7[%swap3A_597, %swap3A_598], %gather3A_539 {strides = array<i32>} : memref<24x834xf32, #tpu.memory_space<vmem>>, vector<16xf32>,
        %swap3A_600 = arith.index_cast %scan3A_219 : i32 to index
        %swap3A_601 = arith.constant 672 : index
        %swap3A_602 = tpu.vector_load %arg7[%swap3A_600, %swap3A_601] {strides = array<i32>} : memref<24x834xf32, #tpu.memory_space<vmem>>, vector<16xf32>,
        tpu.vector_store %arg7[%swap3A_600, %swap3A_601], %gather3A_545 {strides = array<i32>} : memref<24x834xf32, #tpu.memory_space<vmem>>, vector<16xf32>,
        %swap3A_603 = arith.index_cast %scan3A_219 : i32 to index
        %swap3A_604 = arith.constant 688 : index
        %swap3A_605 = tpu.vector_load %arg7[%swap3A_603, %swap3A_604] {strides = array<i32>} : memref<24x834xf32, #tpu.memory_space<vmem>>, vector<16xf32>,
        tpu.vector_store %arg7[%swap3A_603, %swap3A_604], %gather3A_549 {strides = array<i32>} : memref<24x834xf32, #tpu.memory_space<vmem>>, vector<16xf32>,
        %swap3A_606 = arith.index_cast %scan3A_219 : i32 to index
        %swap3A_607 = arith.constant 704 : index
        %swap3A_608 = tpu.vector_load %arg7[%swap3A_606, %swap3A_607] {strides = array<i32>} : memref<24x834xf32, #tpu.memory_space<vmem>>, vector<16xf32>,
        tpu.vector_store %arg7[%swap3A_606, %swap3A_607], %gather3A_555 {strides = array<i32>} : memref<24x834xf32, #tpu.memory_space<vmem>>, vector<16xf32>,
        %swap3A_609 = arith.index_cast %scan3A_219 : i32 to index
        %swap3A_610 = arith.constant 720 : index
        %swap3A_611 = tpu.vector_load %arg7[%swap3A_609, %swap3A_610] {strides = array<i32>} : memref<24x834xf32, #tpu.memory_space<vmem>>, vector<16xf32>,
        tpu.vector_store %arg7[%swap3A_609, %swap3A_610], %gather3A_559 {strides = array<i32>} : memref<24x834xf32, #tpu.memory_space<vmem>>, vector<16xf32>,
        %swap3A_612 = arith.index_cast %scan3A_219 : i32 to index
        %swap3A_613 = arith.constant 736 : index
        %swap3A_614 = tpu.vector_load %arg7[%swap3A_612, %swap3A_613] {strides = array<i32>} : memref<24x834xf32, #tpu.memory_space<vmem>>, vector<16xf32>,
        tpu.vector_store %arg7[%swap3A_612, %swap3A_613], %gather3A_565 {strides = array<i32>} : memref<24x834xf32, #tpu.memory_space<vmem>>, vector<16xf32>,
        %swap3A_615 = arith.index_cast %scan3A_219 : i32 to index
        %swap3A_616 = arith.constant 752 : index
        %swap3A_617 = tpu.vector_load %arg7[%swap3A_615, %swap3A_616] {strides = array<i32>} : memref<24x834xf32, #tpu.memory_space<vmem>>, vector<16xf32>,
        tpu.vector_store %arg7[%swap3A_615, %swap3A_616], %gather3A_569 {strides = array<i32>} : memref<24x834xf32, #tpu.memory_space<vmem>>, vector<16xf32>,
        %broadcast_in_dim3A_618 = arith.constant 15 : i32
        %broadcast_in_dim3A_619 = vector.broadcast %broadcast_in_dim3A_618 : i32 to vector<16x1xi32>
        %gather3A_620 = vector.shape_cast %broadcast_in_dim3A_619 : vector<16x1xi32> to vector<16xi32>
        %gather3A_621 = tpu.dynamic_gather %mul3A_236[%gather3A_620] in [0] : vector<16xi32>, vector<16xi32> -> vector<16xi32>
        %add3A_622 = arith.addi %gather3A_621, %iota3A : vector<16xi32>
        %gather3A_623 = tpu.vector_load_idx %arg5[%add3A_622] : memref<8192xf32, #tpu.memory_space<vmem>>[vector<16xi32>], vector<16xf32>,
        %add3A_624 = arith.constant 16 : i32
        %add3A_625 = vector.broadcast %add3A_624 : i32 to vector<16xi32>
        %add3A_626 = arith.addi %add3A_622, %add3A_625 : vector<16xi32>
        %gather3A_627 = tpu.vector_load_idx %arg5[%add3A_626] : memref<8192xf32, #tpu.memory_space<vmem>>[vector<16xi32>], vector<16xf32>,
        %swap3A_628 = arith.index_cast %scan3A_219 : i32 to index
        %swap3A_629 = arith.constant 768 : index
        %swap3A_630 = tpu.vector_load %arg7[%swap3A_628, %swap3A_629] {strides = array<i32>} : memref<24x834xf32, #tpu.memory_space<vmem>>, vector<16xf32>,
        tpu.vector_store %arg7[%swap3A_628, %swap3A_629], %gather3A_623 {strides = array<i32>} : memref<24x834xf32, #tpu.memory_space<vmem>>, vector<16xf32>,
        %swap3A_631 = arith.index_cast %scan3A_219 : i32 to index
        %swap3A_632 = arith.constant 784 : index
        %swap3A_633 = tpu.vector_load %arg7[%swap3A_631, %swap3A_632] {strides = array<i32>} : memref<24x834xf32, #tpu.memory_space<vmem>>, vector<16xf32>,
        tpu.vector_store %arg7[%swap3A_631, %swap3A_632], %gather3A_627 {strides = array<i32>} : memref<24x834xf32, #tpu.memory_space<vmem>>, vector<16xf32>,
        %add3A_634 = arith.constant 0 : i32
        %add3A_635 = arith.addi %add3A_634, %scan3A_219 : i32
        %get3A_636 = arith.index_cast %add3A_635 : i32 to index
        %get3A_637 = arith.constant 25 : index
        %get3A_638 = tpu.vector_load %arg6[%get3A_636, %get3A_637] {strides = array<i32>} : memref<200x64xf32, #tpu.memory_space<vmem>>, vector<16xf32>,
        %swap3A_639 = arith.index_cast %scan3A_219 : i32 to index
        %swap3A_640 = arith.constant 800 : index
        %swap3A_641 = tpu.vector_load %arg7[%swap3A_639, %swap3A_640] {strides = array<i32>} : memref<24x834xf32, #tpu.memory_space<vmem>>, vector<16xf32>,
        tpu.vector_store %arg7[%swap3A_639, %swap3A_640], %get3A_638 {strides = array<i32>} : memref<24x834xf32, #tpu.memory_space<vmem>>, vector<16xf32>,
        %add3A_642 = arith.constant 0 : i32
        %add3A_643 = arith.addi %add3A_642, %scan3A_219 : i32
        %get3A_644 = arith.index_cast %add3A_643 : i32 to index
        %get3A_645 = arith.constant 41 : index
        %get3A_646 = tpu.vector_load %arg6[%get3A_644, %get3A_645] {strides = array<i32>} : memref<200x64xf32, #tpu.memory_space<vmem>>, vector<16xf32>,
        %swap3A_647 = arith.index_cast %scan3A_219 : i32 to index
        %swap3A_648 = arith.constant 816 : index
        %swap3A_649 = tpu.vector_load %arg7[%swap3A_647, %swap3A_648] {strides = array<i32>} : memref<24x834xf32, #tpu.memory_space<vmem>>, vector<16xf32>,
        tpu.vector_store %arg7[%swap3A_647, %swap3A_648], %get3A_646 {strides = array<i32>} : memref<24x834xf32, #tpu.memory_space<vmem>>, vector<16xf32>,
        %add3A_650 = arith.constant 0 : i32
        %add3A_651 = arith.addi %add3A_650, %scan3A_219 : i32
        %get3A_652 = arith.index_cast %add3A_651 : i32 to index
        %get3A_653 = arith.constant 43 : index
        %get3A_654 = tpu.vector_load %arg6[%get3A_652, %get3A_653] {strides = array<i32>} : memref<200x64xf32, #tpu.memory_space<vmem>>, vector<16xf32>,
        %swap3A_655 = arith.index_cast %scan3A_219 : i32 to index
        %swap3A_656 = arith.constant 818 : index
        %swap3A_657 = tpu.vector_load %arg7[%swap3A_655, %swap3A_656] {strides = array<i32>} : memref<24x834xf32, #tpu.memory_space<vmem>>, vector<16xf32>,
        tpu.vector_store %arg7[%swap3A_655, %swap3A_656], %get3A_654 {strides = array<i32>} : memref<24x834xf32, #tpu.memory_space<vmem>>, vector<16xf32>,
      }
      %scan3A_45 = arith.constant 24 : i32
      %dma_start3A = arith.constant 0 : i32
      %dma_start3A_46 = arith.constant 0 : i32
      %dma_start3A_47 = tpu.memref_slice %arg4[%add3A_37, %dma_start3A, %dma_start3A_46] : memref<1024x50x834xf32, #tpu.memory_space<hbm>> -> memref<1x24x834xf32, #tpu.memory_space<hbm>>
      %dma_start3A_48 = tpu.memref_squeeze %dma_start3A_47 : memref<1x24x834xf32, #tpu.memory_space<hbm>> -> memref<24x834xf32, #tpu.memory_space<hbm>>
      %dma_start3A_49 = arith.constant 0 : i32
      %dma_start3A_50 = arith.constant 0 : i32
      %dma_start3A_51 = tpu.memref_slice %arg4[%add3A_37, %dma_start3A_49, %dma_start3A_50] : memref<1024x50x834xf32, #tpu.memory_space<hbm>> -> memref<1x24x834xf32, #tpu.memory_space<hbm>>
      %dma_start3A_52 = tpu.memref_squeeze %dma_start3A_51 : memref<1x24x834xf32, #tpu.memory_space<hbm>> -> memref<24x834xf32, #tpu.memory_space<hbm>>
      tpu.enqueue_dma source(%arg7 : memref<24x834xf32, #tpu.memory_space<vmem>>) target(%dma_start3A_52 : memref<24x834xf32, #tpu.memory_space<hbm>>) target_semaphore(%arg9 : memref<!tpu.dma_semaphore, #tpu.memory_space<semaphore_mem>>)
      %gt3A_53 = arith.constant 0 : i32
      %gt3A_54 = arith.cmpi sgt, %scan3A_27, %gt3A_53 : i32
      %convert_element_type3A_55 = arith.extui %gt3A_54 : i1 to i32
      %cond3A_56 = arith.constant 0 : i32
      %cond3A_57 = arith.cmpi ne, %convert_element_type3A_55, %cond3A_56 : i32
      scf.if %cond3A_57 {
        %dma_wait3A_219 = arith.constant 24 : i32
        %dma_wait3A_220 = arith.constant 0 : i32
        %dma_wait3A_221 = tpu.memref_slice %arg4[%add3A_37, %dma_wait3A_219, %dma_wait3A_220] : memref<1024x50x834xf32, #tpu.memory_space<hbm>> -> memref<1x26x834xf32, #tpu.memory_space<hbm>>
        %dma_wait3A_222 = tpu.memref_squeeze %dma_wait3A_221 : memref<1x26x834xf32, #tpu.memory_space<hbm>> -> memref<26x834xf32, #tpu.memory_space<hbm>>
        %dma_wait3A_223 = arith.constant 24 : i32
        %dma_wait3A_224 = arith.constant 0 : i32
        %dma_wait3A_225 = tpu.memref_slice %arg4[%add3A_37, %dma_wait3A_223, %dma_wait3A_224] : memref<1024x50x834xf32, #tpu.memory_space<hbm>> -> memref<1x26x834xf32, #tpu.memory_space<hbm>>
        %dma_wait3A_226 = tpu.memref_squeeze %dma_wait3A_225 : memref<1x26x834xf32, #tpu.memory_space<hbm>> -> memref<26x834xf32, #tpu.memory_space<hbm>>
        tpu.wait_dma2 semaphore(%arg10 : memref<!tpu.dma_semaphore, #tpu.memory_space<semaphore_mem>>) src(%arg8 : memref<26x834xf32, #tpu.memory_space<vmem>>) dst(%dma_wait3A_226 : memref<26x834xf32, #tpu.memory_space<hbm>>)
      } else {
      }
      %scan3A_58 = arith.constant 0 : i32
      %scan3A_59 = arith.constant 0 : i32
      %scan3A_60 = arith.constant 26 : i32
      %scan3A_61 = arith.addi %scan3A_59, %scan3A_60 : i32
      %scan3A_62 = arith.constant 1 : i32
      scf.for %scan3A_219 = %scan3A_59 to %scan3A_61 step %scan3A_62  : i32 {
        %add3A_220 = arith.constant 24 : i32
        %add3A_221 = arith.addi %add3A_220, %scan3A_219 : i32
        %get3A = arith.index_cast %add3A_221 : i32 to index
        %get3A_222 = arith.constant 0 : index
        %get3A_223 = tpu.vector_load %arg6[%get3A, %get3A_222] {strides = array<i32>} : memref<200x64xf32, #tpu.memory_space<vmem>>, vector<16xf32>,
        %convert_element_type3A_224 = arith.fptosi %get3A_223 : vector<16xf32> to vector<16xi32>
        %mul3A_225 = arith.constant 32 : i32
        %mul3A_226 = vector.broadcast %mul3A_225 : i32 to vector<16xi32>
        %mul3A_227 = arith.muli %convert_element_type3A_224, %mul3A_226 : vector<16xi32>
        %add3A_228 = arith.constant 24 : i32
        %add3A_229 = arith.addi %add3A_228, %scan3A_219 : i32
        %get3A_230 = arith.index_cast %add3A_229 : i32 to index
        %get3A_231 = arith.constant 9 : index
        %get3A_232 = tpu.vector_load %arg6[%get3A_230, %get3A_231] {strides = array<i32>} : memref<200x64xf32, #tpu.memory_space<vmem>>, vector<16xf32>,
        %convert_element_type3A_233 = arith.fptosi %get3A_232 : vector<16xf32> to vector<16xi32>
        %mul3A_234 = arith.constant 32 : i32
        %mul3A_235 = vector.broadcast %mul3A_234 : i32 to vector<16xi32>
        %mul3A_236 = arith.muli %convert_element_type3A_233, %mul3A_235 : vector<16xi32>
        %broadcast_in_dim3A = arith.constant 0 : i32
        %broadcast_in_dim3A_237 = vector.broadcast %broadcast_in_dim3A : i32 to vector<16x1xi32>
        %gather3A = vector.shape_cast %broadcast_in_dim3A_237 : vector<16x1xi32> to vector<16xi32>
        %gather3A_238 = tpu.dynamic_gather %mul3A_227[%gather3A] in [0] : vector<16xi32>, vector<16xi32> -> vector<16xi32>
        %add3A_239 = arith.addi %gather3A_238, %iota3A : vector<16xi32>
        %gather3A_240 = tpu.vector_load_idx %arg5[%add3A_239] : memref<8192xf32, #tpu.memory_space<vmem>>[vector<16xi32>], vector<16xf32>,
        %add3A_241 = arith.constant 16 : i32
        %add3A_242 = vector.broadcast %add3A_241 : i32 to vector<16xi32>
        %add3A_243 = arith.addi %add3A_239, %add3A_242 : vector<16xi32>
        %gather3A_244 = tpu.vector_load_idx %arg5[%add3A_243] : memref<8192xf32, #tpu.memory_space<vmem>>[vector<16xi32>], vector<16xf32>,
        %broadcast_in_dim3A_245 = arith.constant 1 : i32
        %broadcast_in_dim3A_246 = vector.broadcast %broadcast_in_dim3A_245 : i32 to vector<16x1xi32>
        %gather3A_247 = vector.shape_cast %broadcast_in_dim3A_246 : vector<16x1xi32> to vector<16xi32>
        %gather3A_248 = tpu.dynamic_gather %mul3A_227[%gather3A_247] in [0] : vector<16xi32>, vector<16xi32> -> vector<16xi32>
        %add3A_249 = arith.addi %gather3A_248, %iota3A : vector<16xi32>
        %gather3A_250 = tpu.vector_load_idx %arg5[%add3A_249] : memref<8192xf32, #tpu.memory_space<vmem>>[vector<16xi32>], vector<16xf32>,
        %add3A_251 = arith.constant 16 : i32
        %add3A_252 = vector.broadcast %add3A_251 : i32 to vector<16xi32>
        %add3A_253 = arith.addi %add3A_249, %add3A_252 : vector<16xi32>
        %gather3A_254 = tpu.vector_load_idx %arg5[%add3A_253] : memref<8192xf32, #tpu.memory_space<vmem>>[vector<16xi32>], vector<16xf32>,
        %broadcast_in_dim3A_255 = arith.constant 2 : i32
        %broadcast_in_dim3A_256 = vector.broadcast %broadcast_in_dim3A_255 : i32 to vector<16x1xi32>
        %gather3A_257 = vector.shape_cast %broadcast_in_dim3A_256 : vector<16x1xi32> to vector<16xi32>
        %gather3A_258 = tpu.dynamic_gather %mul3A_227[%gather3A_257] in [0] : vector<16xi32>, vector<16xi32> -> vector<16xi32>
        %add3A_259 = arith.addi %gather3A_258, %iota3A : vector<16xi32>
        %gather3A_260 = tpu.vector_load_idx %arg5[%add3A_259] : memref<8192xf32, #tpu.memory_space<vmem>>[vector<16xi32>], vector<16xf32>,
        %add3A_261 = arith.constant 16 : i32
        %add3A_262 = vector.broadcast %add3A_261 : i32 to vector<16xi32>
        %add3A_263 = arith.addi %add3A_259, %add3A_262 : vector<16xi32>
        %gather3A_264 = tpu.vector_load_idx %arg5[%add3A_263] : memref<8192xf32, #tpu.memory_space<vmem>>[vector<16xi32>], vector<16xf32>,
        %broadcast_in_dim3A_265 = arith.constant 3 : i32
        %broadcast_in_dim3A_266 = vector.broadcast %broadcast_in_dim3A_265 : i32 to vector<16x1xi32>
        %gather3A_267 = vector.shape_cast %broadcast_in_dim3A_266 : vector<16x1xi32> to vector<16xi32>
        %gather3A_268 = tpu.dynamic_gather %mul3A_227[%gather3A_267] in [0] : vector<16xi32>, vector<16xi32> -> vector<16xi32>
        %add3A_269 = arith.addi %gather3A_268, %iota3A : vector<16xi32>
        %gather3A_270 = tpu.vector_load_idx %arg5[%add3A_269] : memref<8192xf32, #tpu.memory_space<vmem>>[vector<16xi32>], vector<16xf32>,
        %add3A_271 = arith.constant 16 : i32
        %add3A_272 = vector.broadcast %add3A_271 : i32 to vector<16xi32>
        %add3A_273 = arith.addi %add3A_269, %add3A_272 : vector<16xi32>
        %gather3A_274 = tpu.vector_load_idx %arg5[%add3A_273] : memref<8192xf32, #tpu.memory_space<vmem>>[vector<16xi32>], vector<16xf32>,
        %broadcast_in_dim3A_275 = arith.constant 4 : i32
        %broadcast_in_dim3A_276 = vector.broadcast %broadcast_in_dim3A_275 : i32 to vector<16x1xi32>
        %gather3A_277 = vector.shape_cast %broadcast_in_dim3A_276 : vector<16x1xi32> to vector<16xi32>
        %gather3A_278 = tpu.dynamic_gather %mul3A_227[%gather3A_277] in [0] : vector<16xi32>, vector<16xi32> -> vector<16xi32>
        %add3A_279 = arith.addi %gather3A_278, %iota3A : vector<16xi32>
        %gather3A_280 = tpu.vector_load_idx %arg5[%add3A_279] : memref<8192xf32, #tpu.memory_space<vmem>>[vector<16xi32>], vector<16xf32>,
        %add3A_281 = arith.constant 16 : i32
        %add3A_282 = vector.broadcast %add3A_281 : i32 to vector<16xi32>
        %add3A_283 = arith.addi %add3A_279, %add3A_282 : vector<16xi32>
        %gather3A_284 = tpu.vector_load_idx %arg5[%add3A_283] : memref<8192xf32, #tpu.memory_space<vmem>>[vector<16xi32>], vector<16xf32>,
        %broadcast_in_dim3A_285 = arith.constant 5 : i32
        %broadcast_in_dim3A_286 = vector.broadcast %broadcast_in_dim3A_285 : i32 to vector<16x1xi32>
        %gather3A_287 = vector.shape_cast %broadcast_in_dim3A_286 : vector<16x1xi32> to vector<16xi32>
        %gather3A_288 = tpu.dynamic_gather %mul3A_227[%gather3A_287] in [0] : vector<16xi32>, vector<16xi32> -> vector<16xi32>
        %add3A_289 = arith.addi %gather3A_288, %iota3A : vector<16xi32>
        %gather3A_290 = tpu.vector_load_idx %arg5[%add3A_289] : memref<8192xf32, #tpu.memory_space<vmem>>[vector<16xi32>], vector<16xf32>,
        %add3A_291 = arith.constant 16 : i32
        %add3A_292 = vector.broadcast %add3A_291 : i32 to vector<16xi32>
        %add3A_293 = arith.addi %add3A_289, %add3A_292 : vector<16xi32>
        %gather3A_294 = tpu.vector_load_idx %arg5[%add3A_293] : memref<8192xf32, #tpu.memory_space<vmem>>[vector<16xi32>], vector<16xf32>,
        %broadcast_in_dim3A_295 = arith.constant 6 : i32
        %broadcast_in_dim3A_296 = vector.broadcast %broadcast_in_dim3A_295 : i32 to vector<16x1xi32>
        %gather3A_297 = vector.shape_cast %broadcast_in_dim3A_296 : vector<16x1xi32> to vector<16xi32>
        %gather3A_298 = tpu.dynamic_gather %mul3A_227[%gather3A_297] in [0] : vector<16xi32>, vector<16xi32> -> vector<16xi32>
        %add3A_299 = arith.addi %gather3A_298, %iota3A : vector<16xi32>
        %gather3A_300 = tpu.vector_load_idx %arg5[%add3A_299] : memref<8192xf32, #tpu.memory_space<vmem>>[vector<16xi32>], vector<16xf32>,
        %add3A_301 = arith.constant 16 : i32
        %add3A_302 = vector.broadcast %add3A_301 : i32 to vector<16xi32>
        %add3A_303 = arith.addi %add3A_299, %add3A_302 : vector<16xi32>
        %gather3A_304 = tpu.vector_load_idx %arg5[%add3A_303] : memref<8192xf32, #tpu.memory_space<vmem>>[vector<16xi32>], vector<16xf32>,
        %broadcast_in_dim3A_305 = arith.constant 7 : i32
        %broadcast_in_dim3A_306 = vector.broadcast %broadcast_in_dim3A_305 : i32 to vector<16x1xi32>
        %gather3A_307 = vector.shape_cast %broadcast_in_dim3A_306 : vector<16x1xi32> to vector<16xi32>
        %gather3A_308 = tpu.dynamic_gather %mul3A_227[%gather3A_307] in [0] : vector<16xi32>, vector<16xi32> -> vector<16xi32>
        %add3A_309 = arith.addi %gather3A_308, %iota3A : vector<16xi32>
        %gather3A_310 = tpu.vector_load_idx %arg5[%add3A_309] : memref<8192xf32, #tpu.memory_space<vmem>>[vector<16xi32>], vector<16xf32>,
        %add3A_311 = arith.constant 16 : i32
        %add3A_312 = vector.broadcast %add3A_311 : i32 to vector<16xi32>
        %add3A_313 = arith.addi %add3A_309, %add3A_312 : vector<16xi32>
        %gather3A_314 = tpu.vector_load_idx %arg5[%add3A_313] : memref<8192xf32, #tpu.memory_space<vmem>>[vector<16xi32>], vector<16xf32>,
        %swap3A = arith.index_cast %scan3A_219 : i32 to index
        %swap3A_315 = arith.constant 0 : index
        %swap3A_316 = tpu.vector_load %arg8[%swap3A, %swap3A_315] {strides = array<i32>} : memref<26x834xf32, #tpu.memory_space<vmem>>, vector<16xf32>,
        tpu.vector_store %arg8[%swap3A, %swap3A_315], %gather3A_240 {strides = array<i32>} : memref<26x834xf32, #tpu.memory_space<vmem>>, vector<16xf32>,
        %swap3A_317 = arith.index_cast %scan3A_219 : i32 to index
        %swap3A_318 = arith.constant 16 : index
        %swap3A_319 = tpu.vector_load %arg8[%swap3A_317, %swap3A_318] {strides = array<i32>} : memref<26x834xf32, #tpu.memory_space<vmem>>, vector<16xf32>,
        tpu.vector_store %arg8[%swap3A_317, %swap3A_318], %gather3A_244 {strides = array<i32>} : memref<26x834xf32, #tpu.memory_space<vmem>>, vector<16xf32>,
        %swap3A_320 = arith.index_cast %scan3A_219 : i32 to index
        %swap3A_321 = arith.constant 32 : index
        %swap3A_322 = tpu.vector_load %arg8[%swap3A_320, %swap3A_321] {strides = array<i32>} : memref<26x834xf32, #tpu.memory_space<vmem>>, vector<16xf32>,
        tpu.vector_store %arg8[%swap3A_320, %swap3A_321], %gather3A_250 {strides = array<i32>} : memref<26x834xf32, #tpu.memory_space<vmem>>, vector<16xf32>,
        %swap3A_323 = arith.index_cast %scan3A_219 : i32 to index
        %swap3A_324 = arith.constant 48 : index
        %swap3A_325 = tpu.vector_load %arg8[%swap3A_323, %swap3A_324] {strides = array<i32>} : memref<26x834xf32, #tpu.memory_space<vmem>>, vector<16xf32>,
        tpu.vector_store %arg8[%swap3A_323, %swap3A_324], %gather3A_254 {strides = array<i32>} : memref<26x834xf32, #tpu.memory_space<vmem>>, vector<16xf32>,
        %swap3A_326 = arith.index_cast %scan3A_219 : i32 to index
        %swap3A_327 = arith.constant 64 : index
        %swap3A_328 = tpu.vector_load %arg8[%swap3A_326, %swap3A_327] {strides = array<i32>} : memref<26x834xf32, #tpu.memory_space<vmem>>, vector<16xf32>,
        tpu.vector_store %arg8[%swap3A_326, %swap3A_327], %gather3A_260 {strides = array<i32>} : memref<26x834xf32, #tpu.memory_space<vmem>>, vector<16xf32>,
        %swap3A_329 = arith.index_cast %scan3A_219 : i32 to index
        %swap3A_330 = arith.constant 80 : index
        %swap3A_331 = tpu.vector_load %arg8[%swap3A_329, %swap3A_330] {strides = array<i32>} : memref<26x834xf32, #tpu.memory_space<vmem>>, vector<16xf32>,
        tpu.vector_store %arg8[%swap3A_329, %swap3A_330], %gather3A_264 {strides = array<i32>} : memref<26x834xf32, #tpu.memory_space<vmem>>, vector<16xf32>,
        %swap3A_332 = arith.index_cast %scan3A_219 : i32 to index
        %swap3A_333 = arith.constant 96 : index
        %swap3A_334 = tpu.vector_load %arg8[%swap3A_332, %swap3A_333] {strides = array<i32>} : memref<26x834xf32, #tpu.memory_space<vmem>>, vector<16xf32>,
        tpu.vector_store %arg8[%swap3A_332, %swap3A_333], %gather3A_270 {strides = array<i32>} : memref<26x834xf32, #tpu.memory_space<vmem>>, vector<16xf32>,
        %swap3A_335 = arith.index_cast %scan3A_219 : i32 to index
        %swap3A_336 = arith.constant 112 : index
        %swap3A_337 = tpu.vector_load %arg8[%swap3A_335, %swap3A_336] {strides = array<i32>} : memref<26x834xf32, #tpu.memory_space<vmem>>, vector<16xf32>,
        tpu.vector_store %arg8[%swap3A_335, %swap3A_336], %gather3A_274 {strides = array<i32>} : memref<26x834xf32, #tpu.memory_space<vmem>>, vector<16xf32>,
        %swap3A_338 = arith.index_cast %scan3A_219 : i32 to index
        %swap3A_339 = arith.constant 128 : index
        %swap3A_340 = tpu.vector_load %arg8[%swap3A_338, %swap3A_339] {strides = array<i32>} : memref<26x834xf32, #tpu.memory_space<vmem>>, vector<16xf32>,
        tpu.vector_store %arg8[%swap3A_338, %swap3A_339], %gather3A_280 {strides = array<i32>} : memref<26x834xf32, #tpu.memory_space<vmem>>, vector<16xf32>,
        %swap3A_341 = arith.index_cast %scan3A_219 : i32 to index
        %swap3A_342 = arith.constant 144 : index
        %swap3A_343 = tpu.vector_load %arg8[%swap3A_341, %swap3A_342] {strides = array<i32>} : memref<26x834xf32, #tpu.memory_space<vmem>>, vector<16xf32>,
        tpu.vector_store %arg8[%swap3A_341, %swap3A_342], %gather3A_284 {strides = array<i32>} : memref<26x834xf32, #tpu.memory_space<vmem>>, vector<16xf32>,
        %swap3A_344 = arith.index_cast %scan3A_219 : i32 to index
        %swap3A_345 = arith.constant 160 : index
        %swap3A_346 = tpu.vector_load %arg8[%swap3A_344, %swap3A_345] {strides = array<i32>} : memref<26x834xf32, #tpu.memory_space<vmem>>, vector<16xf32>,
        tpu.vector_store %arg8[%swap3A_344, %swap3A_345], %gather3A_290 {strides = array<i32>} : memref<26x834xf32, #tpu.memory_space<vmem>>, vector<16xf32>,
        %swap3A_347 = arith.index_cast %scan3A_219 : i32 to index
        %swap3A_348 = arith.constant 176 : index
        %swap3A_349 = tpu.vector_load %arg8[%swap3A_347, %swap3A_348] {strides = array<i32>} : memref<26x834xf32, #tpu.memory_space<vmem>>, vector<16xf32>,
        tpu.vector_store %arg8[%swap3A_347, %swap3A_348], %gather3A_294 {strides = array<i32>} : memref<26x834xf32, #tpu.memory_space<vmem>>, vector<16xf32>,
        %swap3A_350 = arith.index_cast %scan3A_219 : i32 to index
        %swap3A_351 = arith.constant 192 : index
        %swap3A_352 = tpu.vector_load %arg8[%swap3A_350, %swap3A_351] {strides = array<i32>} : memref<26x834xf32, #tpu.memory_space<vmem>>, vector<16xf32>,
        tpu.vector_store %arg8[%swap3A_350, %swap3A_351], %gather3A_300 {strides = array<i32>} : memref<26x834xf32, #tpu.memory_space<vmem>>, vector<16xf32>,
        %swap3A_353 = arith.index_cast %scan3A_219 : i32 to index
        %swap3A_354 = arith.constant 208 : index
        %swap3A_355 = tpu.vector_load %arg8[%swap3A_353, %swap3A_354] {strides = array<i32>} : memref<26x834xf32, #tpu.memory_space<vmem>>, vector<16xf32>,
        tpu.vector_store %arg8[%swap3A_353, %swap3A_354], %gather3A_304 {strides = array<i32>} : memref<26x834xf32, #tpu.memory_space<vmem>>, vector<16xf32>,
        %swap3A_356 = arith.index_cast %scan3A_219 : i32 to index
        %swap3A_357 = arith.constant 224 : index
        %swap3A_358 = tpu.vector_load %arg8[%swap3A_356, %swap3A_357] {strides = array<i32>} : memref<26x834xf32, #tpu.memory_space<vmem>>, vector<16xf32>,
        tpu.vector_store %arg8[%swap3A_356, %swap3A_357], %gather3A_310 {strides = array<i32>} : memref<26x834xf32, #tpu.memory_space<vmem>>, vector<16xf32>,
        %swap3A_359 = arith.index_cast %scan3A_219 : i32 to index
        %swap3A_360 = arith.constant 240 : index
        %swap3A_361 = tpu.vector_load %arg8[%swap3A_359, %swap3A_360] {strides = array<i32>} : memref<26x834xf32, #tpu.memory_space<vmem>>, vector<16xf32>,
        tpu.vector_store %arg8[%swap3A_359, %swap3A_360], %gather3A_314 {strides = array<i32>} : memref<26x834xf32, #tpu.memory_space<vmem>>, vector<16xf32>,
        %broadcast_in_dim3A_362 = arith.constant 8 : i32
        %broadcast_in_dim3A_363 = vector.broadcast %broadcast_in_dim3A_362 : i32 to vector<16x1xi32>
        %gather3A_364 = vector.shape_cast %broadcast_in_dim3A_363 : vector<16x1xi32> to vector<16xi32>
        %gather3A_365 = tpu.dynamic_gather %mul3A_227[%gather3A_364] in [0] : vector<16xi32>, vector<16xi32> -> vector<16xi32>
        %add3A_366 = arith.addi %gather3A_365, %iota3A : vector<16xi32>
        %gather3A_367 = tpu.vector_load_idx %arg5[%add3A_366] : memref<8192xf32, #tpu.memory_space<vmem>>[vector<16xi32>], vector<16xf32>,
        %add3A_368 = arith.constant 16 : i32
        %add3A_369 = vector.broadcast %add3A_368 : i32 to vector<16xi32>
        %add3A_370 = arith.addi %add3A_366, %add3A_369 : vector<16xi32>
        %gather3A_371 = tpu.vector_load_idx %arg5[%add3A_370] : memref<8192xf32, #tpu.memory_space<vmem>>[vector<16xi32>], vector<16xf32>,
        %broadcast_in_dim3A_372 = arith.constant 9 : i32
        %broadcast_in_dim3A_373 = vector.broadcast %broadcast_in_dim3A_372 : i32 to vector<16x1xi32>
        %gather3A_374 = vector.shape_cast %broadcast_in_dim3A_373 : vector<16x1xi32> to vector<16xi32>
        %gather3A_375 = tpu.dynamic_gather %mul3A_227[%gather3A_374] in [0] : vector<16xi32>, vector<16xi32> -> vector<16xi32>
        %add3A_376 = arith.addi %gather3A_375, %iota3A : vector<16xi32>
        %gather3A_377 = tpu.vector_load_idx %arg5[%add3A_376] : memref<8192xf32, #tpu.memory_space<vmem>>[vector<16xi32>], vector<16xf32>,
        %add3A_378 = arith.constant 16 : i32
        %add3A_379 = vector.broadcast %add3A_378 : i32 to vector<16xi32>
        %add3A_380 = arith.addi %add3A_376, %add3A_379 : vector<16xi32>
        %gather3A_381 = tpu.vector_load_idx %arg5[%add3A_380] : memref<8192xf32, #tpu.memory_space<vmem>>[vector<16xi32>], vector<16xf32>,
        %broadcast_in_dim3A_382 = arith.constant 10 : i32
        %broadcast_in_dim3A_383 = vector.broadcast %broadcast_in_dim3A_382 : i32 to vector<16x1xi32>
        %gather3A_384 = vector.shape_cast %broadcast_in_dim3A_383 : vector<16x1xi32> to vector<16xi32>
        %gather3A_385 = tpu.dynamic_gather %mul3A_227[%gather3A_384] in [0] : vector<16xi32>, vector<16xi32> -> vector<16xi32>
        %add3A_386 = arith.addi %gather3A_385, %iota3A : vector<16xi32>
        %gather3A_387 = tpu.vector_load_idx %arg5[%add3A_386] : memref<8192xf32, #tpu.memory_space<vmem>>[vector<16xi32>], vector<16xf32>,
        %add3A_388 = arith.constant 16 : i32
        %add3A_389 = vector.broadcast %add3A_388 : i32 to vector<16xi32>
        %add3A_390 = arith.addi %add3A_386, %add3A_389 : vector<16xi32>
        %gather3A_391 = tpu.vector_load_idx %arg5[%add3A_390] : memref<8192xf32, #tpu.memory_space<vmem>>[vector<16xi32>], vector<16xf32>,
        %broadcast_in_dim3A_392 = arith.constant 11 : i32
        %broadcast_in_dim3A_393 = vector.broadcast %broadcast_in_dim3A_392 : i32 to vector<16x1xi32>
        %gather3A_394 = vector.shape_cast %broadcast_in_dim3A_393 : vector<16x1xi32> to vector<16xi32>
        %gather3A_395 = tpu.dynamic_gather %mul3A_227[%gather3A_394] in [0] : vector<16xi32>, vector<16xi32> -> vector<16xi32>
        %add3A_396 = arith.addi %gather3A_395, %iota3A : vector<16xi32>
        %gather3A_397 = tpu.vector_load_idx %arg5[%add3A_396] : memref<8192xf32, #tpu.memory_space<vmem>>[vector<16xi32>], vector<16xf32>,
        %add3A_398 = arith.constant 16 : i32
        %add3A_399 = vector.broadcast %add3A_398 : i32 to vector<16xi32>
        %add3A_400 = arith.addi %add3A_396, %add3A_399 : vector<16xi32>
        %gather3A_401 = tpu.vector_load_idx %arg5[%add3A_400] : memref<8192xf32, #tpu.memory_space<vmem>>[vector<16xi32>], vector<16xf32>,
        %broadcast_in_dim3A_402 = arith.constant 12 : i32
        %broadcast_in_dim3A_403 = vector.broadcast %broadcast_in_dim3A_402 : i32 to vector<16x1xi32>
        %gather3A_404 = vector.shape_cast %broadcast_in_dim3A_403 : vector<16x1xi32> to vector<16xi32>
        %gather3A_405 = tpu.dynamic_gather %mul3A_227[%gather3A_404] in [0] : vector<16xi32>, vector<16xi32> -> vector<16xi32>
        %add3A_406 = arith.addi %gather3A_405, %iota3A : vector<16xi32>
        %gather3A_407 = tpu.vector_load_idx %arg5[%add3A_406] : memref<8192xf32, #tpu.memory_space<vmem>>[vector<16xi32>], vector<16xf32>,
        %add3A_408 = arith.constant 16 : i32
        %add3A_409 = vector.broadcast %add3A_408 : i32 to vector<16xi32>
        %add3A_410 = arith.addi %add3A_406, %add3A_409 : vector<16xi32>
        %gather3A_411 = tpu.vector_load_idx %arg5[%add3A_410] : memref<8192xf32, #tpu.memory_space<vmem>>[vector<16xi32>], vector<16xf32>,
        %broadcast_in_dim3A_412 = arith.constant 13 : i32
        %broadcast_in_dim3A_413 = vector.broadcast %broadcast_in_dim3A_412 : i32 to vector<16x1xi32>
        %gather3A_414 = vector.shape_cast %broadcast_in_dim3A_413 : vector<16x1xi32> to vector<16xi32>
        %gather3A_415 = tpu.dynamic_gather %mul3A_227[%gather3A_414] in [0] : vector<16xi32>, vector<16xi32> -> vector<16xi32>
        %add3A_416 = arith.addi %gather3A_415, %iota3A : vector<16xi32>
        %gather3A_417 = tpu.vector_load_idx %arg5[%add3A_416] : memref<8192xf32, #tpu.memory_space<vmem>>[vector<16xi32>], vector<16xf32>,
        %add3A_418 = arith.constant 16 : i32
        %add3A_419 = vector.broadcast %add3A_418 : i32 to vector<16xi32>
        %add3A_420 = arith.addi %add3A_416, %add3A_419 : vector<16xi32>
        %gather3A_421 = tpu.vector_load_idx %arg5[%add3A_420] : memref<8192xf32, #tpu.memory_space<vmem>>[vector<16xi32>], vector<16xf32>,
        %broadcast_in_dim3A_422 = arith.constant 14 : i32
        %broadcast_in_dim3A_423 = vector.broadcast %broadcast_in_dim3A_422 : i32 to vector<16x1xi32>
        %gather3A_424 = vector.shape_cast %broadcast_in_dim3A_423 : vector<16x1xi32> to vector<16xi32>
        %gather3A_425 = tpu.dynamic_gather %mul3A_227[%gather3A_424] in [0] : vector<16xi32>, vector<16xi32> -> vector<16xi32>
        %add3A_426 = arith.addi %gather3A_425, %iota3A : vector<16xi32>
        %gather3A_427 = tpu.vector_load_idx %arg5[%add3A_426] : memref<8192xf32, #tpu.memory_space<vmem>>[vector<16xi32>], vector<16xf32>,
        %add3A_428 = arith.constant 16 : i32
        %add3A_429 = vector.broadcast %add3A_428 : i32 to vector<16xi32>
        %add3A_430 = arith.addi %add3A_426, %add3A_429 : vector<16xi32>
        %gather3A_431 = tpu.vector_load_idx %arg5[%add3A_430] : memref<8192xf32, #tpu.memory_space<vmem>>[vector<16xi32>], vector<16xf32>,
        %broadcast_in_dim3A_432 = arith.constant 15 : i32
        %broadcast_in_dim3A_433 = vector.broadcast %broadcast_in_dim3A_432 : i32 to vector<16x1xi32>
        %gather3A_434 = vector.shape_cast %broadcast_in_dim3A_433 : vector<16x1xi32> to vector<16xi32>
        %gather3A_435 = tpu.dynamic_gather %mul3A_227[%gather3A_434] in [0] : vector<16xi32>, vector<16xi32> -> vector<16xi32>
        %add3A_436 = arith.addi %gather3A_435, %iota3A : vector<16xi32>
        %gather3A_437 = tpu.vector_load_idx %arg5[%add3A_436] : memref<8192xf32, #tpu.memory_space<vmem>>[vector<16xi32>], vector<16xf32>,
        %add3A_438 = arith.constant 16 : i32
        %add3A_439 = vector.broadcast %add3A_438 : i32 to vector<16xi32>
        %add3A_440 = arith.addi %add3A_436, %add3A_439 : vector<16xi32>
        %gather3A_441 = tpu.vector_load_idx %arg5[%add3A_440] : memref<8192xf32, #tpu.memory_space<vmem>>[vector<16xi32>], vector<16xf32>,
        %swap3A_442 = arith.index_cast %scan3A_219 : i32 to index
        %swap3A_443 = arith.constant 256 : index
        %swap3A_444 = tpu.vector_load %arg8[%swap3A_442, %swap3A_443] {strides = array<i32>} : memref<26x834xf32, #tpu.memory_space<vmem>>, vector<16xf32>,
        tpu.vector_store %arg8[%swap3A_442, %swap3A_443], %gather3A_367 {strides = array<i32>} : memref<26x834xf32, #tpu.memory_space<vmem>>, vector<16xf32>,
        %swap3A_445 = arith.index_cast %scan3A_219 : i32 to index
        %swap3A_446 = arith.constant 272 : index
        %swap3A_447 = tpu.vector_load %arg8[%swap3A_445, %swap3A_446] {strides = array<i32>} : memref<26x834xf32, #tpu.memory_space<vmem>>, vector<16xf32>,
        tpu.vector_store %arg8[%swap3A_445, %swap3A_446], %gather3A_371 {strides = array<i32>} : memref<26x834xf32, #tpu.memory_space<vmem>>, vector<16xf32>,
        %swap3A_448 = arith.index_cast %scan3A_219 : i32 to index
        %swap3A_449 = arith.constant 288 : index
        %swap3A_450 = tpu.vector_load %arg8[%swap3A_448, %swap3A_449] {strides = array<i32>} : memref<26x834xf32, #tpu.memory_space<vmem>>, vector<16xf32>,
        tpu.vector_store %arg8[%swap3A_448, %swap3A_449], %gather3A_377 {strides = array<i32>} : memref<26x834xf32, #tpu.memory_space<vmem>>, vector<16xf32>,
        %swap3A_451 = arith.index_cast %scan3A_219 : i32 to index
        %swap3A_452 = arith.constant 304 : index
        %swap3A_453 = tpu.vector_load %arg8[%swap3A_451, %swap3A_452] {strides = array<i32>} : memref<26x834xf32, #tpu.memory_space<vmem>>, vector<16xf32>,
        tpu.vector_store %arg8[%swap3A_451, %swap3A_452], %gather3A_381 {strides = array<i32>} : memref<26x834xf32, #tpu.memory_space<vmem>>, vector<16xf32>,
        %swap3A_454 = arith.index_cast %scan3A_219 : i32 to index
        %swap3A_455 = arith.constant 320 : index
        %swap3A_456 = tpu.vector_load %arg8[%swap3A_454, %swap3A_455] {strides = array<i32>} : memref<26x834xf32, #tpu.memory_space<vmem>>, vector<16xf32>,
        tpu.vector_store %arg8[%swap3A_454, %swap3A_455], %gather3A_387 {strides = array<i32>} : memref<26x834xf32, #tpu.memory_space<vmem>>, vector<16xf32>,
        %swap3A_457 = arith.index_cast %scan3A_219 : i32 to index
        %swap3A_458 = arith.constant 336 : index
        %swap3A_459 = tpu.vector_load %arg8[%swap3A_457, %swap3A_458] {strides = array<i32>} : memref<26x834xf32, #tpu.memory_space<vmem>>, vector<16xf32>,
        tpu.vector_store %arg8[%swap3A_457, %swap3A_458], %gather3A_391 {strides = array<i32>} : memref<26x834xf32, #tpu.memory_space<vmem>>, vector<16xf32>,
        %swap3A_460 = arith.index_cast %scan3A_219 : i32 to index
        %swap3A_461 = arith.constant 352 : index
        %swap3A_462 = tpu.vector_load %arg8[%swap3A_460, %swap3A_461] {strides = array<i32>} : memref<26x834xf32, #tpu.memory_space<vmem>>, vector<16xf32>,
        tpu.vector_store %arg8[%swap3A_460, %swap3A_461], %gather3A_397 {strides = array<i32>} : memref<26x834xf32, #tpu.memory_space<vmem>>, vector<16xf32>,
        %swap3A_463 = arith.index_cast %scan3A_219 : i32 to index
        %swap3A_464 = arith.constant 368 : index
        %swap3A_465 = tpu.vector_load %arg8[%swap3A_463, %swap3A_464] {strides = array<i32>} : memref<26x834xf32, #tpu.memory_space<vmem>>, vector<16xf32>,
        tpu.vector_store %arg8[%swap3A_463, %swap3A_464], %gather3A_401 {strides = array<i32>} : memref<26x834xf32, #tpu.memory_space<vmem>>, vector<16xf32>,
        %swap3A_466 = arith.index_cast %scan3A_219 : i32 to index
        %swap3A_467 = arith.constant 384 : index
        %swap3A_468 = tpu.vector_load %arg8[%swap3A_466, %swap3A_467] {strides = array<i32>} : memref<26x834xf32, #tpu.memory_space<vmem>>, vector<16xf32>,
        tpu.vector_store %arg8[%swap3A_466, %swap3A_467], %gather3A_407 {strides = array<i32>} : memref<26x834xf32, #tpu.memory_space<vmem>>, vector<16xf32>,
        %swap3A_469 = arith.index_cast %scan3A_219 : i32 to index
        %swap3A_470 = arith.constant 400 : index
        %swap3A_471 = tpu.vector_load %arg8[%swap3A_469, %swap3A_470] {strides = array<i32>} : memref<26x834xf32, #tpu.memory_space<vmem>>, vector<16xf32>,
        tpu.vector_store %arg8[%swap3A_469, %swap3A_470], %gather3A_411 {strides = array<i32>} : memref<26x834xf32, #tpu.memory_space<vmem>>, vector<16xf32>,
        %swap3A_472 = arith.index_cast %scan3A_219 : i32 to index
        %swap3A_473 = arith.constant 416 : index
        %swap3A_474 = tpu.vector_load %arg8[%swap3A_472, %swap3A_473] {strides = array<i32>} : memref<26x834xf32, #tpu.memory_space<vmem>>, vector<16xf32>,
        tpu.vector_store %arg8[%swap3A_472, %swap3A_473], %gather3A_417 {strides = array<i32>} : memref<26x834xf32, #tpu.memory_space<vmem>>, vector<16xf32>,
        %swap3A_475 = arith.index_cast %scan3A_219 : i32 to index
        %swap3A_476 = arith.constant 432 : index
        %swap3A_477 = tpu.vector_load %arg8[%swap3A_475, %swap3A_476] {strides = array<i32>} : memref<26x834xf32, #tpu.memory_space<vmem>>, vector<16xf32>,
        tpu.vector_store %arg8[%swap3A_475, %swap3A_476], %gather3A_421 {strides = array<i32>} : memref<26x834xf32, #tpu.memory_space<vmem>>, vector<16xf32>,
        %swap3A_478 = arith.index_cast %scan3A_219 : i32 to index
        %swap3A_479 = arith.constant 448 : index
        %swap3A_480 = tpu.vector_load %arg8[%swap3A_478, %swap3A_479] {strides = array<i32>} : memref<26x834xf32, #tpu.memory_space<vmem>>, vector<16xf32>,
        tpu.vector_store %arg8[%swap3A_478, %swap3A_479], %gather3A_427 {strides = array<i32>} : memref<26x834xf32, #tpu.memory_space<vmem>>, vector<16xf32>,
        %swap3A_481 = arith.index_cast %scan3A_219 : i32 to index
        %swap3A_482 = arith.constant 464 : index
        %swap3A_483 = tpu.vector_load %arg8[%swap3A_481, %swap3A_482] {strides = array<i32>} : memref<26x834xf32, #tpu.memory_space<vmem>>, vector<16xf32>,
        tpu.vector_store %arg8[%swap3A_481, %swap3A_482], %gather3A_431 {strides = array<i32>} : memref<26x834xf32, #tpu.memory_space<vmem>>, vector<16xf32>,
        %swap3A_484 = arith.index_cast %scan3A_219 : i32 to index
        %swap3A_485 = arith.constant 480 : index
        %swap3A_486 = tpu.vector_load %arg8[%swap3A_484, %swap3A_485] {strides = array<i32>} : memref<26x834xf32, #tpu.memory_space<vmem>>, vector<16xf32>,
        tpu.vector_store %arg8[%swap3A_484, %swap3A_485], %gather3A_437 {strides = array<i32>} : memref<26x834xf32, #tpu.memory_space<vmem>>, vector<16xf32>,
        %swap3A_487 = arith.index_cast %scan3A_219 : i32 to index
        %swap3A_488 = arith.constant 496 : index
        %swap3A_489 = tpu.vector_load %arg8[%swap3A_487, %swap3A_488] {strides = array<i32>} : memref<26x834xf32, #tpu.memory_space<vmem>>, vector<16xf32>,
        tpu.vector_store %arg8[%swap3A_487, %swap3A_488], %gather3A_441 {strides = array<i32>} : memref<26x834xf32, #tpu.memory_space<vmem>>, vector<16xf32>,
        %broadcast_in_dim3A_490 = arith.constant 7 : i32
        %broadcast_in_dim3A_491 = vector.broadcast %broadcast_in_dim3A_490 : i32 to vector<16x1xi32>
        %gather3A_492 = vector.shape_cast %broadcast_in_dim3A_491 : vector<16x1xi32> to vector<16xi32>
        %gather3A_493 = tpu.dynamic_gather %mul3A_236[%gather3A_492] in [0] : vector<16xi32>, vector<16xi32> -> vector<16xi32>
        %add3A_494 = arith.addi %gather3A_493, %iota3A : vector<16xi32>
        %gather3A_495 = tpu.vector_load_idx %arg5[%add3A_494] : memref<8192xf32, #tpu.memory_space<vmem>>[vector<16xi32>], vector<16xf32>,
        %add3A_496 = arith.constant 16 : i32
        %add3A_497 = vector.broadcast %add3A_496 : i32 to vector<16xi32>
        %add3A_498 = arith.addi %add3A_494, %add3A_497 : vector<16xi32>
        %gather3A_499 = tpu.vector_load_idx %arg5[%add3A_498] : memref<8192xf32, #tpu.memory_space<vmem>>[vector<16xi32>], vector<16xf32>,
        %broadcast_in_dim3A_500 = arith.constant 8 : i32
        %broadcast_in_dim3A_501 = vector.broadcast %broadcast_in_dim3A_500 : i32 to vector<16x1xi32>
        %gather3A_502 = vector.shape_cast %broadcast_in_dim3A_501 : vector<16x1xi32> to vector<16xi32>
        %gather3A_503 = tpu.dynamic_gather %mul3A_236[%gather3A_502] in [0] : vector<16xi32>, vector<16xi32> -> vector<16xi32>
        %add3A_504 = arith.addi %gather3A_503, %iota3A : vector<16xi32>
        %gather3A_505 = tpu.vector_load_idx %arg5[%add3A_504] : memref<8192xf32, #tpu.memory_space<vmem>>[vector<16xi32>], vector<16xf32>,
        %add3A_506 = arith.constant 16 : i32
        %add3A_507 = vector.broadcast %add3A_506 : i32 to vector<16xi32>
        %add3A_508 = arith.addi %add3A_504, %add3A_507 : vector<16xi32>
        %gather3A_509 = tpu.vector_load_idx %arg5[%add3A_508] : memref<8192xf32, #tpu.memory_space<vmem>>[vector<16xi32>], vector<16xf32>,
        %broadcast_in_dim3A_510 = arith.constant 9 : i32
        %broadcast_in_dim3A_511 = vector.broadcast %broadcast_in_dim3A_510 : i32 to vector<16x1xi32>
        %gather3A_512 = vector.shape_cast %broadcast_in_dim3A_511 : vector<16x1xi32> to vector<16xi32>
        %gather3A_513 = tpu.dynamic_gather %mul3A_236[%gather3A_512] in [0] : vector<16xi32>, vector<16xi32> -> vector<16xi32>
        %add3A_514 = arith.addi %gather3A_513, %iota3A : vector<16xi32>
        %gather3A_515 = tpu.vector_load_idx %arg5[%add3A_514] : memref<8192xf32, #tpu.memory_space<vmem>>[vector<16xi32>], vector<16xf32>,
        %add3A_516 = arith.constant 16 : i32
        %add3A_517 = vector.broadcast %add3A_516 : i32 to vector<16xi32>
        %add3A_518 = arith.addi %add3A_514, %add3A_517 : vector<16xi32>
        %gather3A_519 = tpu.vector_load_idx %arg5[%add3A_518] : memref<8192xf32, #tpu.memory_space<vmem>>[vector<16xi32>], vector<16xf32>,
        %broadcast_in_dim3A_520 = arith.constant 10 : i32
        %broadcast_in_dim3A_521 = vector.broadcast %broadcast_in_dim3A_520 : i32 to vector<16x1xi32>
        %gather3A_522 = vector.shape_cast %broadcast_in_dim3A_521 : vector<16x1xi32> to vector<16xi32>
        %gather3A_523 = tpu.dynamic_gather %mul3A_236[%gather3A_522] in [0] : vector<16xi32>, vector<16xi32> -> vector<16xi32>
        %add3A_524 = arith.addi %gather3A_523, %iota3A : vector<16xi32>
        %gather3A_525 = tpu.vector_load_idx %arg5[%add3A_524] : memref<8192xf32, #tpu.memory_space<vmem>>[vector<16xi32>], vector<16xf32>,
        %add3A_526 = arith.constant 16 : i32
        %add3A_527 = vector.broadcast %add3A_526 : i32 to vector<16xi32>
        %add3A_528 = arith.addi %add3A_524, %add3A_527 : vector<16xi32>
        %gather3A_529 = tpu.vector_load_idx %arg5[%add3A_528] : memref<8192xf32, #tpu.memory_space<vmem>>[vector<16xi32>], vector<16xf32>,
        %broadcast_in_dim3A_530 = arith.constant 11 : i32
        %broadcast_in_dim3A_531 = vector.broadcast %broadcast_in_dim3A_530 : i32 to vector<16x1xi32>
        %gather3A_532 = vector.shape_cast %broadcast_in_dim3A_531 : vector<16x1xi32> to vector<16xi32>
        %gather3A_533 = tpu.dynamic_gather %mul3A_236[%gather3A_532] in [0] : vector<16xi32>, vector<16xi32> -> vector<16xi32>
        %add3A_534 = arith.addi %gather3A_533, %iota3A : vector<16xi32>
        %gather3A_535 = tpu.vector_load_idx %arg5[%add3A_534] : memref<8192xf32, #tpu.memory_space<vmem>>[vector<16xi32>], vector<16xf32>,
        %add3A_536 = arith.constant 16 : i32
        %add3A_537 = vector.broadcast %add3A_536 : i32 to vector<16xi32>
        %add3A_538 = arith.addi %add3A_534, %add3A_537 : vector<16xi32>
        %gather3A_539 = tpu.vector_load_idx %arg5[%add3A_538] : memref<8192xf32, #tpu.memory_space<vmem>>[vector<16xi32>], vector<16xf32>,
        %broadcast_in_dim3A_540 = arith.constant 12 : i32
        %broadcast_in_dim3A_541 = vector.broadcast %broadcast_in_dim3A_540 : i32 to vector<16x1xi32>
        %gather3A_542 = vector.shape_cast %broadcast_in_dim3A_541 : vector<16x1xi32> to vector<16xi32>
        %gather3A_543 = tpu.dynamic_gather %mul3A_236[%gather3A_542] in [0] : vector<16xi32>, vector<16xi32> -> vector<16xi32>
        %add3A_544 = arith.addi %gather3A_543, %iota3A : vector<16xi32>
        %gather3A_545 = tpu.vector_load_idx %arg5[%add3A_544] : memref<8192xf32, #tpu.memory_space<vmem>>[vector<16xi32>], vector<16xf32>,
        %add3A_546 = arith.constant 16 : i32
        %add3A_547 = vector.broadcast %add3A_546 : i32 to vector<16xi32>
        %add3A_548 = arith.addi %add3A_544, %add3A_547 : vector<16xi32>
        %gather3A_549 = tpu.vector_load_idx %arg5[%add3A_548] : memref<8192xf32, #tpu.memory_space<vmem>>[vector<16xi32>], vector<16xf32>,
        %broadcast_in_dim3A_550 = arith.constant 13 : i32
        %broadcast_in_dim3A_551 = vector.broadcast %broadcast_in_dim3A_550 : i32 to vector<16x1xi32>
        %gather3A_552 = vector.shape_cast %broadcast_in_dim3A_551 : vector<16x1xi32> to vector<16xi32>
        %gather3A_553 = tpu.dynamic_gather %mul3A_236[%gather3A_552] in [0] : vector<16xi32>, vector<16xi32> -> vector<16xi32>
        %add3A_554 = arith.addi %gather3A_553, %iota3A : vector<16xi32>
        %gather3A_555 = tpu.vector_load_idx %arg5[%add3A_554] : memref<8192xf32, #tpu.memory_space<vmem>>[vector<16xi32>], vector<16xf32>,
        %add3A_556 = arith.constant 16 : i32
        %add3A_557 = vector.broadcast %add3A_556 : i32 to vector<16xi32>
        %add3A_558 = arith.addi %add3A_554, %add3A_557 : vector<16xi32>
        %gather3A_559 = tpu.vector_load_idx %arg5[%add3A_558] : memref<8192xf32, #tpu.memory_space<vmem>>[vector<16xi32>], vector<16xf32>,
        %broadcast_in_dim3A_560 = arith.constant 14 : i32
        %broadcast_in_dim3A_561 = vector.broadcast %broadcast_in_dim3A_560 : i32 to vector<16x1xi32>
        %gather3A_562 = vector.shape_cast %broadcast_in_dim3A_561 : vector<16x1xi32> to vector<16xi32>
        %gather3A_563 = tpu.dynamic_gather %mul3A_236[%gather3A_562] in [0] : vector<16xi32>, vector<16xi32> -> vector<16xi32>
        %add3A_564 = arith.addi %gather3A_563, %iota3A : vector<16xi32>
        %gather3A_565 = tpu.vector_load_idx %arg5[%add3A_564] : memref<8192xf32, #tpu.memory_space<vmem>>[vector<16xi32>], vector<16xf32>,
        %add3A_566 = arith.constant 16 : i32
        %add3A_567 = vector.broadcast %add3A_566 : i32 to vector<16xi32>
        %add3A_568 = arith.addi %add3A_564, %add3A_567 : vector<16xi32>
        %gather3A_569 = tpu.vector_load_idx %arg5[%add3A_568] : memref<8192xf32, #tpu.memory_space<vmem>>[vector<16xi32>], vector<16xf32>,
        %swap3A_570 = arith.index_cast %scan3A_219 : i32 to index
        %swap3A_571 = arith.constant 512 : index
        %swap3A_572 = tpu.vector_load %arg8[%swap3A_570, %swap3A_571] {strides = array<i32>} : memref<26x834xf32, #tpu.memory_space<vmem>>, vector<16xf32>,
        tpu.vector_store %arg8[%swap3A_570, %swap3A_571], %gather3A_495 {strides = array<i32>} : memref<26x834xf32, #tpu.memory_space<vmem>>, vector<16xf32>,
        %swap3A_573 = arith.index_cast %scan3A_219 : i32 to index
        %swap3A_574 = arith.constant 528 : index
        %swap3A_575 = tpu.vector_load %arg8[%swap3A_573, %swap3A_574] {strides = array<i32>} : memref<26x834xf32, #tpu.memory_space<vmem>>, vector<16xf32>,
        tpu.vector_store %arg8[%swap3A_573, %swap3A_574], %gather3A_499 {strides = array<i32>} : memref<26x834xf32, #tpu.memory_space<vmem>>, vector<16xf32>,
        %swap3A_576 = arith.index_cast %scan3A_219 : i32 to index
        %swap3A_577 = arith.constant 544 : index
        %swap3A_578 = tpu.vector_load %arg8[%swap3A_576, %swap3A_577] {strides = array<i32>} : memref<26x834xf32, #tpu.memory_space<vmem>>, vector<16xf32>,
        tpu.vector_store %arg8[%swap3A_576, %swap3A_577], %gather3A_505 {strides = array<i32>} : memref<26x834xf32, #tpu.memory_space<vmem>>, vector<16xf32>,
        %swap3A_579 = arith.index_cast %scan3A_219 : i32 to index
        %swap3A_580 = arith.constant 560 : index
        %swap3A_581 = tpu.vector_load %arg8[%swap3A_579, %swap3A_580] {strides = array<i32>} : memref<26x834xf32, #tpu.memory_space<vmem>>, vector<16xf32>,
        tpu.vector_store %arg8[%swap3A_579, %swap3A_580], %gather3A_509 {strides = array<i32>} : memref<26x834xf32, #tpu.memory_space<vmem>>, vector<16xf32>,
        %swap3A_582 = arith.index_cast %scan3A_219 : i32 to index
        %swap3A_583 = arith.constant 576 : index
        %swap3A_584 = tpu.vector_load %arg8[%swap3A_582, %swap3A_583] {strides = array<i32>} : memref<26x834xf32, #tpu.memory_space<vmem>>, vector<16xf32>,
        tpu.vector_store %arg8[%swap3A_582, %swap3A_583], %gather3A_515 {strides = array<i32>} : memref<26x834xf32, #tpu.memory_space<vmem>>, vector<16xf32>,
        %swap3A_585 = arith.index_cast %scan3A_219 : i32 to index
        %swap3A_586 = arith.constant 592 : index
        %swap3A_587 = tpu.vector_load %arg8[%swap3A_585, %swap3A_586] {strides = array<i32>} : memref<26x834xf32, #tpu.memory_space<vmem>>, vector<16xf32>,
        tpu.vector_store %arg8[%swap3A_585, %swap3A_586], %gather3A_519 {strides = array<i32>} : memref<26x834xf32, #tpu.memory_space<vmem>>, vector<16xf32>,
        %swap3A_588 = arith.index_cast %scan3A_219 : i32 to index
        %swap3A_589 = arith.constant 608 : index
        %swap3A_590 = tpu.vector_load %arg8[%swap3A_588, %swap3A_589] {strides = array<i32>} : memref<26x834xf32, #tpu.memory_space<vmem>>, vector<16xf32>,
        tpu.vector_store %arg8[%swap3A_588, %swap3A_589], %gather3A_525 {strides = array<i32>} : memref<26x834xf32, #tpu.memory_space<vmem>>, vector<16xf32>,
        %swap3A_591 = arith.index_cast %scan3A_219 : i32 to index
        %swap3A_592 = arith.constant 624 : index
        %swap3A_593 = tpu.vector_load %arg8[%swap3A_591, %swap3A_592] {strides = array<i32>} : memref<26x834xf32, #tpu.memory_space<vmem>>, vector<16xf32>,
        tpu.vector_store %arg8[%swap3A_591, %swap3A_592], %gather3A_529 {strides = array<i32>} : memref<26x834xf32, #tpu.memory_space<vmem>>, vector<16xf32>,
        %swap3A_594 = arith.index_cast %scan3A_219 : i32 to index
        %swap3A_595 = arith.constant 640 : index
        %swap3A_596 = tpu.vector_load %arg8[%swap3A_594, %swap3A_595] {strides = array<i32>} : memref<26x834xf32, #tpu.memory_space<vmem>>, vector<16xf32>,
        tpu.vector_store %arg8[%swap3A_594, %swap3A_595], %gather3A_535 {strides = array<i32>} : memref<26x834xf32, #tpu.memory_space<vmem>>, vector<16xf32>,
        %swap3A_597 = arith.index_cast %scan3A_219 : i32 to index
        %swap3A_598 = arith.constant 656 : index
        %swap3A_599 = tpu.vector_load %arg8[%swap3A_597, %swap3A_598] {strides = array<i32>} : memref<26x834xf32, #tpu.memory_space<vmem>>, vector<16xf32>,
        tpu.vector_store %arg8[%swap3A_597, %swap3A_598], %gather3A_539 {strides = array<i32>} : memref<26x834xf32, #tpu.memory_space<vmem>>, vector<16xf32>,
        %swap3A_600 = arith.index_cast %scan3A_219 : i32 to index
        %swap3A_601 = arith.constant 672 : index
        %swap3A_602 = tpu.vector_load %arg8[%swap3A_600, %swap3A_601] {strides = array<i32>} : memref<26x834xf32, #tpu.memory_space<vmem>>, vector<16xf32>,
        tpu.vector_store %arg8[%swap3A_600, %swap3A_601], %gather3A_545 {strides = array<i32>} : memref<26x834xf32, #tpu.memory_space<vmem>>, vector<16xf32>,
        %swap3A_603 = arith.index_cast %scan3A_219 : i32 to index
        %swap3A_604 = arith.constant 688 : index
        %swap3A_605 = tpu.vector_load %arg8[%swap3A_603, %swap3A_604] {strides = array<i32>} : memref<26x834xf32, #tpu.memory_space<vmem>>, vector<16xf32>,
        tpu.vector_store %arg8[%swap3A_603, %swap3A_604], %gather3A_549 {strides = array<i32>} : memref<26x834xf32, #tpu.memory_space<vmem>>, vector<16xf32>,
        %swap3A_606 = arith.index_cast %scan3A_219 : i32 to index
        %swap3A_607 = arith.constant 704 : index
        %swap3A_608 = tpu.vector_load %arg8[%swap3A_606, %swap3A_607] {strides = array<i32>} : memref<26x834xf32, #tpu.memory_space<vmem>>, vector<16xf32>,
        tpu.vector_store %arg8[%swap3A_606, %swap3A_607], %gather3A_555 {strides = array<i32>} : memref<26x834xf32, #tpu.memory_space<vmem>>, vector<16xf32>,
        %swap3A_609 = arith.index_cast %scan3A_219 : i32 to index
        %swap3A_610 = arith.constant 720 : index
        %swap3A_611 = tpu.vector_load %arg8[%swap3A_609, %swap3A_610] {strides = array<i32>} : memref<26x834xf32, #tpu.memory_space<vmem>>, vector<16xf32>,
        tpu.vector_store %arg8[%swap3A_609, %swap3A_610], %gather3A_559 {strides = array<i32>} : memref<26x834xf32, #tpu.memory_space<vmem>>, vector<16xf32>,
        %swap3A_612 = arith.index_cast %scan3A_219 : i32 to index
        %swap3A_613 = arith.constant 736 : index
        %swap3A_614 = tpu.vector_load %arg8[%swap3A_612, %swap3A_613] {strides = array<i32>} : memref<26x834xf32, #tpu.memory_space<vmem>>, vector<16xf32>,
        tpu.vector_store %arg8[%swap3A_612, %swap3A_613], %gather3A_565 {strides = array<i32>} : memref<26x834xf32, #tpu.memory_space<vmem>>, vector<16xf32>,
        %swap3A_615 = arith.index_cast %scan3A_219 : i32 to index
        %swap3A_616 = arith.constant 752 : index
        %swap3A_617 = tpu.vector_load %arg8[%swap3A_615, %swap3A_616] {strides = array<i32>} : memref<26x834xf32, #tpu.memory_space<vmem>>, vector<16xf32>,
        tpu.vector_store %arg8[%swap3A_615, %swap3A_616], %gather3A_569 {strides = array<i32>} : memref<26x834xf32, #tpu.memory_space<vmem>>, vector<16xf32>,
        %broadcast_in_dim3A_618 = arith.constant 15 : i32
        %broadcast_in_dim3A_619 = vector.broadcast %broadcast_in_dim3A_618 : i32 to vector<16x1xi32>
        %gather3A_620 = vector.shape_cast %broadcast_in_dim3A_619 : vector<16x1xi32> to vector<16xi32>
        %gather3A_621 = tpu.dynamic_gather %mul3A_236[%gather3A_620] in [0] : vector<16xi32>, vector<16xi32> -> vector<16xi32>
        %add3A_622 = arith.addi %gather3A_621, %iota3A : vector<16xi32>
        %gather3A_623 = tpu.vector_load_idx %arg5[%add3A_622] : memref<8192xf32, #tpu.memory_space<vmem>>[vector<16xi32>], vector<16xf32>,
        %add3A_624 = arith.constant 16 : i32
        %add3A_625 = vector.broadcast %add3A_624 : i32 to vector<16xi32>
        %add3A_626 = arith.addi %add3A_622, %add3A_625 : vector<16xi32>
        %gather3A_627 = tpu.vector_load_idx %arg5[%add3A_626] : memref<8192xf32, #tpu.memory_space<vmem>>[vector<16xi32>], vector<16xf32>,
        %swap3A_628 = arith.index_cast %scan3A_219 : i32 to index
        %swap3A_629 = arith.constant 768 : index
        %swap3A_630 = tpu.vector_load %arg8[%swap3A_628, %swap3A_629] {strides = array<i32>} : memref<26x834xf32, #tpu.memory_space<vmem>>, vector<16xf32>,
        tpu.vector_store %arg8[%swap3A_628, %swap3A_629], %gather3A_623 {strides = array<i32>} : memref<26x834xf32, #tpu.memory_space<vmem>>, vector<16xf32>,
        %swap3A_631 = arith.index_cast %scan3A_219 : i32 to index
        %swap3A_632 = arith.constant 784 : index
        %swap3A_633 = tpu.vector_load %arg8[%swap3A_631, %swap3A_632] {strides = array<i32>} : memref<26x834xf32, #tpu.memory_space<vmem>>, vector<16xf32>,
        tpu.vector_store %arg8[%swap3A_631, %swap3A_632], %gather3A_627 {strides = array<i32>} : memref<26x834xf32, #tpu.memory_space<vmem>>, vector<16xf32>,
        %add3A_634 = arith.constant 24 : i32
        %add3A_635 = arith.addi %add3A_634, %scan3A_219 : i32
        %get3A_636 = arith.index_cast %add3A_635 : i32 to index
        %get3A_637 = arith.constant 25 : index
        %get3A_638 = tpu.vector_load %arg6[%get3A_636, %get3A_637] {strides = array<i32>} : memref<200x64xf32, #tpu.memory_space<vmem>>, vector<16xf32>,
        %swap3A_639 = arith.index_cast %scan3A_219 : i32 to index
        %swap3A_640 = arith.constant 800 : index
        %swap3A_641 = tpu.vector_load %arg8[%swap3A_639, %swap3A_640] {strides = array<i32>} : memref<26x834xf32, #tpu.memory_space<vmem>>, vector<16xf32>,
        tpu.vector_store %arg8[%swap3A_639, %swap3A_640], %get3A_638 {strides = array<i32>} : memref<26x834xf32, #tpu.memory_space<vmem>>, vector<16xf32>,
        %add3A_642 = arith.constant 24 : i32
        %add3A_643 = arith.addi %add3A_642, %scan3A_219 : i32
        %get3A_644 = arith.index_cast %add3A_643 : i32 to index
        %get3A_645 = arith.constant 41 : index
        %get3A_646 = tpu.vector_load %arg6[%get3A_644, %get3A_645] {strides = array<i32>} : memref<200x64xf32, #tpu.memory_space<vmem>>, vector<16xf32>,
        %swap3A_647 = arith.index_cast %scan3A_219 : i32 to index
        %swap3A_648 = arith.constant 816 : index
        %swap3A_649 = tpu.vector_load %arg8[%swap3A_647, %swap3A_648] {strides = array<i32>} : memref<26x834xf32, #tpu.memory_space<vmem>>, vector<16xf32>,
        tpu.vector_store %arg8[%swap3A_647, %swap3A_648], %get3A_646 {strides = array<i32>} : memref<26x834xf32, #tpu.memory_space<vmem>>, vector<16xf32>,
        %add3A_650 = arith.constant 24 : i32
        %add3A_651 = arith.addi %add3A_650, %scan3A_219 : i32
        %get3A_652 = arith.index_cast %add3A_651 : i32 to index
        %get3A_653 = arith.constant 43 : index
        %get3A_654 = tpu.vector_load %arg6[%get3A_652, %get3A_653] {strides = array<i32>} : memref<200x64xf32, #tpu.memory_space<vmem>>, vector<16xf32>,
        %swap3A_655 = arith.index_cast %scan3A_219 : i32 to index
        %swap3A_656 = arith.constant 818 : index
        %swap3A_657 = tpu.vector_load %arg8[%swap3A_655, %swap3A_656] {strides = array<i32>} : memref<26x834xf32, #tpu.memory_space<vmem>>, vector<16xf32>,
        tpu.vector_store %arg8[%swap3A_655, %swap3A_656], %get3A_654 {strides = array<i32>} : memref<26x834xf32, #tpu.memory_space<vmem>>, vector<16xf32>,
      }
      %scan3A_63 = arith.constant 26 : i32
      %dma_start3A_64 = arith.constant 24 : i32
      %dma_start3A_65 = arith.constant 0 : i32
      %dma_start3A_66 = tpu.memref_slice %arg4[%add3A_37, %dma_start3A_64, %dma_start3A_65] : memref<1024x50x834xf32, #tpu.memory_space<hbm>> -> memref<1x26x834xf32, #tpu.memory_space<hbm>>
      %dma_start3A_67 = tpu.memref_squeeze %dma_start3A_66 : memref<1x26x834xf32, #tpu.memory_space<hbm>> -> memref<26x834xf32, #tpu.memory_space<hbm>>
      %dma_start3A_68 = arith.constant 24 : i32
      %dma_start3A_69 = arith.constant 0 : i32
      %dma_start3A_70 = tpu.memref_slice %arg4[%add3A_37, %dma_start3A_68, %dma_start3A_69] : memref<1024x50x834xf32, #tpu.memory_space<hbm>> -> memref<1x26x834xf32, #tpu.memory_space<hbm>>
      %dma_start3A_71 = tpu.memref_squeeze %dma_start3A_70 : memref<1x26x834xf32, #tpu.memory_space<hbm>> -> memref<26x834xf32, #tpu.memory_space<hbm>>
      tpu.enqueue_dma source(%arg8 : memref<26x834xf32, #tpu.memory_space<vmem>>) target(%dma_start3A_71 : memref<26x834xf32, #tpu.memory_space<hbm>>) target_semaphore(%arg10 : memref<!tpu.dma_semaphore, #tpu.memory_space<semaphore_mem>>)
      %mul3A_72 = arith.constant 4 : i32
      %mul3A_73 = arith.muli %scan3A_27, %mul3A_72 : i32
      %add3A_74 = arith.addi %mul3A_2, %mul3A_73 : i32
      %add3A_75 = arith.constant 1 : i32
      %add3A_76 = arith.addi %add3A_74, %add3A_75 : i32
      %dma_wait3A_77 = arith.constant 0 : i32
      %dma_wait3A_78 = arith.constant 0 : i32
      %dma_wait3A_79 = tpu.memref_slice %arg4[%add3A_76, %dma_wait3A_77, %dma_wait3A_78] : memref<1024x50x834xf32, #tpu.memory_space<hbm>> -> memref<1x24x834xf32, #tpu.memory_space<hbm>>
      %dma_wait3A_80 = tpu.memref_squeeze %dma_wait3A_79 : memref<1x24x834xf32, #tpu.memory_space<hbm>> -> memref<24x834xf32, #tpu.memory_space<hbm>>
      %dma_wait3A_81 = arith.constant 0 : i32
      %dma_wait3A_82 = arith.constant 0 : i32
      %dma_wait3A_83 = tpu.memref_slice %arg4[%add3A_76, %dma_wait3A_81, %dma_wait3A_82] : memref<1024x50x834xf32, #tpu.memory_space<hbm>> -> memref<1x24x834xf32, #tpu.memory_space<hbm>>
      %dma_wait3A_84 = tpu.memref_squeeze %dma_wait3A_83 : memref<1x24x834xf32, #tpu.memory_space<hbm>> -> memref<24x834xf32, #tpu.memory_space<hbm>>
      tpu.wait_dma2 semaphore(%arg9 : memref<!tpu.dma_semaphore, #tpu.memory_space<semaphore_mem>>) src(%arg7 : memref<24x834xf32, #tpu.memory_space<vmem>>) dst(%dma_wait3A_84 : memref<24x834xf32, #tpu.memory_space<hbm>>)
      %scan3A_85 = arith.constant 0 : i32
      %scan3A_86 = arith.constant 0 : i32
      %scan3A_87 = arith.constant 24 : i32
      %scan3A_88 = arith.addi %scan3A_86, %scan3A_87 : i32
      %scan3A_89 = arith.constant 1 : i32
      scf.for %scan3A_219 = %scan3A_86 to %scan3A_88 step %scan3A_89  : i32 {
        %add3A_220 = arith.constant 50 : i32
        %add3A_221 = arith.addi %add3A_220, %scan3A_219 : i32
        %get3A = arith.index_cast %add3A_221 : i32 to index
        %get3A_222 = arith.constant 0 : index
        %get3A_223 = tpu.vector_load %arg6[%get3A, %get3A_222] {strides = array<i32>} : memref<200x64xf32, #tpu.memory_space<vmem>>, vector<16xf32>,
        %convert_element_type3A_224 = arith.fptosi %get3A_223 : vector<16xf32> to vector<16xi32>
        %mul3A_225 = arith.constant 32 : i32
        %mul3A_226 = vector.broadcast %mul3A_225 : i32 to vector<16xi32>
        %mul3A_227 = arith.muli %convert_element_type3A_224, %mul3A_226 : vector<16xi32>
        %add3A_228 = arith.constant 50 : i32
        %add3A_229 = arith.addi %add3A_228, %scan3A_219 : i32
        %get3A_230 = arith.index_cast %add3A_229 : i32 to index
        %get3A_231 = arith.constant 9 : index
        %get3A_232 = tpu.vector_load %arg6[%get3A_230, %get3A_231] {strides = array<i32>} : memref<200x64xf32, #tpu.memory_space<vmem>>, vector<16xf32>,
        %convert_element_type3A_233 = arith.fptosi %get3A_232 : vector<16xf32> to vector<16xi32>
        %mul3A_234 = arith.constant 32 : i32
        %mul3A_235 = vector.broadcast %mul3A_234 : i32 to vector<16xi32>
        %mul3A_236 = arith.muli %convert_element_type3A_233, %mul3A_235 : vector<16xi32>
        %broadcast_in_dim3A = arith.constant 0 : i32
        %broadcast_in_dim3A_237 = vector.broadcast %broadcast_in_dim3A : i32 to vector<16x1xi32>
        %gather3A = vector.shape_cast %broadcast_in_dim3A_237 : vector<16x1xi32> to vector<16xi32>
        %gather3A_238 = tpu.dynamic_gather %mul3A_227[%gather3A] in [0] : vector<16xi32>, vector<16xi32> -> vector<16xi32>
        %add3A_239 = arith.addi %gather3A_238, %iota3A : vector<16xi32>
        %gather3A_240 = tpu.vector_load_idx %arg5[%add3A_239] : memref<8192xf32, #tpu.memory_space<vmem>>[vector<16xi32>], vector<16xf32>,
        %add3A_241 = arith.constant 16 : i32
        %add3A_242 = vector.broadcast %add3A_241 : i32 to vector<16xi32>
        %add3A_243 = arith.addi %add3A_239, %add3A_242 : vector<16xi32>
        %gather3A_244 = tpu.vector_load_idx %arg5[%add3A_243] : memref<8192xf32, #tpu.memory_space<vmem>>[vector<16xi32>], vector<16xf32>,
        %broadcast_in_dim3A_245 = arith.constant 1 : i32
        %broadcast_in_dim3A_246 = vector.broadcast %broadcast_in_dim3A_245 : i32 to vector<16x1xi32>
        %gather3A_247 = vector.shape_cast %broadcast_in_dim3A_246 : vector<16x1xi32> to vector<16xi32>
        %gather3A_248 = tpu.dynamic_gather %mul3A_227[%gather3A_247] in [0] : vector<16xi32>, vector<16xi32> -> vector<16xi32>
        %add3A_249 = arith.addi %gather3A_248, %iota3A : vector<16xi32>
        %gather3A_250 = tpu.vector_load_idx %arg5[%add3A_249] : memref<8192xf32, #tpu.memory_space<vmem>>[vector<16xi32>], vector<16xf32>,
        %add3A_251 = arith.constant 16 : i32
        %add3A_252 = vector.broadcast %add3A_251 : i32 to vector<16xi32>
        %add3A_253 = arith.addi %add3A_249, %add3A_252 : vector<16xi32>
        %gather3A_254 = tpu.vector_load_idx %arg5[%add3A_253] : memref<8192xf32, #tpu.memory_space<vmem>>[vector<16xi32>], vector<16xf32>,
        %broadcast_in_dim3A_255 = arith.constant 2 : i32
        %broadcast_in_dim3A_256 = vector.broadcast %broadcast_in_dim3A_255 : i32 to vector<16x1xi32>
        %gather3A_257 = vector.shape_cast %broadcast_in_dim3A_256 : vector<16x1xi32> to vector<16xi32>
        %gather3A_258 = tpu.dynamic_gather %mul3A_227[%gather3A_257] in [0] : vector<16xi32>, vector<16xi32> -> vector<16xi32>
        %add3A_259 = arith.addi %gather3A_258, %iota3A : vector<16xi32>
        %gather3A_260 = tpu.vector_load_idx %arg5[%add3A_259] : memref<8192xf32, #tpu.memory_space<vmem>>[vector<16xi32>], vector<16xf32>,
        %add3A_261 = arith.constant 16 : i32
        %add3A_262 = vector.broadcast %add3A_261 : i32 to vector<16xi32>
        %add3A_263 = arith.addi %add3A_259, %add3A_262 : vector<16xi32>
        %gather3A_264 = tpu.vector_load_idx %arg5[%add3A_263] : memref<8192xf32, #tpu.memory_space<vmem>>[vector<16xi32>], vector<16xf32>,
        %broadcast_in_dim3A_265 = arith.constant 3 : i32
        %broadcast_in_dim3A_266 = vector.broadcast %broadcast_in_dim3A_265 : i32 to vector<16x1xi32>
        %gather3A_267 = vector.shape_cast %broadcast_in_dim3A_266 : vector<16x1xi32> to vector<16xi32>
        %gather3A_268 = tpu.dynamic_gather %mul3A_227[%gather3A_267] in [0] : vector<16xi32>, vector<16xi32> -> vector<16xi32>
        %add3A_269 = arith.addi %gather3A_268, %iota3A : vector<16xi32>
        %gather3A_270 = tpu.vector_load_idx %arg5[%add3A_269] : memref<8192xf32, #tpu.memory_space<vmem>>[vector<16xi32>], vector<16xf32>,
        %add3A_271 = arith.constant 16 : i32
        %add3A_272 = vector.broadcast %add3A_271 : i32 to vector<16xi32>
        %add3A_273 = arith.addi %add3A_269, %add3A_272 : vector<16xi32>
        %gather3A_274 = tpu.vector_load_idx %arg5[%add3A_273] : memref<8192xf32, #tpu.memory_space<vmem>>[vector<16xi32>], vector<16xf32>,
        %broadcast_in_dim3A_275 = arith.constant 4 : i32
        %broadcast_in_dim3A_276 = vector.broadcast %broadcast_in_dim3A_275 : i32 to vector<16x1xi32>
        %gather3A_277 = vector.shape_cast %broadcast_in_dim3A_276 : vector<16x1xi32> to vector<16xi32>
        %gather3A_278 = tpu.dynamic_gather %mul3A_227[%gather3A_277] in [0] : vector<16xi32>, vector<16xi32> -> vector<16xi32>
        %add3A_279 = arith.addi %gather3A_278, %iota3A : vector<16xi32>
        %gather3A_280 = tpu.vector_load_idx %arg5[%add3A_279] : memref<8192xf32, #tpu.memory_space<vmem>>[vector<16xi32>], vector<16xf32>,
        %add3A_281 = arith.constant 16 : i32
        %add3A_282 = vector.broadcast %add3A_281 : i32 to vector<16xi32>
        %add3A_283 = arith.addi %add3A_279, %add3A_282 : vector<16xi32>
        %gather3A_284 = tpu.vector_load_idx %arg5[%add3A_283] : memref<8192xf32, #tpu.memory_space<vmem>>[vector<16xi32>], vector<16xf32>,
        %broadcast_in_dim3A_285 = arith.constant 5 : i32
        %broadcast_in_dim3A_286 = vector.broadcast %broadcast_in_dim3A_285 : i32 to vector<16x1xi32>
        %gather3A_287 = vector.shape_cast %broadcast_in_dim3A_286 : vector<16x1xi32> to vector<16xi32>
        %gather3A_288 = tpu.dynamic_gather %mul3A_227[%gather3A_287] in [0] : vector<16xi32>, vector<16xi32> -> vector<16xi32>
        %add3A_289 = arith.addi %gather3A_288, %iota3A : vector<16xi32>
        %gather3A_290 = tpu.vector_load_idx %arg5[%add3A_289] : memref<8192xf32, #tpu.memory_space<vmem>>[vector<16xi32>], vector<16xf32>,
        %add3A_291 = arith.constant 16 : i32
        %add3A_292 = vector.broadcast %add3A_291 : i32 to vector<16xi32>
        %add3A_293 = arith.addi %add3A_289, %add3A_292 : vector<16xi32>
        %gather3A_294 = tpu.vector_load_idx %arg5[%add3A_293] : memref<8192xf32, #tpu.memory_space<vmem>>[vector<16xi32>], vector<16xf32>,
        %broadcast_in_dim3A_295 = arith.constant 6 : i32
        %broadcast_in_dim3A_296 = vector.broadcast %broadcast_in_dim3A_295 : i32 to vector<16x1xi32>
        %gather3A_297 = vector.shape_cast %broadcast_in_dim3A_296 : vector<16x1xi32> to vector<16xi32>
        %gather3A_298 = tpu.dynamic_gather %mul3A_227[%gather3A_297] in [0] : vector<16xi32>, vector<16xi32> -> vector<16xi32>
        %add3A_299 = arith.addi %gather3A_298, %iota3A : vector<16xi32>
        %gather3A_300 = tpu.vector_load_idx %arg5[%add3A_299] : memref<8192xf32, #tpu.memory_space<vmem>>[vector<16xi32>], vector<16xf32>,
        %add3A_301 = arith.constant 16 : i32
        %add3A_302 = vector.broadcast %add3A_301 : i32 to vector<16xi32>
        %add3A_303 = arith.addi %add3A_299, %add3A_302 : vector<16xi32>
        %gather3A_304 = tpu.vector_load_idx %arg5[%add3A_303] : memref<8192xf32, #tpu.memory_space<vmem>>[vector<16xi32>], vector<16xf32>,
        %broadcast_in_dim3A_305 = arith.constant 7 : i32
        %broadcast_in_dim3A_306 = vector.broadcast %broadcast_in_dim3A_305 : i32 to vector<16x1xi32>
        %gather3A_307 = vector.shape_cast %broadcast_in_dim3A_306 : vector<16x1xi32> to vector<16xi32>
        %gather3A_308 = tpu.dynamic_gather %mul3A_227[%gather3A_307] in [0] : vector<16xi32>, vector<16xi32> -> vector<16xi32>
        %add3A_309 = arith.addi %gather3A_308, %iota3A : vector<16xi32>
        %gather3A_310 = tpu.vector_load_idx %arg5[%add3A_309] : memref<8192xf32, #tpu.memory_space<vmem>>[vector<16xi32>], vector<16xf32>,
        %add3A_311 = arith.constant 16 : i32
        %add3A_312 = vector.broadcast %add3A_311 : i32 to vector<16xi32>
        %add3A_313 = arith.addi %add3A_309, %add3A_312 : vector<16xi32>
        %gather3A_314 = tpu.vector_load_idx %arg5[%add3A_313] : memref<8192xf32, #tpu.memory_space<vmem>>[vector<16xi32>], vector<16xf32>,
        %swap3A = arith.index_cast %scan3A_219 : i32 to index
        %swap3A_315 = arith.constant 0 : index
        %swap3A_316 = tpu.vector_load %arg7[%swap3A, %swap3A_315] {strides = array<i32>} : memref<24x834xf32, #tpu.memory_space<vmem>>, vector<16xf32>,
        tpu.vector_store %arg7[%swap3A, %swap3A_315], %gather3A_240 {strides = array<i32>} : memref<24x834xf32, #tpu.memory_space<vmem>>, vector<16xf32>,
        %swap3A_317 = arith.index_cast %scan3A_219 : i32 to index
        %swap3A_318 = arith.constant 16 : index
        %swap3A_319 = tpu.vector_load %arg7[%swap3A_317, %swap3A_318] {strides = array<i32>} : memref<24x834xf32, #tpu.memory_space<vmem>>, vector<16xf32>,
        tpu.vector_store %arg7[%swap3A_317, %swap3A_318], %gather3A_244 {strides = array<i32>} : memref<24x834xf32, #tpu.memory_space<vmem>>, vector<16xf32>,
        %swap3A_320 = arith.index_cast %scan3A_219 : i32 to index
        %swap3A_321 = arith.constant 32 : index
        %swap3A_322 = tpu.vector_load %arg7[%swap3A_320, %swap3A_321] {strides = array<i32>} : memref<24x834xf32, #tpu.memory_space<vmem>>, vector<16xf32>,
        tpu.vector_store %arg7[%swap3A_320, %swap3A_321], %gather3A_250 {strides = array<i32>} : memref<24x834xf32, #tpu.memory_space<vmem>>, vector<16xf32>,
        %swap3A_323 = arith.index_cast %scan3A_219 : i32 to index
        %swap3A_324 = arith.constant 48 : index
        %swap3A_325 = tpu.vector_load %arg7[%swap3A_323, %swap3A_324] {strides = array<i32>} : memref<24x834xf32, #tpu.memory_space<vmem>>, vector<16xf32>,
        tpu.vector_store %arg7[%swap3A_323, %swap3A_324], %gather3A_254 {strides = array<i32>} : memref<24x834xf32, #tpu.memory_space<vmem>>, vector<16xf32>,
        %swap3A_326 = arith.index_cast %scan3A_219 : i32 to index
        %swap3A_327 = arith.constant 64 : index
        %swap3A_328 = tpu.vector_load %arg7[%swap3A_326, %swap3A_327] {strides = array<i32>} : memref<24x834xf32, #tpu.memory_space<vmem>>, vector<16xf32>,
        tpu.vector_store %arg7[%swap3A_326, %swap3A_327], %gather3A_260 {strides = array<i32>} : memref<24x834xf32, #tpu.memory_space<vmem>>, vector<16xf32>,
        %swap3A_329 = arith.index_cast %scan3A_219 : i32 to index
        %swap3A_330 = arith.constant 80 : index
        %swap3A_331 = tpu.vector_load %arg7[%swap3A_329, %swap3A_330] {strides = array<i32>} : memref<24x834xf32, #tpu.memory_space<vmem>>, vector<16xf32>,
        tpu.vector_store %arg7[%swap3A_329, %swap3A_330], %gather3A_264 {strides = array<i32>} : memref<24x834xf32, #tpu.memory_space<vmem>>, vector<16xf32>,
        %swap3A_332 = arith.index_cast %scan3A_219 : i32 to index
        %swap3A_333 = arith.constant 96 : index
        %swap3A_334 = tpu.vector_load %arg7[%swap3A_332, %swap3A_333] {strides = array<i32>} : memref<24x834xf32, #tpu.memory_space<vmem>>, vector<16xf32>,
        tpu.vector_store %arg7[%swap3A_332, %swap3A_333], %gather3A_270 {strides = array<i32>} : memref<24x834xf32, #tpu.memory_space<vmem>>, vector<16xf32>,
        %swap3A_335 = arith.index_cast %scan3A_219 : i32 to index
        %swap3A_336 = arith.constant 112 : index
        %swap3A_337 = tpu.vector_load %arg7[%swap3A_335, %swap3A_336] {strides = array<i32>} : memref<24x834xf32, #tpu.memory_space<vmem>>, vector<16xf32>,
        tpu.vector_store %arg7[%swap3A_335, %swap3A_336], %gather3A_274 {strides = array<i32>} : memref<24x834xf32, #tpu.memory_space<vmem>>, vector<16xf32>,
        %swap3A_338 = arith.index_cast %scan3A_219 : i32 to index
        %swap3A_339 = arith.constant 128 : index
        %swap3A_340 = tpu.vector_load %arg7[%swap3A_338, %swap3A_339] {strides = array<i32>} : memref<24x834xf32, #tpu.memory_space<vmem>>, vector<16xf32>,
        tpu.vector_store %arg7[%swap3A_338, %swap3A_339], %gather3A_280 {strides = array<i32>} : memref<24x834xf32, #tpu.memory_space<vmem>>, vector<16xf32>,
        %swap3A_341 = arith.index_cast %scan3A_219 : i32 to index
        %swap3A_342 = arith.constant 144 : index
        %swap3A_343 = tpu.vector_load %arg7[%swap3A_341, %swap3A_342] {strides = array<i32>} : memref<24x834xf32, #tpu.memory_space<vmem>>, vector<16xf32>,
        tpu.vector_store %arg7[%swap3A_341, %swap3A_342], %gather3A_284 {strides = array<i32>} : memref<24x834xf32, #tpu.memory_space<vmem>>, vector<16xf32>,
        %swap3A_344 = arith.index_cast %scan3A_219 : i32 to index
        %swap3A_345 = arith.constant 160 : index
        %swap3A_346 = tpu.vector_load %arg7[%swap3A_344, %swap3A_345] {strides = array<i32>} : memref<24x834xf32, #tpu.memory_space<vmem>>, vector<16xf32>,
        tpu.vector_store %arg7[%swap3A_344, %swap3A_345], %gather3A_290 {strides = array<i32>} : memref<24x834xf32, #tpu.memory_space<vmem>>, vector<16xf32>,
        %swap3A_347 = arith.index_cast %scan3A_219 : i32 to index
        %swap3A_348 = arith.constant 176 : index
        %swap3A_349 = tpu.vector_load %arg7[%swap3A_347, %swap3A_348] {strides = array<i32>} : memref<24x834xf32, #tpu.memory_space<vmem>>, vector<16xf32>,
        tpu.vector_store %arg7[%swap3A_347, %swap3A_348], %gather3A_294 {strides = array<i32>} : memref<24x834xf32, #tpu.memory_space<vmem>>, vector<16xf32>,
        %swap3A_350 = arith.index_cast %scan3A_219 : i32 to index
        %swap3A_351 = arith.constant 192 : index
        %swap3A_352 = tpu.vector_load %arg7[%swap3A_350, %swap3A_351] {strides = array<i32>} : memref<24x834xf32, #tpu.memory_space<vmem>>, vector<16xf32>,
        tpu.vector_store %arg7[%swap3A_350, %swap3A_351], %gather3A_300 {strides = array<i32>} : memref<24x834xf32, #tpu.memory_space<vmem>>, vector<16xf32>,
        %swap3A_353 = arith.index_cast %scan3A_219 : i32 to index
        %swap3A_354 = arith.constant 208 : index
        %swap3A_355 = tpu.vector_load %arg7[%swap3A_353, %swap3A_354] {strides = array<i32>} : memref<24x834xf32, #tpu.memory_space<vmem>>, vector<16xf32>,
        tpu.vector_store %arg7[%swap3A_353, %swap3A_354], %gather3A_304 {strides = array<i32>} : memref<24x834xf32, #tpu.memory_space<vmem>>, vector<16xf32>,
        %swap3A_356 = arith.index_cast %scan3A_219 : i32 to index
        %swap3A_357 = arith.constant 224 : index
        %swap3A_358 = tpu.vector_load %arg7[%swap3A_356, %swap3A_357] {strides = array<i32>} : memref<24x834xf32, #tpu.memory_space<vmem>>, vector<16xf32>,
        tpu.vector_store %arg7[%swap3A_356, %swap3A_357], %gather3A_310 {strides = array<i32>} : memref<24x834xf32, #tpu.memory_space<vmem>>, vector<16xf32>,
        %swap3A_359 = arith.index_cast %scan3A_219 : i32 to index
        %swap3A_360 = arith.constant 240 : index
        %swap3A_361 = tpu.vector_load %arg7[%swap3A_359, %swap3A_360] {strides = array<i32>} : memref<24x834xf32, #tpu.memory_space<vmem>>, vector<16xf32>,
        tpu.vector_store %arg7[%swap3A_359, %swap3A_360], %gather3A_314 {strides = array<i32>} : memref<24x834xf32, #tpu.memory_space<vmem>>, vector<16xf32>,
        %broadcast_in_dim3A_362 = arith.constant 8 : i32
        %broadcast_in_dim3A_363 = vector.broadcast %broadcast_in_dim3A_362 : i32 to vector<16x1xi32>
        %gather3A_364 = vector.shape_cast %broadcast_in_dim3A_363 : vector<16x1xi32> to vector<16xi32>
        %gather3A_365 = tpu.dynamic_gather %mul3A_227[%gather3A_364] in [0] : vector<16xi32>, vector<16xi32> -> vector<16xi32>
        %add3A_366 = arith.addi %gather3A_365, %iota3A : vector<16xi32>
        %gather3A_367 = tpu.vector_load_idx %arg5[%add3A_366] : memref<8192xf32, #tpu.memory_space<vmem>>[vector<16xi32>], vector<16xf32>,
        %add3A_368 = arith.constant 16 : i32
        %add3A_369 = vector.broadcast %add3A_368 : i32 to vector<16xi32>
        %add3A_370 = arith.addi %add3A_366, %add3A_369 : vector<16xi32>
        %gather3A_371 = tpu.vector_load_idx %arg5[%add3A_370] : memref<8192xf32, #tpu.memory_space<vmem>>[vector<16xi32>], vector<16xf32>,
        %broadcast_in_dim3A_372 = arith.constant 9 : i32
        %broadcast_in_dim3A_373 = vector.broadcast %broadcast_in_dim3A_372 : i32 to vector<16x1xi32>
        %gather3A_374 = vector.shape_cast %broadcast_in_dim3A_373 : vector<16x1xi32> to vector<16xi32>
        %gather3A_375 = tpu.dynamic_gather %mul3A_227[%gather3A_374] in [0] : vector<16xi32>, vector<16xi32> -> vector<16xi32>
        %add3A_376 = arith.addi %gather3A_375, %iota3A : vector<16xi32>
        %gather3A_377 = tpu.vector_load_idx %arg5[%add3A_376] : memref<8192xf32, #tpu.memory_space<vmem>>[vector<16xi32>], vector<16xf32>,
        %add3A_378 = arith.constant 16 : i32
        %add3A_379 = vector.broadcast %add3A_378 : i32 to vector<16xi32>
        %add3A_380 = arith.addi %add3A_376, %add3A_379 : vector<16xi32>
        %gather3A_381 = tpu.vector_load_idx %arg5[%add3A_380] : memref<8192xf32, #tpu.memory_space<vmem>>[vector<16xi32>], vector<16xf32>,
        %broadcast_in_dim3A_382 = arith.constant 10 : i32
        %broadcast_in_dim3A_383 = vector.broadcast %broadcast_in_dim3A_382 : i32 to vector<16x1xi32>
        %gather3A_384 = vector.shape_cast %broadcast_in_dim3A_383 : vector<16x1xi32> to vector<16xi32>
        %gather3A_385 = tpu.dynamic_gather %mul3A_227[%gather3A_384] in [0] : vector<16xi32>, vector<16xi32> -> vector<16xi32>
        %add3A_386 = arith.addi %gather3A_385, %iota3A : vector<16xi32>
        %gather3A_387 = tpu.vector_load_idx %arg5[%add3A_386] : memref<8192xf32, #tpu.memory_space<vmem>>[vector<16xi32>], vector<16xf32>,
        %add3A_388 = arith.constant 16 : i32
        %add3A_389 = vector.broadcast %add3A_388 : i32 to vector<16xi32>
        %add3A_390 = arith.addi %add3A_386, %add3A_389 : vector<16xi32>
        %gather3A_391 = tpu.vector_load_idx %arg5[%add3A_390] : memref<8192xf32, #tpu.memory_space<vmem>>[vector<16xi32>], vector<16xf32>,
        %broadcast_in_dim3A_392 = arith.constant 11 : i32
        %broadcast_in_dim3A_393 = vector.broadcast %broadcast_in_dim3A_392 : i32 to vector<16x1xi32>
        %gather3A_394 = vector.shape_cast %broadcast_in_dim3A_393 : vector<16x1xi32> to vector<16xi32>
        %gather3A_395 = tpu.dynamic_gather %mul3A_227[%gather3A_394] in [0] : vector<16xi32>, vector<16xi32> -> vector<16xi32>
        %add3A_396 = arith.addi %gather3A_395, %iota3A : vector<16xi32>
        %gather3A_397 = tpu.vector_load_idx %arg5[%add3A_396] : memref<8192xf32, #tpu.memory_space<vmem>>[vector<16xi32>], vector<16xf32>,
        %add3A_398 = arith.constant 16 : i32
        %add3A_399 = vector.broadcast %add3A_398 : i32 to vector<16xi32>
        %add3A_400 = arith.addi %add3A_396, %add3A_399 : vector<16xi32>
        %gather3A_401 = tpu.vector_load_idx %arg5[%add3A_400] : memref<8192xf32, #tpu.memory_space<vmem>>[vector<16xi32>], vector<16xf32>,
        %broadcast_in_dim3A_402 = arith.constant 12 : i32
        %broadcast_in_dim3A_403 = vector.broadcast %broadcast_in_dim3A_402 : i32 to vector<16x1xi32>
        %gather3A_404 = vector.shape_cast %broadcast_in_dim3A_403 : vector<16x1xi32> to vector<16xi32>
        %gather3A_405 = tpu.dynamic_gather %mul3A_227[%gather3A_404] in [0] : vector<16xi32>, vector<16xi32> -> vector<16xi32>
        %add3A_406 = arith.addi %gather3A_405, %iota3A : vector<16xi32>
        %gather3A_407 = tpu.vector_load_idx %arg5[%add3A_406] : memref<8192xf32, #tpu.memory_space<vmem>>[vector<16xi32>], vector<16xf32>,
        %add3A_408 = arith.constant 16 : i32
        %add3A_409 = vector.broadcast %add3A_408 : i32 to vector<16xi32>
        %add3A_410 = arith.addi %add3A_406, %add3A_409 : vector<16xi32>
        %gather3A_411 = tpu.vector_load_idx %arg5[%add3A_410] : memref<8192xf32, #tpu.memory_space<vmem>>[vector<16xi32>], vector<16xf32>,
        %broadcast_in_dim3A_412 = arith.constant 13 : i32
        %broadcast_in_dim3A_413 = vector.broadcast %broadcast_in_dim3A_412 : i32 to vector<16x1xi32>
        %gather3A_414 = vector.shape_cast %broadcast_in_dim3A_413 : vector<16x1xi32> to vector<16xi32>
        %gather3A_415 = tpu.dynamic_gather %mul3A_227[%gather3A_414] in [0] : vector<16xi32>, vector<16xi32> -> vector<16xi32>
        %add3A_416 = arith.addi %gather3A_415, %iota3A : vector<16xi32>
        %gather3A_417 = tpu.vector_load_idx %arg5[%add3A_416] : memref<8192xf32, #tpu.memory_space<vmem>>[vector<16xi32>], vector<16xf32>,
        %add3A_418 = arith.constant 16 : i32
        %add3A_419 = vector.broadcast %add3A_418 : i32 to vector<16xi32>
        %add3A_420 = arith.addi %add3A_416, %add3A_419 : vector<16xi32>
        %gather3A_421 = tpu.vector_load_idx %arg5[%add3A_420] : memref<8192xf32, #tpu.memory_space<vmem>>[vector<16xi32>], vector<16xf32>,
        %broadcast_in_dim3A_422 = arith.constant 14 : i32
        %broadcast_in_dim3A_423 = vector.broadcast %broadcast_in_dim3A_422 : i32 to vector<16x1xi32>
        %gather3A_424 = vector.shape_cast %broadcast_in_dim3A_423 : vector<16x1xi32> to vector<16xi32>
        %gather3A_425 = tpu.dynamic_gather %mul3A_227[%gather3A_424] in [0] : vector<16xi32>, vector<16xi32> -> vector<16xi32>
        %add3A_426 = arith.addi %gather3A_425, %iota3A : vector<16xi32>
        %gather3A_427 = tpu.vector_load_idx %arg5[%add3A_426] : memref<8192xf32, #tpu.memory_space<vmem>>[vector<16xi32>], vector<16xf32>,
        %add3A_428 = arith.constant 16 : i32
        %add3A_429 = vector.broadcast %add3A_428 : i32 to vector<16xi32>
        %add3A_430 = arith.addi %add3A_426, %add3A_429 : vector<16xi32>
        %gather3A_431 = tpu.vector_load_idx %arg5[%add3A_430] : memref<8192xf32, #tpu.memory_space<vmem>>[vector<16xi32>], vector<16xf32>,
        %broadcast_in_dim3A_432 = arith.constant 15 : i32
        %broadcast_in_dim3A_433 = vector.broadcast %broadcast_in_dim3A_432 : i32 to vector<16x1xi32>
        %gather3A_434 = vector.shape_cast %broadcast_in_dim3A_433 : vector<16x1xi32> to vector<16xi32>
        %gather3A_435 = tpu.dynamic_gather %mul3A_227[%gather3A_434] in [0] : vector<16xi32>, vector<16xi32> -> vector<16xi32>
        %add3A_436 = arith.addi %gather3A_435, %iota3A : vector<16xi32>
        %gather3A_437 = tpu.vector_load_idx %arg5[%add3A_436] : memref<8192xf32, #tpu.memory_space<vmem>>[vector<16xi32>], vector<16xf32>,
        %add3A_438 = arith.constant 16 : i32
        %add3A_439 = vector.broadcast %add3A_438 : i32 to vector<16xi32>
        %add3A_440 = arith.addi %add3A_436, %add3A_439 : vector<16xi32>
        %gather3A_441 = tpu.vector_load_idx %arg5[%add3A_440] : memref<8192xf32, #tpu.memory_space<vmem>>[vector<16xi32>], vector<16xf32>,
        %swap3A_442 = arith.index_cast %scan3A_219 : i32 to index
        %swap3A_443 = arith.constant 256 : index
        %swap3A_444 = tpu.vector_load %arg7[%swap3A_442, %swap3A_443] {strides = array<i32>} : memref<24x834xf32, #tpu.memory_space<vmem>>, vector<16xf32>,
        tpu.vector_store %arg7[%swap3A_442, %swap3A_443], %gather3A_367 {strides = array<i32>} : memref<24x834xf32, #tpu.memory_space<vmem>>, vector<16xf32>,
        %swap3A_445 = arith.index_cast %scan3A_219 : i32 to index
        %swap3A_446 = arith.constant 272 : index
        %swap3A_447 = tpu.vector_load %arg7[%swap3A_445, %swap3A_446] {strides = array<i32>} : memref<24x834xf32, #tpu.memory_space<vmem>>, vector<16xf32>,
        tpu.vector_store %arg7[%swap3A_445, %swap3A_446], %gather3A_371 {strides = array<i32>} : memref<24x834xf32, #tpu.memory_space<vmem>>, vector<16xf32>,
        %swap3A_448 = arith.index_cast %scan3A_219 : i32 to index
        %swap3A_449 = arith.constant 288 : index
        %swap3A_450 = tpu.vector_load %arg7[%swap3A_448, %swap3A_449] {strides = array<i32>} : memref<24x834xf32, #tpu.memory_space<vmem>>, vector<16xf32>,
        tpu.vector_store %arg7[%swap3A_448, %swap3A_449], %gather3A_377 {strides = array<i32>} : memref<24x834xf32, #tpu.memory_space<vmem>>, vector<16xf32>,
        %swap3A_451 = arith.index_cast %scan3A_219 : i32 to index
        %swap3A_452 = arith.constant 304 : index
        %swap3A_453 = tpu.vector_load %arg7[%swap3A_451, %swap3A_452] {strides = array<i32>} : memref<24x834xf32, #tpu.memory_space<vmem>>, vector<16xf32>,
        tpu.vector_store %arg7[%swap3A_451, %swap3A_452], %gather3A_381 {strides = array<i32>} : memref<24x834xf32, #tpu.memory_space<vmem>>, vector<16xf32>,
        %swap3A_454 = arith.index_cast %scan3A_219 : i32 to index
        %swap3A_455 = arith.constant 320 : index
        %swap3A_456 = tpu.vector_load %arg7[%swap3A_454, %swap3A_455] {strides = array<i32>} : memref<24x834xf32, #tpu.memory_space<vmem>>, vector<16xf32>,
        tpu.vector_store %arg7[%swap3A_454, %swap3A_455], %gather3A_387 {strides = array<i32>} : memref<24x834xf32, #tpu.memory_space<vmem>>, vector<16xf32>,
        %swap3A_457 = arith.index_cast %scan3A_219 : i32 to index
        %swap3A_458 = arith.constant 336 : index
        %swap3A_459 = tpu.vector_load %arg7[%swap3A_457, %swap3A_458] {strides = array<i32>} : memref<24x834xf32, #tpu.memory_space<vmem>>, vector<16xf32>,
        tpu.vector_store %arg7[%swap3A_457, %swap3A_458], %gather3A_391 {strides = array<i32>} : memref<24x834xf32, #tpu.memory_space<vmem>>, vector<16xf32>,
        %swap3A_460 = arith.index_cast %scan3A_219 : i32 to index
        %swap3A_461 = arith.constant 352 : index
        %swap3A_462 = tpu.vector_load %arg7[%swap3A_460, %swap3A_461] {strides = array<i32>} : memref<24x834xf32, #tpu.memory_space<vmem>>, vector<16xf32>,
        tpu.vector_store %arg7[%swap3A_460, %swap3A_461], %gather3A_397 {strides = array<i32>} : memref<24x834xf32, #tpu.memory_space<vmem>>, vector<16xf32>,
        %swap3A_463 = arith.index_cast %scan3A_219 : i32 to index
        %swap3A_464 = arith.constant 368 : index
        %swap3A_465 = tpu.vector_load %arg7[%swap3A_463, %swap3A_464] {strides = array<i32>} : memref<24x834xf32, #tpu.memory_space<vmem>>, vector<16xf32>,
        tpu.vector_store %arg7[%swap3A_463, %swap3A_464], %gather3A_401 {strides = array<i32>} : memref<24x834xf32, #tpu.memory_space<vmem>>, vector<16xf32>,
        %swap3A_466 = arith.index_cast %scan3A_219 : i32 to index
        %swap3A_467 = arith.constant 384 : index
        %swap3A_468 = tpu.vector_load %arg7[%swap3A_466, %swap3A_467] {strides = array<i32>} : memref<24x834xf32, #tpu.memory_space<vmem>>, vector<16xf32>,
        tpu.vector_store %arg7[%swap3A_466, %swap3A_467], %gather3A_407 {strides = array<i32>} : memref<24x834xf32, #tpu.memory_space<vmem>>, vector<16xf32>,
        %swap3A_469 = arith.index_cast %scan3A_219 : i32 to index
        %swap3A_470 = arith.constant 400 : index
        %swap3A_471 = tpu.vector_load %arg7[%swap3A_469, %swap3A_470] {strides = array<i32>} : memref<24x834xf32, #tpu.memory_space<vmem>>, vector<16xf32>,
        tpu.vector_store %arg7[%swap3A_469, %swap3A_470], %gather3A_411 {strides = array<i32>} : memref<24x834xf32, #tpu.memory_space<vmem>>, vector<16xf32>,
        %swap3A_472 = arith.index_cast %scan3A_219 : i32 to index
        %swap3A_473 = arith.constant 416 : index
        %swap3A_474 = tpu.vector_load %arg7[%swap3A_472, %swap3A_473] {strides = array<i32>} : memref<24x834xf32, #tpu.memory_space<vmem>>, vector<16xf32>,
        tpu.vector_store %arg7[%swap3A_472, %swap3A_473], %gather3A_417 {strides = array<i32>} : memref<24x834xf32, #tpu.memory_space<vmem>>, vector<16xf32>,
        %swap3A_475 = arith.index_cast %scan3A_219 : i32 to index
        %swap3A_476 = arith.constant 432 : index
        %swap3A_477 = tpu.vector_load %arg7[%swap3A_475, %swap3A_476] {strides = array<i32>} : memref<24x834xf32, #tpu.memory_space<vmem>>, vector<16xf32>,
        tpu.vector_store %arg7[%swap3A_475, %swap3A_476], %gather3A_421 {strides = array<i32>} : memref<24x834xf32, #tpu.memory_space<vmem>>, vector<16xf32>,
        %swap3A_478 = arith.index_cast %scan3A_219 : i32 to index
        %swap3A_479 = arith.constant 448 : index
        %swap3A_480 = tpu.vector_load %arg7[%swap3A_478, %swap3A_479] {strides = array<i32>} : memref<24x834xf32, #tpu.memory_space<vmem>>, vector<16xf32>,
        tpu.vector_store %arg7[%swap3A_478, %swap3A_479], %gather3A_427 {strides = array<i32>} : memref<24x834xf32, #tpu.memory_space<vmem>>, vector<16xf32>,
        %swap3A_481 = arith.index_cast %scan3A_219 : i32 to index
        %swap3A_482 = arith.constant 464 : index
        %swap3A_483 = tpu.vector_load %arg7[%swap3A_481, %swap3A_482] {strides = array<i32>} : memref<24x834xf32, #tpu.memory_space<vmem>>, vector<16xf32>,
        tpu.vector_store %arg7[%swap3A_481, %swap3A_482], %gather3A_431 {strides = array<i32>} : memref<24x834xf32, #tpu.memory_space<vmem>>, vector<16xf32>,
        %swap3A_484 = arith.index_cast %scan3A_219 : i32 to index
        %swap3A_485 = arith.constant 480 : index
        %swap3A_486 = tpu.vector_load %arg7[%swap3A_484, %swap3A_485] {strides = array<i32>} : memref<24x834xf32, #tpu.memory_space<vmem>>, vector<16xf32>,
        tpu.vector_store %arg7[%swap3A_484, %swap3A_485], %gather3A_437 {strides = array<i32>} : memref<24x834xf32, #tpu.memory_space<vmem>>, vector<16xf32>,
        %swap3A_487 = arith.index_cast %scan3A_219 : i32 to index
        %swap3A_488 = arith.constant 496 : index
        %swap3A_489 = tpu.vector_load %arg7[%swap3A_487, %swap3A_488] {strides = array<i32>} : memref<24x834xf32, #tpu.memory_space<vmem>>, vector<16xf32>,
        tpu.vector_store %arg7[%swap3A_487, %swap3A_488], %gather3A_441 {strides = array<i32>} : memref<24x834xf32, #tpu.memory_space<vmem>>, vector<16xf32>,
        %broadcast_in_dim3A_490 = arith.constant 7 : i32
        %broadcast_in_dim3A_491 = vector.broadcast %broadcast_in_dim3A_490 : i32 to vector<16x1xi32>
        %gather3A_492 = vector.shape_cast %broadcast_in_dim3A_491 : vector<16x1xi32> to vector<16xi32>
        %gather3A_493 = tpu.dynamic_gather %mul3A_236[%gather3A_492] in [0] : vector<16xi32>, vector<16xi32> -> vector<16xi32>
        %add3A_494 = arith.addi %gather3A_493, %iota3A : vector<16xi32>
        %gather3A_495 = tpu.vector_load_idx %arg5[%add3A_494] : memref<8192xf32, #tpu.memory_space<vmem>>[vector<16xi32>], vector<16xf32>,
        %add3A_496 = arith.constant 16 : i32
        %add3A_497 = vector.broadcast %add3A_496 : i32 to vector<16xi32>
        %add3A_498 = arith.addi %add3A_494, %add3A_497 : vector<16xi32>
        %gather3A_499 = tpu.vector_load_idx %arg5[%add3A_498] : memref<8192xf32, #tpu.memory_space<vmem>>[vector<16xi32>], vector<16xf32>,
        %broadcast_in_dim3A_500 = arith.constant 8 : i32
        %broadcast_in_dim3A_501 = vector.broadcast %broadcast_in_dim3A_500 : i32 to vector<16x1xi32>
        %gather3A_502 = vector.shape_cast %broadcast_in_dim3A_501 : vector<16x1xi32> to vector<16xi32>
        %gather3A_503 = tpu.dynamic_gather %mul3A_236[%gather3A_502] in [0] : vector<16xi32>, vector<16xi32> -> vector<16xi32>
        %add3A_504 = arith.addi %gather3A_503, %iota3A : vector<16xi32>
        %gather3A_505 = tpu.vector_load_idx %arg5[%add3A_504] : memref<8192xf32, #tpu.memory_space<vmem>>[vector<16xi32>], vector<16xf32>,
        %add3A_506 = arith.constant 16 : i32
        %add3A_507 = vector.broadcast %add3A_506 : i32 to vector<16xi32>
        %add3A_508 = arith.addi %add3A_504, %add3A_507 : vector<16xi32>
        %gather3A_509 = tpu.vector_load_idx %arg5[%add3A_508] : memref<8192xf32, #tpu.memory_space<vmem>>[vector<16xi32>], vector<16xf32>,
        %broadcast_in_dim3A_510 = arith.constant 9 : i32
        %broadcast_in_dim3A_511 = vector.broadcast %broadcast_in_dim3A_510 : i32 to vector<16x1xi32>
        %gather3A_512 = vector.shape_cast %broadcast_in_dim3A_511 : vector<16x1xi32> to vector<16xi32>
        %gather3A_513 = tpu.dynamic_gather %mul3A_236[%gather3A_512] in [0] : vector<16xi32>, vector<16xi32> -> vector<16xi32>
        %add3A_514 = arith.addi %gather3A_513, %iota3A : vector<16xi32>
        %gather3A_515 = tpu.vector_load_idx %arg5[%add3A_514] : memref<8192xf32, #tpu.memory_space<vmem>>[vector<16xi32>], vector<16xf32>,
        %add3A_516 = arith.constant 16 : i32
        %add3A_517 = vector.broadcast %add3A_516 : i32 to vector<16xi32>
        %add3A_518 = arith.addi %add3A_514, %add3A_517 : vector<16xi32>
        %gather3A_519 = tpu.vector_load_idx %arg5[%add3A_518] : memref<8192xf32, #tpu.memory_space<vmem>>[vector<16xi32>], vector<16xf32>,
        %broadcast_in_dim3A_520 = arith.constant 10 : i32
        %broadcast_in_dim3A_521 = vector.broadcast %broadcast_in_dim3A_520 : i32 to vector<16x1xi32>
        %gather3A_522 = vector.shape_cast %broadcast_in_dim3A_521 : vector<16x1xi32> to vector<16xi32>
        %gather3A_523 = tpu.dynamic_gather %mul3A_236[%gather3A_522] in [0] : vector<16xi32>, vector<16xi32> -> vector<16xi32>
        %add3A_524 = arith.addi %gather3A_523, %iota3A : vector<16xi32>
        %gather3A_525 = tpu.vector_load_idx %arg5[%add3A_524] : memref<8192xf32, #tpu.memory_space<vmem>>[vector<16xi32>], vector<16xf32>,
        %add3A_526 = arith.constant 16 : i32
        %add3A_527 = vector.broadcast %add3A_526 : i32 to vector<16xi32>
        %add3A_528 = arith.addi %add3A_524, %add3A_527 : vector<16xi32>
        %gather3A_529 = tpu.vector_load_idx %arg5[%add3A_528] : memref<8192xf32, #tpu.memory_space<vmem>>[vector<16xi32>], vector<16xf32>,
        %broadcast_in_dim3A_530 = arith.constant 11 : i32
        %broadcast_in_dim3A_531 = vector.broadcast %broadcast_in_dim3A_530 : i32 to vector<16x1xi32>
        %gather3A_532 = vector.shape_cast %broadcast_in_dim3A_531 : vector<16x1xi32> to vector<16xi32>
        %gather3A_533 = tpu.dynamic_gather %mul3A_236[%gather3A_532] in [0] : vector<16xi32>, vector<16xi32> -> vector<16xi32>
        %add3A_534 = arith.addi %gather3A_533, %iota3A : vector<16xi32>
        %gather3A_535 = tpu.vector_load_idx %arg5[%add3A_534] : memref<8192xf32, #tpu.memory_space<vmem>>[vector<16xi32>], vector<16xf32>,
        %add3A_536 = arith.constant 16 : i32
        %add3A_537 = vector.broadcast %add3A_536 : i32 to vector<16xi32>
        %add3A_538 = arith.addi %add3A_534, %add3A_537 : vector<16xi32>
        %gather3A_539 = tpu.vector_load_idx %arg5[%add3A_538] : memref<8192xf32, #tpu.memory_space<vmem>>[vector<16xi32>], vector<16xf32>,
        %broadcast_in_dim3A_540 = arith.constant 12 : i32
        %broadcast_in_dim3A_541 = vector.broadcast %broadcast_in_dim3A_540 : i32 to vector<16x1xi32>
        %gather3A_542 = vector.shape_cast %broadcast_in_dim3A_541 : vector<16x1xi32> to vector<16xi32>
        %gather3A_543 = tpu.dynamic_gather %mul3A_236[%gather3A_542] in [0] : vector<16xi32>, vector<16xi32> -> vector<16xi32>
        %add3A_544 = arith.addi %gather3A_543, %iota3A : vector<16xi32>
        %gather3A_545 = tpu.vector_load_idx %arg5[%add3A_544] : memref<8192xf32, #tpu.memory_space<vmem>>[vector<16xi32>], vector<16xf32>,
        %add3A_546 = arith.constant 16 : i32
        %add3A_547 = vector.broadcast %add3A_546 : i32 to vector<16xi32>
        %add3A_548 = arith.addi %add3A_544, %add3A_547 : vector<16xi32>
        %gather3A_549 = tpu.vector_load_idx %arg5[%add3A_548] : memref<8192xf32, #tpu.memory_space<vmem>>[vector<16xi32>], vector<16xf32>,
        %broadcast_in_dim3A_550 = arith.constant 13 : i32
        %broadcast_in_dim3A_551 = vector.broadcast %broadcast_in_dim3A_550 : i32 to vector<16x1xi32>
        %gather3A_552 = vector.shape_cast %broadcast_in_dim3A_551 : vector<16x1xi32> to vector<16xi32>
        %gather3A_553 = tpu.dynamic_gather %mul3A_236[%gather3A_552] in [0] : vector<16xi32>, vector<16xi32> -> vector<16xi32>
        %add3A_554 = arith.addi %gather3A_553, %iota3A : vector<16xi32>
        %gather3A_555 = tpu.vector_load_idx %arg5[%add3A_554] : memref<8192xf32, #tpu.memory_space<vmem>>[vector<16xi32>], vector<16xf32>,
        %add3A_556 = arith.constant 16 : i32
        %add3A_557 = vector.broadcast %add3A_556 : i32 to vector<16xi32>
        %add3A_558 = arith.addi %add3A_554, %add3A_557 : vector<16xi32>
        %gather3A_559 = tpu.vector_load_idx %arg5[%add3A_558] : memref<8192xf32, #tpu.memory_space<vmem>>[vector<16xi32>], vector<16xf32>,
        %broadcast_in_dim3A_560 = arith.constant 14 : i32
        %broadcast_in_dim3A_561 = vector.broadcast %broadcast_in_dim3A_560 : i32 to vector<16x1xi32>
        %gather3A_562 = vector.shape_cast %broadcast_in_dim3A_561 : vector<16x1xi32> to vector<16xi32>
        %gather3A_563 = tpu.dynamic_gather %mul3A_236[%gather3A_562] in [0] : vector<16xi32>, vector<16xi32> -> vector<16xi32>
        %add3A_564 = arith.addi %gather3A_563, %iota3A : vector<16xi32>
        %gather3A_565 = tpu.vector_load_idx %arg5[%add3A_564] : memref<8192xf32, #tpu.memory_space<vmem>>[vector<16xi32>], vector<16xf32>,
        %add3A_566 = arith.constant 16 : i32
        %add3A_567 = vector.broadcast %add3A_566 : i32 to vector<16xi32>
        %add3A_568 = arith.addi %add3A_564, %add3A_567 : vector<16xi32>
        %gather3A_569 = tpu.vector_load_idx %arg5[%add3A_568] : memref<8192xf32, #tpu.memory_space<vmem>>[vector<16xi32>], vector<16xf32>,
        %swap3A_570 = arith.index_cast %scan3A_219 : i32 to index
        %swap3A_571 = arith.constant 512 : index
        %swap3A_572 = tpu.vector_load %arg7[%swap3A_570, %swap3A_571] {strides = array<i32>} : memref<24x834xf32, #tpu.memory_space<vmem>>, vector<16xf32>,
        tpu.vector_store %arg7[%swap3A_570, %swap3A_571], %gather3A_495 {strides = array<i32>} : memref<24x834xf32, #tpu.memory_space<vmem>>, vector<16xf32>,
        %swap3A_573 = arith.index_cast %scan3A_219 : i32 to index
        %swap3A_574 = arith.constant 528 : index
        %swap3A_575 = tpu.vector_load %arg7[%swap3A_573, %swap3A_574] {strides = array<i32>} : memref<24x834xf32, #tpu.memory_space<vmem>>, vector<16xf32>,
        tpu.vector_store %arg7[%swap3A_573, %swap3A_574], %gather3A_499 {strides = array<i32>} : memref<24x834xf32, #tpu.memory_space<vmem>>, vector<16xf32>,
        %swap3A_576 = arith.index_cast %scan3A_219 : i32 to index
        %swap3A_577 = arith.constant 544 : index
        %swap3A_578 = tpu.vector_load %arg7[%swap3A_576, %swap3A_577] {strides = array<i32>} : memref<24x834xf32, #tpu.memory_space<vmem>>, vector<16xf32>,
        tpu.vector_store %arg7[%swap3A_576, %swap3A_577], %gather3A_505 {strides = array<i32>} : memref<24x834xf32, #tpu.memory_space<vmem>>, vector<16xf32>,
        %swap3A_579 = arith.index_cast %scan3A_219 : i32 to index
        %swap3A_580 = arith.constant 560 : index
        %swap3A_581 = tpu.vector_load %arg7[%swap3A_579, %swap3A_580] {strides = array<i32>} : memref<24x834xf32, #tpu.memory_space<vmem>>, vector<16xf32>,
        tpu.vector_store %arg7[%swap3A_579, %swap3A_580], %gather3A_509 {strides = array<i32>} : memref<24x834xf32, #tpu.memory_space<vmem>>, vector<16xf32>,
        %swap3A_582 = arith.index_cast %scan3A_219 : i32 to index
        %swap3A_583 = arith.constant 576 : index
        %swap3A_584 = tpu.vector_load %arg7[%swap3A_582, %swap3A_583] {strides = array<i32>} : memref<24x834xf32, #tpu.memory_space<vmem>>, vector<16xf32>,
        tpu.vector_store %arg7[%swap3A_582, %swap3A_583], %gather3A_515 {strides = array<i32>} : memref<24x834xf32, #tpu.memory_space<vmem>>, vector<16xf32>,
        %swap3A_585 = arith.index_cast %scan3A_219 : i32 to index
        %swap3A_586 = arith.constant 592 : index
        %swap3A_587 = tpu.vector_load %arg7[%swap3A_585, %swap3A_586] {strides = array<i32>} : memref<24x834xf32, #tpu.memory_space<vmem>>, vector<16xf32>,
        tpu.vector_store %arg7[%swap3A_585, %swap3A_586], %gather3A_519 {strides = array<i32>} : memref<24x834xf32, #tpu.memory_space<vmem>>, vector<16xf32>,
        %swap3A_588 = arith.index_cast %scan3A_219 : i32 to index
        %swap3A_589 = arith.constant 608 : index
        %swap3A_590 = tpu.vector_load %arg7[%swap3A_588, %swap3A_589] {strides = array<i32>} : memref<24x834xf32, #tpu.memory_space<vmem>>, vector<16xf32>,
        tpu.vector_store %arg7[%swap3A_588, %swap3A_589], %gather3A_525 {strides = array<i32>} : memref<24x834xf32, #tpu.memory_space<vmem>>, vector<16xf32>,
        %swap3A_591 = arith.index_cast %scan3A_219 : i32 to index
        %swap3A_592 = arith.constant 624 : index
        %swap3A_593 = tpu.vector_load %arg7[%swap3A_591, %swap3A_592] {strides = array<i32>} : memref<24x834xf32, #tpu.memory_space<vmem>>, vector<16xf32>,
        tpu.vector_store %arg7[%swap3A_591, %swap3A_592], %gather3A_529 {strides = array<i32>} : memref<24x834xf32, #tpu.memory_space<vmem>>, vector<16xf32>,
        %swap3A_594 = arith.index_cast %scan3A_219 : i32 to index
        %swap3A_595 = arith.constant 640 : index
        %swap3A_596 = tpu.vector_load %arg7[%swap3A_594, %swap3A_595] {strides = array<i32>} : memref<24x834xf32, #tpu.memory_space<vmem>>, vector<16xf32>,
        tpu.vector_store %arg7[%swap3A_594, %swap3A_595], %gather3A_535 {strides = array<i32>} : memref<24x834xf32, #tpu.memory_space<vmem>>, vector<16xf32>,
        %swap3A_597 = arith.index_cast %scan3A_219 : i32 to index
        %swap3A_598 = arith.constant 656 : index
        %swap3A_599 = tpu.vector_load %arg7[%swap3A_597, %swap3A_598] {strides = array<i32>} : memref<24x834xf32, #tpu.memory_space<vmem>>, vector<16xf32>,
        tpu.vector_store %arg7[%swap3A_597, %swap3A_598], %gather3A_539 {strides = array<i32>} : memref<24x834xf32, #tpu.memory_space<vmem>>, vector<16xf32>,
        %swap3A_600 = arith.index_cast %scan3A_219 : i32 to index
        %swap3A_601 = arith.constant 672 : index
        %swap3A_602 = tpu.vector_load %arg7[%swap3A_600, %swap3A_601] {strides = array<i32>} : memref<24x834xf32, #tpu.memory_space<vmem>>, vector<16xf32>,
        tpu.vector_store %arg7[%swap3A_600, %swap3A_601], %gather3A_545 {strides = array<i32>} : memref<24x834xf32, #tpu.memory_space<vmem>>, vector<16xf32>,
        %swap3A_603 = arith.index_cast %scan3A_219 : i32 to index
        %swap3A_604 = arith.constant 688 : index
        %swap3A_605 = tpu.vector_load %arg7[%swap3A_603, %swap3A_604] {strides = array<i32>} : memref<24x834xf32, #tpu.memory_space<vmem>>, vector<16xf32>,
        tpu.vector_store %arg7[%swap3A_603, %swap3A_604], %gather3A_549 {strides = array<i32>} : memref<24x834xf32, #tpu.memory_space<vmem>>, vector<16xf32>,
        %swap3A_606 = arith.index_cast %scan3A_219 : i32 to index
        %swap3A_607 = arith.constant 704 : index
        %swap3A_608 = tpu.vector_load %arg7[%swap3A_606, %swap3A_607] {strides = array<i32>} : memref<24x834xf32, #tpu.memory_space<vmem>>, vector<16xf32>,
        tpu.vector_store %arg7[%swap3A_606, %swap3A_607], %gather3A_555 {strides = array<i32>} : memref<24x834xf32, #tpu.memory_space<vmem>>, vector<16xf32>,
        %swap3A_609 = arith.index_cast %scan3A_219 : i32 to index
        %swap3A_610 = arith.constant 720 : index
        %swap3A_611 = tpu.vector_load %arg7[%swap3A_609, %swap3A_610] {strides = array<i32>} : memref<24x834xf32, #tpu.memory_space<vmem>>, vector<16xf32>,
        tpu.vector_store %arg7[%swap3A_609, %swap3A_610], %gather3A_559 {strides = array<i32>} : memref<24x834xf32, #tpu.memory_space<vmem>>, vector<16xf32>,
        %swap3A_612 = arith.index_cast %scan3A_219 : i32 to index
        %swap3A_613 = arith.constant 736 : index
        %swap3A_614 = tpu.vector_load %arg7[%swap3A_612, %swap3A_613] {strides = array<i32>} : memref<24x834xf32, #tpu.memory_space<vmem>>, vector<16xf32>,
        tpu.vector_store %arg7[%swap3A_612, %swap3A_613], %gather3A_565 {strides = array<i32>} : memref<24x834xf32, #tpu.memory_space<vmem>>, vector<16xf32>,
        %swap3A_615 = arith.index_cast %scan3A_219 : i32 to index
        %swap3A_616 = arith.constant 752 : index
        %swap3A_617 = tpu.vector_load %arg7[%swap3A_615, %swap3A_616] {strides = array<i32>} : memref<24x834xf32, #tpu.memory_space<vmem>>, vector<16xf32>,
        tpu.vector_store %arg7[%swap3A_615, %swap3A_616], %gather3A_569 {strides = array<i32>} : memref<24x834xf32, #tpu.memory_space<vmem>>, vector<16xf32>,
        %broadcast_in_dim3A_618 = arith.constant 15 : i32
        %broadcast_in_dim3A_619 = vector.broadcast %broadcast_in_dim3A_618 : i32 to vector<16x1xi32>
        %gather3A_620 = vector.shape_cast %broadcast_in_dim3A_619 : vector<16x1xi32> to vector<16xi32>
        %gather3A_621 = tpu.dynamic_gather %mul3A_236[%gather3A_620] in [0] : vector<16xi32>, vector<16xi32> -> vector<16xi32>
        %add3A_622 = arith.addi %gather3A_621, %iota3A : vector<16xi32>
        %gather3A_623 = tpu.vector_load_idx %arg5[%add3A_622] : memref<8192xf32, #tpu.memory_space<vmem>>[vector<16xi32>], vector<16xf32>,
        %add3A_624 = arith.constant 16 : i32
        %add3A_625 = vector.broadcast %add3A_624 : i32 to vector<16xi32>
        %add3A_626 = arith.addi %add3A_622, %add3A_625 : vector<16xi32>
        %gather3A_627 = tpu.vector_load_idx %arg5[%add3A_626] : memref<8192xf32, #tpu.memory_space<vmem>>[vector<16xi32>], vector<16xf32>,
        %swap3A_628 = arith.index_cast %scan3A_219 : i32 to index
        %swap3A_629 = arith.constant 768 : index
        %swap3A_630 = tpu.vector_load %arg7[%swap3A_628, %swap3A_629] {strides = array<i32>} : memref<24x834xf32, #tpu.memory_space<vmem>>, vector<16xf32>,
        tpu.vector_store %arg7[%swap3A_628, %swap3A_629], %gather3A_623 {strides = array<i32>} : memref<24x834xf32, #tpu.memory_space<vmem>>, vector<16xf32>,
        %swap3A_631 = arith.index_cast %scan3A_219 : i32 to index
        %swap3A_632 = arith.constant 784 : index
        %swap3A_633 = tpu.vector_load %arg7[%swap3A_631, %swap3A_632] {strides = array<i32>} : memref<24x834xf32, #tpu.memory_space<vmem>>, vector<16xf32>,
        tpu.vector_store %arg7[%swap3A_631, %swap3A_632], %gather3A_627 {strides = array<i32>} : memref<24x834xf32, #tpu.memory_space<vmem>>, vector<16xf32>,
        %add3A_634 = arith.constant 50 : i32
        %add3A_635 = arith.addi %add3A_634, %scan3A_219 : i32
        %get3A_636 = arith.index_cast %add3A_635 : i32 to index
        %get3A_637 = arith.constant 25 : index
        %get3A_638 = tpu.vector_load %arg6[%get3A_636, %get3A_637] {strides = array<i32>} : memref<200x64xf32, #tpu.memory_space<vmem>>, vector<16xf32>,
        %swap3A_639 = arith.index_cast %scan3A_219 : i32 to index
        %swap3A_640 = arith.constant 800 : index
        %swap3A_641 = tpu.vector_load %arg7[%swap3A_639, %swap3A_640] {strides = array<i32>} : memref<24x834xf32, #tpu.memory_space<vmem>>, vector<16xf32>,
        tpu.vector_store %arg7[%swap3A_639, %swap3A_640], %get3A_638 {strides = array<i32>} : memref<24x834xf32, #tpu.memory_space<vmem>>, vector<16xf32>,
        %add3A_642 = arith.constant 50 : i32
        %add3A_643 = arith.addi %add3A_642, %scan3A_219 : i32
        %get3A_644 = arith.index_cast %add3A_643 : i32 to index
        %get3A_645 = arith.constant 41 : index
        %get3A_646 = tpu.vector_load %arg6[%get3A_644, %get3A_645] {strides = array<i32>} : memref<200x64xf32, #tpu.memory_space<vmem>>, vector<16xf32>,
        %swap3A_647 = arith.index_cast %scan3A_219 : i32 to index
        %swap3A_648 = arith.constant 816 : index
        %swap3A_649 = tpu.vector_load %arg7[%swap3A_647, %swap3A_648] {strides = array<i32>} : memref<24x834xf32, #tpu.memory_space<vmem>>, vector<16xf32>,
        tpu.vector_store %arg7[%swap3A_647, %swap3A_648], %get3A_646 {strides = array<i32>} : memref<24x834xf32, #tpu.memory_space<vmem>>, vector<16xf32>,
        %add3A_650 = arith.constant 50 : i32
        %add3A_651 = arith.addi %add3A_650, %scan3A_219 : i32
        %get3A_652 = arith.index_cast %add3A_651 : i32 to index
        %get3A_653 = arith.constant 43 : index
        %get3A_654 = tpu.vector_load %arg6[%get3A_652, %get3A_653] {strides = array<i32>} : memref<200x64xf32, #tpu.memory_space<vmem>>, vector<16xf32>,
        %swap3A_655 = arith.index_cast %scan3A_219 : i32 to index
        %swap3A_656 = arith.constant 818 : index
        %swap3A_657 = tpu.vector_load %arg7[%swap3A_655, %swap3A_656] {strides = array<i32>} : memref<24x834xf32, #tpu.memory_space<vmem>>, vector<16xf32>,
        tpu.vector_store %arg7[%swap3A_655, %swap3A_656], %get3A_654 {strides = array<i32>} : memref<24x834xf32, #tpu.memory_space<vmem>>, vector<16xf32>,
      }
      %scan3A_90 = arith.constant 24 : i32
      %dma_start3A_91 = arith.constant 0 : i32
      %dma_start3A_92 = arith.constant 0 : i32
      %dma_start3A_93 = tpu.memref_slice %arg4[%add3A_76, %dma_start3A_91, %dma_start3A_92] : memref<1024x50x834xf32, #tpu.memory_space<hbm>> -> memref<1x24x834xf32, #tpu.memory_space<hbm>>
      %dma_start3A_94 = tpu.memref_squeeze %dma_start3A_93 : memref<1x24x834xf32, #tpu.memory_space<hbm>> -> memref<24x834xf32, #tpu.memory_space<hbm>>
      %dma_start3A_95 = arith.constant 0 : i32
      %dma_start3A_96 = arith.constant 0 : i32
      %dma_start3A_97 = tpu.memref_slice %arg4[%add3A_76, %dma_start3A_95, %dma_start3A_96] : memref<1024x50x834xf32, #tpu.memory_space<hbm>> -> memref<1x24x834xf32, #tpu.memory_space<hbm>>
      %dma_start3A_98 = tpu.memref_squeeze %dma_start3A_97 : memref<1x24x834xf32, #tpu.memory_space<hbm>> -> memref<24x834xf32, #tpu.memory_space<hbm>>
      tpu.enqueue_dma source(%arg7 : memref<24x834xf32, #tpu.memory_space<vmem>>) target(%dma_start3A_98 : memref<24x834xf32, #tpu.memory_space<hbm>>) target_semaphore(%arg9 : memref<!tpu.dma_semaphore, #tpu.memory_space<semaphore_mem>>)
      %dma_wait3A_99 = arith.constant 24 : i32
      %dma_wait3A_100 = arith.constant 0 : i32
      %dma_wait3A_101 = tpu.memref_slice %arg4[%add3A_76, %dma_wait3A_99, %dma_wait3A_100] : memref<1024x50x834xf32, #tpu.memory_space<hbm>> -> memref<1x26x834xf32, #tpu.memory_space<hbm>>
      %dma_wait3A_102 = tpu.memref_squeeze %dma_wait3A_101 : memref<1x26x834xf32, #tpu.memory_space<hbm>> -> memref<26x834xf32, #tpu.memory_space<hbm>>
      %dma_wait3A_103 = arith.constant 24 : i32
      %dma_wait3A_104 = arith.constant 0 : i32
      %dma_wait3A_105 = tpu.memref_slice %arg4[%add3A_76, %dma_wait3A_103, %dma_wait3A_104] : memref<1024x50x834xf32, #tpu.memory_space<hbm>> -> memref<1x26x834xf32, #tpu.memory_space<hbm>>
      %dma_wait3A_106 = tpu.memref_squeeze %dma_wait3A_105 : memref<1x26x834xf32, #tpu.memory_space<hbm>> -> memref<26x834xf32, #tpu.memory_space<hbm>>
      tpu.wait_dma2 semaphore(%arg10 : memref<!tpu.dma_semaphore, #tpu.memory_space<semaphore_mem>>) src(%arg8 : memref<26x834xf32, #tpu.memory_space<vmem>>) dst(%dma_wait3A_106 : memref<26x834xf32, #tpu.memory_space<hbm>>)
      %scan3A_107 = arith.constant 0 : i32
      %scan3A_108 = arith.constant 0 : i32
      %scan3A_109 = arith.constant 26 : i32
      %scan3A_110 = arith.addi %scan3A_108, %scan3A_109 : i32
      %scan3A_111 = arith.constant 1 : i32
      scf.for %scan3A_219 = %scan3A_108 to %scan3A_110 step %scan3A_111  : i32 {
        %add3A_220 = arith.constant 74 : i32
        %add3A_221 = arith.addi %add3A_220, %scan3A_219 : i32
        %get3A = arith.index_cast %add3A_221 : i32 to index
        %get3A_222 = arith.constant 0 : index
        %get3A_223 = tpu.vector_load %arg6[%get3A, %get3A_222] {strides = array<i32>} : memref<200x64xf32, #tpu.memory_space<vmem>>, vector<16xf32>,
        %convert_element_type3A_224 = arith.fptosi %get3A_223 : vector<16xf32> to vector<16xi32>
        %mul3A_225 = arith.constant 32 : i32
        %mul3A_226 = vector.broadcast %mul3A_225 : i32 to vector<16xi32>
        %mul3A_227 = arith.muli %convert_element_type3A_224, %mul3A_226 : vector<16xi32>
        %add3A_228 = arith.constant 74 : i32
        %add3A_229 = arith.addi %add3A_228, %scan3A_219 : i32
        %get3A_230 = arith.index_cast %add3A_229 : i32 to index
        %get3A_231 = arith.constant 9 : index
        %get3A_232 = tpu.vector_load %arg6[%get3A_230, %get3A_231] {strides = array<i32>} : memref<200x64xf32, #tpu.memory_space<vmem>>, vector<16xf32>,
        %convert_element_type3A_233 = arith.fptosi %get3A_232 : vector<16xf32> to vector<16xi32>
        %mul3A_234 = arith.constant 32 : i32
        %mul3A_235 = vector.broadcast %mul3A_234 : i32 to vector<16xi32>
        %mul3A_236 = arith.muli %convert_element_type3A_233, %mul3A_235 : vector<16xi32>
        %broadcast_in_dim3A = arith.constant 0 : i32
        %broadcast_in_dim3A_237 = vector.broadcast %broadcast_in_dim3A : i32 to vector<16x1xi32>
        %gather3A = vector.shape_cast %broadcast_in_dim3A_237 : vector<16x1xi32> to vector<16xi32>
        %gather3A_238 = tpu.dynamic_gather %mul3A_227[%gather3A] in [0] : vector<16xi32>, vector<16xi32> -> vector<16xi32>
        %add3A_239 = arith.addi %gather3A_238, %iota3A : vector<16xi32>
        %gather3A_240 = tpu.vector_load_idx %arg5[%add3A_239] : memref<8192xf32, #tpu.memory_space<vmem>>[vector<16xi32>], vector<16xf32>,
        %add3A_241 = arith.constant 16 : i32
        %add3A_242 = vector.broadcast %add3A_241 : i32 to vector<16xi32>
        %add3A_243 = arith.addi %add3A_239, %add3A_242 : vector<16xi32>
        %gather3A_244 = tpu.vector_load_idx %arg5[%add3A_243] : memref<8192xf32, #tpu.memory_space<vmem>>[vector<16xi32>], vector<16xf32>,
        %broadcast_in_dim3A_245 = arith.constant 1 : i32
        %broadcast_in_dim3A_246 = vector.broadcast %broadcast_in_dim3A_245 : i32 to vector<16x1xi32>
        %gather3A_247 = vector.shape_cast %broadcast_in_dim3A_246 : vector<16x1xi32> to vector<16xi32>
        %gather3A_248 = tpu.dynamic_gather %mul3A_227[%gather3A_247] in [0] : vector<16xi32>, vector<16xi32> -> vector<16xi32>
        %add3A_249 = arith.addi %gather3A_248, %iota3A : vector<16xi32>
        %gather3A_250 = tpu.vector_load_idx %arg5[%add3A_249] : memref<8192xf32, #tpu.memory_space<vmem>>[vector<16xi32>], vector<16xf32>,
        %add3A_251 = arith.constant 16 : i32
        %add3A_252 = vector.broadcast %add3A_251 : i32 to vector<16xi32>
        %add3A_253 = arith.addi %add3A_249, %add3A_252 : vector<16xi32>
        %gather3A_254 = tpu.vector_load_idx %arg5[%add3A_253] : memref<8192xf32, #tpu.memory_space<vmem>>[vector<16xi32>], vector<16xf32>,
        %broadcast_in_dim3A_255 = arith.constant 2 : i32
        %broadcast_in_dim3A_256 = vector.broadcast %broadcast_in_dim3A_255 : i32 to vector<16x1xi32>
        %gather3A_257 = vector.shape_cast %broadcast_in_dim3A_256 : vector<16x1xi32> to vector<16xi32>
        %gather3A_258 = tpu.dynamic_gather %mul3A_227[%gather3A_257] in [0] : vector<16xi32>, vector<16xi32> -> vector<16xi32>
        %add3A_259 = arith.addi %gather3A_258, %iota3A : vector<16xi32>
        %gather3A_260 = tpu.vector_load_idx %arg5[%add3A_259] : memref<8192xf32, #tpu.memory_space<vmem>>[vector<16xi32>], vector<16xf32>,
        %add3A_261 = arith.constant 16 : i32
        %add3A_262 = vector.broadcast %add3A_261 : i32 to vector<16xi32>
        %add3A_263 = arith.addi %add3A_259, %add3A_262 : vector<16xi32>
        %gather3A_264 = tpu.vector_load_idx %arg5[%add3A_263] : memref<8192xf32, #tpu.memory_space<vmem>>[vector<16xi32>], vector<16xf32>,
        %broadcast_in_dim3A_265 = arith.constant 3 : i32
        %broadcast_in_dim3A_266 = vector.broadcast %broadcast_in_dim3A_265 : i32 to vector<16x1xi32>
        %gather3A_267 = vector.shape_cast %broadcast_in_dim3A_266 : vector<16x1xi32> to vector<16xi32>
        %gather3A_268 = tpu.dynamic_gather %mul3A_227[%gather3A_267] in [0] : vector<16xi32>, vector<16xi32> -> vector<16xi32>
        %add3A_269 = arith.addi %gather3A_268, %iota3A : vector<16xi32>
        %gather3A_270 = tpu.vector_load_idx %arg5[%add3A_269] : memref<8192xf32, #tpu.memory_space<vmem>>[vector<16xi32>], vector<16xf32>,
        %add3A_271 = arith.constant 16 : i32
        %add3A_272 = vector.broadcast %add3A_271 : i32 to vector<16xi32>
        %add3A_273 = arith.addi %add3A_269, %add3A_272 : vector<16xi32>
        %gather3A_274 = tpu.vector_load_idx %arg5[%add3A_273] : memref<8192xf32, #tpu.memory_space<vmem>>[vector<16xi32>], vector<16xf32>,
        %broadcast_in_dim3A_275 = arith.constant 4 : i32
        %broadcast_in_dim3A_276 = vector.broadcast %broadcast_in_dim3A_275 : i32 to vector<16x1xi32>
        %gather3A_277 = vector.shape_cast %broadcast_in_dim3A_276 : vector<16x1xi32> to vector<16xi32>
        %gather3A_278 = tpu.dynamic_gather %mul3A_227[%gather3A_277] in [0] : vector<16xi32>, vector<16xi32> -> vector<16xi32>
        %add3A_279 = arith.addi %gather3A_278, %iota3A : vector<16xi32>
        %gather3A_280 = tpu.vector_load_idx %arg5[%add3A_279] : memref<8192xf32, #tpu.memory_space<vmem>>[vector<16xi32>], vector<16xf32>,
        %add3A_281 = arith.constant 16 : i32
        %add3A_282 = vector.broadcast %add3A_281 : i32 to vector<16xi32>
        %add3A_283 = arith.addi %add3A_279, %add3A_282 : vector<16xi32>
        %gather3A_284 = tpu.vector_load_idx %arg5[%add3A_283] : memref<8192xf32, #tpu.memory_space<vmem>>[vector<16xi32>], vector<16xf32>,
        %broadcast_in_dim3A_285 = arith.constant 5 : i32
        %broadcast_in_dim3A_286 = vector.broadcast %broadcast_in_dim3A_285 : i32 to vector<16x1xi32>
        %gather3A_287 = vector.shape_cast %broadcast_in_dim3A_286 : vector<16x1xi32> to vector<16xi32>
        %gather3A_288 = tpu.dynamic_gather %mul3A_227[%gather3A_287] in [0] : vector<16xi32>, vector<16xi32> -> vector<16xi32>
        %add3A_289 = arith.addi %gather3A_288, %iota3A : vector<16xi32>
        %gather3A_290 = tpu.vector_load_idx %arg5[%add3A_289] : memref<8192xf32, #tpu.memory_space<vmem>>[vector<16xi32>], vector<16xf32>,
        %add3A_291 = arith.constant 16 : i32
        %add3A_292 = vector.broadcast %add3A_291 : i32 to vector<16xi32>
        %add3A_293 = arith.addi %add3A_289, %add3A_292 : vector<16xi32>
        %gather3A_294 = tpu.vector_load_idx %arg5[%add3A_293] : memref<8192xf32, #tpu.memory_space<vmem>>[vector<16xi32>], vector<16xf32>,
        %broadcast_in_dim3A_295 = arith.constant 6 : i32
        %broadcast_in_dim3A_296 = vector.broadcast %broadcast_in_dim3A_295 : i32 to vector<16x1xi32>
        %gather3A_297 = vector.shape_cast %broadcast_in_dim3A_296 : vector<16x1xi32> to vector<16xi32>
        %gather3A_298 = tpu.dynamic_gather %mul3A_227[%gather3A_297] in [0] : vector<16xi32>, vector<16xi32> -> vector<16xi32>
        %add3A_299 = arith.addi %gather3A_298, %iota3A : vector<16xi32>
        %gather3A_300 = tpu.vector_load_idx %arg5[%add3A_299] : memref<8192xf32, #tpu.memory_space<vmem>>[vector<16xi32>], vector<16xf32>,
        %add3A_301 = arith.constant 16 : i32
        %add3A_302 = vector.broadcast %add3A_301 : i32 to vector<16xi32>
        %add3A_303 = arith.addi %add3A_299, %add3A_302 : vector<16xi32>
        %gather3A_304 = tpu.vector_load_idx %arg5[%add3A_303] : memref<8192xf32, #tpu.memory_space<vmem>>[vector<16xi32>], vector<16xf32>,
        %broadcast_in_dim3A_305 = arith.constant 7 : i32
        %broadcast_in_dim3A_306 = vector.broadcast %broadcast_in_dim3A_305 : i32 to vector<16x1xi32>
        %gather3A_307 = vector.shape_cast %broadcast_in_dim3A_306 : vector<16x1xi32> to vector<16xi32>
        %gather3A_308 = tpu.dynamic_gather %mul3A_227[%gather3A_307] in [0] : vector<16xi32>, vector<16xi32> -> vector<16xi32>
        %add3A_309 = arith.addi %gather3A_308, %iota3A : vector<16xi32>
        %gather3A_310 = tpu.vector_load_idx %arg5[%add3A_309] : memref<8192xf32, #tpu.memory_space<vmem>>[vector<16xi32>], vector<16xf32>,
        %add3A_311 = arith.constant 16 : i32
        %add3A_312 = vector.broadcast %add3A_311 : i32 to vector<16xi32>
        %add3A_313 = arith.addi %add3A_309, %add3A_312 : vector<16xi32>
        %gather3A_314 = tpu.vector_load_idx %arg5[%add3A_313] : memref<8192xf32, #tpu.memory_space<vmem>>[vector<16xi32>], vector<16xf32>,
        %swap3A = arith.index_cast %scan3A_219 : i32 to index
        %swap3A_315 = arith.constant 0 : index
        %swap3A_316 = tpu.vector_load %arg8[%swap3A, %swap3A_315] {strides = array<i32>} : memref<26x834xf32, #tpu.memory_space<vmem>>, vector<16xf32>,
        tpu.vector_store %arg8[%swap3A, %swap3A_315], %gather3A_240 {strides = array<i32>} : memref<26x834xf32, #tpu.memory_space<vmem>>, vector<16xf32>,
        %swap3A_317 = arith.index_cast %scan3A_219 : i32 to index
        %swap3A_318 = arith.constant 16 : index
        %swap3A_319 = tpu.vector_load %arg8[%swap3A_317, %swap3A_318] {strides = array<i32>} : memref<26x834xf32, #tpu.memory_space<vmem>>, vector<16xf32>,
        tpu.vector_store %arg8[%swap3A_317, %swap3A_318], %gather3A_244 {strides = array<i32>} : memref<26x834xf32, #tpu.memory_space<vmem>>, vector<16xf32>,
        %swap3A_320 = arith.index_cast %scan3A_219 : i32 to index
        %swap3A_321 = arith.constant 32 : index
        %swap3A_322 = tpu.vector_load %arg8[%swap3A_320, %swap3A_321] {strides = array<i32>} : memref<26x834xf32, #tpu.memory_space<vmem>>, vector<16xf32>,
        tpu.vector_store %arg8[%swap3A_320, %swap3A_321], %gather3A_250 {strides = array<i32>} : memref<26x834xf32, #tpu.memory_space<vmem>>, vector<16xf32>,
        %swap3A_323 = arith.index_cast %scan3A_219 : i32 to index
        %swap3A_324 = arith.constant 48 : index
        %swap3A_325 = tpu.vector_load %arg8[%swap3A_323, %swap3A_324] {strides = array<i32>} : memref<26x834xf32, #tpu.memory_space<vmem>>, vector<16xf32>,
        tpu.vector_store %arg8[%swap3A_323, %swap3A_324], %gather3A_254 {strides = array<i32>} : memref<26x834xf32, #tpu.memory_space<vmem>>, vector<16xf32>,
        %swap3A_326 = arith.index_cast %scan3A_219 : i32 to index
        %swap3A_327 = arith.constant 64 : index
        %swap3A_328 = tpu.vector_load %arg8[%swap3A_326, %swap3A_327] {strides = array<i32>} : memref<26x834xf32, #tpu.memory_space<vmem>>, vector<16xf32>,
        tpu.vector_store %arg8[%swap3A_326, %swap3A_327], %gather3A_260 {strides = array<i32>} : memref<26x834xf32, #tpu.memory_space<vmem>>, vector<16xf32>,
        %swap3A_329 = arith.index_cast %scan3A_219 : i32 to index
        %swap3A_330 = arith.constant 80 : index
        %swap3A_331 = tpu.vector_load %arg8[%swap3A_329, %swap3A_330] {strides = array<i32>} : memref<26x834xf32, #tpu.memory_space<vmem>>, vector<16xf32>,
        tpu.vector_store %arg8[%swap3A_329, %swap3A_330], %gather3A_264 {strides = array<i32>} : memref<26x834xf32, #tpu.memory_space<vmem>>, vector<16xf32>,
        %swap3A_332 = arith.index_cast %scan3A_219 : i32 to index
        %swap3A_333 = arith.constant 96 : index
        %swap3A_334 = tpu.vector_load %arg8[%swap3A_332, %swap3A_333] {strides = array<i32>} : memref<26x834xf32, #tpu.memory_space<vmem>>, vector<16xf32>,
        tpu.vector_store %arg8[%swap3A_332, %swap3A_333], %gather3A_270 {strides = array<i32>} : memref<26x834xf32, #tpu.memory_space<vmem>>, vector<16xf32>,
        %swap3A_335 = arith.index_cast %scan3A_219 : i32 to index
        %swap3A_336 = arith.constant 112 : index
        %swap3A_337 = tpu.vector_load %arg8[%swap3A_335, %swap3A_336] {strides = array<i32>} : memref<26x834xf32, #tpu.memory_space<vmem>>, vector<16xf32>,
        tpu.vector_store %arg8[%swap3A_335, %swap3A_336], %gather3A_274 {strides = array<i32>} : memref<26x834xf32, #tpu.memory_space<vmem>>, vector<16xf32>,
        %swap3A_338 = arith.index_cast %scan3A_219 : i32 to index
        %swap3A_339 = arith.constant 128 : index
        %swap3A_340 = tpu.vector_load %arg8[%swap3A_338, %swap3A_339] {strides = array<i32>} : memref<26x834xf32, #tpu.memory_space<vmem>>, vector<16xf32>,
        tpu.vector_store %arg8[%swap3A_338, %swap3A_339], %gather3A_280 {strides = array<i32>} : memref<26x834xf32, #tpu.memory_space<vmem>>, vector<16xf32>,
        %swap3A_341 = arith.index_cast %scan3A_219 : i32 to index
        %swap3A_342 = arith.constant 144 : index
        %swap3A_343 = tpu.vector_load %arg8[%swap3A_341, %swap3A_342] {strides = array<i32>} : memref<26x834xf32, #tpu.memory_space<vmem>>, vector<16xf32>,
        tpu.vector_store %arg8[%swap3A_341, %swap3A_342], %gather3A_284 {strides = array<i32>} : memref<26x834xf32, #tpu.memory_space<vmem>>, vector<16xf32>,
        %swap3A_344 = arith.index_cast %scan3A_219 : i32 to index
        %swap3A_345 = arith.constant 160 : index
        %swap3A_346 = tpu.vector_load %arg8[%swap3A_344, %swap3A_345] {strides = array<i32>} : memref<26x834xf32, #tpu.memory_space<vmem>>, vector<16xf32>,
        tpu.vector_store %arg8[%swap3A_344, %swap3A_345], %gather3A_290 {strides = array<i32>} : memref<26x834xf32, #tpu.memory_space<vmem>>, vector<16xf32>,
        %swap3A_347 = arith.index_cast %scan3A_219 : i32 to index
        %swap3A_348 = arith.constant 176 : index
        %swap3A_349 = tpu.vector_load %arg8[%swap3A_347, %swap3A_348] {strides = array<i32>} : memref<26x834xf32, #tpu.memory_space<vmem>>, vector<16xf32>,
        tpu.vector_store %arg8[%swap3A_347, %swap3A_348], %gather3A_294 {strides = array<i32>} : memref<26x834xf32, #tpu.memory_space<vmem>>, vector<16xf32>,
        %swap3A_350 = arith.index_cast %scan3A_219 : i32 to index
        %swap3A_351 = arith.constant 192 : index
        %swap3A_352 = tpu.vector_load %arg8[%swap3A_350, %swap3A_351] {strides = array<i32>} : memref<26x834xf32, #tpu.memory_space<vmem>>, vector<16xf32>,
        tpu.vector_store %arg8[%swap3A_350, %swap3A_351], %gather3A_300 {strides = array<i32>} : memref<26x834xf32, #tpu.memory_space<vmem>>, vector<16xf32>,
        %swap3A_353 = arith.index_cast %scan3A_219 : i32 to index
        %swap3A_354 = arith.constant 208 : index
        %swap3A_355 = tpu.vector_load %arg8[%swap3A_353, %swap3A_354] {strides = array<i32>} : memref<26x834xf32, #tpu.memory_space<vmem>>, vector<16xf32>,
        tpu.vector_store %arg8[%swap3A_353, %swap3A_354], %gather3A_304 {strides = array<i32>} : memref<26x834xf32, #tpu.memory_space<vmem>>, vector<16xf32>,
        %swap3A_356 = arith.index_cast %scan3A_219 : i32 to index
        %swap3A_357 = arith.constant 224 : index
        %swap3A_358 = tpu.vector_load %arg8[%swap3A_356, %swap3A_357] {strides = array<i32>} : memref<26x834xf32, #tpu.memory_space<vmem>>, vector<16xf32>,
        tpu.vector_store %arg8[%swap3A_356, %swap3A_357], %gather3A_310 {strides = array<i32>} : memref<26x834xf32, #tpu.memory_space<vmem>>, vector<16xf32>,
        %swap3A_359 = arith.index_cast %scan3A_219 : i32 to index
        %swap3A_360 = arith.constant 240 : index
        %swap3A_361 = tpu.vector_load %arg8[%swap3A_359, %swap3A_360] {strides = array<i32>} : memref<26x834xf32, #tpu.memory_space<vmem>>, vector<16xf32>,
        tpu.vector_store %arg8[%swap3A_359, %swap3A_360], %gather3A_314 {strides = array<i32>} : memref<26x834xf32, #tpu.memory_space<vmem>>, vector<16xf32>,
        %broadcast_in_dim3A_362 = arith.constant 8 : i32
        %broadcast_in_dim3A_363 = vector.broadcast %broadcast_in_dim3A_362 : i32 to vector<16x1xi32>
        %gather3A_364 = vector.shape_cast %broadcast_in_dim3A_363 : vector<16x1xi32> to vector<16xi32>
        %gather3A_365 = tpu.dynamic_gather %mul3A_227[%gather3A_364] in [0] : vector<16xi32>, vector<16xi32> -> vector<16xi32>
        %add3A_366 = arith.addi %gather3A_365, %iota3A : vector<16xi32>
        %gather3A_367 = tpu.vector_load_idx %arg5[%add3A_366] : memref<8192xf32, #tpu.memory_space<vmem>>[vector<16xi32>], vector<16xf32>,
        %add3A_368 = arith.constant 16 : i32
        %add3A_369 = vector.broadcast %add3A_368 : i32 to vector<16xi32>
        %add3A_370 = arith.addi %add3A_366, %add3A_369 : vector<16xi32>
        %gather3A_371 = tpu.vector_load_idx %arg5[%add3A_370] : memref<8192xf32, #tpu.memory_space<vmem>>[vector<16xi32>], vector<16xf32>,
        %broadcast_in_dim3A_372 = arith.constant 9 : i32
        %broadcast_in_dim3A_373 = vector.broadcast %broadcast_in_dim3A_372 : i32 to vector<16x1xi32>
        %gather3A_374 = vector.shape_cast %broadcast_in_dim3A_373 : vector<16x1xi32> to vector<16xi32>
        %gather3A_375 = tpu.dynamic_gather %mul3A_227[%gather3A_374] in [0] : vector<16xi32>, vector<16xi32> -> vector<16xi32>
        %add3A_376 = arith.addi %gather3A_375, %iota3A : vector<16xi32>
        %gather3A_377 = tpu.vector_load_idx %arg5[%add3A_376] : memref<8192xf32, #tpu.memory_space<vmem>>[vector<16xi32>], vector<16xf32>,
        %add3A_378 = arith.constant 16 : i32
        %add3A_379 = vector.broadcast %add3A_378 : i32 to vector<16xi32>
        %add3A_380 = arith.addi %add3A_376, %add3A_379 : vector<16xi32>
        %gather3A_381 = tpu.vector_load_idx %arg5[%add3A_380] : memref<8192xf32, #tpu.memory_space<vmem>>[vector<16xi32>], vector<16xf32>,
        %broadcast_in_dim3A_382 = arith.constant 10 : i32
        %broadcast_in_dim3A_383 = vector.broadcast %broadcast_in_dim3A_382 : i32 to vector<16x1xi32>
        %gather3A_384 = vector.shape_cast %broadcast_in_dim3A_383 : vector<16x1xi32> to vector<16xi32>
        %gather3A_385 = tpu.dynamic_gather %mul3A_227[%gather3A_384] in [0] : vector<16xi32>, vector<16xi32> -> vector<16xi32>
        %add3A_386 = arith.addi %gather3A_385, %iota3A : vector<16xi32>
        %gather3A_387 = tpu.vector_load_idx %arg5[%add3A_386] : memref<8192xf32, #tpu.memory_space<vmem>>[vector<16xi32>], vector<16xf32>,
        %add3A_388 = arith.constant 16 : i32
        %add3A_389 = vector.broadcast %add3A_388 : i32 to vector<16xi32>
        %add3A_390 = arith.addi %add3A_386, %add3A_389 : vector<16xi32>
        %gather3A_391 = tpu.vector_load_idx %arg5[%add3A_390] : memref<8192xf32, #tpu.memory_space<vmem>>[vector<16xi32>], vector<16xf32>,
        %broadcast_in_dim3A_392 = arith.constant 11 : i32
        %broadcast_in_dim3A_393 = vector.broadcast %broadcast_in_dim3A_392 : i32 to vector<16x1xi32>
        %gather3A_394 = vector.shape_cast %broadcast_in_dim3A_393 : vector<16x1xi32> to vector<16xi32>
        %gather3A_395 = tpu.dynamic_gather %mul3A_227[%gather3A_394] in [0] : vector<16xi32>, vector<16xi32> -> vector<16xi32>
        %add3A_396 = arith.addi %gather3A_395, %iota3A : vector<16xi32>
        %gather3A_397 = tpu.vector_load_idx %arg5[%add3A_396] : memref<8192xf32, #tpu.memory_space<vmem>>[vector<16xi32>], vector<16xf32>,
        %add3A_398 = arith.constant 16 : i32
        %add3A_399 = vector.broadcast %add3A_398 : i32 to vector<16xi32>
        %add3A_400 = arith.addi %add3A_396, %add3A_399 : vector<16xi32>
        %gather3A_401 = tpu.vector_load_idx %arg5[%add3A_400] : memref<8192xf32, #tpu.memory_space<vmem>>[vector<16xi32>], vector<16xf32>,
        %broadcast_in_dim3A_402 = arith.constant 12 : i32
        %broadcast_in_dim3A_403 = vector.broadcast %broadcast_in_dim3A_402 : i32 to vector<16x1xi32>
        %gather3A_404 = vector.shape_cast %broadcast_in_dim3A_403 : vector<16x1xi32> to vector<16xi32>
        %gather3A_405 = tpu.dynamic_gather %mul3A_227[%gather3A_404] in [0] : vector<16xi32>, vector<16xi32> -> vector<16xi32>
        %add3A_406 = arith.addi %gather3A_405, %iota3A : vector<16xi32>
        %gather3A_407 = tpu.vector_load_idx %arg5[%add3A_406] : memref<8192xf32, #tpu.memory_space<vmem>>[vector<16xi32>], vector<16xf32>,
        %add3A_408 = arith.constant 16 : i32
        %add3A_409 = vector.broadcast %add3A_408 : i32 to vector<16xi32>
        %add3A_410 = arith.addi %add3A_406, %add3A_409 : vector<16xi32>
        %gather3A_411 = tpu.vector_load_idx %arg5[%add3A_410] : memref<8192xf32, #tpu.memory_space<vmem>>[vector<16xi32>], vector<16xf32>,
        %broadcast_in_dim3A_412 = arith.constant 13 : i32
        %broadcast_in_dim3A_413 = vector.broadcast %broadcast_in_dim3A_412 : i32 to vector<16x1xi32>
        %gather3A_414 = vector.shape_cast %broadcast_in_dim3A_413 : vector<16x1xi32> to vector<16xi32>
        %gather3A_415 = tpu.dynamic_gather %mul3A_227[%gather3A_414] in [0] : vector<16xi32>, vector<16xi32> -> vector<16xi32>
        %add3A_416 = arith.addi %gather3A_415, %iota3A : vector<16xi32>
        %gather3A_417 = tpu.vector_load_idx %arg5[%add3A_416] : memref<8192xf32, #tpu.memory_space<vmem>>[vector<16xi32>], vector<16xf32>,
        %add3A_418 = arith.constant 16 : i32
        %add3A_419 = vector.broadcast %add3A_418 : i32 to vector<16xi32>
        %add3A_420 = arith.addi %add3A_416, %add3A_419 : vector<16xi32>
        %gather3A_421 = tpu.vector_load_idx %arg5[%add3A_420] : memref<8192xf32, #tpu.memory_space<vmem>>[vector<16xi32>], vector<16xf32>,
        %broadcast_in_dim3A_422 = arith.constant 14 : i32
        %broadcast_in_dim3A_423 = vector.broadcast %broadcast_in_dim3A_422 : i32 to vector<16x1xi32>
        %gather3A_424 = vector.shape_cast %broadcast_in_dim3A_423 : vector<16x1xi32> to vector<16xi32>
        %gather3A_425 = tpu.dynamic_gather %mul3A_227[%gather3A_424] in [0] : vector<16xi32>, vector<16xi32> -> vector<16xi32>
        %add3A_426 = arith.addi %gather3A_425, %iota3A : vector<16xi32>
        %gather3A_427 = tpu.vector_load_idx %arg5[%add3A_426] : memref<8192xf32, #tpu.memory_space<vmem>>[vector<16xi32>], vector<16xf32>,
        %add3A_428 = arith.constant 16 : i32
        %add3A_429 = vector.broadcast %add3A_428 : i32 to vector<16xi32>
        %add3A_430 = arith.addi %add3A_426, %add3A_429 : vector<16xi32>
        %gather3A_431 = tpu.vector_load_idx %arg5[%add3A_430] : memref<8192xf32, #tpu.memory_space<vmem>>[vector<16xi32>], vector<16xf32>,
        %broadcast_in_dim3A_432 = arith.constant 15 : i32
        %broadcast_in_dim3A_433 = vector.broadcast %broadcast_in_dim3A_432 : i32 to vector<16x1xi32>
        %gather3A_434 = vector.shape_cast %broadcast_in_dim3A_433 : vector<16x1xi32> to vector<16xi32>
        %gather3A_435 = tpu.dynamic_gather %mul3A_227[%gather3A_434] in [0] : vector<16xi32>, vector<16xi32> -> vector<16xi32>
        %add3A_436 = arith.addi %gather3A_435, %iota3A : vector<16xi32>
        %gather3A_437 = tpu.vector_load_idx %arg5[%add3A_436] : memref<8192xf32, #tpu.memory_space<vmem>>[vector<16xi32>], vector<16xf32>,
        %add3A_438 = arith.constant 16 : i32
        %add3A_439 = vector.broadcast %add3A_438 : i32 to vector<16xi32>
        %add3A_440 = arith.addi %add3A_436, %add3A_439 : vector<16xi32>
        %gather3A_441 = tpu.vector_load_idx %arg5[%add3A_440] : memref<8192xf32, #tpu.memory_space<vmem>>[vector<16xi32>], vector<16xf32>,
        %swap3A_442 = arith.index_cast %scan3A_219 : i32 to index
        %swap3A_443 = arith.constant 256 : index
        %swap3A_444 = tpu.vector_load %arg8[%swap3A_442, %swap3A_443] {strides = array<i32>} : memref<26x834xf32, #tpu.memory_space<vmem>>, vector<16xf32>,
        tpu.vector_store %arg8[%swap3A_442, %swap3A_443], %gather3A_367 {strides = array<i32>} : memref<26x834xf32, #tpu.memory_space<vmem>>, vector<16xf32>,
        %swap3A_445 = arith.index_cast %scan3A_219 : i32 to index
        %swap3A_446 = arith.constant 272 : index
        %swap3A_447 = tpu.vector_load %arg8[%swap3A_445, %swap3A_446] {strides = array<i32>} : memref<26x834xf32, #tpu.memory_space<vmem>>, vector<16xf32>,
        tpu.vector_store %arg8[%swap3A_445, %swap3A_446], %gather3A_371 {strides = array<i32>} : memref<26x834xf32, #tpu.memory_space<vmem>>, vector<16xf32>,
        %swap3A_448 = arith.index_cast %scan3A_219 : i32 to index
        %swap3A_449 = arith.constant 288 : index
        %swap3A_450 = tpu.vector_load %arg8[%swap3A_448, %swap3A_449] {strides = array<i32>} : memref<26x834xf32, #tpu.memory_space<vmem>>, vector<16xf32>,
        tpu.vector_store %arg8[%swap3A_448, %swap3A_449], %gather3A_377 {strides = array<i32>} : memref<26x834xf32, #tpu.memory_space<vmem>>, vector<16xf32>,
        %swap3A_451 = arith.index_cast %scan3A_219 : i32 to index
        %swap3A_452 = arith.constant 304 : index
        %swap3A_453 = tpu.vector_load %arg8[%swap3A_451, %swap3A_452] {strides = array<i32>} : memref<26x834xf32, #tpu.memory_space<vmem>>, vector<16xf32>,
        tpu.vector_store %arg8[%swap3A_451, %swap3A_452], %gather3A_381 {strides = array<i32>} : memref<26x834xf32, #tpu.memory_space<vmem>>, vector<16xf32>,
        %swap3A_454 = arith.index_cast %scan3A_219 : i32 to index
        %swap3A_455 = arith.constant 320 : index
        %swap3A_456 = tpu.vector_load %arg8[%swap3A_454, %swap3A_455] {strides = array<i32>} : memref<26x834xf32, #tpu.memory_space<vmem>>, vector<16xf32>,
        tpu.vector_store %arg8[%swap3A_454, %swap3A_455], %gather3A_387 {strides = array<i32>} : memref<26x834xf32, #tpu.memory_space<vmem>>, vector<16xf32>,
        %swap3A_457 = arith.index_cast %scan3A_219 : i32 to index
        %swap3A_458 = arith.constant 336 : index
        %swap3A_459 = tpu.vector_load %arg8[%swap3A_457, %swap3A_458] {strides = array<i32>} : memref<26x834xf32, #tpu.memory_space<vmem>>, vector<16xf32>,
        tpu.vector_store %arg8[%swap3A_457, %swap3A_458], %gather3A_391 {strides = array<i32>} : memref<26x834xf32, #tpu.memory_space<vmem>>, vector<16xf32>,
        %swap3A_460 = arith.index_cast %scan3A_219 : i32 to index
        %swap3A_461 = arith.constant 352 : index
        %swap3A_462 = tpu.vector_load %arg8[%swap3A_460, %swap3A_461] {strides = array<i32>} : memref<26x834xf32, #tpu.memory_space<vmem>>, vector<16xf32>,
        tpu.vector_store %arg8[%swap3A_460, %swap3A_461], %gather3A_397 {strides = array<i32>} : memref<26x834xf32, #tpu.memory_space<vmem>>, vector<16xf32>,
        %swap3A_463 = arith.index_cast %scan3A_219 : i32 to index
        %swap3A_464 = arith.constant 368 : index
        %swap3A_465 = tpu.vector_load %arg8[%swap3A_463, %swap3A_464] {strides = array<i32>} : memref<26x834xf32, #tpu.memory_space<vmem>>, vector<16xf32>,
        tpu.vector_store %arg8[%swap3A_463, %swap3A_464], %gather3A_401 {strides = array<i32>} : memref<26x834xf32, #tpu.memory_space<vmem>>, vector<16xf32>,
        %swap3A_466 = arith.index_cast %scan3A_219 : i32 to index
        %swap3A_467 = arith.constant 384 : index
        %swap3A_468 = tpu.vector_load %arg8[%swap3A_466, %swap3A_467] {strides = array<i32>} : memref<26x834xf32, #tpu.memory_space<vmem>>, vector<16xf32>,
        tpu.vector_store %arg8[%swap3A_466, %swap3A_467], %gather3A_407 {strides = array<i32>} : memref<26x834xf32, #tpu.memory_space<vmem>>, vector<16xf32>,
        %swap3A_469 = arith.index_cast %scan3A_219 : i32 to index
        %swap3A_470 = arith.constant 400 : index
        %swap3A_471 = tpu.vector_load %arg8[%swap3A_469, %swap3A_470] {strides = array<i32>} : memref<26x834xf32, #tpu.memory_space<vmem>>, vector<16xf32>,
        tpu.vector_store %arg8[%swap3A_469, %swap3A_470], %gather3A_411 {strides = array<i32>} : memref<26x834xf32, #tpu.memory_space<vmem>>, vector<16xf32>,
        %swap3A_472 = arith.index_cast %scan3A_219 : i32 to index
        %swap3A_473 = arith.constant 416 : index
        %swap3A_474 = tpu.vector_load %arg8[%swap3A_472, %swap3A_473] {strides = array<i32>} : memref<26x834xf32, #tpu.memory_space<vmem>>, vector<16xf32>,
        tpu.vector_store %arg8[%swap3A_472, %swap3A_473], %gather3A_417 {strides = array<i32>} : memref<26x834xf32, #tpu.memory_space<vmem>>, vector<16xf32>,
        %swap3A_475 = arith.index_cast %scan3A_219 : i32 to index
        %swap3A_476 = arith.constant 432 : index
        %swap3A_477 = tpu.vector_load %arg8[%swap3A_475, %swap3A_476] {strides = array<i32>} : memref<26x834xf32, #tpu.memory_space<vmem>>, vector<16xf32>,
        tpu.vector_store %arg8[%swap3A_475, %swap3A_476], %gather3A_421 {strides = array<i32>} : memref<26x834xf32, #tpu.memory_space<vmem>>, vector<16xf32>,
        %swap3A_478 = arith.index_cast %scan3A_219 : i32 to index
        %swap3A_479 = arith.constant 448 : index
        %swap3A_480 = tpu.vector_load %arg8[%swap3A_478, %swap3A_479] {strides = array<i32>} : memref<26x834xf32, #tpu.memory_space<vmem>>, vector<16xf32>,
        tpu.vector_store %arg8[%swap3A_478, %swap3A_479], %gather3A_427 {strides = array<i32>} : memref<26x834xf32, #tpu.memory_space<vmem>>, vector<16xf32>,
        %swap3A_481 = arith.index_cast %scan3A_219 : i32 to index
        %swap3A_482 = arith.constant 464 : index
        %swap3A_483 = tpu.vector_load %arg8[%swap3A_481, %swap3A_482] {strides = array<i32>} : memref<26x834xf32, #tpu.memory_space<vmem>>, vector<16xf32>,
        tpu.vector_store %arg8[%swap3A_481, %swap3A_482], %gather3A_431 {strides = array<i32>} : memref<26x834xf32, #tpu.memory_space<vmem>>, vector<16xf32>,
        %swap3A_484 = arith.index_cast %scan3A_219 : i32 to index
        %swap3A_485 = arith.constant 480 : index
        %swap3A_486 = tpu.vector_load %arg8[%swap3A_484, %swap3A_485] {strides = array<i32>} : memref<26x834xf32, #tpu.memory_space<vmem>>, vector<16xf32>,
        tpu.vector_store %arg8[%swap3A_484, %swap3A_485], %gather3A_437 {strides = array<i32>} : memref<26x834xf32, #tpu.memory_space<vmem>>, vector<16xf32>,
        %swap3A_487 = arith.index_cast %scan3A_219 : i32 to index
        %swap3A_488 = arith.constant 496 : index
        %swap3A_489 = tpu.vector_load %arg8[%swap3A_487, %swap3A_488] {strides = array<i32>} : memref<26x834xf32, #tpu.memory_space<vmem>>, vector<16xf32>,
        tpu.vector_store %arg8[%swap3A_487, %swap3A_488], %gather3A_441 {strides = array<i32>} : memref<26x834xf32, #tpu.memory_space<vmem>>, vector<16xf32>,
        %broadcast_in_dim3A_490 = arith.constant 7 : i32
        %broadcast_in_dim3A_491 = vector.broadcast %broadcast_in_dim3A_490 : i32 to vector<16x1xi32>
        %gather3A_492 = vector.shape_cast %broadcast_in_dim3A_491 : vector<16x1xi32> to vector<16xi32>
        %gather3A_493 = tpu.dynamic_gather %mul3A_236[%gather3A_492] in [0] : vector<16xi32>, vector<16xi32> -> vector<16xi32>
        %add3A_494 = arith.addi %gather3A_493, %iota3A : vector<16xi32>
        %gather3A_495 = tpu.vector_load_idx %arg5[%add3A_494] : memref<8192xf32, #tpu.memory_space<vmem>>[vector<16xi32>], vector<16xf32>,
        %add3A_496 = arith.constant 16 : i32
        %add3A_497 = vector.broadcast %add3A_496 : i32 to vector<16xi32>
        %add3A_498 = arith.addi %add3A_494, %add3A_497 : vector<16xi32>
        %gather3A_499 = tpu.vector_load_idx %arg5[%add3A_498] : memref<8192xf32, #tpu.memory_space<vmem>>[vector<16xi32>], vector<16xf32>,
        %broadcast_in_dim3A_500 = arith.constant 8 : i32
        %broadcast_in_dim3A_501 = vector.broadcast %broadcast_in_dim3A_500 : i32 to vector<16x1xi32>
        %gather3A_502 = vector.shape_cast %broadcast_in_dim3A_501 : vector<16x1xi32> to vector<16xi32>
        %gather3A_503 = tpu.dynamic_gather %mul3A_236[%gather3A_502] in [0] : vector<16xi32>, vector<16xi32> -> vector<16xi32>
        %add3A_504 = arith.addi %gather3A_503, %iota3A : vector<16xi32>
        %gather3A_505 = tpu.vector_load_idx %arg5[%add3A_504] : memref<8192xf32, #tpu.memory_space<vmem>>[vector<16xi32>], vector<16xf32>,
        %add3A_506 = arith.constant 16 : i32
        %add3A_507 = vector.broadcast %add3A_506 : i32 to vector<16xi32>
        %add3A_508 = arith.addi %add3A_504, %add3A_507 : vector<16xi32>
        %gather3A_509 = tpu.vector_load_idx %arg5[%add3A_508] : memref<8192xf32, #tpu.memory_space<vmem>>[vector<16xi32>], vector<16xf32>,
        %broadcast_in_dim3A_510 = arith.constant 9 : i32
        %broadcast_in_dim3A_511 = vector.broadcast %broadcast_in_dim3A_510 : i32 to vector<16x1xi32>
        %gather3A_512 = vector.shape_cast %broadcast_in_dim3A_511 : vector<16x1xi32> to vector<16xi32>
        %gather3A_513 = tpu.dynamic_gather %mul3A_236[%gather3A_512] in [0] : vector<16xi32>, vector<16xi32> -> vector<16xi32>
        %add3A_514 = arith.addi %gather3A_513, %iota3A : vector<16xi32>
        %gather3A_515 = tpu.vector_load_idx %arg5[%add3A_514] : memref<8192xf32, #tpu.memory_space<vmem>>[vector<16xi32>], vector<16xf32>,
        %add3A_516 = arith.constant 16 : i32
        %add3A_517 = vector.broadcast %add3A_516 : i32 to vector<16xi32>
        %add3A_518 = arith.addi %add3A_514, %add3A_517 : vector<16xi32>
        %gather3A_519 = tpu.vector_load_idx %arg5[%add3A_518] : memref<8192xf32, #tpu.memory_space<vmem>>[vector<16xi32>], vector<16xf32>,
        %broadcast_in_dim3A_520 = arith.constant 10 : i32
        %broadcast_in_dim3A_521 = vector.broadcast %broadcast_in_dim3A_520 : i32 to vector<16x1xi32>
        %gather3A_522 = vector.shape_cast %broadcast_in_dim3A_521 : vector<16x1xi32> to vector<16xi32>
        %gather3A_523 = tpu.dynamic_gather %mul3A_236[%gather3A_522] in [0] : vector<16xi32>, vector<16xi32> -> vector<16xi32>
        %add3A_524 = arith.addi %gather3A_523, %iota3A : vector<16xi32>
        %gather3A_525 = tpu.vector_load_idx %arg5[%add3A_524] : memref<8192xf32, #tpu.memory_space<vmem>>[vector<16xi32>], vector<16xf32>,
        %add3A_526 = arith.constant 16 : i32
        %add3A_527 = vector.broadcast %add3A_526 : i32 to vector<16xi32>
        %add3A_528 = arith.addi %add3A_524, %add3A_527 : vector<16xi32>
        %gather3A_529 = tpu.vector_load_idx %arg5[%add3A_528] : memref<8192xf32, #tpu.memory_space<vmem>>[vector<16xi32>], vector<16xf32>,
        %broadcast_in_dim3A_530 = arith.constant 11 : i32
        %broadcast_in_dim3A_531 = vector.broadcast %broadcast_in_dim3A_530 : i32 to vector<16x1xi32>
        %gather3A_532 = vector.shape_cast %broadcast_in_dim3A_531 : vector<16x1xi32> to vector<16xi32>
        %gather3A_533 = tpu.dynamic_gather %mul3A_236[%gather3A_532] in [0] : vector<16xi32>, vector<16xi32> -> vector<16xi32>
        %add3A_534 = arith.addi %gather3A_533, %iota3A : vector<16xi32>
        %gather3A_535 = tpu.vector_load_idx %arg5[%add3A_534] : memref<8192xf32, #tpu.memory_space<vmem>>[vector<16xi32>], vector<16xf32>,
        %add3A_536 = arith.constant 16 : i32
        %add3A_537 = vector.broadcast %add3A_536 : i32 to vector<16xi32>
        %add3A_538 = arith.addi %add3A_534, %add3A_537 : vector<16xi32>
        %gather3A_539 = tpu.vector_load_idx %arg5[%add3A_538] : memref<8192xf32, #tpu.memory_space<vmem>>[vector<16xi32>], vector<16xf32>,
        %broadcast_in_dim3A_540 = arith.constant 12 : i32
        %broadcast_in_dim3A_541 = vector.broadcast %broadcast_in_dim3A_540 : i32 to vector<16x1xi32>
        %gather3A_542 = vector.shape_cast %broadcast_in_dim3A_541 : vector<16x1xi32> to vector<16xi32>
        %gather3A_543 = tpu.dynamic_gather %mul3A_236[%gather3A_542] in [0] : vector<16xi32>, vector<16xi32> -> vector<16xi32>
        %add3A_544 = arith.addi %gather3A_543, %iota3A : vector<16xi32>
        %gather3A_545 = tpu.vector_load_idx %arg5[%add3A_544] : memref<8192xf32, #tpu.memory_space<vmem>>[vector<16xi32>], vector<16xf32>,
        %add3A_546 = arith.constant 16 : i32
        %add3A_547 = vector.broadcast %add3A_546 : i32 to vector<16xi32>
        %add3A_548 = arith.addi %add3A_544, %add3A_547 : vector<16xi32>
        %gather3A_549 = tpu.vector_load_idx %arg5[%add3A_548] : memref<8192xf32, #tpu.memory_space<vmem>>[vector<16xi32>], vector<16xf32>,
        %broadcast_in_dim3A_550 = arith.constant 13 : i32
        %broadcast_in_dim3A_551 = vector.broadcast %broadcast_in_dim3A_550 : i32 to vector<16x1xi32>
        %gather3A_552 = vector.shape_cast %broadcast_in_dim3A_551 : vector<16x1xi32> to vector<16xi32>
        %gather3A_553 = tpu.dynamic_gather %mul3A_236[%gather3A_552] in [0] : vector<16xi32>, vector<16xi32> -> vector<16xi32>
        %add3A_554 = arith.addi %gather3A_553, %iota3A : vector<16xi32>
        %gather3A_555 = tpu.vector_load_idx %arg5[%add3A_554] : memref<8192xf32, #tpu.memory_space<vmem>>[vector<16xi32>], vector<16xf32>,
        %add3A_556 = arith.constant 16 : i32
        %add3A_557 = vector.broadcast %add3A_556 : i32 to vector<16xi32>
        %add3A_558 = arith.addi %add3A_554, %add3A_557 : vector<16xi32>
        %gather3A_559 = tpu.vector_load_idx %arg5[%add3A_558] : memref<8192xf32, #tpu.memory_space<vmem>>[vector<16xi32>], vector<16xf32>,
        %broadcast_in_dim3A_560 = arith.constant 14 : i32
        %broadcast_in_dim3A_561 = vector.broadcast %broadcast_in_dim3A_560 : i32 to vector<16x1xi32>
        %gather3A_562 = vector.shape_cast %broadcast_in_dim3A_561 : vector<16x1xi32> to vector<16xi32>
        %gather3A_563 = tpu.dynamic_gather %mul3A_236[%gather3A_562] in [0] : vector<16xi32>, vector<16xi32> -> vector<16xi32>
        %add3A_564 = arith.addi %gather3A_563, %iota3A : vector<16xi32>
        %gather3A_565 = tpu.vector_load_idx %arg5[%add3A_564] : memref<8192xf32, #tpu.memory_space<vmem>>[vector<16xi32>], vector<16xf32>,
        %add3A_566 = arith.constant 16 : i32
        %add3A_567 = vector.broadcast %add3A_566 : i32 to vector<16xi32>
        %add3A_568 = arith.addi %add3A_564, %add3A_567 : vector<16xi32>
        %gather3A_569 = tpu.vector_load_idx %arg5[%add3A_568] : memref<8192xf32, #tpu.memory_space<vmem>>[vector<16xi32>], vector<16xf32>,
        %swap3A_570 = arith.index_cast %scan3A_219 : i32 to index
        %swap3A_571 = arith.constant 512 : index
        %swap3A_572 = tpu.vector_load %arg8[%swap3A_570, %swap3A_571] {strides = array<i32>} : memref<26x834xf32, #tpu.memory_space<vmem>>, vector<16xf32>,
        tpu.vector_store %arg8[%swap3A_570, %swap3A_571], %gather3A_495 {strides = array<i32>} : memref<26x834xf32, #tpu.memory_space<vmem>>, vector<16xf32>,
        %swap3A_573 = arith.index_cast %scan3A_219 : i32 to index
        %swap3A_574 = arith.constant 528 : index
        %swap3A_575 = tpu.vector_load %arg8[%swap3A_573, %swap3A_574] {strides = array<i32>} : memref<26x834xf32, #tpu.memory_space<vmem>>, vector<16xf32>,
        tpu.vector_store %arg8[%swap3A_573, %swap3A_574], %gather3A_499 {strides = array<i32>} : memref<26x834xf32, #tpu.memory_space<vmem>>, vector<16xf32>,
        %swap3A_576 = arith.index_cast %scan3A_219 : i32 to index
        %swap3A_577 = arith.constant 544 : index
        %swap3A_578 = tpu.vector_load %arg8[%swap3A_576, %swap3A_577] {strides = array<i32>} : memref<26x834xf32, #tpu.memory_space<vmem>>, vector<16xf32>,
        tpu.vector_store %arg8[%swap3A_576, %swap3A_577], %gather3A_505 {strides = array<i32>} : memref<26x834xf32, #tpu.memory_space<vmem>>, vector<16xf32>,
        %swap3A_579 = arith.index_cast %scan3A_219 : i32 to index
        %swap3A_580 = arith.constant 560 : index
        %swap3A_581 = tpu.vector_load %arg8[%swap3A_579, %swap3A_580] {strides = array<i32>} : memref<26x834xf32, #tpu.memory_space<vmem>>, vector<16xf32>,
        tpu.vector_store %arg8[%swap3A_579, %swap3A_580], %gather3A_509 {strides = array<i32>} : memref<26x834xf32, #tpu.memory_space<vmem>>, vector<16xf32>,
        %swap3A_582 = arith.index_cast %scan3A_219 : i32 to index
        %swap3A_583 = arith.constant 576 : index
        %swap3A_584 = tpu.vector_load %arg8[%swap3A_582, %swap3A_583] {strides = array<i32>} : memref<26x834xf32, #tpu.memory_space<vmem>>, vector<16xf32>,
        tpu.vector_store %arg8[%swap3A_582, %swap3A_583], %gather3A_515 {strides = array<i32>} : memref<26x834xf32, #tpu.memory_space<vmem>>, vector<16xf32>,
        %swap3A_585 = arith.index_cast %scan3A_219 : i32 to index
        %swap3A_586 = arith.constant 592 : index
        %swap3A_587 = tpu.vector_load %arg8[%swap3A_585, %swap3A_586] {strides = array<i32>} : memref<26x834xf32, #tpu.memory_space<vmem>>, vector<16xf32>,
        tpu.vector_store %arg8[%swap3A_585, %swap3A_586], %gather3A_519 {strides = array<i32>} : memref<26x834xf32, #tpu.memory_space<vmem>>, vector<16xf32>,
        %swap3A_588 = arith.index_cast %scan3A_219 : i32 to index
        %swap3A_589 = arith.constant 608 : index
        %swap3A_590 = tpu.vector_load %arg8[%swap3A_588, %swap3A_589] {strides = array<i32>} : memref<26x834xf32, #tpu.memory_space<vmem>>, vector<16xf32>,
        tpu.vector_store %arg8[%swap3A_588, %swap3A_589], %gather3A_525 {strides = array<i32>} : memref<26x834xf32, #tpu.memory_space<vmem>>, vector<16xf32>,
        %swap3A_591 = arith.index_cast %scan3A_219 : i32 to index
        %swap3A_592 = arith.constant 624 : index
        %swap3A_593 = tpu.vector_load %arg8[%swap3A_591, %swap3A_592] {strides = array<i32>} : memref<26x834xf32, #tpu.memory_space<vmem>>, vector<16xf32>,
        tpu.vector_store %arg8[%swap3A_591, %swap3A_592], %gather3A_529 {strides = array<i32>} : memref<26x834xf32, #tpu.memory_space<vmem>>, vector<16xf32>,
        %swap3A_594 = arith.index_cast %scan3A_219 : i32 to index
        %swap3A_595 = arith.constant 640 : index
        %swap3A_596 = tpu.vector_load %arg8[%swap3A_594, %swap3A_595] {strides = array<i32>} : memref<26x834xf32, #tpu.memory_space<vmem>>, vector<16xf32>,
        tpu.vector_store %arg8[%swap3A_594, %swap3A_595], %gather3A_535 {strides = array<i32>} : memref<26x834xf32, #tpu.memory_space<vmem>>, vector<16xf32>,
        %swap3A_597 = arith.index_cast %scan3A_219 : i32 to index
        %swap3A_598 = arith.constant 656 : index
        %swap3A_599 = tpu.vector_load %arg8[%swap3A_597, %swap3A_598] {strides = array<i32>} : memref<26x834xf32, #tpu.memory_space<vmem>>, vector<16xf32>,
        tpu.vector_store %arg8[%swap3A_597, %swap3A_598], %gather3A_539 {strides = array<i32>} : memref<26x834xf32, #tpu.memory_space<vmem>>, vector<16xf32>,
        %swap3A_600 = arith.index_cast %scan3A_219 : i32 to index
        %swap3A_601 = arith.constant 672 : index
        %swap3A_602 = tpu.vector_load %arg8[%swap3A_600, %swap3A_601] {strides = array<i32>} : memref<26x834xf32, #tpu.memory_space<vmem>>, vector<16xf32>,
        tpu.vector_store %arg8[%swap3A_600, %swap3A_601], %gather3A_545 {strides = array<i32>} : memref<26x834xf32, #tpu.memory_space<vmem>>, vector<16xf32>,
        %swap3A_603 = arith.index_cast %scan3A_219 : i32 to index
        %swap3A_604 = arith.constant 688 : index
        %swap3A_605 = tpu.vector_load %arg8[%swap3A_603, %swap3A_604] {strides = array<i32>} : memref<26x834xf32, #tpu.memory_space<vmem>>, vector<16xf32>,
        tpu.vector_store %arg8[%swap3A_603, %swap3A_604], %gather3A_549 {strides = array<i32>} : memref<26x834xf32, #tpu.memory_space<vmem>>, vector<16xf32>,
        %swap3A_606 = arith.index_cast %scan3A_219 : i32 to index
        %swap3A_607 = arith.constant 704 : index
        %swap3A_608 = tpu.vector_load %arg8[%swap3A_606, %swap3A_607] {strides = array<i32>} : memref<26x834xf32, #tpu.memory_space<vmem>>, vector<16xf32>,
        tpu.vector_store %arg8[%swap3A_606, %swap3A_607], %gather3A_555 {strides = array<i32>} : memref<26x834xf32, #tpu.memory_space<vmem>>, vector<16xf32>,
        %swap3A_609 = arith.index_cast %scan3A_219 : i32 to index
        %swap3A_610 = arith.constant 720 : index
        %swap3A_611 = tpu.vector_load %arg8[%swap3A_609, %swap3A_610] {strides = array<i32>} : memref<26x834xf32, #tpu.memory_space<vmem>>, vector<16xf32>,
        tpu.vector_store %arg8[%swap3A_609, %swap3A_610], %gather3A_559 {strides = array<i32>} : memref<26x834xf32, #tpu.memory_space<vmem>>, vector<16xf32>,
        %swap3A_612 = arith.index_cast %scan3A_219 : i32 to index
        %swap3A_613 = arith.constant 736 : index
        %swap3A_614 = tpu.vector_load %arg8[%swap3A_612, %swap3A_613] {strides = array<i32>} : memref<26x834xf32, #tpu.memory_space<vmem>>, vector<16xf32>,
        tpu.vector_store %arg8[%swap3A_612, %swap3A_613], %gather3A_565 {strides = array<i32>} : memref<26x834xf32, #tpu.memory_space<vmem>>, vector<16xf32>,
        %swap3A_615 = arith.index_cast %scan3A_219 : i32 to index
        %swap3A_616 = arith.constant 752 : index
        %swap3A_617 = tpu.vector_load %arg8[%swap3A_615, %swap3A_616] {strides = array<i32>} : memref<26x834xf32, #tpu.memory_space<vmem>>, vector<16xf32>,
        tpu.vector_store %arg8[%swap3A_615, %swap3A_616], %gather3A_569 {strides = array<i32>} : memref<26x834xf32, #tpu.memory_space<vmem>>, vector<16xf32>,
        %broadcast_in_dim3A_618 = arith.constant 15 : i32
        %broadcast_in_dim3A_619 = vector.broadcast %broadcast_in_dim3A_618 : i32 to vector<16x1xi32>
        %gather3A_620 = vector.shape_cast %broadcast_in_dim3A_619 : vector<16x1xi32> to vector<16xi32>
        %gather3A_621 = tpu.dynamic_gather %mul3A_236[%gather3A_620] in [0] : vector<16xi32>, vector<16xi32> -> vector<16xi32>
        %add3A_622 = arith.addi %gather3A_621, %iota3A : vector<16xi32>
        %gather3A_623 = tpu.vector_load_idx %arg5[%add3A_622] : memref<8192xf32, #tpu.memory_space<vmem>>[vector<16xi32>], vector<16xf32>,
        %add3A_624 = arith.constant 16 : i32
        %add3A_625 = vector.broadcast %add3A_624 : i32 to vector<16xi32>
        %add3A_626 = arith.addi %add3A_622, %add3A_625 : vector<16xi32>
        %gather3A_627 = tpu.vector_load_idx %arg5[%add3A_626] : memref<8192xf32, #tpu.memory_space<vmem>>[vector<16xi32>], vector<16xf32>,
        %swap3A_628 = arith.index_cast %scan3A_219 : i32 to index
        %swap3A_629 = arith.constant 768 : index
        %swap3A_630 = tpu.vector_load %arg8[%swap3A_628, %swap3A_629] {strides = array<i32>} : memref<26x834xf32, #tpu.memory_space<vmem>>, vector<16xf32>,
        tpu.vector_store %arg8[%swap3A_628, %swap3A_629], %gather3A_623 {strides = array<i32>} : memref<26x834xf32, #tpu.memory_space<vmem>>, vector<16xf32>,
        %swap3A_631 = arith.index_cast %scan3A_219 : i32 to index
        %swap3A_632 = arith.constant 784 : index
        %swap3A_633 = tpu.vector_load %arg8[%swap3A_631, %swap3A_632] {strides = array<i32>} : memref<26x834xf32, #tpu.memory_space<vmem>>, vector<16xf32>,
        tpu.vector_store %arg8[%swap3A_631, %swap3A_632], %gather3A_627 {strides = array<i32>} : memref<26x834xf32, #tpu.memory_space<vmem>>, vector<16xf32>,
        %add3A_634 = arith.constant 74 : i32
        %add3A_635 = arith.addi %add3A_634, %scan3A_219 : i32
        %get3A_636 = arith.index_cast %add3A_635 : i32 to index
        %get3A_637 = arith.constant 25 : index
        %get3A_638 = tpu.vector_load %arg6[%get3A_636, %get3A_637] {strides = array<i32>} : memref<200x64xf32, #tpu.memory_space<vmem>>, vector<16xf32>,
        %swap3A_639 = arith.index_cast %scan3A_219 : i32 to index
        %swap3A_640 = arith.constant 800 : index
        %swap3A_641 = tpu.vector_load %arg8[%swap3A_639, %swap3A_640] {strides = array<i32>} : memref<26x834xf32, #tpu.memory_space<vmem>>, vector<16xf32>,
        tpu.vector_store %arg8[%swap3A_639, %swap3A_640], %get3A_638 {strides = array<i32>} : memref<26x834xf32, #tpu.memory_space<vmem>>, vector<16xf32>,
        %add3A_642 = arith.constant 74 : i32
        %add3A_643 = arith.addi %add3A_642, %scan3A_219 : i32
        %get3A_644 = arith.index_cast %add3A_643 : i32 to index
        %get3A_645 = arith.constant 41 : index
        %get3A_646 = tpu.vector_load %arg6[%get3A_644, %get3A_645] {strides = array<i32>} : memref<200x64xf32, #tpu.memory_space<vmem>>, vector<16xf32>,
        %swap3A_647 = arith.index_cast %scan3A_219 : i32 to index
        %swap3A_648 = arith.constant 816 : index
        %swap3A_649 = tpu.vector_load %arg8[%swap3A_647, %swap3A_648] {strides = array<i32>} : memref<26x834xf32, #tpu.memory_space<vmem>>, vector<16xf32>,
        tpu.vector_store %arg8[%swap3A_647, %swap3A_648], %get3A_646 {strides = array<i32>} : memref<26x834xf32, #tpu.memory_space<vmem>>, vector<16xf32>,
        %add3A_650 = arith.constant 74 : i32
        %add3A_651 = arith.addi %add3A_650, %scan3A_219 : i32
        %get3A_652 = arith.index_cast %add3A_651 : i32 to index
        %get3A_653 = arith.constant 43 : index
        %get3A_654 = tpu.vector_load %arg6[%get3A_652, %get3A_653] {strides = array<i32>} : memref<200x64xf32, #tpu.memory_space<vmem>>, vector<16xf32>,
        %swap3A_655 = arith.index_cast %scan3A_219 : i32 to index
        %swap3A_656 = arith.constant 818 : index
        %swap3A_657 = tpu.vector_load %arg8[%swap3A_655, %swap3A_656] {strides = array<i32>} : memref<26x834xf32, #tpu.memory_space<vmem>>, vector<16xf32>,
        tpu.vector_store %arg8[%swap3A_655, %swap3A_656], %get3A_654 {strides = array<i32>} : memref<26x834xf32, #tpu.memory_space<vmem>>, vector<16xf32>,
      }
      %scan3A_112 = arith.constant 26 : i32
      %dma_start3A_113 = arith.constant 24 : i32
      %dma_start3A_114 = arith.constant 0 : i32
      %dma_start3A_115 = tpu.memref_slice %arg4[%add3A_76, %dma_start3A_113, %dma_start3A_114] : memref<1024x50x834xf32, #tpu.memory_space<hbm>> -> memref<1x26x834xf32, #tpu.memory_space<hbm>>
      %dma_start3A_116 = tpu.memref_squeeze %dma_start3A_115 : memref<1x26x834xf32, #tpu.memory_space<hbm>> -> memref<26x834xf32, #tpu.memory_space<hbm>>
      %dma_start3A_117 = arith.constant 24 : i32
      %dma_start3A_118 = arith.constant 0 : i32
      %dma_start3A_119 = tpu.memref_slice %arg4[%add3A_76, %dma_start3A_117, %dma_start3A_118] : memref<1024x50x834xf32, #tpu.memory_space<hbm>> -> memref<1x26x834xf32, #tpu.memory_space<hbm>>
      %dma_start3A_120 = tpu.memref_squeeze %dma_start3A_119 : memref<1x26x834xf32, #tpu.memory_space<hbm>> -> memref<26x834xf32, #tpu.memory_space<hbm>>
      tpu.enqueue_dma source(%arg8 : memref<26x834xf32, #tpu.memory_space<vmem>>) target(%dma_start3A_120 : memref<26x834xf32, #tpu.memory_space<hbm>>) target_semaphore(%arg10 : memref<!tpu.dma_semaphore, #tpu.memory_space<semaphore_mem>>)
      %mul3A_121 = arith.constant 4 : i32
      %mul3A_122 = arith.muli %scan3A_27, %mul3A_121 : i32
      %add3A_123 = arith.addi %mul3A_2, %mul3A_122 : i32
      %add3A_124 = arith.constant 2 : i32
      %add3A_125 = arith.addi %add3A_123, %add3A_124 : i32
      %dma_wait3A_126 = arith.constant 0 : i32
      %dma_wait3A_127 = arith.constant 0 : i32
      %dma_wait3A_128 = tpu.memref_slice %arg4[%add3A_125, %dma_wait3A_126, %dma_wait3A_127] : memref<1024x50x834xf32, #tpu.memory_space<hbm>> -> memref<1x24x834xf32, #tpu.memory_space<hbm>>
      %dma_wait3A_129 = tpu.memref_squeeze %dma_wait3A_128 : memref<1x24x834xf32, #tpu.memory_space<hbm>> -> memref<24x834xf32, #tpu.memory_space<hbm>>
      %dma_wait3A_130 = arith.constant 0 : i32
      %dma_wait3A_131 = arith.constant 0 : i32
      %dma_wait3A_132 = tpu.memref_slice %arg4[%add3A_125, %dma_wait3A_130, %dma_wait3A_131] : memref<1024x50x834xf32, #tpu.memory_space<hbm>> -> memref<1x24x834xf32, #tpu.memory_space<hbm>>
      %dma_wait3A_133 = tpu.memref_squeeze %dma_wait3A_132 : memref<1x24x834xf32, #tpu.memory_space<hbm>> -> memref<24x834xf32, #tpu.memory_space<hbm>>
      tpu.wait_dma2 semaphore(%arg9 : memref<!tpu.dma_semaphore, #tpu.memory_space<semaphore_mem>>) src(%arg7 : memref<24x834xf32, #tpu.memory_space<vmem>>) dst(%dma_wait3A_133 : memref<24x834xf32, #tpu.memory_space<hbm>>)
      %scan3A_134 = arith.constant 0 : i32
      %scan3A_135 = arith.constant 0 : i32
      %scan3A_136 = arith.constant 24 : i32
      %scan3A_137 = arith.addi %scan3A_135, %scan3A_136 : i32
      %scan3A_138 = arith.constant 1 : i32
      scf.for %scan3A_219 = %scan3A_135 to %scan3A_137 step %scan3A_138  : i32 {
        %add3A_220 = arith.constant 100 : i32
        %add3A_221 = arith.addi %add3A_220, %scan3A_219 : i32
        %get3A = arith.index_cast %add3A_221 : i32 to index
        %get3A_222 = arith.constant 0 : index
        %get3A_223 = tpu.vector_load %arg6[%get3A, %get3A_222] {strides = array<i32>} : memref<200x64xf32, #tpu.memory_space<vmem>>, vector<16xf32>,
        %convert_element_type3A_224 = arith.fptosi %get3A_223 : vector<16xf32> to vector<16xi32>
        %mul3A_225 = arith.constant 32 : i32
        %mul3A_226 = vector.broadcast %mul3A_225 : i32 to vector<16xi32>
        %mul3A_227 = arith.muli %convert_element_type3A_224, %mul3A_226 : vector<16xi32>
        %add3A_228 = arith.constant 100 : i32
        %add3A_229 = arith.addi %add3A_228, %scan3A_219 : i32
        %get3A_230 = arith.index_cast %add3A_229 : i32 to index
        %get3A_231 = arith.constant 9 : index
        %get3A_232 = tpu.vector_load %arg6[%get3A_230, %get3A_231] {strides = array<i32>} : memref<200x64xf32, #tpu.memory_space<vmem>>, vector<16xf32>,
        %convert_element_type3A_233 = arith.fptosi %get3A_232 : vector<16xf32> to vector<16xi32>
        %mul3A_234 = arith.constant 32 : i32
        %mul3A_235 = vector.broadcast %mul3A_234 : i32 to vector<16xi32>
        %mul3A_236 = arith.muli %convert_element_type3A_233, %mul3A_235 : vector<16xi32>
        %broadcast_in_dim3A = arith.constant 0 : i32
        %broadcast_in_dim3A_237 = vector.broadcast %broadcast_in_dim3A : i32 to vector<16x1xi32>
        %gather3A = vector.shape_cast %broadcast_in_dim3A_237 : vector<16x1xi32> to vector<16xi32>
        %gather3A_238 = tpu.dynamic_gather %mul3A_227[%gather3A] in [0] : vector<16xi32>, vector<16xi32> -> vector<16xi32>
        %add3A_239 = arith.addi %gather3A_238, %iota3A : vector<16xi32>
        %gather3A_240 = tpu.vector_load_idx %arg5[%add3A_239] : memref<8192xf32, #tpu.memory_space<vmem>>[vector<16xi32>], vector<16xf32>,
        %add3A_241 = arith.constant 16 : i32
        %add3A_242 = vector.broadcast %add3A_241 : i32 to vector<16xi32>
        %add3A_243 = arith.addi %add3A_239, %add3A_242 : vector<16xi32>
        %gather3A_244 = tpu.vector_load_idx %arg5[%add3A_243] : memref<8192xf32, #tpu.memory_space<vmem>>[vector<16xi32>], vector<16xf32>,
        %broadcast_in_dim3A_245 = arith.constant 1 : i32
        %broadcast_in_dim3A_246 = vector.broadcast %broadcast_in_dim3A_245 : i32 to vector<16x1xi32>
        %gather3A_247 = vector.shape_cast %broadcast_in_dim3A_246 : vector<16x1xi32> to vector<16xi32>
        %gather3A_248 = tpu.dynamic_gather %mul3A_227[%gather3A_247] in [0] : vector<16xi32>, vector<16xi32> -> vector<16xi32>
        %add3A_249 = arith.addi %gather3A_248, %iota3A : vector<16xi32>
        %gather3A_250 = tpu.vector_load_idx %arg5[%add3A_249] : memref<8192xf32, #tpu.memory_space<vmem>>[vector<16xi32>], vector<16xf32>,
        %add3A_251 = arith.constant 16 : i32
        %add3A_252 = vector.broadcast %add3A_251 : i32 to vector<16xi32>
        %add3A_253 = arith.addi %add3A_249, %add3A_252 : vector<16xi32>
        %gather3A_254 = tpu.vector_load_idx %arg5[%add3A_253] : memref<8192xf32, #tpu.memory_space<vmem>>[vector<16xi32>], vector<16xf32>,
        %broadcast_in_dim3A_255 = arith.constant 2 : i32
        %broadcast_in_dim3A_256 = vector.broadcast %broadcast_in_dim3A_255 : i32 to vector<16x1xi32>
        %gather3A_257 = vector.shape_cast %broadcast_in_dim3A_256 : vector<16x1xi32> to vector<16xi32>
        %gather3A_258 = tpu.dynamic_gather %mul3A_227[%gather3A_257] in [0] : vector<16xi32>, vector<16xi32> -> vector<16xi32>
        %add3A_259 = arith.addi %gather3A_258, %iota3A : vector<16xi32>
        %gather3A_260 = tpu.vector_load_idx %arg5[%add3A_259] : memref<8192xf32, #tpu.memory_space<vmem>>[vector<16xi32>], vector<16xf32>,
        %add3A_261 = arith.constant 16 : i32
        %add3A_262 = vector.broadcast %add3A_261 : i32 to vector<16xi32>
        %add3A_263 = arith.addi %add3A_259, %add3A_262 : vector<16xi32>
        %gather3A_264 = tpu.vector_load_idx %arg5[%add3A_263] : memref<8192xf32, #tpu.memory_space<vmem>>[vector<16xi32>], vector<16xf32>,
        %broadcast_in_dim3A_265 = arith.constant 3 : i32
        %broadcast_in_dim3A_266 = vector.broadcast %broadcast_in_dim3A_265 : i32 to vector<16x1xi32>
        %gather3A_267 = vector.shape_cast %broadcast_in_dim3A_266 : vector<16x1xi32> to vector<16xi32>
        %gather3A_268 = tpu.dynamic_gather %mul3A_227[%gather3A_267] in [0] : vector<16xi32>, vector<16xi32> -> vector<16xi32>
        %add3A_269 = arith.addi %gather3A_268, %iota3A : vector<16xi32>
        %gather3A_270 = tpu.vector_load_idx %arg5[%add3A_269] : memref<8192xf32, #tpu.memory_space<vmem>>[vector<16xi32>], vector<16xf32>,
        %add3A_271 = arith.constant 16 : i32
        %add3A_272 = vector.broadcast %add3A_271 : i32 to vector<16xi32>
        %add3A_273 = arith.addi %add3A_269, %add3A_272 : vector<16xi32>
        %gather3A_274 = tpu.vector_load_idx %arg5[%add3A_273] : memref<8192xf32, #tpu.memory_space<vmem>>[vector<16xi32>], vector<16xf32>,
        %broadcast_in_dim3A_275 = arith.constant 4 : i32
        %broadcast_in_dim3A_276 = vector.broadcast %broadcast_in_dim3A_275 : i32 to vector<16x1xi32>
        %gather3A_277 = vector.shape_cast %broadcast_in_dim3A_276 : vector<16x1xi32> to vector<16xi32>
        %gather3A_278 = tpu.dynamic_gather %mul3A_227[%gather3A_277] in [0] : vector<16xi32>, vector<16xi32> -> vector<16xi32>
        %add3A_279 = arith.addi %gather3A_278, %iota3A : vector<16xi32>
        %gather3A_280 = tpu.vector_load_idx %arg5[%add3A_279] : memref<8192xf32, #tpu.memory_space<vmem>>[vector<16xi32>], vector<16xf32>,
        %add3A_281 = arith.constant 16 : i32
        %add3A_282 = vector.broadcast %add3A_281 : i32 to vector<16xi32>
        %add3A_283 = arith.addi %add3A_279, %add3A_282 : vector<16xi32>
        %gather3A_284 = tpu.vector_load_idx %arg5[%add3A_283] : memref<8192xf32, #tpu.memory_space<vmem>>[vector<16xi32>], vector<16xf32>,
        %broadcast_in_dim3A_285 = arith.constant 5 : i32
        %broadcast_in_dim3A_286 = vector.broadcast %broadcast_in_dim3A_285 : i32 to vector<16x1xi32>
        %gather3A_287 = vector.shape_cast %broadcast_in_dim3A_286 : vector<16x1xi32> to vector<16xi32>
        %gather3A_288 = tpu.dynamic_gather %mul3A_227[%gather3A_287] in [0] : vector<16xi32>, vector<16xi32> -> vector<16xi32>
        %add3A_289 = arith.addi %gather3A_288, %iota3A : vector<16xi32>
        %gather3A_290 = tpu.vector_load_idx %arg5[%add3A_289] : memref<8192xf32, #tpu.memory_space<vmem>>[vector<16xi32>], vector<16xf32>,
        %add3A_291 = arith.constant 16 : i32
        %add3A_292 = vector.broadcast %add3A_291 : i32 to vector<16xi32>
        %add3A_293 = arith.addi %add3A_289, %add3A_292 : vector<16xi32>
        %gather3A_294 = tpu.vector_load_idx %arg5[%add3A_293] : memref<8192xf32, #tpu.memory_space<vmem>>[vector<16xi32>], vector<16xf32>,
        %broadcast_in_dim3A_295 = arith.constant 6 : i32
        %broadcast_in_dim3A_296 = vector.broadcast %broadcast_in_dim3A_295 : i32 to vector<16x1xi32>
        %gather3A_297 = vector.shape_cast %broadcast_in_dim3A_296 : vector<16x1xi32> to vector<16xi32>
        %gather3A_298 = tpu.dynamic_gather %mul3A_227[%gather3A_297] in [0] : vector<16xi32>, vector<16xi32> -> vector<16xi32>
        %add3A_299 = arith.addi %gather3A_298, %iota3A : vector<16xi32>
        %gather3A_300 = tpu.vector_load_idx %arg5[%add3A_299] : memref<8192xf32, #tpu.memory_space<vmem>>[vector<16xi32>], vector<16xf32>,
        %add3A_301 = arith.constant 16 : i32
        %add3A_302 = vector.broadcast %add3A_301 : i32 to vector<16xi32>
        %add3A_303 = arith.addi %add3A_299, %add3A_302 : vector<16xi32>
        %gather3A_304 = tpu.vector_load_idx %arg5[%add3A_303] : memref<8192xf32, #tpu.memory_space<vmem>>[vector<16xi32>], vector<16xf32>,
        %broadcast_in_dim3A_305 = arith.constant 7 : i32
        %broadcast_in_dim3A_306 = vector.broadcast %broadcast_in_dim3A_305 : i32 to vector<16x1xi32>
        %gather3A_307 = vector.shape_cast %broadcast_in_dim3A_306 : vector<16x1xi32> to vector<16xi32>
        %gather3A_308 = tpu.dynamic_gather %mul3A_227[%gather3A_307] in [0] : vector<16xi32>, vector<16xi32> -> vector<16xi32>
        %add3A_309 = arith.addi %gather3A_308, %iota3A : vector<16xi32>
        %gather3A_310 = tpu.vector_load_idx %arg5[%add3A_309] : memref<8192xf32, #tpu.memory_space<vmem>>[vector<16xi32>], vector<16xf32>,
        %add3A_311 = arith.constant 16 : i32
        %add3A_312 = vector.broadcast %add3A_311 : i32 to vector<16xi32>
        %add3A_313 = arith.addi %add3A_309, %add3A_312 : vector<16xi32>
        %gather3A_314 = tpu.vector_load_idx %arg5[%add3A_313] : memref<8192xf32, #tpu.memory_space<vmem>>[vector<16xi32>], vector<16xf32>,
        %swap3A = arith.index_cast %scan3A_219 : i32 to index
        %swap3A_315 = arith.constant 0 : index
        %swap3A_316 = tpu.vector_load %arg7[%swap3A, %swap3A_315] {strides = array<i32>} : memref<24x834xf32, #tpu.memory_space<vmem>>, vector<16xf32>,
        tpu.vector_store %arg7[%swap3A, %swap3A_315], %gather3A_240 {strides = array<i32>} : memref<24x834xf32, #tpu.memory_space<vmem>>, vector<16xf32>,
        %swap3A_317 = arith.index_cast %scan3A_219 : i32 to index
        %swap3A_318 = arith.constant 16 : index
        %swap3A_319 = tpu.vector_load %arg7[%swap3A_317, %swap3A_318] {strides = array<i32>} : memref<24x834xf32, #tpu.memory_space<vmem>>, vector<16xf32>,
        tpu.vector_store %arg7[%swap3A_317, %swap3A_318], %gather3A_244 {strides = array<i32>} : memref<24x834xf32, #tpu.memory_space<vmem>>, vector<16xf32>,
        %swap3A_320 = arith.index_cast %scan3A_219 : i32 to index
        %swap3A_321 = arith.constant 32 : index
        %swap3A_322 = tpu.vector_load %arg7[%swap3A_320, %swap3A_321] {strides = array<i32>} : memref<24x834xf32, #tpu.memory_space<vmem>>, vector<16xf32>,
        tpu.vector_store %arg7[%swap3A_320, %swap3A_321], %gather3A_250 {strides = array<i32>} : memref<24x834xf32, #tpu.memory_space<vmem>>, vector<16xf32>,
        %swap3A_323 = arith.index_cast %scan3A_219 : i32 to index
        %swap3A_324 = arith.constant 48 : index
        %swap3A_325 = tpu.vector_load %arg7[%swap3A_323, %swap3A_324] {strides = array<i32>} : memref<24x834xf32, #tpu.memory_space<vmem>>, vector<16xf32>,
        tpu.vector_store %arg7[%swap3A_323, %swap3A_324], %gather3A_254 {strides = array<i32>} : memref<24x834xf32, #tpu.memory_space<vmem>>, vector<16xf32>,
        %swap3A_326 = arith.index_cast %scan3A_219 : i32 to index
        %swap3A_327 = arith.constant 64 : index
        %swap3A_328 = tpu.vector_load %arg7[%swap3A_326, %swap3A_327] {strides = array<i32>} : memref<24x834xf32, #tpu.memory_space<vmem>>, vector<16xf32>,
        tpu.vector_store %arg7[%swap3A_326, %swap3A_327], %gather3A_260 {strides = array<i32>} : memref<24x834xf32, #tpu.memory_space<vmem>>, vector<16xf32>,
        %swap3A_329 = arith.index_cast %scan3A_219 : i32 to index
        %swap3A_330 = arith.constant 80 : index
        %swap3A_331 = tpu.vector_load %arg7[%swap3A_329, %swap3A_330] {strides = array<i32>} : memref<24x834xf32, #tpu.memory_space<vmem>>, vector<16xf32>,
        tpu.vector_store %arg7[%swap3A_329, %swap3A_330], %gather3A_264 {strides = array<i32>} : memref<24x834xf32, #tpu.memory_space<vmem>>, vector<16xf32>,
        %swap3A_332 = arith.index_cast %scan3A_219 : i32 to index
        %swap3A_333 = arith.constant 96 : index
        %swap3A_334 = tpu.vector_load %arg7[%swap3A_332, %swap3A_333] {strides = array<i32>} : memref<24x834xf32, #tpu.memory_space<vmem>>, vector<16xf32>,
        tpu.vector_store %arg7[%swap3A_332, %swap3A_333], %gather3A_270 {strides = array<i32>} : memref<24x834xf32, #tpu.memory_space<vmem>>, vector<16xf32>,
        %swap3A_335 = arith.index_cast %scan3A_219 : i32 to index
        %swap3A_336 = arith.constant 112 : index
        %swap3A_337 = tpu.vector_load %arg7[%swap3A_335, %swap3A_336] {strides = array<i32>} : memref<24x834xf32, #tpu.memory_space<vmem>>, vector<16xf32>,
        tpu.vector_store %arg7[%swap3A_335, %swap3A_336], %gather3A_274 {strides = array<i32>} : memref<24x834xf32, #tpu.memory_space<vmem>>, vector<16xf32>,
        %swap3A_338 = arith.index_cast %scan3A_219 : i32 to index
        %swap3A_339 = arith.constant 128 : index
        %swap3A_340 = tpu.vector_load %arg7[%swap3A_338, %swap3A_339] {strides = array<i32>} : memref<24x834xf32, #tpu.memory_space<vmem>>, vector<16xf32>,
        tpu.vector_store %arg7[%swap3A_338, %swap3A_339], %gather3A_280 {strides = array<i32>} : memref<24x834xf32, #tpu.memory_space<vmem>>, vector<16xf32>,
        %swap3A_341 = arith.index_cast %scan3A_219 : i32 to index
        %swap3A_342 = arith.constant 144 : index
        %swap3A_343 = tpu.vector_load %arg7[%swap3A_341, %swap3A_342] {strides = array<i32>} : memref<24x834xf32, #tpu.memory_space<vmem>>, vector<16xf32>,
        tpu.vector_store %arg7[%swap3A_341, %swap3A_342], %gather3A_284 {strides = array<i32>} : memref<24x834xf32, #tpu.memory_space<vmem>>, vector<16xf32>,
        %swap3A_344 = arith.index_cast %scan3A_219 : i32 to index
        %swap3A_345 = arith.constant 160 : index
        %swap3A_346 = tpu.vector_load %arg7[%swap3A_344, %swap3A_345] {strides = array<i32>} : memref<24x834xf32, #tpu.memory_space<vmem>>, vector<16xf32>,
        tpu.vector_store %arg7[%swap3A_344, %swap3A_345], %gather3A_290 {strides = array<i32>} : memref<24x834xf32, #tpu.memory_space<vmem>>, vector<16xf32>,
        %swap3A_347 = arith.index_cast %scan3A_219 : i32 to index
        %swap3A_348 = arith.constant 176 : index
        %swap3A_349 = tpu.vector_load %arg7[%swap3A_347, %swap3A_348] {strides = array<i32>} : memref<24x834xf32, #tpu.memory_space<vmem>>, vector<16xf32>,
        tpu.vector_store %arg7[%swap3A_347, %swap3A_348], %gather3A_294 {strides = array<i32>} : memref<24x834xf32, #tpu.memory_space<vmem>>, vector<16xf32>,
        %swap3A_350 = arith.index_cast %scan3A_219 : i32 to index
        %swap3A_351 = arith.constant 192 : index
        %swap3A_352 = tpu.vector_load %arg7[%swap3A_350, %swap3A_351] {strides = array<i32>} : memref<24x834xf32, #tpu.memory_space<vmem>>, vector<16xf32>,
        tpu.vector_store %arg7[%swap3A_350, %swap3A_351], %gather3A_300 {strides = array<i32>} : memref<24x834xf32, #tpu.memory_space<vmem>>, vector<16xf32>,
        %swap3A_353 = arith.index_cast %scan3A_219 : i32 to index
        %swap3A_354 = arith.constant 208 : index
        %swap3A_355 = tpu.vector_load %arg7[%swap3A_353, %swap3A_354] {strides = array<i32>} : memref<24x834xf32, #tpu.memory_space<vmem>>, vector<16xf32>,
        tpu.vector_store %arg7[%swap3A_353, %swap3A_354], %gather3A_304 {strides = array<i32>} : memref<24x834xf32, #tpu.memory_space<vmem>>, vector<16xf32>,
        %swap3A_356 = arith.index_cast %scan3A_219 : i32 to index
        %swap3A_357 = arith.constant 224 : index
        %swap3A_358 = tpu.vector_load %arg7[%swap3A_356, %swap3A_357] {strides = array<i32>} : memref<24x834xf32, #tpu.memory_space<vmem>>, vector<16xf32>,
        tpu.vector_store %arg7[%swap3A_356, %swap3A_357], %gather3A_310 {strides = array<i32>} : memref<24x834xf32, #tpu.memory_space<vmem>>, vector<16xf32>,
        %swap3A_359 = arith.index_cast %scan3A_219 : i32 to index
        %swap3A_360 = arith.constant 240 : index
        %swap3A_361 = tpu.vector_load %arg7[%swap3A_359, %swap3A_360] {strides = array<i32>} : memref<24x834xf32, #tpu.memory_space<vmem>>, vector<16xf32>,
        tpu.vector_store %arg7[%swap3A_359, %swap3A_360], %gather3A_314 {strides = array<i32>} : memref<24x834xf32, #tpu.memory_space<vmem>>, vector<16xf32>,
        %broadcast_in_dim3A_362 = arith.constant 8 : i32
        %broadcast_in_dim3A_363 = vector.broadcast %broadcast_in_dim3A_362 : i32 to vector<16x1xi32>
        %gather3A_364 = vector.shape_cast %broadcast_in_dim3A_363 : vector<16x1xi32> to vector<16xi32>
        %gather3A_365 = tpu.dynamic_gather %mul3A_227[%gather3A_364] in [0] : vector<16xi32>, vector<16xi32> -> vector<16xi32>
        %add3A_366 = arith.addi %gather3A_365, %iota3A : vector<16xi32>
        %gather3A_367 = tpu.vector_load_idx %arg5[%add3A_366] : memref<8192xf32, #tpu.memory_space<vmem>>[vector<16xi32>], vector<16xf32>,
        %add3A_368 = arith.constant 16 : i32
        %add3A_369 = vector.broadcast %add3A_368 : i32 to vector<16xi32>
        %add3A_370 = arith.addi %add3A_366, %add3A_369 : vector<16xi32>
        %gather3A_371 = tpu.vector_load_idx %arg5[%add3A_370] : memref<8192xf32, #tpu.memory_space<vmem>>[vector<16xi32>], vector<16xf32>,
        %broadcast_in_dim3A_372 = arith.constant 9 : i32
        %broadcast_in_dim3A_373 = vector.broadcast %broadcast_in_dim3A_372 : i32 to vector<16x1xi32>
        %gather3A_374 = vector.shape_cast %broadcast_in_dim3A_373 : vector<16x1xi32> to vector<16xi32>
        %gather3A_375 = tpu.dynamic_gather %mul3A_227[%gather3A_374] in [0] : vector<16xi32>, vector<16xi32> -> vector<16xi32>
        %add3A_376 = arith.addi %gather3A_375, %iota3A : vector<16xi32>
        %gather3A_377 = tpu.vector_load_idx %arg5[%add3A_376] : memref<8192xf32, #tpu.memory_space<vmem>>[vector<16xi32>], vector<16xf32>,
        %add3A_378 = arith.constant 16 : i32
        %add3A_379 = vector.broadcast %add3A_378 : i32 to vector<16xi32>
        %add3A_380 = arith.addi %add3A_376, %add3A_379 : vector<16xi32>
        %gather3A_381 = tpu.vector_load_idx %arg5[%add3A_380] : memref<8192xf32, #tpu.memory_space<vmem>>[vector<16xi32>], vector<16xf32>,
        %broadcast_in_dim3A_382 = arith.constant 10 : i32
        %broadcast_in_dim3A_383 = vector.broadcast %broadcast_in_dim3A_382 : i32 to vector<16x1xi32>
        %gather3A_384 = vector.shape_cast %broadcast_in_dim3A_383 : vector<16x1xi32> to vector<16xi32>
        %gather3A_385 = tpu.dynamic_gather %mul3A_227[%gather3A_384] in [0] : vector<16xi32>, vector<16xi32> -> vector<16xi32>
        %add3A_386 = arith.addi %gather3A_385, %iota3A : vector<16xi32>
        %gather3A_387 = tpu.vector_load_idx %arg5[%add3A_386] : memref<8192xf32, #tpu.memory_space<vmem>>[vector<16xi32>], vector<16xf32>,
        %add3A_388 = arith.constant 16 : i32
        %add3A_389 = vector.broadcast %add3A_388 : i32 to vector<16xi32>
        %add3A_390 = arith.addi %add3A_386, %add3A_389 : vector<16xi32>
        %gather3A_391 = tpu.vector_load_idx %arg5[%add3A_390] : memref<8192xf32, #tpu.memory_space<vmem>>[vector<16xi32>], vector<16xf32>,
        %broadcast_in_dim3A_392 = arith.constant 11 : i32
        %broadcast_in_dim3A_393 = vector.broadcast %broadcast_in_dim3A_392 : i32 to vector<16x1xi32>
        %gather3A_394 = vector.shape_cast %broadcast_in_dim3A_393 : vector<16x1xi32> to vector<16xi32>
        %gather3A_395 = tpu.dynamic_gather %mul3A_227[%gather3A_394] in [0] : vector<16xi32>, vector<16xi32> -> vector<16xi32>
        %add3A_396 = arith.addi %gather3A_395, %iota3A : vector<16xi32>
        %gather3A_397 = tpu.vector_load_idx %arg5[%add3A_396] : memref<8192xf32, #tpu.memory_space<vmem>>[vector<16xi32>], vector<16xf32>,
        %add3A_398 = arith.constant 16 : i32
        %add3A_399 = vector.broadcast %add3A_398 : i32 to vector<16xi32>
        %add3A_400 = arith.addi %add3A_396, %add3A_399 : vector<16xi32>
        %gather3A_401 = tpu.vector_load_idx %arg5[%add3A_400] : memref<8192xf32, #tpu.memory_space<vmem>>[vector<16xi32>], vector<16xf32>,
        %broadcast_in_dim3A_402 = arith.constant 12 : i32
        %broadcast_in_dim3A_403 = vector.broadcast %broadcast_in_dim3A_402 : i32 to vector<16x1xi32>
        %gather3A_404 = vector.shape_cast %broadcast_in_dim3A_403 : vector<16x1xi32> to vector<16xi32>
        %gather3A_405 = tpu.dynamic_gather %mul3A_227[%gather3A_404] in [0] : vector<16xi32>, vector<16xi32> -> vector<16xi32>
        %add3A_406 = arith.addi %gather3A_405, %iota3A : vector<16xi32>
        %gather3A_407 = tpu.vector_load_idx %arg5[%add3A_406] : memref<8192xf32, #tpu.memory_space<vmem>>[vector<16xi32>], vector<16xf32>,
        %add3A_408 = arith.constant 16 : i32
        %add3A_409 = vector.broadcast %add3A_408 : i32 to vector<16xi32>
        %add3A_410 = arith.addi %add3A_406, %add3A_409 : vector<16xi32>
        %gather3A_411 = tpu.vector_load_idx %arg5[%add3A_410] : memref<8192xf32, #tpu.memory_space<vmem>>[vector<16xi32>], vector<16xf32>,
        %broadcast_in_dim3A_412 = arith.constant 13 : i32
        %broadcast_in_dim3A_413 = vector.broadcast %broadcast_in_dim3A_412 : i32 to vector<16x1xi32>
        %gather3A_414 = vector.shape_cast %broadcast_in_dim3A_413 : vector<16x1xi32> to vector<16xi32>
        %gather3A_415 = tpu.dynamic_gather %mul3A_227[%gather3A_414] in [0] : vector<16xi32>, vector<16xi32> -> vector<16xi32>
        %add3A_416 = arith.addi %gather3A_415, %iota3A : vector<16xi32>
        %gather3A_417 = tpu.vector_load_idx %arg5[%add3A_416] : memref<8192xf32, #tpu.memory_space<vmem>>[vector<16xi32>], vector<16xf32>,
        %add3A_418 = arith.constant 16 : i32
        %add3A_419 = vector.broadcast %add3A_418 : i32 to vector<16xi32>
        %add3A_420 = arith.addi %add3A_416, %add3A_419 : vector<16xi32>
        %gather3A_421 = tpu.vector_load_idx %arg5[%add3A_420] : memref<8192xf32, #tpu.memory_space<vmem>>[vector<16xi32>], vector<16xf32>,
        %broadcast_in_dim3A_422 = arith.constant 14 : i32
        %broadcast_in_dim3A_423 = vector.broadcast %broadcast_in_dim3A_422 : i32 to vector<16x1xi32>
        %gather3A_424 = vector.shape_cast %broadcast_in_dim3A_423 : vector<16x1xi32> to vector<16xi32>
        %gather3A_425 = tpu.dynamic_gather %mul3A_227[%gather3A_424] in [0] : vector<16xi32>, vector<16xi32> -> vector<16xi32>
        %add3A_426 = arith.addi %gather3A_425, %iota3A : vector<16xi32>
        %gather3A_427 = tpu.vector_load_idx %arg5[%add3A_426] : memref<8192xf32, #tpu.memory_space<vmem>>[vector<16xi32>], vector<16xf32>,
        %add3A_428 = arith.constant 16 : i32
        %add3A_429 = vector.broadcast %add3A_428 : i32 to vector<16xi32>
        %add3A_430 = arith.addi %add3A_426, %add3A_429 : vector<16xi32>
        %gather3A_431 = tpu.vector_load_idx %arg5[%add3A_430] : memref<8192xf32, #tpu.memory_space<vmem>>[vector<16xi32>], vector<16xf32>,
        %broadcast_in_dim3A_432 = arith.constant 15 : i32
        %broadcast_in_dim3A_433 = vector.broadcast %broadcast_in_dim3A_432 : i32 to vector<16x1xi32>
        %gather3A_434 = vector.shape_cast %broadcast_in_dim3A_433 : vector<16x1xi32> to vector<16xi32>
        %gather3A_435 = tpu.dynamic_gather %mul3A_227[%gather3A_434] in [0] : vector<16xi32>, vector<16xi32> -> vector<16xi32>
        %add3A_436 = arith.addi %gather3A_435, %iota3A : vector<16xi32>
        %gather3A_437 = tpu.vector_load_idx %arg5[%add3A_436] : memref<8192xf32, #tpu.memory_space<vmem>>[vector<16xi32>], vector<16xf32>,
        %add3A_438 = arith.constant 16 : i32
        %add3A_439 = vector.broadcast %add3A_438 : i32 to vector<16xi32>
        %add3A_440 = arith.addi %add3A_436, %add3A_439 : vector<16xi32>
        %gather3A_441 = tpu.vector_load_idx %arg5[%add3A_440] : memref<8192xf32, #tpu.memory_space<vmem>>[vector<16xi32>], vector<16xf32>,
        %swap3A_442 = arith.index_cast %scan3A_219 : i32 to index
        %swap3A_443 = arith.constant 256 : index
        %swap3A_444 = tpu.vector_load %arg7[%swap3A_442, %swap3A_443] {strides = array<i32>} : memref<24x834xf32, #tpu.memory_space<vmem>>, vector<16xf32>,
        tpu.vector_store %arg7[%swap3A_442, %swap3A_443], %gather3A_367 {strides = array<i32>} : memref<24x834xf32, #tpu.memory_space<vmem>>, vector<16xf32>,
        %swap3A_445 = arith.index_cast %scan3A_219 : i32 to index
        %swap3A_446 = arith.constant 272 : index
        %swap3A_447 = tpu.vector_load %arg7[%swap3A_445, %swap3A_446] {strides = array<i32>} : memref<24x834xf32, #tpu.memory_space<vmem>>, vector<16xf32>,
        tpu.vector_store %arg7[%swap3A_445, %swap3A_446], %gather3A_371 {strides = array<i32>} : memref<24x834xf32, #tpu.memory_space<vmem>>, vector<16xf32>,
        %swap3A_448 = arith.index_cast %scan3A_219 : i32 to index
        %swap3A_449 = arith.constant 288 : index
        %swap3A_450 = tpu.vector_load %arg7[%swap3A_448, %swap3A_449] {strides = array<i32>} : memref<24x834xf32, #tpu.memory_space<vmem>>, vector<16xf32>,
        tpu.vector_store %arg7[%swap3A_448, %swap3A_449], %gather3A_377 {strides = array<i32>} : memref<24x834xf32, #tpu.memory_space<vmem>>, vector<16xf32>,
        %swap3A_451 = arith.index_cast %scan3A_219 : i32 to index
        %swap3A_452 = arith.constant 304 : index
        %swap3A_453 = tpu.vector_load %arg7[%swap3A_451, %swap3A_452] {strides = array<i32>} : memref<24x834xf32, #tpu.memory_space<vmem>>, vector<16xf32>,
        tpu.vector_store %arg7[%swap3A_451, %swap3A_452], %gather3A_381 {strides = array<i32>} : memref<24x834xf32, #tpu.memory_space<vmem>>, vector<16xf32>,
        %swap3A_454 = arith.index_cast %scan3A_219 : i32 to index
        %swap3A_455 = arith.constant 320 : index
        %swap3A_456 = tpu.vector_load %arg7[%swap3A_454, %swap3A_455] {strides = array<i32>} : memref<24x834xf32, #tpu.memory_space<vmem>>, vector<16xf32>,
        tpu.vector_store %arg7[%swap3A_454, %swap3A_455], %gather3A_387 {strides = array<i32>} : memref<24x834xf32, #tpu.memory_space<vmem>>, vector<16xf32>,
        %swap3A_457 = arith.index_cast %scan3A_219 : i32 to index
        %swap3A_458 = arith.constant 336 : index
        %swap3A_459 = tpu.vector_load %arg7[%swap3A_457, %swap3A_458] {strides = array<i32>} : memref<24x834xf32, #tpu.memory_space<vmem>>, vector<16xf32>,
        tpu.vector_store %arg7[%swap3A_457, %swap3A_458], %gather3A_391 {strides = array<i32>} : memref<24x834xf32, #tpu.memory_space<vmem>>, vector<16xf32>,
        %swap3A_460 = arith.index_cast %scan3A_219 : i32 to index
        %swap3A_461 = arith.constant 352 : index
        %swap3A_462 = tpu.vector_load %arg7[%swap3A_460, %swap3A_461] {strides = array<i32>} : memref<24x834xf32, #tpu.memory_space<vmem>>, vector<16xf32>,
        tpu.vector_store %arg7[%swap3A_460, %swap3A_461], %gather3A_397 {strides = array<i32>} : memref<24x834xf32, #tpu.memory_space<vmem>>, vector<16xf32>,
        %swap3A_463 = arith.index_cast %scan3A_219 : i32 to index
        %swap3A_464 = arith.constant 368 : index
        %swap3A_465 = tpu.vector_load %arg7[%swap3A_463, %swap3A_464] {strides = array<i32>} : memref<24x834xf32, #tpu.memory_space<vmem>>, vector<16xf32>,
        tpu.vector_store %arg7[%swap3A_463, %swap3A_464], %gather3A_401 {strides = array<i32>} : memref<24x834xf32, #tpu.memory_space<vmem>>, vector<16xf32>,
        %swap3A_466 = arith.index_cast %scan3A_219 : i32 to index
        %swap3A_467 = arith.constant 384 : index
        %swap3A_468 = tpu.vector_load %arg7[%swap3A_466, %swap3A_467] {strides = array<i32>} : memref<24x834xf32, #tpu.memory_space<vmem>>, vector<16xf32>,
        tpu.vector_store %arg7[%swap3A_466, %swap3A_467], %gather3A_407 {strides = array<i32>} : memref<24x834xf32, #tpu.memory_space<vmem>>, vector<16xf32>,
        %swap3A_469 = arith.index_cast %scan3A_219 : i32 to index
        %swap3A_470 = arith.constant 400 : index
        %swap3A_471 = tpu.vector_load %arg7[%swap3A_469, %swap3A_470] {strides = array<i32>} : memref<24x834xf32, #tpu.memory_space<vmem>>, vector<16xf32>,
        tpu.vector_store %arg7[%swap3A_469, %swap3A_470], %gather3A_411 {strides = array<i32>} : memref<24x834xf32, #tpu.memory_space<vmem>>, vector<16xf32>,
        %swap3A_472 = arith.index_cast %scan3A_219 : i32 to index
        %swap3A_473 = arith.constant 416 : index
        %swap3A_474 = tpu.vector_load %arg7[%swap3A_472, %swap3A_473] {strides = array<i32>} : memref<24x834xf32, #tpu.memory_space<vmem>>, vector<16xf32>,
        tpu.vector_store %arg7[%swap3A_472, %swap3A_473], %gather3A_417 {strides = array<i32>} : memref<24x834xf32, #tpu.memory_space<vmem>>, vector<16xf32>,
        %swap3A_475 = arith.index_cast %scan3A_219 : i32 to index
        %swap3A_476 = arith.constant 432 : index
        %swap3A_477 = tpu.vector_load %arg7[%swap3A_475, %swap3A_476] {strides = array<i32>} : memref<24x834xf32, #tpu.memory_space<vmem>>, vector<16xf32>,
        tpu.vector_store %arg7[%swap3A_475, %swap3A_476], %gather3A_421 {strides = array<i32>} : memref<24x834xf32, #tpu.memory_space<vmem>>, vector<16xf32>,
        %swap3A_478 = arith.index_cast %scan3A_219 : i32 to index
        %swap3A_479 = arith.constant 448 : index
        %swap3A_480 = tpu.vector_load %arg7[%swap3A_478, %swap3A_479] {strides = array<i32>} : memref<24x834xf32, #tpu.memory_space<vmem>>, vector<16xf32>,
        tpu.vector_store %arg7[%swap3A_478, %swap3A_479], %gather3A_427 {strides = array<i32>} : memref<24x834xf32, #tpu.memory_space<vmem>>, vector<16xf32>,
        %swap3A_481 = arith.index_cast %scan3A_219 : i32 to index
        %swap3A_482 = arith.constant 464 : index
        %swap3A_483 = tpu.vector_load %arg7[%swap3A_481, %swap3A_482] {strides = array<i32>} : memref<24x834xf32, #tpu.memory_space<vmem>>, vector<16xf32>,
        tpu.vector_store %arg7[%swap3A_481, %swap3A_482], %gather3A_431 {strides = array<i32>} : memref<24x834xf32, #tpu.memory_space<vmem>>, vector<16xf32>,
        %swap3A_484 = arith.index_cast %scan3A_219 : i32 to index
        %swap3A_485 = arith.constant 480 : index
        %swap3A_486 = tpu.vector_load %arg7[%swap3A_484, %swap3A_485] {strides = array<i32>} : memref<24x834xf32, #tpu.memory_space<vmem>>, vector<16xf32>,
        tpu.vector_store %arg7[%swap3A_484, %swap3A_485], %gather3A_437 {strides = array<i32>} : memref<24x834xf32, #tpu.memory_space<vmem>>, vector<16xf32>,
        %swap3A_487 = arith.index_cast %scan3A_219 : i32 to index
        %swap3A_488 = arith.constant 496 : index
        %swap3A_489 = tpu.vector_load %arg7[%swap3A_487, %swap3A_488] {strides = array<i32>} : memref<24x834xf32, #tpu.memory_space<vmem>>, vector<16xf32>,
        tpu.vector_store %arg7[%swap3A_487, %swap3A_488], %gather3A_441 {strides = array<i32>} : memref<24x834xf32, #tpu.memory_space<vmem>>, vector<16xf32>,
        %broadcast_in_dim3A_490 = arith.constant 7 : i32
        %broadcast_in_dim3A_491 = vector.broadcast %broadcast_in_dim3A_490 : i32 to vector<16x1xi32>
        %gather3A_492 = vector.shape_cast %broadcast_in_dim3A_491 : vector<16x1xi32> to vector<16xi32>
        %gather3A_493 = tpu.dynamic_gather %mul3A_236[%gather3A_492] in [0] : vector<16xi32>, vector<16xi32> -> vector<16xi32>
        %add3A_494 = arith.addi %gather3A_493, %iota3A : vector<16xi32>
        %gather3A_495 = tpu.vector_load_idx %arg5[%add3A_494] : memref<8192xf32, #tpu.memory_space<vmem>>[vector<16xi32>], vector<16xf32>,
        %add3A_496 = arith.constant 16 : i32
        %add3A_497 = vector.broadcast %add3A_496 : i32 to vector<16xi32>
        %add3A_498 = arith.addi %add3A_494, %add3A_497 : vector<16xi32>
        %gather3A_499 = tpu.vector_load_idx %arg5[%add3A_498] : memref<8192xf32, #tpu.memory_space<vmem>>[vector<16xi32>], vector<16xf32>,
        %broadcast_in_dim3A_500 = arith.constant 8 : i32
        %broadcast_in_dim3A_501 = vector.broadcast %broadcast_in_dim3A_500 : i32 to vector<16x1xi32>
        %gather3A_502 = vector.shape_cast %broadcast_in_dim3A_501 : vector<16x1xi32> to vector<16xi32>
        %gather3A_503 = tpu.dynamic_gather %mul3A_236[%gather3A_502] in [0] : vector<16xi32>, vector<16xi32> -> vector<16xi32>
        %add3A_504 = arith.addi %gather3A_503, %iota3A : vector<16xi32>
        %gather3A_505 = tpu.vector_load_idx %arg5[%add3A_504] : memref<8192xf32, #tpu.memory_space<vmem>>[vector<16xi32>], vector<16xf32>,
        %add3A_506 = arith.constant 16 : i32
        %add3A_507 = vector.broadcast %add3A_506 : i32 to vector<16xi32>
        %add3A_508 = arith.addi %add3A_504, %add3A_507 : vector<16xi32>
        %gather3A_509 = tpu.vector_load_idx %arg5[%add3A_508] : memref<8192xf32, #tpu.memory_space<vmem>>[vector<16xi32>], vector<16xf32>,
        %broadcast_in_dim3A_510 = arith.constant 9 : i32
        %broadcast_in_dim3A_511 = vector.broadcast %broadcast_in_dim3A_510 : i32 to vector<16x1xi32>
        %gather3A_512 = vector.shape_cast %broadcast_in_dim3A_511 : vector<16x1xi32> to vector<16xi32>
        %gather3A_513 = tpu.dynamic_gather %mul3A_236[%gather3A_512] in [0] : vector<16xi32>, vector<16xi32> -> vector<16xi32>
        %add3A_514 = arith.addi %gather3A_513, %iota3A : vector<16xi32>
        %gather3A_515 = tpu.vector_load_idx %arg5[%add3A_514] : memref<8192xf32, #tpu.memory_space<vmem>>[vector<16xi32>], vector<16xf32>,
        %add3A_516 = arith.constant 16 : i32
        %add3A_517 = vector.broadcast %add3A_516 : i32 to vector<16xi32>
        %add3A_518 = arith.addi %add3A_514, %add3A_517 : vector<16xi32>
        %gather3A_519 = tpu.vector_load_idx %arg5[%add3A_518] : memref<8192xf32, #tpu.memory_space<vmem>>[vector<16xi32>], vector<16xf32>,
        %broadcast_in_dim3A_520 = arith.constant 10 : i32
        %broadcast_in_dim3A_521 = vector.broadcast %broadcast_in_dim3A_520 : i32 to vector<16x1xi32>
        %gather3A_522 = vector.shape_cast %broadcast_in_dim3A_521 : vector<16x1xi32> to vector<16xi32>
        %gather3A_523 = tpu.dynamic_gather %mul3A_236[%gather3A_522] in [0] : vector<16xi32>, vector<16xi32> -> vector<16xi32>
        %add3A_524 = arith.addi %gather3A_523, %iota3A : vector<16xi32>
        %gather3A_525 = tpu.vector_load_idx %arg5[%add3A_524] : memref<8192xf32, #tpu.memory_space<vmem>>[vector<16xi32>], vector<16xf32>,
        %add3A_526 = arith.constant 16 : i32
        %add3A_527 = vector.broadcast %add3A_526 : i32 to vector<16xi32>
        %add3A_528 = arith.addi %add3A_524, %add3A_527 : vector<16xi32>
        %gather3A_529 = tpu.vector_load_idx %arg5[%add3A_528] : memref<8192xf32, #tpu.memory_space<vmem>>[vector<16xi32>], vector<16xf32>,
        %broadcast_in_dim3A_530 = arith.constant 11 : i32
        %broadcast_in_dim3A_531 = vector.broadcast %broadcast_in_dim3A_530 : i32 to vector<16x1xi32>
        %gather3A_532 = vector.shape_cast %broadcast_in_dim3A_531 : vector<16x1xi32> to vector<16xi32>
        %gather3A_533 = tpu.dynamic_gather %mul3A_236[%gather3A_532] in [0] : vector<16xi32>, vector<16xi32> -> vector<16xi32>
        %add3A_534 = arith.addi %gather3A_533, %iota3A : vector<16xi32>
        %gather3A_535 = tpu.vector_load_idx %arg5[%add3A_534] : memref<8192xf32, #tpu.memory_space<vmem>>[vector<16xi32>], vector<16xf32>,
        %add3A_536 = arith.constant 16 : i32
        %add3A_537 = vector.broadcast %add3A_536 : i32 to vector<16xi32>
        %add3A_538 = arith.addi %add3A_534, %add3A_537 : vector<16xi32>
        %gather3A_539 = tpu.vector_load_idx %arg5[%add3A_538] : memref<8192xf32, #tpu.memory_space<vmem>>[vector<16xi32>], vector<16xf32>,
        %broadcast_in_dim3A_540 = arith.constant 12 : i32
        %broadcast_in_dim3A_541 = vector.broadcast %broadcast_in_dim3A_540 : i32 to vector<16x1xi32>
        %gather3A_542 = vector.shape_cast %broadcast_in_dim3A_541 : vector<16x1xi32> to vector<16xi32>
        %gather3A_543 = tpu.dynamic_gather %mul3A_236[%gather3A_542] in [0] : vector<16xi32>, vector<16xi32> -> vector<16xi32>
        %add3A_544 = arith.addi %gather3A_543, %iota3A : vector<16xi32>
        %gather3A_545 = tpu.vector_load_idx %arg5[%add3A_544] : memref<8192xf32, #tpu.memory_space<vmem>>[vector<16xi32>], vector<16xf32>,
        %add3A_546 = arith.constant 16 : i32
        %add3A_547 = vector.broadcast %add3A_546 : i32 to vector<16xi32>
        %add3A_548 = arith.addi %add3A_544, %add3A_547 : vector<16xi32>
        %gather3A_549 = tpu.vector_load_idx %arg5[%add3A_548] : memref<8192xf32, #tpu.memory_space<vmem>>[vector<16xi32>], vector<16xf32>,
        %broadcast_in_dim3A_550 = arith.constant 13 : i32
        %broadcast_in_dim3A_551 = vector.broadcast %broadcast_in_dim3A_550 : i32 to vector<16x1xi32>
        %gather3A_552 = vector.shape_cast %broadcast_in_dim3A_551 : vector<16x1xi32> to vector<16xi32>
        %gather3A_553 = tpu.dynamic_gather %mul3A_236[%gather3A_552] in [0] : vector<16xi32>, vector<16xi32> -> vector<16xi32>
        %add3A_554 = arith.addi %gather3A_553, %iota3A : vector<16xi32>
        %gather3A_555 = tpu.vector_load_idx %arg5[%add3A_554] : memref<8192xf32, #tpu.memory_space<vmem>>[vector<16xi32>], vector<16xf32>,
        %add3A_556 = arith.constant 16 : i32
        %add3A_557 = vector.broadcast %add3A_556 : i32 to vector<16xi32>
        %add3A_558 = arith.addi %add3A_554, %add3A_557 : vector<16xi32>
        %gather3A_559 = tpu.vector_load_idx %arg5[%add3A_558] : memref<8192xf32, #tpu.memory_space<vmem>>[vector<16xi32>], vector<16xf32>,
        %broadcast_in_dim3A_560 = arith.constant 14 : i32
        %broadcast_in_dim3A_561 = vector.broadcast %broadcast_in_dim3A_560 : i32 to vector<16x1xi32>
        %gather3A_562 = vector.shape_cast %broadcast_in_dim3A_561 : vector<16x1xi32> to vector<16xi32>
        %gather3A_563 = tpu.dynamic_gather %mul3A_236[%gather3A_562] in [0] : vector<16xi32>, vector<16xi32> -> vector<16xi32>
        %add3A_564 = arith.addi %gather3A_563, %iota3A : vector<16xi32>
        %gather3A_565 = tpu.vector_load_idx %arg5[%add3A_564] : memref<8192xf32, #tpu.memory_space<vmem>>[vector<16xi32>], vector<16xf32>,
        %add3A_566 = arith.constant 16 : i32
        %add3A_567 = vector.broadcast %add3A_566 : i32 to vector<16xi32>
        %add3A_568 = arith.addi %add3A_564, %add3A_567 : vector<16xi32>
        %gather3A_569 = tpu.vector_load_idx %arg5[%add3A_568] : memref<8192xf32, #tpu.memory_space<vmem>>[vector<16xi32>], vector<16xf32>,
        %swap3A_570 = arith.index_cast %scan3A_219 : i32 to index
        %swap3A_571 = arith.constant 512 : index
        %swap3A_572 = tpu.vector_load %arg7[%swap3A_570, %swap3A_571] {strides = array<i32>} : memref<24x834xf32, #tpu.memory_space<vmem>>, vector<16xf32>,
        tpu.vector_store %arg7[%swap3A_570, %swap3A_571], %gather3A_495 {strides = array<i32>} : memref<24x834xf32, #tpu.memory_space<vmem>>, vector<16xf32>,
        %swap3A_573 = arith.index_cast %scan3A_219 : i32 to index
        %swap3A_574 = arith.constant 528 : index
        %swap3A_575 = tpu.vector_load %arg7[%swap3A_573, %swap3A_574] {strides = array<i32>} : memref<24x834xf32, #tpu.memory_space<vmem>>, vector<16xf32>,
        tpu.vector_store %arg7[%swap3A_573, %swap3A_574], %gather3A_499 {strides = array<i32>} : memref<24x834xf32, #tpu.memory_space<vmem>>, vector<16xf32>,
        %swap3A_576 = arith.index_cast %scan3A_219 : i32 to index
        %swap3A_577 = arith.constant 544 : index
        %swap3A_578 = tpu.vector_load %arg7[%swap3A_576, %swap3A_577] {strides = array<i32>} : memref<24x834xf32, #tpu.memory_space<vmem>>, vector<16xf32>,
        tpu.vector_store %arg7[%swap3A_576, %swap3A_577], %gather3A_505 {strides = array<i32>} : memref<24x834xf32, #tpu.memory_space<vmem>>, vector<16xf32>,
        %swap3A_579 = arith.index_cast %scan3A_219 : i32 to index
        %swap3A_580 = arith.constant 560 : index
        %swap3A_581 = tpu.vector_load %arg7[%swap3A_579, %swap3A_580] {strides = array<i32>} : memref<24x834xf32, #tpu.memory_space<vmem>>, vector<16xf32>,
        tpu.vector_store %arg7[%swap3A_579, %swap3A_580], %gather3A_509 {strides = array<i32>} : memref<24x834xf32, #tpu.memory_space<vmem>>, vector<16xf32>,
        %swap3A_582 = arith.index_cast %scan3A_219 : i32 to index
        %swap3A_583 = arith.constant 576 : index
        %swap3A_584 = tpu.vector_load %arg7[%swap3A_582, %swap3A_583] {strides = array<i32>} : memref<24x834xf32, #tpu.memory_space<vmem>>, vector<16xf32>,
        tpu.vector_store %arg7[%swap3A_582, %swap3A_583], %gather3A_515 {strides = array<i32>} : memref<24x834xf32, #tpu.memory_space<vmem>>, vector<16xf32>,
        %swap3A_585 = arith.index_cast %scan3A_219 : i32 to index
        %swap3A_586 = arith.constant 592 : index
        %swap3A_587 = tpu.vector_load %arg7[%swap3A_585, %swap3A_586] {strides = array<i32>} : memref<24x834xf32, #tpu.memory_space<vmem>>, vector<16xf32>,
        tpu.vector_store %arg7[%swap3A_585, %swap3A_586], %gather3A_519 {strides = array<i32>} : memref<24x834xf32, #tpu.memory_space<vmem>>, vector<16xf32>,
        %swap3A_588 = arith.index_cast %scan3A_219 : i32 to index
        %swap3A_589 = arith.constant 608 : index
        %swap3A_590 = tpu.vector_load %arg7[%swap3A_588, %swap3A_589] {strides = array<i32>} : memref<24x834xf32, #tpu.memory_space<vmem>>, vector<16xf32>,
        tpu.vector_store %arg7[%swap3A_588, %swap3A_589], %gather3A_525 {strides = array<i32>} : memref<24x834xf32, #tpu.memory_space<vmem>>, vector<16xf32>,
        %swap3A_591 = arith.index_cast %scan3A_219 : i32 to index
        %swap3A_592 = arith.constant 624 : index
        %swap3A_593 = tpu.vector_load %arg7[%swap3A_591, %swap3A_592] {strides = array<i32>} : memref<24x834xf32, #tpu.memory_space<vmem>>, vector<16xf32>,
        tpu.vector_store %arg7[%swap3A_591, %swap3A_592], %gather3A_529 {strides = array<i32>} : memref<24x834xf32, #tpu.memory_space<vmem>>, vector<16xf32>,
        %swap3A_594 = arith.index_cast %scan3A_219 : i32 to index
        %swap3A_595 = arith.constant 640 : index
        %swap3A_596 = tpu.vector_load %arg7[%swap3A_594, %swap3A_595] {strides = array<i32>} : memref<24x834xf32, #tpu.memory_space<vmem>>, vector<16xf32>,
        tpu.vector_store %arg7[%swap3A_594, %swap3A_595], %gather3A_535 {strides = array<i32>} : memref<24x834xf32, #tpu.memory_space<vmem>>, vector<16xf32>,
        %swap3A_597 = arith.index_cast %scan3A_219 : i32 to index
        %swap3A_598 = arith.constant 656 : index
        %swap3A_599 = tpu.vector_load %arg7[%swap3A_597, %swap3A_598] {strides = array<i32>} : memref<24x834xf32, #tpu.memory_space<vmem>>, vector<16xf32>,
        tpu.vector_store %arg7[%swap3A_597, %swap3A_598], %gather3A_539 {strides = array<i32>} : memref<24x834xf32, #tpu.memory_space<vmem>>, vector<16xf32>,
        %swap3A_600 = arith.index_cast %scan3A_219 : i32 to index
        %swap3A_601 = arith.constant 672 : index
        %swap3A_602 = tpu.vector_load %arg7[%swap3A_600, %swap3A_601] {strides = array<i32>} : memref<24x834xf32, #tpu.memory_space<vmem>>, vector<16xf32>,
        tpu.vector_store %arg7[%swap3A_600, %swap3A_601], %gather3A_545 {strides = array<i32>} : memref<24x834xf32, #tpu.memory_space<vmem>>, vector<16xf32>,
        %swap3A_603 = arith.index_cast %scan3A_219 : i32 to index
        %swap3A_604 = arith.constant 688 : index
        %swap3A_605 = tpu.vector_load %arg7[%swap3A_603, %swap3A_604] {strides = array<i32>} : memref<24x834xf32, #tpu.memory_space<vmem>>, vector<16xf32>,
        tpu.vector_store %arg7[%swap3A_603, %swap3A_604], %gather3A_549 {strides = array<i32>} : memref<24x834xf32, #tpu.memory_space<vmem>>, vector<16xf32>,
        %swap3A_606 = arith.index_cast %scan3A_219 : i32 to index
        %swap3A_607 = arith.constant 704 : index
        %swap3A_608 = tpu.vector_load %arg7[%swap3A_606, %swap3A_607] {strides = array<i32>} : memref<24x834xf32, #tpu.memory_space<vmem>>, vector<16xf32>,
        tpu.vector_store %arg7[%swap3A_606, %swap3A_607], %gather3A_555 {strides = array<i32>} : memref<24x834xf32, #tpu.memory_space<vmem>>, vector<16xf32>,
        %swap3A_609 = arith.index_cast %scan3A_219 : i32 to index
        %swap3A_610 = arith.constant 720 : index
        %swap3A_611 = tpu.vector_load %arg7[%swap3A_609, %swap3A_610] {strides = array<i32>} : memref<24x834xf32, #tpu.memory_space<vmem>>, vector<16xf32>,
        tpu.vector_store %arg7[%swap3A_609, %swap3A_610], %gather3A_559 {strides = array<i32>} : memref<24x834xf32, #tpu.memory_space<vmem>>, vector<16xf32>,
        %swap3A_612 = arith.index_cast %scan3A_219 : i32 to index
        %swap3A_613 = arith.constant 736 : index
        %swap3A_614 = tpu.vector_load %arg7[%swap3A_612, %swap3A_613] {strides = array<i32>} : memref<24x834xf32, #tpu.memory_space<vmem>>, vector<16xf32>,
        tpu.vector_store %arg7[%swap3A_612, %swap3A_613], %gather3A_565 {strides = array<i32>} : memref<24x834xf32, #tpu.memory_space<vmem>>, vector<16xf32>,
        %swap3A_615 = arith.index_cast %scan3A_219 : i32 to index
        %swap3A_616 = arith.constant 752 : index
        %swap3A_617 = tpu.vector_load %arg7[%swap3A_615, %swap3A_616] {strides = array<i32>} : memref<24x834xf32, #tpu.memory_space<vmem>>, vector<16xf32>,
        tpu.vector_store %arg7[%swap3A_615, %swap3A_616], %gather3A_569 {strides = array<i32>} : memref<24x834xf32, #tpu.memory_space<vmem>>, vector<16xf32>,
        %broadcast_in_dim3A_618 = arith.constant 15 : i32
        %broadcast_in_dim3A_619 = vector.broadcast %broadcast_in_dim3A_618 : i32 to vector<16x1xi32>
        %gather3A_620 = vector.shape_cast %broadcast_in_dim3A_619 : vector<16x1xi32> to vector<16xi32>
        %gather3A_621 = tpu.dynamic_gather %mul3A_236[%gather3A_620] in [0] : vector<16xi32>, vector<16xi32> -> vector<16xi32>
        %add3A_622 = arith.addi %gather3A_621, %iota3A : vector<16xi32>
        %gather3A_623 = tpu.vector_load_idx %arg5[%add3A_622] : memref<8192xf32, #tpu.memory_space<vmem>>[vector<16xi32>], vector<16xf32>,
        %add3A_624 = arith.constant 16 : i32
        %add3A_625 = vector.broadcast %add3A_624 : i32 to vector<16xi32>
        %add3A_626 = arith.addi %add3A_622, %add3A_625 : vector<16xi32>
        %gather3A_627 = tpu.vector_load_idx %arg5[%add3A_626] : memref<8192xf32, #tpu.memory_space<vmem>>[vector<16xi32>], vector<16xf32>,
        %swap3A_628 = arith.index_cast %scan3A_219 : i32 to index
        %swap3A_629 = arith.constant 768 : index
        %swap3A_630 = tpu.vector_load %arg7[%swap3A_628, %swap3A_629] {strides = array<i32>} : memref<24x834xf32, #tpu.memory_space<vmem>>, vector<16xf32>,
        tpu.vector_store %arg7[%swap3A_628, %swap3A_629], %gather3A_623 {strides = array<i32>} : memref<24x834xf32, #tpu.memory_space<vmem>>, vector<16xf32>,
        %swap3A_631 = arith.index_cast %scan3A_219 : i32 to index
        %swap3A_632 = arith.constant 784 : index
        %swap3A_633 = tpu.vector_load %arg7[%swap3A_631, %swap3A_632] {strides = array<i32>} : memref<24x834xf32, #tpu.memory_space<vmem>>, vector<16xf32>,
        tpu.vector_store %arg7[%swap3A_631, %swap3A_632], %gather3A_627 {strides = array<i32>} : memref<24x834xf32, #tpu.memory_space<vmem>>, vector<16xf32>,
        %add3A_634 = arith.constant 100 : i32
        %add3A_635 = arith.addi %add3A_634, %scan3A_219 : i32
        %get3A_636 = arith.index_cast %add3A_635 : i32 to index
        %get3A_637 = arith.constant 25 : index
        %get3A_638 = tpu.vector_load %arg6[%get3A_636, %get3A_637] {strides = array<i32>} : memref<200x64xf32, #tpu.memory_space<vmem>>, vector<16xf32>,
        %swap3A_639 = arith.index_cast %scan3A_219 : i32 to index
        %swap3A_640 = arith.constant 800 : index
        %swap3A_641 = tpu.vector_load %arg7[%swap3A_639, %swap3A_640] {strides = array<i32>} : memref<24x834xf32, #tpu.memory_space<vmem>>, vector<16xf32>,
        tpu.vector_store %arg7[%swap3A_639, %swap3A_640], %get3A_638 {strides = array<i32>} : memref<24x834xf32, #tpu.memory_space<vmem>>, vector<16xf32>,
        %add3A_642 = arith.constant 100 : i32
        %add3A_643 = arith.addi %add3A_642, %scan3A_219 : i32
        %get3A_644 = arith.index_cast %add3A_643 : i32 to index
        %get3A_645 = arith.constant 41 : index
        %get3A_646 = tpu.vector_load %arg6[%get3A_644, %get3A_645] {strides = array<i32>} : memref<200x64xf32, #tpu.memory_space<vmem>>, vector<16xf32>,
        %swap3A_647 = arith.index_cast %scan3A_219 : i32 to index
        %swap3A_648 = arith.constant 816 : index
        %swap3A_649 = tpu.vector_load %arg7[%swap3A_647, %swap3A_648] {strides = array<i32>} : memref<24x834xf32, #tpu.memory_space<vmem>>, vector<16xf32>,
        tpu.vector_store %arg7[%swap3A_647, %swap3A_648], %get3A_646 {strides = array<i32>} : memref<24x834xf32, #tpu.memory_space<vmem>>, vector<16xf32>,
        %add3A_650 = arith.constant 100 : i32
        %add3A_651 = arith.addi %add3A_650, %scan3A_219 : i32
        %get3A_652 = arith.index_cast %add3A_651 : i32 to index
        %get3A_653 = arith.constant 43 : index
        %get3A_654 = tpu.vector_load %arg6[%get3A_652, %get3A_653] {strides = array<i32>} : memref<200x64xf32, #tpu.memory_space<vmem>>, vector<16xf32>,
        %swap3A_655 = arith.index_cast %scan3A_219 : i32 to index
        %swap3A_656 = arith.constant 818 : index
        %swap3A_657 = tpu.vector_load %arg7[%swap3A_655, %swap3A_656] {strides = array<i32>} : memref<24x834xf32, #tpu.memory_space<vmem>>, vector<16xf32>,
        tpu.vector_store %arg7[%swap3A_655, %swap3A_656], %get3A_654 {strides = array<i32>} : memref<24x834xf32, #tpu.memory_space<vmem>>, vector<16xf32>,
      }
      %scan3A_139 = arith.constant 24 : i32
      %dma_start3A_140 = arith.constant 0 : i32
      %dma_start3A_141 = arith.constant 0 : i32
      %dma_start3A_142 = tpu.memref_slice %arg4[%add3A_125, %dma_start3A_140, %dma_start3A_141] : memref<1024x50x834xf32, #tpu.memory_space<hbm>> -> memref<1x24x834xf32, #tpu.memory_space<hbm>>
      %dma_start3A_143 = tpu.memref_squeeze %dma_start3A_142 : memref<1x24x834xf32, #tpu.memory_space<hbm>> -> memref<24x834xf32, #tpu.memory_space<hbm>>
      %dma_start3A_144 = arith.constant 0 : i32
      %dma_start3A_145 = arith.constant 0 : i32
      %dma_start3A_146 = tpu.memref_slice %arg4[%add3A_125, %dma_start3A_144, %dma_start3A_145] : memref<1024x50x834xf32, #tpu.memory_space<hbm>> -> memref<1x24x834xf32, #tpu.memory_space<hbm>>
      %dma_start3A_147 = tpu.memref_squeeze %dma_start3A_146 : memref<1x24x834xf32, #tpu.memory_space<hbm>> -> memref<24x834xf32, #tpu.memory_space<hbm>>
      tpu.enqueue_dma source(%arg7 : memref<24x834xf32, #tpu.memory_space<vmem>>) target(%dma_start3A_147 : memref<24x834xf32, #tpu.memory_space<hbm>>) target_semaphore(%arg9 : memref<!tpu.dma_semaphore, #tpu.memory_space<semaphore_mem>>)
      %dma_wait3A_148 = arith.constant 24 : i32
      %dma_wait3A_149 = arith.constant 0 : i32
      %dma_wait3A_150 = tpu.memref_slice %arg4[%add3A_125, %dma_wait3A_148, %dma_wait3A_149] : memref<1024x50x834xf32, #tpu.memory_space<hbm>> -> memref<1x26x834xf32, #tpu.memory_space<hbm>>
      %dma_wait3A_151 = tpu.memref_squeeze %dma_wait3A_150 : memref<1x26x834xf32, #tpu.memory_space<hbm>> -> memref<26x834xf32, #tpu.memory_space<hbm>>
      %dma_wait3A_152 = arith.constant 24 : i32
      %dma_wait3A_153 = arith.constant 0 : i32
      %dma_wait3A_154 = tpu.memref_slice %arg4[%add3A_125, %dma_wait3A_152, %dma_wait3A_153] : memref<1024x50x834xf32, #tpu.memory_space<hbm>> -> memref<1x26x834xf32, #tpu.memory_space<hbm>>
      %dma_wait3A_155 = tpu.memref_squeeze %dma_wait3A_154 : memref<1x26x834xf32, #tpu.memory_space<hbm>> -> memref<26x834xf32, #tpu.memory_space<hbm>>
      tpu.wait_dma2 semaphore(%arg10 : memref<!tpu.dma_semaphore, #tpu.memory_space<semaphore_mem>>) src(%arg8 : memref<26x834xf32, #tpu.memory_space<vmem>>) dst(%dma_wait3A_155 : memref<26x834xf32, #tpu.memory_space<hbm>>)
      %scan3A_156 = arith.constant 0 : i32
      %scan3A_157 = arith.constant 0 : i32
      %scan3A_158 = arith.constant 26 : i32
      %scan3A_159 = arith.addi %scan3A_157, %scan3A_158 : i32
      %scan3A_160 = arith.constant 1 : i32
      scf.for %scan3A_219 = %scan3A_157 to %scan3A_159 step %scan3A_160  : i32 {
        %add3A_220 = arith.constant 124 : i32
        %add3A_221 = arith.addi %add3A_220, %scan3A_219 : i32
        %get3A = arith.index_cast %add3A_221 : i32 to index
        %get3A_222 = arith.constant 0 : index
        %get3A_223 = tpu.vector_load %arg6[%get3A, %get3A_222] {strides = array<i32>} : memref<200x64xf32, #tpu.memory_space<vmem>>, vector<16xf32>,
        %convert_element_type3A_224 = arith.fptosi %get3A_223 : vector<16xf32> to vector<16xi32>
        %mul3A_225 = arith.constant 32 : i32
        %mul3A_226 = vector.broadcast %mul3A_225 : i32 to vector<16xi32>
        %mul3A_227 = arith.muli %convert_element_type3A_224, %mul3A_226 : vector<16xi32>
        %add3A_228 = arith.constant 124 : i32
        %add3A_229 = arith.addi %add3A_228, %scan3A_219 : i32
        %get3A_230 = arith.index_cast %add3A_229 : i32 to index
        %get3A_231 = arith.constant 9 : index
        %get3A_232 = tpu.vector_load %arg6[%get3A_230, %get3A_231] {strides = array<i32>} : memref<200x64xf32, #tpu.memory_space<vmem>>, vector<16xf32>,
        %convert_element_type3A_233 = arith.fptosi %get3A_232 : vector<16xf32> to vector<16xi32>
        %mul3A_234 = arith.constant 32 : i32
        %mul3A_235 = vector.broadcast %mul3A_234 : i32 to vector<16xi32>
        %mul3A_236 = arith.muli %convert_element_type3A_233, %mul3A_235 : vector<16xi32>
        %broadcast_in_dim3A = arith.constant 0 : i32
        %broadcast_in_dim3A_237 = vector.broadcast %broadcast_in_dim3A : i32 to vector<16x1xi32>
        %gather3A = vector.shape_cast %broadcast_in_dim3A_237 : vector<16x1xi32> to vector<16xi32>
        %gather3A_238 = tpu.dynamic_gather %mul3A_227[%gather3A] in [0] : vector<16xi32>, vector<16xi32> -> vector<16xi32>
        %add3A_239 = arith.addi %gather3A_238, %iota3A : vector<16xi32>
        %gather3A_240 = tpu.vector_load_idx %arg5[%add3A_239] : memref<8192xf32, #tpu.memory_space<vmem>>[vector<16xi32>], vector<16xf32>,
        %add3A_241 = arith.constant 16 : i32
        %add3A_242 = vector.broadcast %add3A_241 : i32 to vector<16xi32>
        %add3A_243 = arith.addi %add3A_239, %add3A_242 : vector<16xi32>
        %gather3A_244 = tpu.vector_load_idx %arg5[%add3A_243] : memref<8192xf32, #tpu.memory_space<vmem>>[vector<16xi32>], vector<16xf32>,
        %broadcast_in_dim3A_245 = arith.constant 1 : i32
        %broadcast_in_dim3A_246 = vector.broadcast %broadcast_in_dim3A_245 : i32 to vector<16x1xi32>
        %gather3A_247 = vector.shape_cast %broadcast_in_dim3A_246 : vector<16x1xi32> to vector<16xi32>
        %gather3A_248 = tpu.dynamic_gather %mul3A_227[%gather3A_247] in [0] : vector<16xi32>, vector<16xi32> -> vector<16xi32>
        %add3A_249 = arith.addi %gather3A_248, %iota3A : vector<16xi32>
        %gather3A_250 = tpu.vector_load_idx %arg5[%add3A_249] : memref<8192xf32, #tpu.memory_space<vmem>>[vector<16xi32>], vector<16xf32>,
        %add3A_251 = arith.constant 16 : i32
        %add3A_252 = vector.broadcast %add3A_251 : i32 to vector<16xi32>
        %add3A_253 = arith.addi %add3A_249, %add3A_252 : vector<16xi32>
        %gather3A_254 = tpu.vector_load_idx %arg5[%add3A_253] : memref<8192xf32, #tpu.memory_space<vmem>>[vector<16xi32>], vector<16xf32>,
        %broadcast_in_dim3A_255 = arith.constant 2 : i32
        %broadcast_in_dim3A_256 = vector.broadcast %broadcast_in_dim3A_255 : i32 to vector<16x1xi32>
        %gather3A_257 = vector.shape_cast %broadcast_in_dim3A_256 : vector<16x1xi32> to vector<16xi32>
        %gather3A_258 = tpu.dynamic_gather %mul3A_227[%gather3A_257] in [0] : vector<16xi32>, vector<16xi32> -> vector<16xi32>
        %add3A_259 = arith.addi %gather3A_258, %iota3A : vector<16xi32>
        %gather3A_260 = tpu.vector_load_idx %arg5[%add3A_259] : memref<8192xf32, #tpu.memory_space<vmem>>[vector<16xi32>], vector<16xf32>,
        %add3A_261 = arith.constant 16 : i32
        %add3A_262 = vector.broadcast %add3A_261 : i32 to vector<16xi32>
        %add3A_263 = arith.addi %add3A_259, %add3A_262 : vector<16xi32>
        %gather3A_264 = tpu.vector_load_idx %arg5[%add3A_263] : memref<8192xf32, #tpu.memory_space<vmem>>[vector<16xi32>], vector<16xf32>,
        %broadcast_in_dim3A_265 = arith.constant 3 : i32
        %broadcast_in_dim3A_266 = vector.broadcast %broadcast_in_dim3A_265 : i32 to vector<16x1xi32>
        %gather3A_267 = vector.shape_cast %broadcast_in_dim3A_266 : vector<16x1xi32> to vector<16xi32>
        %gather3A_268 = tpu.dynamic_gather %mul3A_227[%gather3A_267] in [0] : vector<16xi32>, vector<16xi32> -> vector<16xi32>
        %add3A_269 = arith.addi %gather3A_268, %iota3A : vector<16xi32>
        %gather3A_270 = tpu.vector_load_idx %arg5[%add3A_269] : memref<8192xf32, #tpu.memory_space<vmem>>[vector<16xi32>], vector<16xf32>,
        %add3A_271 = arith.constant 16 : i32
        %add3A_272 = vector.broadcast %add3A_271 : i32 to vector<16xi32>
        %add3A_273 = arith.addi %add3A_269, %add3A_272 : vector<16xi32>
        %gather3A_274 = tpu.vector_load_idx %arg5[%add3A_273] : memref<8192xf32, #tpu.memory_space<vmem>>[vector<16xi32>], vector<16xf32>,
        %broadcast_in_dim3A_275 = arith.constant 4 : i32
        %broadcast_in_dim3A_276 = vector.broadcast %broadcast_in_dim3A_275 : i32 to vector<16x1xi32>
        %gather3A_277 = vector.shape_cast %broadcast_in_dim3A_276 : vector<16x1xi32> to vector<16xi32>
        %gather3A_278 = tpu.dynamic_gather %mul3A_227[%gather3A_277] in [0] : vector<16xi32>, vector<16xi32> -> vector<16xi32>
        %add3A_279 = arith.addi %gather3A_278, %iota3A : vector<16xi32>
        %gather3A_280 = tpu.vector_load_idx %arg5[%add3A_279] : memref<8192xf32, #tpu.memory_space<vmem>>[vector<16xi32>], vector<16xf32>,
        %add3A_281 = arith.constant 16 : i32
        %add3A_282 = vector.broadcast %add3A_281 : i32 to vector<16xi32>
        %add3A_283 = arith.addi %add3A_279, %add3A_282 : vector<16xi32>
        %gather3A_284 = tpu.vector_load_idx %arg5[%add3A_283] : memref<8192xf32, #tpu.memory_space<vmem>>[vector<16xi32>], vector<16xf32>,
        %broadcast_in_dim3A_285 = arith.constant 5 : i32
        %broadcast_in_dim3A_286 = vector.broadcast %broadcast_in_dim3A_285 : i32 to vector<16x1xi32>
        %gather3A_287 = vector.shape_cast %broadcast_in_dim3A_286 : vector<16x1xi32> to vector<16xi32>
        %gather3A_288 = tpu.dynamic_gather %mul3A_227[%gather3A_287] in [0] : vector<16xi32>, vector<16xi32> -> vector<16xi32>
        %add3A_289 = arith.addi %gather3A_288, %iota3A : vector<16xi32>
        %gather3A_290 = tpu.vector_load_idx %arg5[%add3A_289] : memref<8192xf32, #tpu.memory_space<vmem>>[vector<16xi32>], vector<16xf32>,
        %add3A_291 = arith.constant 16 : i32
        %add3A_292 = vector.broadcast %add3A_291 : i32 to vector<16xi32>
        %add3A_293 = arith.addi %add3A_289, %add3A_292 : vector<16xi32>
        %gather3A_294 = tpu.vector_load_idx %arg5[%add3A_293] : memref<8192xf32, #tpu.memory_space<vmem>>[vector<16xi32>], vector<16xf32>,
        %broadcast_in_dim3A_295 = arith.constant 6 : i32
        %broadcast_in_dim3A_296 = vector.broadcast %broadcast_in_dim3A_295 : i32 to vector<16x1xi32>
        %gather3A_297 = vector.shape_cast %broadcast_in_dim3A_296 : vector<16x1xi32> to vector<16xi32>
        %gather3A_298 = tpu.dynamic_gather %mul3A_227[%gather3A_297] in [0] : vector<16xi32>, vector<16xi32> -> vector<16xi32>
        %add3A_299 = arith.addi %gather3A_298, %iota3A : vector<16xi32>
        %gather3A_300 = tpu.vector_load_idx %arg5[%add3A_299] : memref<8192xf32, #tpu.memory_space<vmem>>[vector<16xi32>], vector<16xf32>,
        %add3A_301 = arith.constant 16 : i32
        %add3A_302 = vector.broadcast %add3A_301 : i32 to vector<16xi32>
        %add3A_303 = arith.addi %add3A_299, %add3A_302 : vector<16xi32>
        %gather3A_304 = tpu.vector_load_idx %arg5[%add3A_303] : memref<8192xf32, #tpu.memory_space<vmem>>[vector<16xi32>], vector<16xf32>,
        %broadcast_in_dim3A_305 = arith.constant 7 : i32
        %broadcast_in_dim3A_306 = vector.broadcast %broadcast_in_dim3A_305 : i32 to vector<16x1xi32>
        %gather3A_307 = vector.shape_cast %broadcast_in_dim3A_306 : vector<16x1xi32> to vector<16xi32>
        %gather3A_308 = tpu.dynamic_gather %mul3A_227[%gather3A_307] in [0] : vector<16xi32>, vector<16xi32> -> vector<16xi32>
        %add3A_309 = arith.addi %gather3A_308, %iota3A : vector<16xi32>
        %gather3A_310 = tpu.vector_load_idx %arg5[%add3A_309] : memref<8192xf32, #tpu.memory_space<vmem>>[vector<16xi32>], vector<16xf32>,
        %add3A_311 = arith.constant 16 : i32
        %add3A_312 = vector.broadcast %add3A_311 : i32 to vector<16xi32>
        %add3A_313 = arith.addi %add3A_309, %add3A_312 : vector<16xi32>
        %gather3A_314 = tpu.vector_load_idx %arg5[%add3A_313] : memref<8192xf32, #tpu.memory_space<vmem>>[vector<16xi32>], vector<16xf32>,
        %swap3A = arith.index_cast %scan3A_219 : i32 to index
        %swap3A_315 = arith.constant 0 : index
        %swap3A_316 = tpu.vector_load %arg8[%swap3A, %swap3A_315] {strides = array<i32>} : memref<26x834xf32, #tpu.memory_space<vmem>>, vector<16xf32>,
        tpu.vector_store %arg8[%swap3A, %swap3A_315], %gather3A_240 {strides = array<i32>} : memref<26x834xf32, #tpu.memory_space<vmem>>, vector<16xf32>,
        %swap3A_317 = arith.index_cast %scan3A_219 : i32 to index
        %swap3A_318 = arith.constant 16 : index
        %swap3A_319 = tpu.vector_load %arg8[%swap3A_317, %swap3A_318] {strides = array<i32>} : memref<26x834xf32, #tpu.memory_space<vmem>>, vector<16xf32>,
        tpu.vector_store %arg8[%swap3A_317, %swap3A_318], %gather3A_244 {strides = array<i32>} : memref<26x834xf32, #tpu.memory_space<vmem>>, vector<16xf32>,
        %swap3A_320 = arith.index_cast %scan3A_219 : i32 to index
        %swap3A_321 = arith.constant 32 : index
        %swap3A_322 = tpu.vector_load %arg8[%swap3A_320, %swap3A_321] {strides = array<i32>} : memref<26x834xf32, #tpu.memory_space<vmem>>, vector<16xf32>,
        tpu.vector_store %arg8[%swap3A_320, %swap3A_321], %gather3A_250 {strides = array<i32>} : memref<26x834xf32, #tpu.memory_space<vmem>>, vector<16xf32>,
        %swap3A_323 = arith.index_cast %scan3A_219 : i32 to index
        %swap3A_324 = arith.constant 48 : index
        %swap3A_325 = tpu.vector_load %arg8[%swap3A_323, %swap3A_324] {strides = array<i32>} : memref<26x834xf32, #tpu.memory_space<vmem>>, vector<16xf32>,
        tpu.vector_store %arg8[%swap3A_323, %swap3A_324], %gather3A_254 {strides = array<i32>} : memref<26x834xf32, #tpu.memory_space<vmem>>, vector<16xf32>,
        %swap3A_326 = arith.index_cast %scan3A_219 : i32 to index
        %swap3A_327 = arith.constant 64 : index
        %swap3A_328 = tpu.vector_load %arg8[%swap3A_326, %swap3A_327] {strides = array<i32>} : memref<26x834xf32, #tpu.memory_space<vmem>>, vector<16xf32>,
        tpu.vector_store %arg8[%swap3A_326, %swap3A_327], %gather3A_260 {strides = array<i32>} : memref<26x834xf32, #tpu.memory_space<vmem>>, vector<16xf32>,
        %swap3A_329 = arith.index_cast %scan3A_219 : i32 to index
        %swap3A_330 = arith.constant 80 : index
        %swap3A_331 = tpu.vector_load %arg8[%swap3A_329, %swap3A_330] {strides = array<i32>} : memref<26x834xf32, #tpu.memory_space<vmem>>, vector<16xf32>,
        tpu.vector_store %arg8[%swap3A_329, %swap3A_330], %gather3A_264 {strides = array<i32>} : memref<26x834xf32, #tpu.memory_space<vmem>>, vector<16xf32>,
        %swap3A_332 = arith.index_cast %scan3A_219 : i32 to index
        %swap3A_333 = arith.constant 96 : index
        %swap3A_334 = tpu.vector_load %arg8[%swap3A_332, %swap3A_333] {strides = array<i32>} : memref<26x834xf32, #tpu.memory_space<vmem>>, vector<16xf32>,
        tpu.vector_store %arg8[%swap3A_332, %swap3A_333], %gather3A_270 {strides = array<i32>} : memref<26x834xf32, #tpu.memory_space<vmem>>, vector<16xf32>,
        %swap3A_335 = arith.index_cast %scan3A_219 : i32 to index
        %swap3A_336 = arith.constant 112 : index
        %swap3A_337 = tpu.vector_load %arg8[%swap3A_335, %swap3A_336] {strides = array<i32>} : memref<26x834xf32, #tpu.memory_space<vmem>>, vector<16xf32>,
        tpu.vector_store %arg8[%swap3A_335, %swap3A_336], %gather3A_274 {strides = array<i32>} : memref<26x834xf32, #tpu.memory_space<vmem>>, vector<16xf32>,
        %swap3A_338 = arith.index_cast %scan3A_219 : i32 to index
        %swap3A_339 = arith.constant 128 : index
        %swap3A_340 = tpu.vector_load %arg8[%swap3A_338, %swap3A_339] {strides = array<i32>} : memref<26x834xf32, #tpu.memory_space<vmem>>, vector<16xf32>,
        tpu.vector_store %arg8[%swap3A_338, %swap3A_339], %gather3A_280 {strides = array<i32>} : memref<26x834xf32, #tpu.memory_space<vmem>>, vector<16xf32>,
        %swap3A_341 = arith.index_cast %scan3A_219 : i32 to index
        %swap3A_342 = arith.constant 144 : index
        %swap3A_343 = tpu.vector_load %arg8[%swap3A_341, %swap3A_342] {strides = array<i32>} : memref<26x834xf32, #tpu.memory_space<vmem>>, vector<16xf32>,
        tpu.vector_store %arg8[%swap3A_341, %swap3A_342], %gather3A_284 {strides = array<i32>} : memref<26x834xf32, #tpu.memory_space<vmem>>, vector<16xf32>,
        %swap3A_344 = arith.index_cast %scan3A_219 : i32 to index
        %swap3A_345 = arith.constant 160 : index
        %swap3A_346 = tpu.vector_load %arg8[%swap3A_344, %swap3A_345] {strides = array<i32>} : memref<26x834xf32, #tpu.memory_space<vmem>>, vector<16xf32>,
        tpu.vector_store %arg8[%swap3A_344, %swap3A_345], %gather3A_290 {strides = array<i32>} : memref<26x834xf32, #tpu.memory_space<vmem>>, vector<16xf32>,
        %swap3A_347 = arith.index_cast %scan3A_219 : i32 to index
        %swap3A_348 = arith.constant 176 : index
        %swap3A_349 = tpu.vector_load %arg8[%swap3A_347, %swap3A_348] {strides = array<i32>} : memref<26x834xf32, #tpu.memory_space<vmem>>, vector<16xf32>,
        tpu.vector_store %arg8[%swap3A_347, %swap3A_348], %gather3A_294 {strides = array<i32>} : memref<26x834xf32, #tpu.memory_space<vmem>>, vector<16xf32>,
        %swap3A_350 = arith.index_cast %scan3A_219 : i32 to index
        %swap3A_351 = arith.constant 192 : index
        %swap3A_352 = tpu.vector_load %arg8[%swap3A_350, %swap3A_351] {strides = array<i32>} : memref<26x834xf32, #tpu.memory_space<vmem>>, vector<16xf32>,
        tpu.vector_store %arg8[%swap3A_350, %swap3A_351], %gather3A_300 {strides = array<i32>} : memref<26x834xf32, #tpu.memory_space<vmem>>, vector<16xf32>,
        %swap3A_353 = arith.index_cast %scan3A_219 : i32 to index
        %swap3A_354 = arith.constant 208 : index
        %swap3A_355 = tpu.vector_load %arg8[%swap3A_353, %swap3A_354] {strides = array<i32>} : memref<26x834xf32, #tpu.memory_space<vmem>>, vector<16xf32>,
        tpu.vector_store %arg8[%swap3A_353, %swap3A_354], %gather3A_304 {strides = array<i32>} : memref<26x834xf32, #tpu.memory_space<vmem>>, vector<16xf32>,
        %swap3A_356 = arith.index_cast %scan3A_219 : i32 to index
        %swap3A_357 = arith.constant 224 : index
        %swap3A_358 = tpu.vector_load %arg8[%swap3A_356, %swap3A_357] {strides = array<i32>} : memref<26x834xf32, #tpu.memory_space<vmem>>, vector<16xf32>,
        tpu.vector_store %arg8[%swap3A_356, %swap3A_357], %gather3A_310 {strides = array<i32>} : memref<26x834xf32, #tpu.memory_space<vmem>>, vector<16xf32>,
        %swap3A_359 = arith.index_cast %scan3A_219 : i32 to index
        %swap3A_360 = arith.constant 240 : index
        %swap3A_361 = tpu.vector_load %arg8[%swap3A_359, %swap3A_360] {strides = array<i32>} : memref<26x834xf32, #tpu.memory_space<vmem>>, vector<16xf32>,
        tpu.vector_store %arg8[%swap3A_359, %swap3A_360], %gather3A_314 {strides = array<i32>} : memref<26x834xf32, #tpu.memory_space<vmem>>, vector<16xf32>,
        %broadcast_in_dim3A_362 = arith.constant 8 : i32
        %broadcast_in_dim3A_363 = vector.broadcast %broadcast_in_dim3A_362 : i32 to vector<16x1xi32>
        %gather3A_364 = vector.shape_cast %broadcast_in_dim3A_363 : vector<16x1xi32> to vector<16xi32>
        %gather3A_365 = tpu.dynamic_gather %mul3A_227[%gather3A_364] in [0] : vector<16xi32>, vector<16xi32> -> vector<16xi32>
        %add3A_366 = arith.addi %gather3A_365, %iota3A : vector<16xi32>
        %gather3A_367 = tpu.vector_load_idx %arg5[%add3A_366] : memref<8192xf32, #tpu.memory_space<vmem>>[vector<16xi32>], vector<16xf32>,
        %add3A_368 = arith.constant 16 : i32
        %add3A_369 = vector.broadcast %add3A_368 : i32 to vector<16xi32>
        %add3A_370 = arith.addi %add3A_366, %add3A_369 : vector<16xi32>
        %gather3A_371 = tpu.vector_load_idx %arg5[%add3A_370] : memref<8192xf32, #tpu.memory_space<vmem>>[vector<16xi32>], vector<16xf32>,
        %broadcast_in_dim3A_372 = arith.constant 9 : i32
        %broadcast_in_dim3A_373 = vector.broadcast %broadcast_in_dim3A_372 : i32 to vector<16x1xi32>
        %gather3A_374 = vector.shape_cast %broadcast_in_dim3A_373 : vector<16x1xi32> to vector<16xi32>
        %gather3A_375 = tpu.dynamic_gather %mul3A_227[%gather3A_374] in [0] : vector<16xi32>, vector<16xi32> -> vector<16xi32>
        %add3A_376 = arith.addi %gather3A_375, %iota3A : vector<16xi32>
        %gather3A_377 = tpu.vector_load_idx %arg5[%add3A_376] : memref<8192xf32, #tpu.memory_space<vmem>>[vector<16xi32>], vector<16xf32>,
        %add3A_378 = arith.constant 16 : i32
        %add3A_379 = vector.broadcast %add3A_378 : i32 to vector<16xi32>
        %add3A_380 = arith.addi %add3A_376, %add3A_379 : vector<16xi32>
        %gather3A_381 = tpu.vector_load_idx %arg5[%add3A_380] : memref<8192xf32, #tpu.memory_space<vmem>>[vector<16xi32>], vector<16xf32>,
        %broadcast_in_dim3A_382 = arith.constant 10 : i32
        %broadcast_in_dim3A_383 = vector.broadcast %broadcast_in_dim3A_382 : i32 to vector<16x1xi32>
        %gather3A_384 = vector.shape_cast %broadcast_in_dim3A_383 : vector<16x1xi32> to vector<16xi32>
        %gather3A_385 = tpu.dynamic_gather %mul3A_227[%gather3A_384] in [0] : vector<16xi32>, vector<16xi32> -> vector<16xi32>
        %add3A_386 = arith.addi %gather3A_385, %iota3A : vector<16xi32>
        %gather3A_387 = tpu.vector_load_idx %arg5[%add3A_386] : memref<8192xf32, #tpu.memory_space<vmem>>[vector<16xi32>], vector<16xf32>,
        %add3A_388 = arith.constant 16 : i32
        %add3A_389 = vector.broadcast %add3A_388 : i32 to vector<16xi32>
        %add3A_390 = arith.addi %add3A_386, %add3A_389 : vector<16xi32>
        %gather3A_391 = tpu.vector_load_idx %arg5[%add3A_390] : memref<8192xf32, #tpu.memory_space<vmem>>[vector<16xi32>], vector<16xf32>,
        %broadcast_in_dim3A_392 = arith.constant 11 : i32
        %broadcast_in_dim3A_393 = vector.broadcast %broadcast_in_dim3A_392 : i32 to vector<16x1xi32>
        %gather3A_394 = vector.shape_cast %broadcast_in_dim3A_393 : vector<16x1xi32> to vector<16xi32>
        %gather3A_395 = tpu.dynamic_gather %mul3A_227[%gather3A_394] in [0] : vector<16xi32>, vector<16xi32> -> vector<16xi32>
        %add3A_396 = arith.addi %gather3A_395, %iota3A : vector<16xi32>
        %gather3A_397 = tpu.vector_load_idx %arg5[%add3A_396] : memref<8192xf32, #tpu.memory_space<vmem>>[vector<16xi32>], vector<16xf32>,
        %add3A_398 = arith.constant 16 : i32
        %add3A_399 = vector.broadcast %add3A_398 : i32 to vector<16xi32>
        %add3A_400 = arith.addi %add3A_396, %add3A_399 : vector<16xi32>
        %gather3A_401 = tpu.vector_load_idx %arg5[%add3A_400] : memref<8192xf32, #tpu.memory_space<vmem>>[vector<16xi32>], vector<16xf32>,
        %broadcast_in_dim3A_402 = arith.constant 12 : i32
        %broadcast_in_dim3A_403 = vector.broadcast %broadcast_in_dim3A_402 : i32 to vector<16x1xi32>
        %gather3A_404 = vector.shape_cast %broadcast_in_dim3A_403 : vector<16x1xi32> to vector<16xi32>
        %gather3A_405 = tpu.dynamic_gather %mul3A_227[%gather3A_404] in [0] : vector<16xi32>, vector<16xi32> -> vector<16xi32>
        %add3A_406 = arith.addi %gather3A_405, %iota3A : vector<16xi32>
        %gather3A_407 = tpu.vector_load_idx %arg5[%add3A_406] : memref<8192xf32, #tpu.memory_space<vmem>>[vector<16xi32>], vector<16xf32>,
        %add3A_408 = arith.constant 16 : i32
        %add3A_409 = vector.broadcast %add3A_408 : i32 to vector<16xi32>
        %add3A_410 = arith.addi %add3A_406, %add3A_409 : vector<16xi32>
        %gather3A_411 = tpu.vector_load_idx %arg5[%add3A_410] : memref<8192xf32, #tpu.memory_space<vmem>>[vector<16xi32>], vector<16xf32>,
        %broadcast_in_dim3A_412 = arith.constant 13 : i32
        %broadcast_in_dim3A_413 = vector.broadcast %broadcast_in_dim3A_412 : i32 to vector<16x1xi32>
        %gather3A_414 = vector.shape_cast %broadcast_in_dim3A_413 : vector<16x1xi32> to vector<16xi32>
        %gather3A_415 = tpu.dynamic_gather %mul3A_227[%gather3A_414] in [0] : vector<16xi32>, vector<16xi32> -> vector<16xi32>
        %add3A_416 = arith.addi %gather3A_415, %iota3A : vector<16xi32>
        %gather3A_417 = tpu.vector_load_idx %arg5[%add3A_416] : memref<8192xf32, #tpu.memory_space<vmem>>[vector<16xi32>], vector<16xf32>,
        %add3A_418 = arith.constant 16 : i32
        %add3A_419 = vector.broadcast %add3A_418 : i32 to vector<16xi32>
        %add3A_420 = arith.addi %add3A_416, %add3A_419 : vector<16xi32>
        %gather3A_421 = tpu.vector_load_idx %arg5[%add3A_420] : memref<8192xf32, #tpu.memory_space<vmem>>[vector<16xi32>], vector<16xf32>,
        %broadcast_in_dim3A_422 = arith.constant 14 : i32
        %broadcast_in_dim3A_423 = vector.broadcast %broadcast_in_dim3A_422 : i32 to vector<16x1xi32>
        %gather3A_424 = vector.shape_cast %broadcast_in_dim3A_423 : vector<16x1xi32> to vector<16xi32>
        %gather3A_425 = tpu.dynamic_gather %mul3A_227[%gather3A_424] in [0] : vector<16xi32>, vector<16xi32> -> vector<16xi32>
        %add3A_426 = arith.addi %gather3A_425, %iota3A : vector<16xi32>
        %gather3A_427 = tpu.vector_load_idx %arg5[%add3A_426] : memref<8192xf32, #tpu.memory_space<vmem>>[vector<16xi32>], vector<16xf32>,
        %add3A_428 = arith.constant 16 : i32
        %add3A_429 = vector.broadcast %add3A_428 : i32 to vector<16xi32>
        %add3A_430 = arith.addi %add3A_426, %add3A_429 : vector<16xi32>
        %gather3A_431 = tpu.vector_load_idx %arg5[%add3A_430] : memref<8192xf32, #tpu.memory_space<vmem>>[vector<16xi32>], vector<16xf32>,
        %broadcast_in_dim3A_432 = arith.constant 15 : i32
        %broadcast_in_dim3A_433 = vector.broadcast %broadcast_in_dim3A_432 : i32 to vector<16x1xi32>
        %gather3A_434 = vector.shape_cast %broadcast_in_dim3A_433 : vector<16x1xi32> to vector<16xi32>
        %gather3A_435 = tpu.dynamic_gather %mul3A_227[%gather3A_434] in [0] : vector<16xi32>, vector<16xi32> -> vector<16xi32>
        %add3A_436 = arith.addi %gather3A_435, %iota3A : vector<16xi32>
        %gather3A_437 = tpu.vector_load_idx %arg5[%add3A_436] : memref<8192xf32, #tpu.memory_space<vmem>>[vector<16xi32>], vector<16xf32>,
        %add3A_438 = arith.constant 16 : i32
        %add3A_439 = vector.broadcast %add3A_438 : i32 to vector<16xi32>
        %add3A_440 = arith.addi %add3A_436, %add3A_439 : vector<16xi32>
        %gather3A_441 = tpu.vector_load_idx %arg5[%add3A_440] : memref<8192xf32, #tpu.memory_space<vmem>>[vector<16xi32>], vector<16xf32>,
        %swap3A_442 = arith.index_cast %scan3A_219 : i32 to index
        %swap3A_443 = arith.constant 256 : index
        %swap3A_444 = tpu.vector_load %arg8[%swap3A_442, %swap3A_443] {strides = array<i32>} : memref<26x834xf32, #tpu.memory_space<vmem>>, vector<16xf32>,
        tpu.vector_store %arg8[%swap3A_442, %swap3A_443], %gather3A_367 {strides = array<i32>} : memref<26x834xf32, #tpu.memory_space<vmem>>, vector<16xf32>,
        %swap3A_445 = arith.index_cast %scan3A_219 : i32 to index
        %swap3A_446 = arith.constant 272 : index
        %swap3A_447 = tpu.vector_load %arg8[%swap3A_445, %swap3A_446] {strides = array<i32>} : memref<26x834xf32, #tpu.memory_space<vmem>>, vector<16xf32>,
        tpu.vector_store %arg8[%swap3A_445, %swap3A_446], %gather3A_371 {strides = array<i32>} : memref<26x834xf32, #tpu.memory_space<vmem>>, vector<16xf32>,
        %swap3A_448 = arith.index_cast %scan3A_219 : i32 to index
        %swap3A_449 = arith.constant 288 : index
        %swap3A_450 = tpu.vector_load %arg8[%swap3A_448, %swap3A_449] {strides = array<i32>} : memref<26x834xf32, #tpu.memory_space<vmem>>, vector<16xf32>,
        tpu.vector_store %arg8[%swap3A_448, %swap3A_449], %gather3A_377 {strides = array<i32>} : memref<26x834xf32, #tpu.memory_space<vmem>>, vector<16xf32>,
        %swap3A_451 = arith.index_cast %scan3A_219 : i32 to index
        %swap3A_452 = arith.constant 304 : index
        %swap3A_453 = tpu.vector_load %arg8[%swap3A_451, %swap3A_452] {strides = array<i32>} : memref<26x834xf32, #tpu.memory_space<vmem>>, vector<16xf32>,
        tpu.vector_store %arg8[%swap3A_451, %swap3A_452], %gather3A_381 {strides = array<i32>} : memref<26x834xf32, #tpu.memory_space<vmem>>, vector<16xf32>,
        %swap3A_454 = arith.index_cast %scan3A_219 : i32 to index
        %swap3A_455 = arith.constant 320 : index
        %swap3A_456 = tpu.vector_load %arg8[%swap3A_454, %swap3A_455] {strides = array<i32>} : memref<26x834xf32, #tpu.memory_space<vmem>>, vector<16xf32>,
        tpu.vector_store %arg8[%swap3A_454, %swap3A_455], %gather3A_387 {strides = array<i32>} : memref<26x834xf32, #tpu.memory_space<vmem>>, vector<16xf32>,
        %swap3A_457 = arith.index_cast %scan3A_219 : i32 to index
        %swap3A_458 = arith.constant 336 : index
        %swap3A_459 = tpu.vector_load %arg8[%swap3A_457, %swap3A_458] {strides = array<i32>} : memref<26x834xf32, #tpu.memory_space<vmem>>, vector<16xf32>,
        tpu.vector_store %arg8[%swap3A_457, %swap3A_458], %gather3A_391 {strides = array<i32>} : memref<26x834xf32, #tpu.memory_space<vmem>>, vector<16xf32>,
        %swap3A_460 = arith.index_cast %scan3A_219 : i32 to index
        %swap3A_461 = arith.constant 352 : index
        %swap3A_462 = tpu.vector_load %arg8[%swap3A_460, %swap3A_461] {strides = array<i32>} : memref<26x834xf32, #tpu.memory_space<vmem>>, vector<16xf32>,
        tpu.vector_store %arg8[%swap3A_460, %swap3A_461], %gather3A_397 {strides = array<i32>} : memref<26x834xf32, #tpu.memory_space<vmem>>, vector<16xf32>,
        %swap3A_463 = arith.index_cast %scan3A_219 : i32 to index
        %swap3A_464 = arith.constant 368 : index
        %swap3A_465 = tpu.vector_load %arg8[%swap3A_463, %swap3A_464] {strides = array<i32>} : memref<26x834xf32, #tpu.memory_space<vmem>>, vector<16xf32>,
        tpu.vector_store %arg8[%swap3A_463, %swap3A_464], %gather3A_401 {strides = array<i32>} : memref<26x834xf32, #tpu.memory_space<vmem>>, vector<16xf32>,
        %swap3A_466 = arith.index_cast %scan3A_219 : i32 to index
        %swap3A_467 = arith.constant 384 : index
        %swap3A_468 = tpu.vector_load %arg8[%swap3A_466, %swap3A_467] {strides = array<i32>} : memref<26x834xf32, #tpu.memory_space<vmem>>, vector<16xf32>,
        tpu.vector_store %arg8[%swap3A_466, %swap3A_467], %gather3A_407 {strides = array<i32>} : memref<26x834xf32, #tpu.memory_space<vmem>>, vector<16xf32>,
        %swap3A_469 = arith.index_cast %scan3A_219 : i32 to index
        %swap3A_470 = arith.constant 400 : index
        %swap3A_471 = tpu.vector_load %arg8[%swap3A_469, %swap3A_470] {strides = array<i32>} : memref<26x834xf32, #tpu.memory_space<vmem>>, vector<16xf32>,
        tpu.vector_store %arg8[%swap3A_469, %swap3A_470], %gather3A_411 {strides = array<i32>} : memref<26x834xf32, #tpu.memory_space<vmem>>, vector<16xf32>,
        %swap3A_472 = arith.index_cast %scan3A_219 : i32 to index
        %swap3A_473 = arith.constant 416 : index
        %swap3A_474 = tpu.vector_load %arg8[%swap3A_472, %swap3A_473] {strides = array<i32>} : memref<26x834xf32, #tpu.memory_space<vmem>>, vector<16xf32>,
        tpu.vector_store %arg8[%swap3A_472, %swap3A_473], %gather3A_417 {strides = array<i32>} : memref<26x834xf32, #tpu.memory_space<vmem>>, vector<16xf32>,
        %swap3A_475 = arith.index_cast %scan3A_219 : i32 to index
        %swap3A_476 = arith.constant 432 : index
        %swap3A_477 = tpu.vector_load %arg8[%swap3A_475, %swap3A_476] {strides = array<i32>} : memref<26x834xf32, #tpu.memory_space<vmem>>, vector<16xf32>,
        tpu.vector_store %arg8[%swap3A_475, %swap3A_476], %gather3A_421 {strides = array<i32>} : memref<26x834xf32, #tpu.memory_space<vmem>>, vector<16xf32>,
        %swap3A_478 = arith.index_cast %scan3A_219 : i32 to index
        %swap3A_479 = arith.constant 448 : index
        %swap3A_480 = tpu.vector_load %arg8[%swap3A_478, %swap3A_479] {strides = array<i32>} : memref<26x834xf32, #tpu.memory_space<vmem>>, vector<16xf32>,
        tpu.vector_store %arg8[%swap3A_478, %swap3A_479], %gather3A_427 {strides = array<i32>} : memref<26x834xf32, #tpu.memory_space<vmem>>, vector<16xf32>,
        %swap3A_481 = arith.index_cast %scan3A_219 : i32 to index
        %swap3A_482 = arith.constant 464 : index
        %swap3A_483 = tpu.vector_load %arg8[%swap3A_481, %swap3A_482] {strides = array<i32>} : memref<26x834xf32, #tpu.memory_space<vmem>>, vector<16xf32>,
        tpu.vector_store %arg8[%swap3A_481, %swap3A_482], %gather3A_431 {strides = array<i32>} : memref<26x834xf32, #tpu.memory_space<vmem>>, vector<16xf32>,
        %swap3A_484 = arith.index_cast %scan3A_219 : i32 to index
        %swap3A_485 = arith.constant 480 : index
        %swap3A_486 = tpu.vector_load %arg8[%swap3A_484, %swap3A_485] {strides = array<i32>} : memref<26x834xf32, #tpu.memory_space<vmem>>, vector<16xf32>,
        tpu.vector_store %arg8[%swap3A_484, %swap3A_485], %gather3A_437 {strides = array<i32>} : memref<26x834xf32, #tpu.memory_space<vmem>>, vector<16xf32>,
        %swap3A_487 = arith.index_cast %scan3A_219 : i32 to index
        %swap3A_488 = arith.constant 496 : index
        %swap3A_489 = tpu.vector_load %arg8[%swap3A_487, %swap3A_488] {strides = array<i32>} : memref<26x834xf32, #tpu.memory_space<vmem>>, vector<16xf32>,
        tpu.vector_store %arg8[%swap3A_487, %swap3A_488], %gather3A_441 {strides = array<i32>} : memref<26x834xf32, #tpu.memory_space<vmem>>, vector<16xf32>,
        %broadcast_in_dim3A_490 = arith.constant 7 : i32
        %broadcast_in_dim3A_491 = vector.broadcast %broadcast_in_dim3A_490 : i32 to vector<16x1xi32>
        %gather3A_492 = vector.shape_cast %broadcast_in_dim3A_491 : vector<16x1xi32> to vector<16xi32>
        %gather3A_493 = tpu.dynamic_gather %mul3A_236[%gather3A_492] in [0] : vector<16xi32>, vector<16xi32> -> vector<16xi32>
        %add3A_494 = arith.addi %gather3A_493, %iota3A : vector<16xi32>
        %gather3A_495 = tpu.vector_load_idx %arg5[%add3A_494] : memref<8192xf32, #tpu.memory_space<vmem>>[vector<16xi32>], vector<16xf32>,
        %add3A_496 = arith.constant 16 : i32
        %add3A_497 = vector.broadcast %add3A_496 : i32 to vector<16xi32>
        %add3A_498 = arith.addi %add3A_494, %add3A_497 : vector<16xi32>
        %gather3A_499 = tpu.vector_load_idx %arg5[%add3A_498] : memref<8192xf32, #tpu.memory_space<vmem>>[vector<16xi32>], vector<16xf32>,
        %broadcast_in_dim3A_500 = arith.constant 8 : i32
        %broadcast_in_dim3A_501 = vector.broadcast %broadcast_in_dim3A_500 : i32 to vector<16x1xi32>
        %gather3A_502 = vector.shape_cast %broadcast_in_dim3A_501 : vector<16x1xi32> to vector<16xi32>
        %gather3A_503 = tpu.dynamic_gather %mul3A_236[%gather3A_502] in [0] : vector<16xi32>, vector<16xi32> -> vector<16xi32>
        %add3A_504 = arith.addi %gather3A_503, %iota3A : vector<16xi32>
        %gather3A_505 = tpu.vector_load_idx %arg5[%add3A_504] : memref<8192xf32, #tpu.memory_space<vmem>>[vector<16xi32>], vector<16xf32>,
        %add3A_506 = arith.constant 16 : i32
        %add3A_507 = vector.broadcast %add3A_506 : i32 to vector<16xi32>
        %add3A_508 = arith.addi %add3A_504, %add3A_507 : vector<16xi32>
        %gather3A_509 = tpu.vector_load_idx %arg5[%add3A_508] : memref<8192xf32, #tpu.memory_space<vmem>>[vector<16xi32>], vector<16xf32>,
        %broadcast_in_dim3A_510 = arith.constant 9 : i32
        %broadcast_in_dim3A_511 = vector.broadcast %broadcast_in_dim3A_510 : i32 to vector<16x1xi32>
        %gather3A_512 = vector.shape_cast %broadcast_in_dim3A_511 : vector<16x1xi32> to vector<16xi32>
        %gather3A_513 = tpu.dynamic_gather %mul3A_236[%gather3A_512] in [0] : vector<16xi32>, vector<16xi32> -> vector<16xi32>
        %add3A_514 = arith.addi %gather3A_513, %iota3A : vector<16xi32>
        %gather3A_515 = tpu.vector_load_idx %arg5[%add3A_514] : memref<8192xf32, #tpu.memory_space<vmem>>[vector<16xi32>], vector<16xf32>,
        %add3A_516 = arith.constant 16 : i32
        %add3A_517 = vector.broadcast %add3A_516 : i32 to vector<16xi32>
        %add3A_518 = arith.addi %add3A_514, %add3A_517 : vector<16xi32>
        %gather3A_519 = tpu.vector_load_idx %arg5[%add3A_518] : memref<8192xf32, #tpu.memory_space<vmem>>[vector<16xi32>], vector<16xf32>,
        %broadcast_in_dim3A_520 = arith.constant 10 : i32
        %broadcast_in_dim3A_521 = vector.broadcast %broadcast_in_dim3A_520 : i32 to vector<16x1xi32>
        %gather3A_522 = vector.shape_cast %broadcast_in_dim3A_521 : vector<16x1xi32> to vector<16xi32>
        %gather3A_523 = tpu.dynamic_gather %mul3A_236[%gather3A_522] in [0] : vector<16xi32>, vector<16xi32> -> vector<16xi32>
        %add3A_524 = arith.addi %gather3A_523, %iota3A : vector<16xi32>
        %gather3A_525 = tpu.vector_load_idx %arg5[%add3A_524] : memref<8192xf32, #tpu.memory_space<vmem>>[vector<16xi32>], vector<16xf32>,
        %add3A_526 = arith.constant 16 : i32
        %add3A_527 = vector.broadcast %add3A_526 : i32 to vector<16xi32>
        %add3A_528 = arith.addi %add3A_524, %add3A_527 : vector<16xi32>
        %gather3A_529 = tpu.vector_load_idx %arg5[%add3A_528] : memref<8192xf32, #tpu.memory_space<vmem>>[vector<16xi32>], vector<16xf32>,
        %broadcast_in_dim3A_530 = arith.constant 11 : i32
        %broadcast_in_dim3A_531 = vector.broadcast %broadcast_in_dim3A_530 : i32 to vector<16x1xi32>
        %gather3A_532 = vector.shape_cast %broadcast_in_dim3A_531 : vector<16x1xi32> to vector<16xi32>
        %gather3A_533 = tpu.dynamic_gather %mul3A_236[%gather3A_532] in [0] : vector<16xi32>, vector<16xi32> -> vector<16xi32>
        %add3A_534 = arith.addi %gather3A_533, %iota3A : vector<16xi32>
        %gather3A_535 = tpu.vector_load_idx %arg5[%add3A_534] : memref<8192xf32, #tpu.memory_space<vmem>>[vector<16xi32>], vector<16xf32>,
        %add3A_536 = arith.constant 16 : i32
        %add3A_537 = vector.broadcast %add3A_536 : i32 to vector<16xi32>
        %add3A_538 = arith.addi %add3A_534, %add3A_537 : vector<16xi32>
        %gather3A_539 = tpu.vector_load_idx %arg5[%add3A_538] : memref<8192xf32, #tpu.memory_space<vmem>>[vector<16xi32>], vector<16xf32>,
        %broadcast_in_dim3A_540 = arith.constant 12 : i32
        %broadcast_in_dim3A_541 = vector.broadcast %broadcast_in_dim3A_540 : i32 to vector<16x1xi32>
        %gather3A_542 = vector.shape_cast %broadcast_in_dim3A_541 : vector<16x1xi32> to vector<16xi32>
        %gather3A_543 = tpu.dynamic_gather %mul3A_236[%gather3A_542] in [0] : vector<16xi32>, vector<16xi32> -> vector<16xi32>
        %add3A_544 = arith.addi %gather3A_543, %iota3A : vector<16xi32>
        %gather3A_545 = tpu.vector_load_idx %arg5[%add3A_544] : memref<8192xf32, #tpu.memory_space<vmem>>[vector<16xi32>], vector<16xf32>,
        %add3A_546 = arith.constant 16 : i32
        %add3A_547 = vector.broadcast %add3A_546 : i32 to vector<16xi32>
        %add3A_548 = arith.addi %add3A_544, %add3A_547 : vector<16xi32>
        %gather3A_549 = tpu.vector_load_idx %arg5[%add3A_548] : memref<8192xf32, #tpu.memory_space<vmem>>[vector<16xi32>], vector<16xf32>,
        %broadcast_in_dim3A_550 = arith.constant 13 : i32
        %broadcast_in_dim3A_551 = vector.broadcast %broadcast_in_dim3A_550 : i32 to vector<16x1xi32>
        %gather3A_552 = vector.shape_cast %broadcast_in_dim3A_551 : vector<16x1xi32> to vector<16xi32>
        %gather3A_553 = tpu.dynamic_gather %mul3A_236[%gather3A_552] in [0] : vector<16xi32>, vector<16xi32> -> vector<16xi32>
        %add3A_554 = arith.addi %gather3A_553, %iota3A : vector<16xi32>
        %gather3A_555 = tpu.vector_load_idx %arg5[%add3A_554] : memref<8192xf32, #tpu.memory_space<vmem>>[vector<16xi32>], vector<16xf32>,
        %add3A_556 = arith.constant 16 : i32
        %add3A_557 = vector.broadcast %add3A_556 : i32 to vector<16xi32>
        %add3A_558 = arith.addi %add3A_554, %add3A_557 : vector<16xi32>
        %gather3A_559 = tpu.vector_load_idx %arg5[%add3A_558] : memref<8192xf32, #tpu.memory_space<vmem>>[vector<16xi32>], vector<16xf32>,
        %broadcast_in_dim3A_560 = arith.constant 14 : i32
        %broadcast_in_dim3A_561 = vector.broadcast %broadcast_in_dim3A_560 : i32 to vector<16x1xi32>
        %gather3A_562 = vector.shape_cast %broadcast_in_dim3A_561 : vector<16x1xi32> to vector<16xi32>
        %gather3A_563 = tpu.dynamic_gather %mul3A_236[%gather3A_562] in [0] : vector<16xi32>, vector<16xi32> -> vector<16xi32>
        %add3A_564 = arith.addi %gather3A_563, %iota3A : vector<16xi32>
        %gather3A_565 = tpu.vector_load_idx %arg5[%add3A_564] : memref<8192xf32, #tpu.memory_space<vmem>>[vector<16xi32>], vector<16xf32>,
        %add3A_566 = arith.constant 16 : i32
        %add3A_567 = vector.broadcast %add3A_566 : i32 to vector<16xi32>
        %add3A_568 = arith.addi %add3A_564, %add3A_567 : vector<16xi32>
        %gather3A_569 = tpu.vector_load_idx %arg5[%add3A_568] : memref<8192xf32, #tpu.memory_space<vmem>>[vector<16xi32>], vector<16xf32>,
        %swap3A_570 = arith.index_cast %scan3A_219 : i32 to index
        %swap3A_571 = arith.constant 512 : index
        %swap3A_572 = tpu.vector_load %arg8[%swap3A_570, %swap3A_571] {strides = array<i32>} : memref<26x834xf32, #tpu.memory_space<vmem>>, vector<16xf32>,
        tpu.vector_store %arg8[%swap3A_570, %swap3A_571], %gather3A_495 {strides = array<i32>} : memref<26x834xf32, #tpu.memory_space<vmem>>, vector<16xf32>,
        %swap3A_573 = arith.index_cast %scan3A_219 : i32 to index
        %swap3A_574 = arith.constant 528 : index
        %swap3A_575 = tpu.vector_load %arg8[%swap3A_573, %swap3A_574] {strides = array<i32>} : memref<26x834xf32, #tpu.memory_space<vmem>>, vector<16xf32>,
        tpu.vector_store %arg8[%swap3A_573, %swap3A_574], %gather3A_499 {strides = array<i32>} : memref<26x834xf32, #tpu.memory_space<vmem>>, vector<16xf32>,
        %swap3A_576 = arith.index_cast %scan3A_219 : i32 to index
        %swap3A_577 = arith.constant 544 : index
        %swap3A_578 = tpu.vector_load %arg8[%swap3A_576, %swap3A_577] {strides = array<i32>} : memref<26x834xf32, #tpu.memory_space<vmem>>, vector<16xf32>,
        tpu.vector_store %arg8[%swap3A_576, %swap3A_577], %gather3A_505 {strides = array<i32>} : memref<26x834xf32, #tpu.memory_space<vmem>>, vector<16xf32>,
        %swap3A_579 = arith.index_cast %scan3A_219 : i32 to index
        %swap3A_580 = arith.constant 560 : index
        %swap3A_581 = tpu.vector_load %arg8[%swap3A_579, %swap3A_580] {strides = array<i32>} : memref<26x834xf32, #tpu.memory_space<vmem>>, vector<16xf32>,
        tpu.vector_store %arg8[%swap3A_579, %swap3A_580], %gather3A_509 {strides = array<i32>} : memref<26x834xf32, #tpu.memory_space<vmem>>, vector<16xf32>,
        %swap3A_582 = arith.index_cast %scan3A_219 : i32 to index
        %swap3A_583 = arith.constant 576 : index
        %swap3A_584 = tpu.vector_load %arg8[%swap3A_582, %swap3A_583] {strides = array<i32>} : memref<26x834xf32, #tpu.memory_space<vmem>>, vector<16xf32>,
        tpu.vector_store %arg8[%swap3A_582, %swap3A_583], %gather3A_515 {strides = array<i32>} : memref<26x834xf32, #tpu.memory_space<vmem>>, vector<16xf32>,
        %swap3A_585 = arith.index_cast %scan3A_219 : i32 to index
        %swap3A_586 = arith.constant 592 : index
        %swap3A_587 = tpu.vector_load %arg8[%swap3A_585, %swap3A_586] {strides = array<i32>} : memref<26x834xf32, #tpu.memory_space<vmem>>, vector<16xf32>,
        tpu.vector_store %arg8[%swap3A_585, %swap3A_586], %gather3A_519 {strides = array<i32>} : memref<26x834xf32, #tpu.memory_space<vmem>>, vector<16xf32>,
        %swap3A_588 = arith.index_cast %scan3A_219 : i32 to index
        %swap3A_589 = arith.constant 608 : index
        %swap3A_590 = tpu.vector_load %arg8[%swap3A_588, %swap3A_589] {strides = array<i32>} : memref<26x834xf32, #tpu.memory_space<vmem>>, vector<16xf32>,
        tpu.vector_store %arg8[%swap3A_588, %swap3A_589], %gather3A_525 {strides = array<i32>} : memref<26x834xf32, #tpu.memory_space<vmem>>, vector<16xf32>,
        %swap3A_591 = arith.index_cast %scan3A_219 : i32 to index
        %swap3A_592 = arith.constant 624 : index
        %swap3A_593 = tpu.vector_load %arg8[%swap3A_591, %swap3A_592] {strides = array<i32>} : memref<26x834xf32, #tpu.memory_space<vmem>>, vector<16xf32>,
        tpu.vector_store %arg8[%swap3A_591, %swap3A_592], %gather3A_529 {strides = array<i32>} : memref<26x834xf32, #tpu.memory_space<vmem>>, vector<16xf32>,
        %swap3A_594 = arith.index_cast %scan3A_219 : i32 to index
        %swap3A_595 = arith.constant 640 : index
        %swap3A_596 = tpu.vector_load %arg8[%swap3A_594, %swap3A_595] {strides = array<i32>} : memref<26x834xf32, #tpu.memory_space<vmem>>, vector<16xf32>,
        tpu.vector_store %arg8[%swap3A_594, %swap3A_595], %gather3A_535 {strides = array<i32>} : memref<26x834xf32, #tpu.memory_space<vmem>>, vector<16xf32>,
        %swap3A_597 = arith.index_cast %scan3A_219 : i32 to index
        %swap3A_598 = arith.constant 656 : index
        %swap3A_599 = tpu.vector_load %arg8[%swap3A_597, %swap3A_598] {strides = array<i32>} : memref<26x834xf32, #tpu.memory_space<vmem>>, vector<16xf32>,
        tpu.vector_store %arg8[%swap3A_597, %swap3A_598], %gather3A_539 {strides = array<i32>} : memref<26x834xf32, #tpu.memory_space<vmem>>, vector<16xf32>,
        %swap3A_600 = arith.index_cast %scan3A_219 : i32 to index
        %swap3A_601 = arith.constant 672 : index
        %swap3A_602 = tpu.vector_load %arg8[%swap3A_600, %swap3A_601] {strides = array<i32>} : memref<26x834xf32, #tpu.memory_space<vmem>>, vector<16xf32>,
        tpu.vector_store %arg8[%swap3A_600, %swap3A_601], %gather3A_545 {strides = array<i32>} : memref<26x834xf32, #tpu.memory_space<vmem>>, vector<16xf32>,
        %swap3A_603 = arith.index_cast %scan3A_219 : i32 to index
        %swap3A_604 = arith.constant 688 : index
        %swap3A_605 = tpu.vector_load %arg8[%swap3A_603, %swap3A_604] {strides = array<i32>} : memref<26x834xf32, #tpu.memory_space<vmem>>, vector<16xf32>,
        tpu.vector_store %arg8[%swap3A_603, %swap3A_604], %gather3A_549 {strides = array<i32>} : memref<26x834xf32, #tpu.memory_space<vmem>>, vector<16xf32>,
        %swap3A_606 = arith.index_cast %scan3A_219 : i32 to index
        %swap3A_607 = arith.constant 704 : index
        %swap3A_608 = tpu.vector_load %arg8[%swap3A_606, %swap3A_607] {strides = array<i32>} : memref<26x834xf32, #tpu.memory_space<vmem>>, vector<16xf32>,
        tpu.vector_store %arg8[%swap3A_606, %swap3A_607], %gather3A_555 {strides = array<i32>} : memref<26x834xf32, #tpu.memory_space<vmem>>, vector<16xf32>,
        %swap3A_609 = arith.index_cast %scan3A_219 : i32 to index
        %swap3A_610 = arith.constant 720 : index
        %swap3A_611 = tpu.vector_load %arg8[%swap3A_609, %swap3A_610] {strides = array<i32>} : memref<26x834xf32, #tpu.memory_space<vmem>>, vector<16xf32>,
        tpu.vector_store %arg8[%swap3A_609, %swap3A_610], %gather3A_559 {strides = array<i32>} : memref<26x834xf32, #tpu.memory_space<vmem>>, vector<16xf32>,
        %swap3A_612 = arith.index_cast %scan3A_219 : i32 to index
        %swap3A_613 = arith.constant 736 : index
        %swap3A_614 = tpu.vector_load %arg8[%swap3A_612, %swap3A_613] {strides = array<i32>} : memref<26x834xf32, #tpu.memory_space<vmem>>, vector<16xf32>,
        tpu.vector_store %arg8[%swap3A_612, %swap3A_613], %gather3A_565 {strides = array<i32>} : memref<26x834xf32, #tpu.memory_space<vmem>>, vector<16xf32>,
        %swap3A_615 = arith.index_cast %scan3A_219 : i32 to index
        %swap3A_616 = arith.constant 752 : index
        %swap3A_617 = tpu.vector_load %arg8[%swap3A_615, %swap3A_616] {strides = array<i32>} : memref<26x834xf32, #tpu.memory_space<vmem>>, vector<16xf32>,
        tpu.vector_store %arg8[%swap3A_615, %swap3A_616], %gather3A_569 {strides = array<i32>} : memref<26x834xf32, #tpu.memory_space<vmem>>, vector<16xf32>,
        %broadcast_in_dim3A_618 = arith.constant 15 : i32
        %broadcast_in_dim3A_619 = vector.broadcast %broadcast_in_dim3A_618 : i32 to vector<16x1xi32>
        %gather3A_620 = vector.shape_cast %broadcast_in_dim3A_619 : vector<16x1xi32> to vector<16xi32>
        %gather3A_621 = tpu.dynamic_gather %mul3A_236[%gather3A_620] in [0] : vector<16xi32>, vector<16xi32> -> vector<16xi32>
        %add3A_622 = arith.addi %gather3A_621, %iota3A : vector<16xi32>
        %gather3A_623 = tpu.vector_load_idx %arg5[%add3A_622] : memref<8192xf32, #tpu.memory_space<vmem>>[vector<16xi32>], vector<16xf32>,
        %add3A_624 = arith.constant 16 : i32
        %add3A_625 = vector.broadcast %add3A_624 : i32 to vector<16xi32>
        %add3A_626 = arith.addi %add3A_622, %add3A_625 : vector<16xi32>
        %gather3A_627 = tpu.vector_load_idx %arg5[%add3A_626] : memref<8192xf32, #tpu.memory_space<vmem>>[vector<16xi32>], vector<16xf32>,
        %swap3A_628 = arith.index_cast %scan3A_219 : i32 to index
        %swap3A_629 = arith.constant 768 : index
        %swap3A_630 = tpu.vector_load %arg8[%swap3A_628, %swap3A_629] {strides = array<i32>} : memref<26x834xf32, #tpu.memory_space<vmem>>, vector<16xf32>,
        tpu.vector_store %arg8[%swap3A_628, %swap3A_629], %gather3A_623 {strides = array<i32>} : memref<26x834xf32, #tpu.memory_space<vmem>>, vector<16xf32>,
        %swap3A_631 = arith.index_cast %scan3A_219 : i32 to index
        %swap3A_632 = arith.constant 784 : index
        %swap3A_633 = tpu.vector_load %arg8[%swap3A_631, %swap3A_632] {strides = array<i32>} : memref<26x834xf32, #tpu.memory_space<vmem>>, vector<16xf32>,
        tpu.vector_store %arg8[%swap3A_631, %swap3A_632], %gather3A_627 {strides = array<i32>} : memref<26x834xf32, #tpu.memory_space<vmem>>, vector<16xf32>,
        %add3A_634 = arith.constant 124 : i32
        %add3A_635 = arith.addi %add3A_634, %scan3A_219 : i32
        %get3A_636 = arith.index_cast %add3A_635 : i32 to index
        %get3A_637 = arith.constant 25 : index
        %get3A_638 = tpu.vector_load %arg6[%get3A_636, %get3A_637] {strides = array<i32>} : memref<200x64xf32, #tpu.memory_space<vmem>>, vector<16xf32>,
        %swap3A_639 = arith.index_cast %scan3A_219 : i32 to index
        %swap3A_640 = arith.constant 800 : index
        %swap3A_641 = tpu.vector_load %arg8[%swap3A_639, %swap3A_640] {strides = array<i32>} : memref<26x834xf32, #tpu.memory_space<vmem>>, vector<16xf32>,
        tpu.vector_store %arg8[%swap3A_639, %swap3A_640], %get3A_638 {strides = array<i32>} : memref<26x834xf32, #tpu.memory_space<vmem>>, vector<16xf32>,
        %add3A_642 = arith.constant 124 : i32
        %add3A_643 = arith.addi %add3A_642, %scan3A_219 : i32
        %get3A_644 = arith.index_cast %add3A_643 : i32 to index
        %get3A_645 = arith.constant 41 : index
        %get3A_646 = tpu.vector_load %arg6[%get3A_644, %get3A_645] {strides = array<i32>} : memref<200x64xf32, #tpu.memory_space<vmem>>, vector<16xf32>,
        %swap3A_647 = arith.index_cast %scan3A_219 : i32 to index
        %swap3A_648 = arith.constant 816 : index
        %swap3A_649 = tpu.vector_load %arg8[%swap3A_647, %swap3A_648] {strides = array<i32>} : memref<26x834xf32, #tpu.memory_space<vmem>>, vector<16xf32>,
        tpu.vector_store %arg8[%swap3A_647, %swap3A_648], %get3A_646 {strides = array<i32>} : memref<26x834xf32, #tpu.memory_space<vmem>>, vector<16xf32>,
        %add3A_650 = arith.constant 124 : i32
        %add3A_651 = arith.addi %add3A_650, %scan3A_219 : i32
        %get3A_652 = arith.index_cast %add3A_651 : i32 to index
        %get3A_653 = arith.constant 43 : index
        %get3A_654 = tpu.vector_load %arg6[%get3A_652, %get3A_653] {strides = array<i32>} : memref<200x64xf32, #tpu.memory_space<vmem>>, vector<16xf32>,
        %swap3A_655 = arith.index_cast %scan3A_219 : i32 to index
        %swap3A_656 = arith.constant 818 : index
        %swap3A_657 = tpu.vector_load %arg8[%swap3A_655, %swap3A_656] {strides = array<i32>} : memref<26x834xf32, #tpu.memory_space<vmem>>, vector<16xf32>,
        tpu.vector_store %arg8[%swap3A_655, %swap3A_656], %get3A_654 {strides = array<i32>} : memref<26x834xf32, #tpu.memory_space<vmem>>, vector<16xf32>,
      }
      %scan3A_161 = arith.constant 26 : i32
      %dma_start3A_162 = arith.constant 24 : i32
      %dma_start3A_163 = arith.constant 0 : i32
      %dma_start3A_164 = tpu.memref_slice %arg4[%add3A_125, %dma_start3A_162, %dma_start3A_163] : memref<1024x50x834xf32, #tpu.memory_space<hbm>> -> memref<1x26x834xf32, #tpu.memory_space<hbm>>
      %dma_start3A_165 = tpu.memref_squeeze %dma_start3A_164 : memref<1x26x834xf32, #tpu.memory_space<hbm>> -> memref<26x834xf32, #tpu.memory_space<hbm>>
      %dma_start3A_166 = arith.constant 24 : i32
      %dma_start3A_167 = arith.constant 0 : i32
      %dma_start3A_168 = tpu.memref_slice %arg4[%add3A_125, %dma_start3A_166, %dma_start3A_167] : memref<1024x50x834xf32, #tpu.memory_space<hbm>> -> memref<1x26x834xf32, #tpu.memory_space<hbm>>
      %dma_start3A_169 = tpu.memref_squeeze %dma_start3A_168 : memref<1x26x834xf32, #tpu.memory_space<hbm>> -> memref<26x834xf32, #tpu.memory_space<hbm>>
      tpu.enqueue_dma source(%arg8 : memref<26x834xf32, #tpu.memory_space<vmem>>) target(%dma_start3A_169 : memref<26x834xf32, #tpu.memory_space<hbm>>) target_semaphore(%arg10 : memref<!tpu.dma_semaphore, #tpu.memory_space<semaphore_mem>>)
      %mul3A_170 = arith.constant 4 : i32
      %mul3A_171 = arith.muli %scan3A_27, %mul3A_170 : i32
      %add3A_172 = arith.addi %mul3A_2, %mul3A_171 : i32
      %add3A_173 = arith.constant 3 : i32
      %add3A_174 = arith.addi %add3A_172, %add3A_173 : i32
      %dma_wait3A_175 = arith.constant 0 : i32
      %dma_wait3A_176 = arith.constant 0 : i32
      %dma_wait3A_177 = tpu.memref_slice %arg4[%add3A_174, %dma_wait3A_175, %dma_wait3A_176] : memref<1024x50x834xf32, #tpu.memory_space<hbm>> -> memref<1x24x834xf32, #tpu.memory_space<hbm>>
      %dma_wait3A_178 = tpu.memref_squeeze %dma_wait3A_177 : memref<1x24x834xf32, #tpu.memory_space<hbm>> -> memref<24x834xf32, #tpu.memory_space<hbm>>
      %dma_wait3A_179 = arith.constant 0 : i32
      %dma_wait3A_180 = arith.constant 0 : i32
      %dma_wait3A_181 = tpu.memref_slice %arg4[%add3A_174, %dma_wait3A_179, %dma_wait3A_180] : memref<1024x50x834xf32, #tpu.memory_space<hbm>> -> memref<1x24x834xf32, #tpu.memory_space<hbm>>
      %dma_wait3A_182 = tpu.memref_squeeze %dma_wait3A_181 : memref<1x24x834xf32, #tpu.memory_space<hbm>> -> memref<24x834xf32, #tpu.memory_space<hbm>>
      tpu.wait_dma2 semaphore(%arg9 : memref<!tpu.dma_semaphore, #tpu.memory_space<semaphore_mem>>) src(%arg7 : memref<24x834xf32, #tpu.memory_space<vmem>>) dst(%dma_wait3A_182 : memref<24x834xf32, #tpu.memory_space<hbm>>)
      %scan3A_183 = arith.constant 0 : i32
      %scan3A_184 = arith.constant 0 : i32
      %scan3A_185 = arith.constant 24 : i32
      %scan3A_186 = arith.addi %scan3A_184, %scan3A_185 : i32
      %scan3A_187 = arith.constant 1 : i32
      scf.for %scan3A_219 = %scan3A_184 to %scan3A_186 step %scan3A_187  : i32 {
        %add3A_220 = arith.constant 150 : i32
        %add3A_221 = arith.addi %add3A_220, %scan3A_219 : i32
        %get3A = arith.index_cast %add3A_221 : i32 to index
        %get3A_222 = arith.constant 0 : index
        %get3A_223 = tpu.vector_load %arg6[%get3A, %get3A_222] {strides = array<i32>} : memref<200x64xf32, #tpu.memory_space<vmem>>, vector<16xf32>,
        %convert_element_type3A_224 = arith.fptosi %get3A_223 : vector<16xf32> to vector<16xi32>
        %mul3A_225 = arith.constant 32 : i32
        %mul3A_226 = vector.broadcast %mul3A_225 : i32 to vector<16xi32>
        %mul3A_227 = arith.muli %convert_element_type3A_224, %mul3A_226 : vector<16xi32>
        %add3A_228 = arith.constant 150 : i32
        %add3A_229 = arith.addi %add3A_228, %scan3A_219 : i32
        %get3A_230 = arith.index_cast %add3A_229 : i32 to index
        %get3A_231 = arith.constant 9 : index
        %get3A_232 = tpu.vector_load %arg6[%get3A_230, %get3A_231] {strides = array<i32>} : memref<200x64xf32, #tpu.memory_space<vmem>>, vector<16xf32>,
        %convert_element_type3A_233 = arith.fptosi %get3A_232 : vector<16xf32> to vector<16xi32>
        %mul3A_234 = arith.constant 32 : i32
        %mul3A_235 = vector.broadcast %mul3A_234 : i32 to vector<16xi32>
        %mul3A_236 = arith.muli %convert_element_type3A_233, %mul3A_235 : vector<16xi32>
        %broadcast_in_dim3A = arith.constant 0 : i32
        %broadcast_in_dim3A_237 = vector.broadcast %broadcast_in_dim3A : i32 to vector<16x1xi32>
        %gather3A = vector.shape_cast %broadcast_in_dim3A_237 : vector<16x1xi32> to vector<16xi32>
        %gather3A_238 = tpu.dynamic_gather %mul3A_227[%gather3A] in [0] : vector<16xi32>, vector<16xi32> -> vector<16xi32>
        %add3A_239 = arith.addi %gather3A_238, %iota3A : vector<16xi32>
        %gather3A_240 = tpu.vector_load_idx %arg5[%add3A_239] : memref<8192xf32, #tpu.memory_space<vmem>>[vector<16xi32>], vector<16xf32>,
        %add3A_241 = arith.constant 16 : i32
        %add3A_242 = vector.broadcast %add3A_241 : i32 to vector<16xi32>
        %add3A_243 = arith.addi %add3A_239, %add3A_242 : vector<16xi32>
        %gather3A_244 = tpu.vector_load_idx %arg5[%add3A_243] : memref<8192xf32, #tpu.memory_space<vmem>>[vector<16xi32>], vector<16xf32>,
        %broadcast_in_dim3A_245 = arith.constant 1 : i32
        %broadcast_in_dim3A_246 = vector.broadcast %broadcast_in_dim3A_245 : i32 to vector<16x1xi32>
        %gather3A_247 = vector.shape_cast %broadcast_in_dim3A_246 : vector<16x1xi32> to vector<16xi32>
        %gather3A_248 = tpu.dynamic_gather %mul3A_227[%gather3A_247] in [0] : vector<16xi32>, vector<16xi32> -> vector<16xi32>
        %add3A_249 = arith.addi %gather3A_248, %iota3A : vector<16xi32>
        %gather3A_250 = tpu.vector_load_idx %arg5[%add3A_249] : memref<8192xf32, #tpu.memory_space<vmem>>[vector<16xi32>], vector<16xf32>,
        %add3A_251 = arith.constant 16 : i32
        %add3A_252 = vector.broadcast %add3A_251 : i32 to vector<16xi32>
        %add3A_253 = arith.addi %add3A_249, %add3A_252 : vector<16xi32>
        %gather3A_254 = tpu.vector_load_idx %arg5[%add3A_253] : memref<8192xf32, #tpu.memory_space<vmem>>[vector<16xi32>], vector<16xf32>,
        %broadcast_in_dim3A_255 = arith.constant 2 : i32
        %broadcast_in_dim3A_256 = vector.broadcast %broadcast_in_dim3A_255 : i32 to vector<16x1xi32>
        %gather3A_257 = vector.shape_cast %broadcast_in_dim3A_256 : vector<16x1xi32> to vector<16xi32>
        %gather3A_258 = tpu.dynamic_gather %mul3A_227[%gather3A_257] in [0] : vector<16xi32>, vector<16xi32> -> vector<16xi32>
        %add3A_259 = arith.addi %gather3A_258, %iota3A : vector<16xi32>
        %gather3A_260 = tpu.vector_load_idx %arg5[%add3A_259] : memref<8192xf32, #tpu.memory_space<vmem>>[vector<16xi32>], vector<16xf32>,
        %add3A_261 = arith.constant 16 : i32
        %add3A_262 = vector.broadcast %add3A_261 : i32 to vector<16xi32>
        %add3A_263 = arith.addi %add3A_259, %add3A_262 : vector<16xi32>
        %gather3A_264 = tpu.vector_load_idx %arg5[%add3A_263] : memref<8192xf32, #tpu.memory_space<vmem>>[vector<16xi32>], vector<16xf32>,
        %broadcast_in_dim3A_265 = arith.constant 3 : i32
        %broadcast_in_dim3A_266 = vector.broadcast %broadcast_in_dim3A_265 : i32 to vector<16x1xi32>
        %gather3A_267 = vector.shape_cast %broadcast_in_dim3A_266 : vector<16x1xi32> to vector<16xi32>
        %gather3A_268 = tpu.dynamic_gather %mul3A_227[%gather3A_267] in [0] : vector<16xi32>, vector<16xi32> -> vector<16xi32>
        %add3A_269 = arith.addi %gather3A_268, %iota3A : vector<16xi32>
        %gather3A_270 = tpu.vector_load_idx %arg5[%add3A_269] : memref<8192xf32, #tpu.memory_space<vmem>>[vector<16xi32>], vector<16xf32>,
        %add3A_271 = arith.constant 16 : i32
        %add3A_272 = vector.broadcast %add3A_271 : i32 to vector<16xi32>
        %add3A_273 = arith.addi %add3A_269, %add3A_272 : vector<16xi32>
        %gather3A_274 = tpu.vector_load_idx %arg5[%add3A_273] : memref<8192xf32, #tpu.memory_space<vmem>>[vector<16xi32>], vector<16xf32>,
        %broadcast_in_dim3A_275 = arith.constant 4 : i32
        %broadcast_in_dim3A_276 = vector.broadcast %broadcast_in_dim3A_275 : i32 to vector<16x1xi32>
        %gather3A_277 = vector.shape_cast %broadcast_in_dim3A_276 : vector<16x1xi32> to vector<16xi32>
        %gather3A_278 = tpu.dynamic_gather %mul3A_227[%gather3A_277] in [0] : vector<16xi32>, vector<16xi32> -> vector<16xi32>
        %add3A_279 = arith.addi %gather3A_278, %iota3A : vector<16xi32>
        %gather3A_280 = tpu.vector_load_idx %arg5[%add3A_279] : memref<8192xf32, #tpu.memory_space<vmem>>[vector<16xi32>], vector<16xf32>,
        %add3A_281 = arith.constant 16 : i32
        %add3A_282 = vector.broadcast %add3A_281 : i32 to vector<16xi32>
        %add3A_283 = arith.addi %add3A_279, %add3A_282 : vector<16xi32>
        %gather3A_284 = tpu.vector_load_idx %arg5[%add3A_283] : memref<8192xf32, #tpu.memory_space<vmem>>[vector<16xi32>], vector<16xf32>,
        %broadcast_in_dim3A_285 = arith.constant 5 : i32
        %broadcast_in_dim3A_286 = vector.broadcast %broadcast_in_dim3A_285 : i32 to vector<16x1xi32>
        %gather3A_287 = vector.shape_cast %broadcast_in_dim3A_286 : vector<16x1xi32> to vector<16xi32>
        %gather3A_288 = tpu.dynamic_gather %mul3A_227[%gather3A_287] in [0] : vector<16xi32>, vector<16xi32> -> vector<16xi32>
        %add3A_289 = arith.addi %gather3A_288, %iota3A : vector<16xi32>
        %gather3A_290 = tpu.vector_load_idx %arg5[%add3A_289] : memref<8192xf32, #tpu.memory_space<vmem>>[vector<16xi32>], vector<16xf32>,
        %add3A_291 = arith.constant 16 : i32
        %add3A_292 = vector.broadcast %add3A_291 : i32 to vector<16xi32>
        %add3A_293 = arith.addi %add3A_289, %add3A_292 : vector<16xi32>
        %gather3A_294 = tpu.vector_load_idx %arg5[%add3A_293] : memref<8192xf32, #tpu.memory_space<vmem>>[vector<16xi32>], vector<16xf32>,
        %broadcast_in_dim3A_295 = arith.constant 6 : i32
        %broadcast_in_dim3A_296 = vector.broadcast %broadcast_in_dim3A_295 : i32 to vector<16x1xi32>
        %gather3A_297 = vector.shape_cast %broadcast_in_dim3A_296 : vector<16x1xi32> to vector<16xi32>
        %gather3A_298 = tpu.dynamic_gather %mul3A_227[%gather3A_297] in [0] : vector<16xi32>, vector<16xi32> -> vector<16xi32>
        %add3A_299 = arith.addi %gather3A_298, %iota3A : vector<16xi32>
        %gather3A_300 = tpu.vector_load_idx %arg5[%add3A_299] : memref<8192xf32, #tpu.memory_space<vmem>>[vector<16xi32>], vector<16xf32>,
        %add3A_301 = arith.constant 16 : i32
        %add3A_302 = vector.broadcast %add3A_301 : i32 to vector<16xi32>
        %add3A_303 = arith.addi %add3A_299, %add3A_302 : vector<16xi32>
        %gather3A_304 = tpu.vector_load_idx %arg5[%add3A_303] : memref<8192xf32, #tpu.memory_space<vmem>>[vector<16xi32>], vector<16xf32>,
        %broadcast_in_dim3A_305 = arith.constant 7 : i32
        %broadcast_in_dim3A_306 = vector.broadcast %broadcast_in_dim3A_305 : i32 to vector<16x1xi32>
        %gather3A_307 = vector.shape_cast %broadcast_in_dim3A_306 : vector<16x1xi32> to vector<16xi32>
        %gather3A_308 = tpu.dynamic_gather %mul3A_227[%gather3A_307] in [0] : vector<16xi32>, vector<16xi32> -> vector<16xi32>
        %add3A_309 = arith.addi %gather3A_308, %iota3A : vector<16xi32>
        %gather3A_310 = tpu.vector_load_idx %arg5[%add3A_309] : memref<8192xf32, #tpu.memory_space<vmem>>[vector<16xi32>], vector<16xf32>,
        %add3A_311 = arith.constant 16 : i32
        %add3A_312 = vector.broadcast %add3A_311 : i32 to vector<16xi32>
        %add3A_313 = arith.addi %add3A_309, %add3A_312 : vector<16xi32>
        %gather3A_314 = tpu.vector_load_idx %arg5[%add3A_313] : memref<8192xf32, #tpu.memory_space<vmem>>[vector<16xi32>], vector<16xf32>,
        %swap3A = arith.index_cast %scan3A_219 : i32 to index
        %swap3A_315 = arith.constant 0 : index
        %swap3A_316 = tpu.vector_load %arg7[%swap3A, %swap3A_315] {strides = array<i32>} : memref<24x834xf32, #tpu.memory_space<vmem>>, vector<16xf32>,
        tpu.vector_store %arg7[%swap3A, %swap3A_315], %gather3A_240 {strides = array<i32>} : memref<24x834xf32, #tpu.memory_space<vmem>>, vector<16xf32>,
        %swap3A_317 = arith.index_cast %scan3A_219 : i32 to index
        %swap3A_318 = arith.constant 16 : index
        %swap3A_319 = tpu.vector_load %arg7[%swap3A_317, %swap3A_318] {strides = array<i32>} : memref<24x834xf32, #tpu.memory_space<vmem>>, vector<16xf32>,
        tpu.vector_store %arg7[%swap3A_317, %swap3A_318], %gather3A_244 {strides = array<i32>} : memref<24x834xf32, #tpu.memory_space<vmem>>, vector<16xf32>,
        %swap3A_320 = arith.index_cast %scan3A_219 : i32 to index
        %swap3A_321 = arith.constant 32 : index
        %swap3A_322 = tpu.vector_load %arg7[%swap3A_320, %swap3A_321] {strides = array<i32>} : memref<24x834xf32, #tpu.memory_space<vmem>>, vector<16xf32>,
        tpu.vector_store %arg7[%swap3A_320, %swap3A_321], %gather3A_250 {strides = array<i32>} : memref<24x834xf32, #tpu.memory_space<vmem>>, vector<16xf32>,
        %swap3A_323 = arith.index_cast %scan3A_219 : i32 to index
        %swap3A_324 = arith.constant 48 : index
        %swap3A_325 = tpu.vector_load %arg7[%swap3A_323, %swap3A_324] {strides = array<i32>} : memref<24x834xf32, #tpu.memory_space<vmem>>, vector<16xf32>,
        tpu.vector_store %arg7[%swap3A_323, %swap3A_324], %gather3A_254 {strides = array<i32>} : memref<24x834xf32, #tpu.memory_space<vmem>>, vector<16xf32>,
        %swap3A_326 = arith.index_cast %scan3A_219 : i32 to index
        %swap3A_327 = arith.constant 64 : index
        %swap3A_328 = tpu.vector_load %arg7[%swap3A_326, %swap3A_327] {strides = array<i32>} : memref<24x834xf32, #tpu.memory_space<vmem>>, vector<16xf32>,
        tpu.vector_store %arg7[%swap3A_326, %swap3A_327], %gather3A_260 {strides = array<i32>} : memref<24x834xf32, #tpu.memory_space<vmem>>, vector<16xf32>,
        %swap3A_329 = arith.index_cast %scan3A_219 : i32 to index
        %swap3A_330 = arith.constant 80 : index
        %swap3A_331 = tpu.vector_load %arg7[%swap3A_329, %swap3A_330] {strides = array<i32>} : memref<24x834xf32, #tpu.memory_space<vmem>>, vector<16xf32>,
        tpu.vector_store %arg7[%swap3A_329, %swap3A_330], %gather3A_264 {strides = array<i32>} : memref<24x834xf32, #tpu.memory_space<vmem>>, vector<16xf32>,
        %swap3A_332 = arith.index_cast %scan3A_219 : i32 to index
        %swap3A_333 = arith.constant 96 : index
        %swap3A_334 = tpu.vector_load %arg7[%swap3A_332, %swap3A_333] {strides = array<i32>} : memref<24x834xf32, #tpu.memory_space<vmem>>, vector<16xf32>,
        tpu.vector_store %arg7[%swap3A_332, %swap3A_333], %gather3A_270 {strides = array<i32>} : memref<24x834xf32, #tpu.memory_space<vmem>>, vector<16xf32>,
        %swap3A_335 = arith.index_cast %scan3A_219 : i32 to index
        %swap3A_336 = arith.constant 112 : index
        %swap3A_337 = tpu.vector_load %arg7[%swap3A_335, %swap3A_336] {strides = array<i32>} : memref<24x834xf32, #tpu.memory_space<vmem>>, vector<16xf32>,
        tpu.vector_store %arg7[%swap3A_335, %swap3A_336], %gather3A_274 {strides = array<i32>} : memref<24x834xf32, #tpu.memory_space<vmem>>, vector<16xf32>,
        %swap3A_338 = arith.index_cast %scan3A_219 : i32 to index
        %swap3A_339 = arith.constant 128 : index
        %swap3A_340 = tpu.vector_load %arg7[%swap3A_338, %swap3A_339] {strides = array<i32>} : memref<24x834xf32, #tpu.memory_space<vmem>>, vector<16xf32>,
        tpu.vector_store %arg7[%swap3A_338, %swap3A_339], %gather3A_280 {strides = array<i32>} : memref<24x834xf32, #tpu.memory_space<vmem>>, vector<16xf32>,
        %swap3A_341 = arith.index_cast %scan3A_219 : i32 to index
        %swap3A_342 = arith.constant 144 : index
        %swap3A_343 = tpu.vector_load %arg7[%swap3A_341, %swap3A_342] {strides = array<i32>} : memref<24x834xf32, #tpu.memory_space<vmem>>, vector<16xf32>,
        tpu.vector_store %arg7[%swap3A_341, %swap3A_342], %gather3A_284 {strides = array<i32>} : memref<24x834xf32, #tpu.memory_space<vmem>>, vector<16xf32>,
        %swap3A_344 = arith.index_cast %scan3A_219 : i32 to index
        %swap3A_345 = arith.constant 160 : index
        %swap3A_346 = tpu.vector_load %arg7[%swap3A_344, %swap3A_345] {strides = array<i32>} : memref<24x834xf32, #tpu.memory_space<vmem>>, vector<16xf32>,
        tpu.vector_store %arg7[%swap3A_344, %swap3A_345], %gather3A_290 {strides = array<i32>} : memref<24x834xf32, #tpu.memory_space<vmem>>, vector<16xf32>,
        %swap3A_347 = arith.index_cast %scan3A_219 : i32 to index
        %swap3A_348 = arith.constant 176 : index
        %swap3A_349 = tpu.vector_load %arg7[%swap3A_347, %swap3A_348] {strides = array<i32>} : memref<24x834xf32, #tpu.memory_space<vmem>>, vector<16xf32>,
        tpu.vector_store %arg7[%swap3A_347, %swap3A_348], %gather3A_294 {strides = array<i32>} : memref<24x834xf32, #tpu.memory_space<vmem>>, vector<16xf32>,
        %swap3A_350 = arith.index_cast %scan3A_219 : i32 to index
        %swap3A_351 = arith.constant 192 : index
        %swap3A_352 = tpu.vector_load %arg7[%swap3A_350, %swap3A_351] {strides = array<i32>} : memref<24x834xf32, #tpu.memory_space<vmem>>, vector<16xf32>,
        tpu.vector_store %arg7[%swap3A_350, %swap3A_351], %gather3A_300 {strides = array<i32>} : memref<24x834xf32, #tpu.memory_space<vmem>>, vector<16xf32>,
        %swap3A_353 = arith.index_cast %scan3A_219 : i32 to index
        %swap3A_354 = arith.constant 208 : index
        %swap3A_355 = tpu.vector_load %arg7[%swap3A_353, %swap3A_354] {strides = array<i32>} : memref<24x834xf32, #tpu.memory_space<vmem>>, vector<16xf32>,
        tpu.vector_store %arg7[%swap3A_353, %swap3A_354], %gather3A_304 {strides = array<i32>} : memref<24x834xf32, #tpu.memory_space<vmem>>, vector<16xf32>,
        %swap3A_356 = arith.index_cast %scan3A_219 : i32 to index
        %swap3A_357 = arith.constant 224 : index
        %swap3A_358 = tpu.vector_load %arg7[%swap3A_356, %swap3A_357] {strides = array<i32>} : memref<24x834xf32, #tpu.memory_space<vmem>>, vector<16xf32>,
        tpu.vector_store %arg7[%swap3A_356, %swap3A_357], %gather3A_310 {strides = array<i32>} : memref<24x834xf32, #tpu.memory_space<vmem>>, vector<16xf32>,
        %swap3A_359 = arith.index_cast %scan3A_219 : i32 to index
        %swap3A_360 = arith.constant 240 : index
        %swap3A_361 = tpu.vector_load %arg7[%swap3A_359, %swap3A_360] {strides = array<i32>} : memref<24x834xf32, #tpu.memory_space<vmem>>, vector<16xf32>,
        tpu.vector_store %arg7[%swap3A_359, %swap3A_360], %gather3A_314 {strides = array<i32>} : memref<24x834xf32, #tpu.memory_space<vmem>>, vector<16xf32>,
        %broadcast_in_dim3A_362 = arith.constant 8 : i32
        %broadcast_in_dim3A_363 = vector.broadcast %broadcast_in_dim3A_362 : i32 to vector<16x1xi32>
        %gather3A_364 = vector.shape_cast %broadcast_in_dim3A_363 : vector<16x1xi32> to vector<16xi32>
        %gather3A_365 = tpu.dynamic_gather %mul3A_227[%gather3A_364] in [0] : vector<16xi32>, vector<16xi32> -> vector<16xi32>
        %add3A_366 = arith.addi %gather3A_365, %iota3A : vector<16xi32>
        %gather3A_367 = tpu.vector_load_idx %arg5[%add3A_366] : memref<8192xf32, #tpu.memory_space<vmem>>[vector<16xi32>], vector<16xf32>,
        %add3A_368 = arith.constant 16 : i32
        %add3A_369 = vector.broadcast %add3A_368 : i32 to vector<16xi32>
        %add3A_370 = arith.addi %add3A_366, %add3A_369 : vector<16xi32>
        %gather3A_371 = tpu.vector_load_idx %arg5[%add3A_370] : memref<8192xf32, #tpu.memory_space<vmem>>[vector<16xi32>], vector<16xf32>,
        %broadcast_in_dim3A_372 = arith.constant 9 : i32
        %broadcast_in_dim3A_373 = vector.broadcast %broadcast_in_dim3A_372 : i32 to vector<16x1xi32>
        %gather3A_374 = vector.shape_cast %broadcast_in_dim3A_373 : vector<16x1xi32> to vector<16xi32>
        %gather3A_375 = tpu.dynamic_gather %mul3A_227[%gather3A_374] in [0] : vector<16xi32>, vector<16xi32> -> vector<16xi32>
        %add3A_376 = arith.addi %gather3A_375, %iota3A : vector<16xi32>
        %gather3A_377 = tpu.vector_load_idx %arg5[%add3A_376] : memref<8192xf32, #tpu.memory_space<vmem>>[vector<16xi32>], vector<16xf32>,
        %add3A_378 = arith.constant 16 : i32
        %add3A_379 = vector.broadcast %add3A_378 : i32 to vector<16xi32>
        %add3A_380 = arith.addi %add3A_376, %add3A_379 : vector<16xi32>
        %gather3A_381 = tpu.vector_load_idx %arg5[%add3A_380] : memref<8192xf32, #tpu.memory_space<vmem>>[vector<16xi32>], vector<16xf32>,
        %broadcast_in_dim3A_382 = arith.constant 10 : i32
        %broadcast_in_dim3A_383 = vector.broadcast %broadcast_in_dim3A_382 : i32 to vector<16x1xi32>
        %gather3A_384 = vector.shape_cast %broadcast_in_dim3A_383 : vector<16x1xi32> to vector<16xi32>
        %gather3A_385 = tpu.dynamic_gather %mul3A_227[%gather3A_384] in [0] : vector<16xi32>, vector<16xi32> -> vector<16xi32>
        %add3A_386 = arith.addi %gather3A_385, %iota3A : vector<16xi32>
        %gather3A_387 = tpu.vector_load_idx %arg5[%add3A_386] : memref<8192xf32, #tpu.memory_space<vmem>>[vector<16xi32>], vector<16xf32>,
        %add3A_388 = arith.constant 16 : i32
        %add3A_389 = vector.broadcast %add3A_388 : i32 to vector<16xi32>
        %add3A_390 = arith.addi %add3A_386, %add3A_389 : vector<16xi32>
        %gather3A_391 = tpu.vector_load_idx %arg5[%add3A_390] : memref<8192xf32, #tpu.memory_space<vmem>>[vector<16xi32>], vector<16xf32>,
        %broadcast_in_dim3A_392 = arith.constant 11 : i32
        %broadcast_in_dim3A_393 = vector.broadcast %broadcast_in_dim3A_392 : i32 to vector<16x1xi32>
        %gather3A_394 = vector.shape_cast %broadcast_in_dim3A_393 : vector<16x1xi32> to vector<16xi32>
        %gather3A_395 = tpu.dynamic_gather %mul3A_227[%gather3A_394] in [0] : vector<16xi32>, vector<16xi32> -> vector<16xi32>
        %add3A_396 = arith.addi %gather3A_395, %iota3A : vector<16xi32>
        %gather3A_397 = tpu.vector_load_idx %arg5[%add3A_396] : memref<8192xf32, #tpu.memory_space<vmem>>[vector<16xi32>], vector<16xf32>,
        %add3A_398 = arith.constant 16 : i32
        %add3A_399 = vector.broadcast %add3A_398 : i32 to vector<16xi32>
        %add3A_400 = arith.addi %add3A_396, %add3A_399 : vector<16xi32>
        %gather3A_401 = tpu.vector_load_idx %arg5[%add3A_400] : memref<8192xf32, #tpu.memory_space<vmem>>[vector<16xi32>], vector<16xf32>,
        %broadcast_in_dim3A_402 = arith.constant 12 : i32
        %broadcast_in_dim3A_403 = vector.broadcast %broadcast_in_dim3A_402 : i32 to vector<16x1xi32>
        %gather3A_404 = vector.shape_cast %broadcast_in_dim3A_403 : vector<16x1xi32> to vector<16xi32>
        %gather3A_405 = tpu.dynamic_gather %mul3A_227[%gather3A_404] in [0] : vector<16xi32>, vector<16xi32> -> vector<16xi32>
        %add3A_406 = arith.addi %gather3A_405, %iota3A : vector<16xi32>
        %gather3A_407 = tpu.vector_load_idx %arg5[%add3A_406] : memref<8192xf32, #tpu.memory_space<vmem>>[vector<16xi32>], vector<16xf32>,
        %add3A_408 = arith.constant 16 : i32
        %add3A_409 = vector.broadcast %add3A_408 : i32 to vector<16xi32>
        %add3A_410 = arith.addi %add3A_406, %add3A_409 : vector<16xi32>
        %gather3A_411 = tpu.vector_load_idx %arg5[%add3A_410] : memref<8192xf32, #tpu.memory_space<vmem>>[vector<16xi32>], vector<16xf32>,
        %broadcast_in_dim3A_412 = arith.constant 13 : i32
        %broadcast_in_dim3A_413 = vector.broadcast %broadcast_in_dim3A_412 : i32 to vector<16x1xi32>
        %gather3A_414 = vector.shape_cast %broadcast_in_dim3A_413 : vector<16x1xi32> to vector<16xi32>
        %gather3A_415 = tpu.dynamic_gather %mul3A_227[%gather3A_414] in [0] : vector<16xi32>, vector<16xi32> -> vector<16xi32>
        %add3A_416 = arith.addi %gather3A_415, %iota3A : vector<16xi32>
        %gather3A_417 = tpu.vector_load_idx %arg5[%add3A_416] : memref<8192xf32, #tpu.memory_space<vmem>>[vector<16xi32>], vector<16xf32>,
        %add3A_418 = arith.constant 16 : i32
        %add3A_419 = vector.broadcast %add3A_418 : i32 to vector<16xi32>
        %add3A_420 = arith.addi %add3A_416, %add3A_419 : vector<16xi32>
        %gather3A_421 = tpu.vector_load_idx %arg5[%add3A_420] : memref<8192xf32, #tpu.memory_space<vmem>>[vector<16xi32>], vector<16xf32>,
        %broadcast_in_dim3A_422 = arith.constant 14 : i32
        %broadcast_in_dim3A_423 = vector.broadcast %broadcast_in_dim3A_422 : i32 to vector<16x1xi32>
        %gather3A_424 = vector.shape_cast %broadcast_in_dim3A_423 : vector<16x1xi32> to vector<16xi32>
        %gather3A_425 = tpu.dynamic_gather %mul3A_227[%gather3A_424] in [0] : vector<16xi32>, vector<16xi32> -> vector<16xi32>
        %add3A_426 = arith.addi %gather3A_425, %iota3A : vector<16xi32>
        %gather3A_427 = tpu.vector_load_idx %arg5[%add3A_426] : memref<8192xf32, #tpu.memory_space<vmem>>[vector<16xi32>], vector<16xf32>,
        %add3A_428 = arith.constant 16 : i32
        %add3A_429 = vector.broadcast %add3A_428 : i32 to vector<16xi32>
        %add3A_430 = arith.addi %add3A_426, %add3A_429 : vector<16xi32>
        %gather3A_431 = tpu.vector_load_idx %arg5[%add3A_430] : memref<8192xf32, #tpu.memory_space<vmem>>[vector<16xi32>], vector<16xf32>,
        %broadcast_in_dim3A_432 = arith.constant 15 : i32
        %broadcast_in_dim3A_433 = vector.broadcast %broadcast_in_dim3A_432 : i32 to vector<16x1xi32>
        %gather3A_434 = vector.shape_cast %broadcast_in_dim3A_433 : vector<16x1xi32> to vector<16xi32>
        %gather3A_435 = tpu.dynamic_gather %mul3A_227[%gather3A_434] in [0] : vector<16xi32>, vector<16xi32> -> vector<16xi32>
        %add3A_436 = arith.addi %gather3A_435, %iota3A : vector<16xi32>
        %gather3A_437 = tpu.vector_load_idx %arg5[%add3A_436] : memref<8192xf32, #tpu.memory_space<vmem>>[vector<16xi32>], vector<16xf32>,
        %add3A_438 = arith.constant 16 : i32
        %add3A_439 = vector.broadcast %add3A_438 : i32 to vector<16xi32>
        %add3A_440 = arith.addi %add3A_436, %add3A_439 : vector<16xi32>
        %gather3A_441 = tpu.vector_load_idx %arg5[%add3A_440] : memref<8192xf32, #tpu.memory_space<vmem>>[vector<16xi32>], vector<16xf32>,
        %swap3A_442 = arith.index_cast %scan3A_219 : i32 to index
        %swap3A_443 = arith.constant 256 : index
        %swap3A_444 = tpu.vector_load %arg7[%swap3A_442, %swap3A_443] {strides = array<i32>} : memref<24x834xf32, #tpu.memory_space<vmem>>, vector<16xf32>,
        tpu.vector_store %arg7[%swap3A_442, %swap3A_443], %gather3A_367 {strides = array<i32>} : memref<24x834xf32, #tpu.memory_space<vmem>>, vector<16xf32>,
        %swap3A_445 = arith.index_cast %scan3A_219 : i32 to index
        %swap3A_446 = arith.constant 272 : index
        %swap3A_447 = tpu.vector_load %arg7[%swap3A_445, %swap3A_446] {strides = array<i32>} : memref<24x834xf32, #tpu.memory_space<vmem>>, vector<16xf32>,
        tpu.vector_store %arg7[%swap3A_445, %swap3A_446], %gather3A_371 {strides = array<i32>} : memref<24x834xf32, #tpu.memory_space<vmem>>, vector<16xf32>,
        %swap3A_448 = arith.index_cast %scan3A_219 : i32 to index
        %swap3A_449 = arith.constant 288 : index
        %swap3A_450 = tpu.vector_load %arg7[%swap3A_448, %swap3A_449] {strides = array<i32>} : memref<24x834xf32, #tpu.memory_space<vmem>>, vector<16xf32>,
        tpu.vector_store %arg7[%swap3A_448, %swap3A_449], %gather3A_377 {strides = array<i32>} : memref<24x834xf32, #tpu.memory_space<vmem>>, vector<16xf32>,
        %swap3A_451 = arith.index_cast %scan3A_219 : i32 to index
        %swap3A_452 = arith.constant 304 : index
        %swap3A_453 = tpu.vector_load %arg7[%swap3A_451, %swap3A_452] {strides = array<i32>} : memref<24x834xf32, #tpu.memory_space<vmem>>, vector<16xf32>,
        tpu.vector_store %arg7[%swap3A_451, %swap3A_452], %gather3A_381 {strides = array<i32>} : memref<24x834xf32, #tpu.memory_space<vmem>>, vector<16xf32>,
        %swap3A_454 = arith.index_cast %scan3A_219 : i32 to index
        %swap3A_455 = arith.constant 320 : index
        %swap3A_456 = tpu.vector_load %arg7[%swap3A_454, %swap3A_455] {strides = array<i32>} : memref<24x834xf32, #tpu.memory_space<vmem>>, vector<16xf32>,
        tpu.vector_store %arg7[%swap3A_454, %swap3A_455], %gather3A_387 {strides = array<i32>} : memref<24x834xf32, #tpu.memory_space<vmem>>, vector<16xf32>,
        %swap3A_457 = arith.index_cast %scan3A_219 : i32 to index
        %swap3A_458 = arith.constant 336 : index
        %swap3A_459 = tpu.vector_load %arg7[%swap3A_457, %swap3A_458] {strides = array<i32>} : memref<24x834xf32, #tpu.memory_space<vmem>>, vector<16xf32>,
        tpu.vector_store %arg7[%swap3A_457, %swap3A_458], %gather3A_391 {strides = array<i32>} : memref<24x834xf32, #tpu.memory_space<vmem>>, vector<16xf32>,
        %swap3A_460 = arith.index_cast %scan3A_219 : i32 to index
        %swap3A_461 = arith.constant 352 : index
        %swap3A_462 = tpu.vector_load %arg7[%swap3A_460, %swap3A_461] {strides = array<i32>} : memref<24x834xf32, #tpu.memory_space<vmem>>, vector<16xf32>,
        tpu.vector_store %arg7[%swap3A_460, %swap3A_461], %gather3A_397 {strides = array<i32>} : memref<24x834xf32, #tpu.memory_space<vmem>>, vector<16xf32>,
        %swap3A_463 = arith.index_cast %scan3A_219 : i32 to index
        %swap3A_464 = arith.constant 368 : index
        %swap3A_465 = tpu.vector_load %arg7[%swap3A_463, %swap3A_464] {strides = array<i32>} : memref<24x834xf32, #tpu.memory_space<vmem>>, vector<16xf32>,
        tpu.vector_store %arg7[%swap3A_463, %swap3A_464], %gather3A_401 {strides = array<i32>} : memref<24x834xf32, #tpu.memory_space<vmem>>, vector<16xf32>,
        %swap3A_466 = arith.index_cast %scan3A_219 : i32 to index
        %swap3A_467 = arith.constant 384 : index
        %swap3A_468 = tpu.vector_load %arg7[%swap3A_466, %swap3A_467] {strides = array<i32>} : memref<24x834xf32, #tpu.memory_space<vmem>>, vector<16xf32>,
        tpu.vector_store %arg7[%swap3A_466, %swap3A_467], %gather3A_407 {strides = array<i32>} : memref<24x834xf32, #tpu.memory_space<vmem>>, vector<16xf32>,
        %swap3A_469 = arith.index_cast %scan3A_219 : i32 to index
        %swap3A_470 = arith.constant 400 : index
        %swap3A_471 = tpu.vector_load %arg7[%swap3A_469, %swap3A_470] {strides = array<i32>} : memref<24x834xf32, #tpu.memory_space<vmem>>, vector<16xf32>,
        tpu.vector_store %arg7[%swap3A_469, %swap3A_470], %gather3A_411 {strides = array<i32>} : memref<24x834xf32, #tpu.memory_space<vmem>>, vector<16xf32>,
        %swap3A_472 = arith.index_cast %scan3A_219 : i32 to index
        %swap3A_473 = arith.constant 416 : index
        %swap3A_474 = tpu.vector_load %arg7[%swap3A_472, %swap3A_473] {strides = array<i32>} : memref<24x834xf32, #tpu.memory_space<vmem>>, vector<16xf32>,
        tpu.vector_store %arg7[%swap3A_472, %swap3A_473], %gather3A_417 {strides = array<i32>} : memref<24x834xf32, #tpu.memory_space<vmem>>, vector<16xf32>,
        %swap3A_475 = arith.index_cast %scan3A_219 : i32 to index
        %swap3A_476 = arith.constant 432 : index
        %swap3A_477 = tpu.vector_load %arg7[%swap3A_475, %swap3A_476] {strides = array<i32>} : memref<24x834xf32, #tpu.memory_space<vmem>>, vector<16xf32>,
        tpu.vector_store %arg7[%swap3A_475, %swap3A_476], %gather3A_421 {strides = array<i32>} : memref<24x834xf32, #tpu.memory_space<vmem>>, vector<16xf32>,
        %swap3A_478 = arith.index_cast %scan3A_219 : i32 to index
        %swap3A_479 = arith.constant 448 : index
        %swap3A_480 = tpu.vector_load %arg7[%swap3A_478, %swap3A_479] {strides = array<i32>} : memref<24x834xf32, #tpu.memory_space<vmem>>, vector<16xf32>,
        tpu.vector_store %arg7[%swap3A_478, %swap3A_479], %gather3A_427 {strides = array<i32>} : memref<24x834xf32, #tpu.memory_space<vmem>>, vector<16xf32>,
        %swap3A_481 = arith.index_cast %scan3A_219 : i32 to index
        %swap3A_482 = arith.constant 464 : index
        %swap3A_483 = tpu.vector_load %arg7[%swap3A_481, %swap3A_482] {strides = array<i32>} : memref<24x834xf32, #tpu.memory_space<vmem>>, vector<16xf32>,
        tpu.vector_store %arg7[%swap3A_481, %swap3A_482], %gather3A_431 {strides = array<i32>} : memref<24x834xf32, #tpu.memory_space<vmem>>, vector<16xf32>,
        %swap3A_484 = arith.index_cast %scan3A_219 : i32 to index
        %swap3A_485 = arith.constant 480 : index
        %swap3A_486 = tpu.vector_load %arg7[%swap3A_484, %swap3A_485] {strides = array<i32>} : memref<24x834xf32, #tpu.memory_space<vmem>>, vector<16xf32>,
        tpu.vector_store %arg7[%swap3A_484, %swap3A_485], %gather3A_437 {strides = array<i32>} : memref<24x834xf32, #tpu.memory_space<vmem>>, vector<16xf32>,
        %swap3A_487 = arith.index_cast %scan3A_219 : i32 to index
        %swap3A_488 = arith.constant 496 : index
        %swap3A_489 = tpu.vector_load %arg7[%swap3A_487, %swap3A_488] {strides = array<i32>} : memref<24x834xf32, #tpu.memory_space<vmem>>, vector<16xf32>,
        tpu.vector_store %arg7[%swap3A_487, %swap3A_488], %gather3A_441 {strides = array<i32>} : memref<24x834xf32, #tpu.memory_space<vmem>>, vector<16xf32>,
        %broadcast_in_dim3A_490 = arith.constant 7 : i32
        %broadcast_in_dim3A_491 = vector.broadcast %broadcast_in_dim3A_490 : i32 to vector<16x1xi32>
        %gather3A_492 = vector.shape_cast %broadcast_in_dim3A_491 : vector<16x1xi32> to vector<16xi32>
        %gather3A_493 = tpu.dynamic_gather %mul3A_236[%gather3A_492] in [0] : vector<16xi32>, vector<16xi32> -> vector<16xi32>
        %add3A_494 = arith.addi %gather3A_493, %iota3A : vector<16xi32>
        %gather3A_495 = tpu.vector_load_idx %arg5[%add3A_494] : memref<8192xf32, #tpu.memory_space<vmem>>[vector<16xi32>], vector<16xf32>,
        %add3A_496 = arith.constant 16 : i32
        %add3A_497 = vector.broadcast %add3A_496 : i32 to vector<16xi32>
        %add3A_498 = arith.addi %add3A_494, %add3A_497 : vector<16xi32>
        %gather3A_499 = tpu.vector_load_idx %arg5[%add3A_498] : memref<8192xf32, #tpu.memory_space<vmem>>[vector<16xi32>], vector<16xf32>,
        %broadcast_in_dim3A_500 = arith.constant 8 : i32
        %broadcast_in_dim3A_501 = vector.broadcast %broadcast_in_dim3A_500 : i32 to vector<16x1xi32>
        %gather3A_502 = vector.shape_cast %broadcast_in_dim3A_501 : vector<16x1xi32> to vector<16xi32>
        %gather3A_503 = tpu.dynamic_gather %mul3A_236[%gather3A_502] in [0] : vector<16xi32>, vector<16xi32> -> vector<16xi32>
        %add3A_504 = arith.addi %gather3A_503, %iota3A : vector<16xi32>
        %gather3A_505 = tpu.vector_load_idx %arg5[%add3A_504] : memref<8192xf32, #tpu.memory_space<vmem>>[vector<16xi32>], vector<16xf32>,
        %add3A_506 = arith.constant 16 : i32
        %add3A_507 = vector.broadcast %add3A_506 : i32 to vector<16xi32>
        %add3A_508 = arith.addi %add3A_504, %add3A_507 : vector<16xi32>
        %gather3A_509 = tpu.vector_load_idx %arg5[%add3A_508] : memref<8192xf32, #tpu.memory_space<vmem>>[vector<16xi32>], vector<16xf32>,
        %broadcast_in_dim3A_510 = arith.constant 9 : i32
        %broadcast_in_dim3A_511 = vector.broadcast %broadcast_in_dim3A_510 : i32 to vector<16x1xi32>
        %gather3A_512 = vector.shape_cast %broadcast_in_dim3A_511 : vector<16x1xi32> to vector<16xi32>
        %gather3A_513 = tpu.dynamic_gather %mul3A_236[%gather3A_512] in [0] : vector<16xi32>, vector<16xi32> -> vector<16xi32>
        %add3A_514 = arith.addi %gather3A_513, %iota3A : vector<16xi32>
        %gather3A_515 = tpu.vector_load_idx %arg5[%add3A_514] : memref<8192xf32, #tpu.memory_space<vmem>>[vector<16xi32>], vector<16xf32>,
        %add3A_516 = arith.constant 16 : i32
        %add3A_517 = vector.broadcast %add3A_516 : i32 to vector<16xi32>
        %add3A_518 = arith.addi %add3A_514, %add3A_517 : vector<16xi32>
        %gather3A_519 = tpu.vector_load_idx %arg5[%add3A_518] : memref<8192xf32, #tpu.memory_space<vmem>>[vector<16xi32>], vector<16xf32>,
        %broadcast_in_dim3A_520 = arith.constant 10 : i32
        %broadcast_in_dim3A_521 = vector.broadcast %broadcast_in_dim3A_520 : i32 to vector<16x1xi32>
        %gather3A_522 = vector.shape_cast %broadcast_in_dim3A_521 : vector<16x1xi32> to vector<16xi32>
        %gather3A_523 = tpu.dynamic_gather %mul3A_236[%gather3A_522] in [0] : vector<16xi32>, vector<16xi32> -> vector<16xi32>
        %add3A_524 = arith.addi %gather3A_523, %iota3A : vector<16xi32>
        %gather3A_525 = tpu.vector_load_idx %arg5[%add3A_524] : memref<8192xf32, #tpu.memory_space<vmem>>[vector<16xi32>], vector<16xf32>,
        %add3A_526 = arith.constant 16 : i32
        %add3A_527 = vector.broadcast %add3A_526 : i32 to vector<16xi32>
        %add3A_528 = arith.addi %add3A_524, %add3A_527 : vector<16xi32>
        %gather3A_529 = tpu.vector_load_idx %arg5[%add3A_528] : memref<8192xf32, #tpu.memory_space<vmem>>[vector<16xi32>], vector<16xf32>,
        %broadcast_in_dim3A_530 = arith.constant 11 : i32
        %broadcast_in_dim3A_531 = vector.broadcast %broadcast_in_dim3A_530 : i32 to vector<16x1xi32>
        %gather3A_532 = vector.shape_cast %broadcast_in_dim3A_531 : vector<16x1xi32> to vector<16xi32>
        %gather3A_533 = tpu.dynamic_gather %mul3A_236[%gather3A_532] in [0] : vector<16xi32>, vector<16xi32> -> vector<16xi32>
        %add3A_534 = arith.addi %gather3A_533, %iota3A : vector<16xi32>
        %gather3A_535 = tpu.vector_load_idx %arg5[%add3A_534] : memref<8192xf32, #tpu.memory_space<vmem>>[vector<16xi32>], vector<16xf32>,
        %add3A_536 = arith.constant 16 : i32
        %add3A_537 = vector.broadcast %add3A_536 : i32 to vector<16xi32>
        %add3A_538 = arith.addi %add3A_534, %add3A_537 : vector<16xi32>
        %gather3A_539 = tpu.vector_load_idx %arg5[%add3A_538] : memref<8192xf32, #tpu.memory_space<vmem>>[vector<16xi32>], vector<16xf32>,
        %broadcast_in_dim3A_540 = arith.constant 12 : i32
        %broadcast_in_dim3A_541 = vector.broadcast %broadcast_in_dim3A_540 : i32 to vector<16x1xi32>
        %gather3A_542 = vector.shape_cast %broadcast_in_dim3A_541 : vector<16x1xi32> to vector<16xi32>
        %gather3A_543 = tpu.dynamic_gather %mul3A_236[%gather3A_542] in [0] : vector<16xi32>, vector<16xi32> -> vector<16xi32>
        %add3A_544 = arith.addi %gather3A_543, %iota3A : vector<16xi32>
        %gather3A_545 = tpu.vector_load_idx %arg5[%add3A_544] : memref<8192xf32, #tpu.memory_space<vmem>>[vector<16xi32>], vector<16xf32>,
        %add3A_546 = arith.constant 16 : i32
        %add3A_547 = vector.broadcast %add3A_546 : i32 to vector<16xi32>
        %add3A_548 = arith.addi %add3A_544, %add3A_547 : vector<16xi32>
        %gather3A_549 = tpu.vector_load_idx %arg5[%add3A_548] : memref<8192xf32, #tpu.memory_space<vmem>>[vector<16xi32>], vector<16xf32>,
        %broadcast_in_dim3A_550 = arith.constant 13 : i32
        %broadcast_in_dim3A_551 = vector.broadcast %broadcast_in_dim3A_550 : i32 to vector<16x1xi32>
        %gather3A_552 = vector.shape_cast %broadcast_in_dim3A_551 : vector<16x1xi32> to vector<16xi32>
        %gather3A_553 = tpu.dynamic_gather %mul3A_236[%gather3A_552] in [0] : vector<16xi32>, vector<16xi32> -> vector<16xi32>
        %add3A_554 = arith.addi %gather3A_553, %iota3A : vector<16xi32>
        %gather3A_555 = tpu.vector_load_idx %arg5[%add3A_554] : memref<8192xf32, #tpu.memory_space<vmem>>[vector<16xi32>], vector<16xf32>,
        %add3A_556 = arith.constant 16 : i32
        %add3A_557 = vector.broadcast %add3A_556 : i32 to vector<16xi32>
        %add3A_558 = arith.addi %add3A_554, %add3A_557 : vector<16xi32>
        %gather3A_559 = tpu.vector_load_idx %arg5[%add3A_558] : memref<8192xf32, #tpu.memory_space<vmem>>[vector<16xi32>], vector<16xf32>,
        %broadcast_in_dim3A_560 = arith.constant 14 : i32
        %broadcast_in_dim3A_561 = vector.broadcast %broadcast_in_dim3A_560 : i32 to vector<16x1xi32>
        %gather3A_562 = vector.shape_cast %broadcast_in_dim3A_561 : vector<16x1xi32> to vector<16xi32>
        %gather3A_563 = tpu.dynamic_gather %mul3A_236[%gather3A_562] in [0] : vector<16xi32>, vector<16xi32> -> vector<16xi32>
        %add3A_564 = arith.addi %gather3A_563, %iota3A : vector<16xi32>
        %gather3A_565 = tpu.vector_load_idx %arg5[%add3A_564] : memref<8192xf32, #tpu.memory_space<vmem>>[vector<16xi32>], vector<16xf32>,
        %add3A_566 = arith.constant 16 : i32
        %add3A_567 = vector.broadcast %add3A_566 : i32 to vector<16xi32>
        %add3A_568 = arith.addi %add3A_564, %add3A_567 : vector<16xi32>
        %gather3A_569 = tpu.vector_load_idx %arg5[%add3A_568] : memref<8192xf32, #tpu.memory_space<vmem>>[vector<16xi32>], vector<16xf32>,
        %swap3A_570 = arith.index_cast %scan3A_219 : i32 to index
        %swap3A_571 = arith.constant 512 : index
        %swap3A_572 = tpu.vector_load %arg7[%swap3A_570, %swap3A_571] {strides = array<i32>} : memref<24x834xf32, #tpu.memory_space<vmem>>, vector<16xf32>,
        tpu.vector_store %arg7[%swap3A_570, %swap3A_571], %gather3A_495 {strides = array<i32>} : memref<24x834xf32, #tpu.memory_space<vmem>>, vector<16xf32>,
        %swap3A_573 = arith.index_cast %scan3A_219 : i32 to index
        %swap3A_574 = arith.constant 528 : index
        %swap3A_575 = tpu.vector_load %arg7[%swap3A_573, %swap3A_574] {strides = array<i32>} : memref<24x834xf32, #tpu.memory_space<vmem>>, vector<16xf32>,
        tpu.vector_store %arg7[%swap3A_573, %swap3A_574], %gather3A_499 {strides = array<i32>} : memref<24x834xf32, #tpu.memory_space<vmem>>, vector<16xf32>,
        %swap3A_576 = arith.index_cast %scan3A_219 : i32 to index
        %swap3A_577 = arith.constant 544 : index
        %swap3A_578 = tpu.vector_load %arg7[%swap3A_576, %swap3A_577] {strides = array<i32>} : memref<24x834xf32, #tpu.memory_space<vmem>>, vector<16xf32>,
        tpu.vector_store %arg7[%swap3A_576, %swap3A_577], %gather3A_505 {strides = array<i32>} : memref<24x834xf32, #tpu.memory_space<vmem>>, vector<16xf32>,
        %swap3A_579 = arith.index_cast %scan3A_219 : i32 to index
        %swap3A_580 = arith.constant 560 : index
        %swap3A_581 = tpu.vector_load %arg7[%swap3A_579, %swap3A_580] {strides = array<i32>} : memref<24x834xf32, #tpu.memory_space<vmem>>, vector<16xf32>,
        tpu.vector_store %arg7[%swap3A_579, %swap3A_580], %gather3A_509 {strides = array<i32>} : memref<24x834xf32, #tpu.memory_space<vmem>>, vector<16xf32>,
        %swap3A_582 = arith.index_cast %scan3A_219 : i32 to index
        %swap3A_583 = arith.constant 576 : index
        %swap3A_584 = tpu.vector_load %arg7[%swap3A_582, %swap3A_583] {strides = array<i32>} : memref<24x834xf32, #tpu.memory_space<vmem>>, vector<16xf32>,
        tpu.vector_store %arg7[%swap3A_582, %swap3A_583], %gather3A_515 {strides = array<i32>} : memref<24x834xf32, #tpu.memory_space<vmem>>, vector<16xf32>,
        %swap3A_585 = arith.index_cast %scan3A_219 : i32 to index
        %swap3A_586 = arith.constant 592 : index
        %swap3A_587 = tpu.vector_load %arg7[%swap3A_585, %swap3A_586] {strides = array<i32>} : memref<24x834xf32, #tpu.memory_space<vmem>>, vector<16xf32>,
        tpu.vector_store %arg7[%swap3A_585, %swap3A_586], %gather3A_519 {strides = array<i32>} : memref<24x834xf32, #tpu.memory_space<vmem>>, vector<16xf32>,
        %swap3A_588 = arith.index_cast %scan3A_219 : i32 to index
        %swap3A_589 = arith.constant 608 : index
        %swap3A_590 = tpu.vector_load %arg7[%swap3A_588, %swap3A_589] {strides = array<i32>} : memref<24x834xf32, #tpu.memory_space<vmem>>, vector<16xf32>,
        tpu.vector_store %arg7[%swap3A_588, %swap3A_589], %gather3A_525 {strides = array<i32>} : memref<24x834xf32, #tpu.memory_space<vmem>>, vector<16xf32>,
        %swap3A_591 = arith.index_cast %scan3A_219 : i32 to index
        %swap3A_592 = arith.constant 624 : index
        %swap3A_593 = tpu.vector_load %arg7[%swap3A_591, %swap3A_592] {strides = array<i32>} : memref<24x834xf32, #tpu.memory_space<vmem>>, vector<16xf32>,
        tpu.vector_store %arg7[%swap3A_591, %swap3A_592], %gather3A_529 {strides = array<i32>} : memref<24x834xf32, #tpu.memory_space<vmem>>, vector<16xf32>,
        %swap3A_594 = arith.index_cast %scan3A_219 : i32 to index
        %swap3A_595 = arith.constant 640 : index
        %swap3A_596 = tpu.vector_load %arg7[%swap3A_594, %swap3A_595] {strides = array<i32>} : memref<24x834xf32, #tpu.memory_space<vmem>>, vector<16xf32>,
        tpu.vector_store %arg7[%swap3A_594, %swap3A_595], %gather3A_535 {strides = array<i32>} : memref<24x834xf32, #tpu.memory_space<vmem>>, vector<16xf32>,
        %swap3A_597 = arith.index_cast %scan3A_219 : i32 to index
        %swap3A_598 = arith.constant 656 : index
        %swap3A_599 = tpu.vector_load %arg7[%swap3A_597, %swap3A_598] {strides = array<i32>} : memref<24x834xf32, #tpu.memory_space<vmem>>, vector<16xf32>,
        tpu.vector_store %arg7[%swap3A_597, %swap3A_598], %gather3A_539 {strides = array<i32>} : memref<24x834xf32, #tpu.memory_space<vmem>>, vector<16xf32>,
        %swap3A_600 = arith.index_cast %scan3A_219 : i32 to index
        %swap3A_601 = arith.constant 672 : index
        %swap3A_602 = tpu.vector_load %arg7[%swap3A_600, %swap3A_601] {strides = array<i32>} : memref<24x834xf32, #tpu.memory_space<vmem>>, vector<16xf32>,
        tpu.vector_store %arg7[%swap3A_600, %swap3A_601], %gather3A_545 {strides = array<i32>} : memref<24x834xf32, #tpu.memory_space<vmem>>, vector<16xf32>,
        %swap3A_603 = arith.index_cast %scan3A_219 : i32 to index
        %swap3A_604 = arith.constant 688 : index
        %swap3A_605 = tpu.vector_load %arg7[%swap3A_603, %swap3A_604] {strides = array<i32>} : memref<24x834xf32, #tpu.memory_space<vmem>>, vector<16xf32>,
        tpu.vector_store %arg7[%swap3A_603, %swap3A_604], %gather3A_549 {strides = array<i32>} : memref<24x834xf32, #tpu.memory_space<vmem>>, vector<16xf32>,
        %swap3A_606 = arith.index_cast %scan3A_219 : i32 to index
        %swap3A_607 = arith.constant 704 : index
        %swap3A_608 = tpu.vector_load %arg7[%swap3A_606, %swap3A_607] {strides = array<i32>} : memref<24x834xf32, #tpu.memory_space<vmem>>, vector<16xf32>,
        tpu.vector_store %arg7[%swap3A_606, %swap3A_607], %gather3A_555 {strides = array<i32>} : memref<24x834xf32, #tpu.memory_space<vmem>>, vector<16xf32>,
        %swap3A_609 = arith.index_cast %scan3A_219 : i32 to index
        %swap3A_610 = arith.constant 720 : index
        %swap3A_611 = tpu.vector_load %arg7[%swap3A_609, %swap3A_610] {strides = array<i32>} : memref<24x834xf32, #tpu.memory_space<vmem>>, vector<16xf32>,
        tpu.vector_store %arg7[%swap3A_609, %swap3A_610], %gather3A_559 {strides = array<i32>} : memref<24x834xf32, #tpu.memory_space<vmem>>, vector<16xf32>,
        %swap3A_612 = arith.index_cast %scan3A_219 : i32 to index
        %swap3A_613 = arith.constant 736 : index
        %swap3A_614 = tpu.vector_load %arg7[%swap3A_612, %swap3A_613] {strides = array<i32>} : memref<24x834xf32, #tpu.memory_space<vmem>>, vector<16xf32>,
        tpu.vector_store %arg7[%swap3A_612, %swap3A_613], %gather3A_565 {strides = array<i32>} : memref<24x834xf32, #tpu.memory_space<vmem>>, vector<16xf32>,
        %swap3A_615 = arith.index_cast %scan3A_219 : i32 to index
        %swap3A_616 = arith.constant 752 : index
        %swap3A_617 = tpu.vector_load %arg7[%swap3A_615, %swap3A_616] {strides = array<i32>} : memref<24x834xf32, #tpu.memory_space<vmem>>, vector<16xf32>,
        tpu.vector_store %arg7[%swap3A_615, %swap3A_616], %gather3A_569 {strides = array<i32>} : memref<24x834xf32, #tpu.memory_space<vmem>>, vector<16xf32>,
        %broadcast_in_dim3A_618 = arith.constant 15 : i32
        %broadcast_in_dim3A_619 = vector.broadcast %broadcast_in_dim3A_618 : i32 to vector<16x1xi32>
        %gather3A_620 = vector.shape_cast %broadcast_in_dim3A_619 : vector<16x1xi32> to vector<16xi32>
        %gather3A_621 = tpu.dynamic_gather %mul3A_236[%gather3A_620] in [0] : vector<16xi32>, vector<16xi32> -> vector<16xi32>
        %add3A_622 = arith.addi %gather3A_621, %iota3A : vector<16xi32>
        %gather3A_623 = tpu.vector_load_idx %arg5[%add3A_622] : memref<8192xf32, #tpu.memory_space<vmem>>[vector<16xi32>], vector<16xf32>,
        %add3A_624 = arith.constant 16 : i32
        %add3A_625 = vector.broadcast %add3A_624 : i32 to vector<16xi32>
        %add3A_626 = arith.addi %add3A_622, %add3A_625 : vector<16xi32>
        %gather3A_627 = tpu.vector_load_idx %arg5[%add3A_626] : memref<8192xf32, #tpu.memory_space<vmem>>[vector<16xi32>], vector<16xf32>,
        %swap3A_628 = arith.index_cast %scan3A_219 : i32 to index
        %swap3A_629 = arith.constant 768 : index
        %swap3A_630 = tpu.vector_load %arg7[%swap3A_628, %swap3A_629] {strides = array<i32>} : memref<24x834xf32, #tpu.memory_space<vmem>>, vector<16xf32>,
        tpu.vector_store %arg7[%swap3A_628, %swap3A_629], %gather3A_623 {strides = array<i32>} : memref<24x834xf32, #tpu.memory_space<vmem>>, vector<16xf32>,
        %swap3A_631 = arith.index_cast %scan3A_219 : i32 to index
        %swap3A_632 = arith.constant 784 : index
        %swap3A_633 = tpu.vector_load %arg7[%swap3A_631, %swap3A_632] {strides = array<i32>} : memref<24x834xf32, #tpu.memory_space<vmem>>, vector<16xf32>,
        tpu.vector_store %arg7[%swap3A_631, %swap3A_632], %gather3A_627 {strides = array<i32>} : memref<24x834xf32, #tpu.memory_space<vmem>>, vector<16xf32>,
        %add3A_634 = arith.constant 150 : i32
        %add3A_635 = arith.addi %add3A_634, %scan3A_219 : i32
        %get3A_636 = arith.index_cast %add3A_635 : i32 to index
        %get3A_637 = arith.constant 25 : index
        %get3A_638 = tpu.vector_load %arg6[%get3A_636, %get3A_637] {strides = array<i32>} : memref<200x64xf32, #tpu.memory_space<vmem>>, vector<16xf32>,
        %swap3A_639 = arith.index_cast %scan3A_219 : i32 to index
        %swap3A_640 = arith.constant 800 : index
        %swap3A_641 = tpu.vector_load %arg7[%swap3A_639, %swap3A_640] {strides = array<i32>} : memref<24x834xf32, #tpu.memory_space<vmem>>, vector<16xf32>,
        tpu.vector_store %arg7[%swap3A_639, %swap3A_640], %get3A_638 {strides = array<i32>} : memref<24x834xf32, #tpu.memory_space<vmem>>, vector<16xf32>,
        %add3A_642 = arith.constant 150 : i32
        %add3A_643 = arith.addi %add3A_642, %scan3A_219 : i32
        %get3A_644 = arith.index_cast %add3A_643 : i32 to index
        %get3A_645 = arith.constant 41 : index
        %get3A_646 = tpu.vector_load %arg6[%get3A_644, %get3A_645] {strides = array<i32>} : memref<200x64xf32, #tpu.memory_space<vmem>>, vector<16xf32>,
        %swap3A_647 = arith.index_cast %scan3A_219 : i32 to index
        %swap3A_648 = arith.constant 816 : index
        %swap3A_649 = tpu.vector_load %arg7[%swap3A_647, %swap3A_648] {strides = array<i32>} : memref<24x834xf32, #tpu.memory_space<vmem>>, vector<16xf32>,
        tpu.vector_store %arg7[%swap3A_647, %swap3A_648], %get3A_646 {strides = array<i32>} : memref<24x834xf32, #tpu.memory_space<vmem>>, vector<16xf32>,
        %add3A_650 = arith.constant 150 : i32
        %add3A_651 = arith.addi %add3A_650, %scan3A_219 : i32
        %get3A_652 = arith.index_cast %add3A_651 : i32 to index
        %get3A_653 = arith.constant 43 : index
        %get3A_654 = tpu.vector_load %arg6[%get3A_652, %get3A_653] {strides = array<i32>} : memref<200x64xf32, #tpu.memory_space<vmem>>, vector<16xf32>,
        %swap3A_655 = arith.index_cast %scan3A_219 : i32 to index
        %swap3A_656 = arith.constant 818 : index
        %swap3A_657 = tpu.vector_load %arg7[%swap3A_655, %swap3A_656] {strides = array<i32>} : memref<24x834xf32, #tpu.memory_space<vmem>>, vector<16xf32>,
        tpu.vector_store %arg7[%swap3A_655, %swap3A_656], %get3A_654 {strides = array<i32>} : memref<24x834xf32, #tpu.memory_space<vmem>>, vector<16xf32>,
      }
      %scan3A_188 = arith.constant 24 : i32
      %dma_start3A_189 = arith.constant 0 : i32
      %dma_start3A_190 = arith.constant 0 : i32
      %dma_start3A_191 = tpu.memref_slice %arg4[%add3A_174, %dma_start3A_189, %dma_start3A_190] : memref<1024x50x834xf32, #tpu.memory_space<hbm>> -> memref<1x24x834xf32, #tpu.memory_space<hbm>>
      %dma_start3A_192 = tpu.memref_squeeze %dma_start3A_191 : memref<1x24x834xf32, #tpu.memory_space<hbm>> -> memref<24x834xf32, #tpu.memory_space<hbm>>
      %dma_start3A_193 = arith.constant 0 : i32
      %dma_start3A_194 = arith.constant 0 : i32
      %dma_start3A_195 = tpu.memref_slice %arg4[%add3A_174, %dma_start3A_193, %dma_start3A_194] : memref<1024x50x834xf32, #tpu.memory_space<hbm>> -> memref<1x24x834xf32, #tpu.memory_space<hbm>>
      %dma_start3A_196 = tpu.memref_squeeze %dma_start3A_195 : memref<1x24x834xf32, #tpu.memory_space<hbm>> -> memref<24x834xf32, #tpu.memory_space<hbm>>
      tpu.enqueue_dma source(%arg7 : memref<24x834xf32, #tpu.memory_space<vmem>>) target(%dma_start3A_196 : memref<24x834xf32, #tpu.memory_space<hbm>>) target_semaphore(%arg9 : memref<!tpu.dma_semaphore, #tpu.memory_space<semaphore_mem>>)
      %dma_wait3A_197 = arith.constant 24 : i32
      %dma_wait3A_198 = arith.constant 0 : i32
      %dma_wait3A_199 = tpu.memref_slice %arg4[%add3A_174, %dma_wait3A_197, %dma_wait3A_198] : memref<1024x50x834xf32, #tpu.memory_space<hbm>> -> memref<1x26x834xf32, #tpu.memory_space<hbm>>
      %dma_wait3A_200 = tpu.memref_squeeze %dma_wait3A_199 : memref<1x26x834xf32, #tpu.memory_space<hbm>> -> memref<26x834xf32, #tpu.memory_space<hbm>>
      %dma_wait3A_201 = arith.constant 24 : i32
      %dma_wait3A_202 = arith.constant 0 : i32
      %dma_wait3A_203 = tpu.memref_slice %arg4[%add3A_174, %dma_wait3A_201, %dma_wait3A_202] : memref<1024x50x834xf32, #tpu.memory_space<hbm>> -> memref<1x26x834xf32, #tpu.memory_space<hbm>>
      %dma_wait3A_204 = tpu.memref_squeeze %dma_wait3A_203 : memref<1x26x834xf32, #tpu.memory_space<hbm>> -> memref<26x834xf32, #tpu.memory_space<hbm>>
      tpu.wait_dma2 semaphore(%arg10 : memref<!tpu.dma_semaphore, #tpu.memory_space<semaphore_mem>>) src(%arg8 : memref<26x834xf32, #tpu.memory_space<vmem>>) dst(%dma_wait3A_204 : memref<26x834xf32, #tpu.memory_space<hbm>>)
      %scan3A_205 = arith.constant 0 : i32
      %scan3A_206 = arith.constant 0 : i32
      %scan3A_207 = arith.constant 26 : i32
      %scan3A_208 = arith.addi %scan3A_206, %scan3A_207 : i32
      %scan3A_209 = arith.constant 1 : i32
      scf.for %scan3A_219 = %scan3A_206 to %scan3A_208 step %scan3A_209  : i32 {
        %add3A_220 = arith.constant 174 : i32
        %add3A_221 = arith.addi %add3A_220, %scan3A_219 : i32
        %get3A = arith.index_cast %add3A_221 : i32 to index
        %get3A_222 = arith.constant 0 : index
        %get3A_223 = tpu.vector_load %arg6[%get3A, %get3A_222] {strides = array<i32>} : memref<200x64xf32, #tpu.memory_space<vmem>>, vector<16xf32>,
        %convert_element_type3A_224 = arith.fptosi %get3A_223 : vector<16xf32> to vector<16xi32>
        %mul3A_225 = arith.constant 32 : i32
        %mul3A_226 = vector.broadcast %mul3A_225 : i32 to vector<16xi32>
        %mul3A_227 = arith.muli %convert_element_type3A_224, %mul3A_226 : vector<16xi32>
        %add3A_228 = arith.constant 174 : i32
        %add3A_229 = arith.addi %add3A_228, %scan3A_219 : i32
        %get3A_230 = arith.index_cast %add3A_229 : i32 to index
        %get3A_231 = arith.constant 9 : index
        %get3A_232 = tpu.vector_load %arg6[%get3A_230, %get3A_231] {strides = array<i32>} : memref<200x64xf32, #tpu.memory_space<vmem>>, vector<16xf32>,
        %convert_element_type3A_233 = arith.fptosi %get3A_232 : vector<16xf32> to vector<16xi32>
        %mul3A_234 = arith.constant 32 : i32
        %mul3A_235 = vector.broadcast %mul3A_234 : i32 to vector<16xi32>
        %mul3A_236 = arith.muli %convert_element_type3A_233, %mul3A_235 : vector<16xi32>
        %broadcast_in_dim3A = arith.constant 0 : i32
        %broadcast_in_dim3A_237 = vector.broadcast %broadcast_in_dim3A : i32 to vector<16x1xi32>
        %gather3A = vector.shape_cast %broadcast_in_dim3A_237 : vector<16x1xi32> to vector<16xi32>
        %gather3A_238 = tpu.dynamic_gather %mul3A_227[%gather3A] in [0] : vector<16xi32>, vector<16xi32> -> vector<16xi32>
        %add3A_239 = arith.addi %gather3A_238, %iota3A : vector<16xi32>
        %gather3A_240 = tpu.vector_load_idx %arg5[%add3A_239] : memref<8192xf32, #tpu.memory_space<vmem>>[vector<16xi32>], vector<16xf32>,
        %add3A_241 = arith.constant 16 : i32
        %add3A_242 = vector.broadcast %add3A_241 : i32 to vector<16xi32>
        %add3A_243 = arith.addi %add3A_239, %add3A_242 : vector<16xi32>
        %gather3A_244 = tpu.vector_load_idx %arg5[%add3A_243] : memref<8192xf32, #tpu.memory_space<vmem>>[vector<16xi32>], vector<16xf32>,
        %broadcast_in_dim3A_245 = arith.constant 1 : i32
        %broadcast_in_dim3A_246 = vector.broadcast %broadcast_in_dim3A_245 : i32 to vector<16x1xi32>
        %gather3A_247 = vector.shape_cast %broadcast_in_dim3A_246 : vector<16x1xi32> to vector<16xi32>
        %gather3A_248 = tpu.dynamic_gather %mul3A_227[%gather3A_247] in [0] : vector<16xi32>, vector<16xi32> -> vector<16xi32>
        %add3A_249 = arith.addi %gather3A_248, %iota3A : vector<16xi32>
        %gather3A_250 = tpu.vector_load_idx %arg5[%add3A_249] : memref<8192xf32, #tpu.memory_space<vmem>>[vector<16xi32>], vector<16xf32>,
        %add3A_251 = arith.constant 16 : i32
        %add3A_252 = vector.broadcast %add3A_251 : i32 to vector<16xi32>
        %add3A_253 = arith.addi %add3A_249, %add3A_252 : vector<16xi32>
        %gather3A_254 = tpu.vector_load_idx %arg5[%add3A_253] : memref<8192xf32, #tpu.memory_space<vmem>>[vector<16xi32>], vector<16xf32>,
        %broadcast_in_dim3A_255 = arith.constant 2 : i32
        %broadcast_in_dim3A_256 = vector.broadcast %broadcast_in_dim3A_255 : i32 to vector<16x1xi32>
        %gather3A_257 = vector.shape_cast %broadcast_in_dim3A_256 : vector<16x1xi32> to vector<16xi32>
        %gather3A_258 = tpu.dynamic_gather %mul3A_227[%gather3A_257] in [0] : vector<16xi32>, vector<16xi32> -> vector<16xi32>
        %add3A_259 = arith.addi %gather3A_258, %iota3A : vector<16xi32>
        %gather3A_260 = tpu.vector_load_idx %arg5[%add3A_259] : memref<8192xf32, #tpu.memory_space<vmem>>[vector<16xi32>], vector<16xf32>,
        %add3A_261 = arith.constant 16 : i32
        %add3A_262 = vector.broadcast %add3A_261 : i32 to vector<16xi32>
        %add3A_263 = arith.addi %add3A_259, %add3A_262 : vector<16xi32>
        %gather3A_264 = tpu.vector_load_idx %arg5[%add3A_263] : memref<8192xf32, #tpu.memory_space<vmem>>[vector<16xi32>], vector<16xf32>,
        %broadcast_in_dim3A_265 = arith.constant 3 : i32
        %broadcast_in_dim3A_266 = vector.broadcast %broadcast_in_dim3A_265 : i32 to vector<16x1xi32>
        %gather3A_267 = vector.shape_cast %broadcast_in_dim3A_266 : vector<16x1xi32> to vector<16xi32>
        %gather3A_268 = tpu.dynamic_gather %mul3A_227[%gather3A_267] in [0] : vector<16xi32>, vector<16xi32> -> vector<16xi32>
        %add3A_269 = arith.addi %gather3A_268, %iota3A : vector<16xi32>
        %gather3A_270 = tpu.vector_load_idx %arg5[%add3A_269] : memref<8192xf32, #tpu.memory_space<vmem>>[vector<16xi32>], vector<16xf32>,
        %add3A_271 = arith.constant 16 : i32
        %add3A_272 = vector.broadcast %add3A_271 : i32 to vector<16xi32>
        %add3A_273 = arith.addi %add3A_269, %add3A_272 : vector<16xi32>
        %gather3A_274 = tpu.vector_load_idx %arg5[%add3A_273] : memref<8192xf32, #tpu.memory_space<vmem>>[vector<16xi32>], vector<16xf32>,
        %broadcast_in_dim3A_275 = arith.constant 4 : i32
        %broadcast_in_dim3A_276 = vector.broadcast %broadcast_in_dim3A_275 : i32 to vector<16x1xi32>
        %gather3A_277 = vector.shape_cast %broadcast_in_dim3A_276 : vector<16x1xi32> to vector<16xi32>
        %gather3A_278 = tpu.dynamic_gather %mul3A_227[%gather3A_277] in [0] : vector<16xi32>, vector<16xi32> -> vector<16xi32>
        %add3A_279 = arith.addi %gather3A_278, %iota3A : vector<16xi32>
        %gather3A_280 = tpu.vector_load_idx %arg5[%add3A_279] : memref<8192xf32, #tpu.memory_space<vmem>>[vector<16xi32>], vector<16xf32>,
        %add3A_281 = arith.constant 16 : i32
        %add3A_282 = vector.broadcast %add3A_281 : i32 to vector<16xi32>
        %add3A_283 = arith.addi %add3A_279, %add3A_282 : vector<16xi32>
        %gather3A_284 = tpu.vector_load_idx %arg5[%add3A_283] : memref<8192xf32, #tpu.memory_space<vmem>>[vector<16xi32>], vector<16xf32>,
        %broadcast_in_dim3A_285 = arith.constant 5 : i32
        %broadcast_in_dim3A_286 = vector.broadcast %broadcast_in_dim3A_285 : i32 to vector<16x1xi32>
        %gather3A_287 = vector.shape_cast %broadcast_in_dim3A_286 : vector<16x1xi32> to vector<16xi32>
        %gather3A_288 = tpu.dynamic_gather %mul3A_227[%gather3A_287] in [0] : vector<16xi32>, vector<16xi32> -> vector<16xi32>
        %add3A_289 = arith.addi %gather3A_288, %iota3A : vector<16xi32>
        %gather3A_290 = tpu.vector_load_idx %arg5[%add3A_289] : memref<8192xf32, #tpu.memory_space<vmem>>[vector<16xi32>], vector<16xf32>,
        %add3A_291 = arith.constant 16 : i32
        %add3A_292 = vector.broadcast %add3A_291 : i32 to vector<16xi32>
        %add3A_293 = arith.addi %add3A_289, %add3A_292 : vector<16xi32>
        %gather3A_294 = tpu.vector_load_idx %arg5[%add3A_293] : memref<8192xf32, #tpu.memory_space<vmem>>[vector<16xi32>], vector<16xf32>,
        %broadcast_in_dim3A_295 = arith.constant 6 : i32
        %broadcast_in_dim3A_296 = vector.broadcast %broadcast_in_dim3A_295 : i32 to vector<16x1xi32>
        %gather3A_297 = vector.shape_cast %broadcast_in_dim3A_296 : vector<16x1xi32> to vector<16xi32>
        %gather3A_298 = tpu.dynamic_gather %mul3A_227[%gather3A_297] in [0] : vector<16xi32>, vector<16xi32> -> vector<16xi32>
        %add3A_299 = arith.addi %gather3A_298, %iota3A : vector<16xi32>
        %gather3A_300 = tpu.vector_load_idx %arg5[%add3A_299] : memref<8192xf32, #tpu.memory_space<vmem>>[vector<16xi32>], vector<16xf32>,
        %add3A_301 = arith.constant 16 : i32
        %add3A_302 = vector.broadcast %add3A_301 : i32 to vector<16xi32>
        %add3A_303 = arith.addi %add3A_299, %add3A_302 : vector<16xi32>
        %gather3A_304 = tpu.vector_load_idx %arg5[%add3A_303] : memref<8192xf32, #tpu.memory_space<vmem>>[vector<16xi32>], vector<16xf32>,
        %broadcast_in_dim3A_305 = arith.constant 7 : i32
        %broadcast_in_dim3A_306 = vector.broadcast %broadcast_in_dim3A_305 : i32 to vector<16x1xi32>
        %gather3A_307 = vector.shape_cast %broadcast_in_dim3A_306 : vector<16x1xi32> to vector<16xi32>
        %gather3A_308 = tpu.dynamic_gather %mul3A_227[%gather3A_307] in [0] : vector<16xi32>, vector<16xi32> -> vector<16xi32>
        %add3A_309 = arith.addi %gather3A_308, %iota3A : vector<16xi32>
        %gather3A_310 = tpu.vector_load_idx %arg5[%add3A_309] : memref<8192xf32, #tpu.memory_space<vmem>>[vector<16xi32>], vector<16xf32>,
        %add3A_311 = arith.constant 16 : i32
        %add3A_312 = vector.broadcast %add3A_311 : i32 to vector<16xi32>
        %add3A_313 = arith.addi %add3A_309, %add3A_312 : vector<16xi32>
        %gather3A_314 = tpu.vector_load_idx %arg5[%add3A_313] : memref<8192xf32, #tpu.memory_space<vmem>>[vector<16xi32>], vector<16xf32>,
        %swap3A = arith.index_cast %scan3A_219 : i32 to index
        %swap3A_315 = arith.constant 0 : index
        %swap3A_316 = tpu.vector_load %arg8[%swap3A, %swap3A_315] {strides = array<i32>} : memref<26x834xf32, #tpu.memory_space<vmem>>, vector<16xf32>,
        tpu.vector_store %arg8[%swap3A, %swap3A_315], %gather3A_240 {strides = array<i32>} : memref<26x834xf32, #tpu.memory_space<vmem>>, vector<16xf32>,
        %swap3A_317 = arith.index_cast %scan3A_219 : i32 to index
        %swap3A_318 = arith.constant 16 : index
        %swap3A_319 = tpu.vector_load %arg8[%swap3A_317, %swap3A_318] {strides = array<i32>} : memref<26x834xf32, #tpu.memory_space<vmem>>, vector<16xf32>,
        tpu.vector_store %arg8[%swap3A_317, %swap3A_318], %gather3A_244 {strides = array<i32>} : memref<26x834xf32, #tpu.memory_space<vmem>>, vector<16xf32>,
        %swap3A_320 = arith.index_cast %scan3A_219 : i32 to index
        %swap3A_321 = arith.constant 32 : index
        %swap3A_322 = tpu.vector_load %arg8[%swap3A_320, %swap3A_321] {strides = array<i32>} : memref<26x834xf32, #tpu.memory_space<vmem>>, vector<16xf32>,
        tpu.vector_store %arg8[%swap3A_320, %swap3A_321], %gather3A_250 {strides = array<i32>} : memref<26x834xf32, #tpu.memory_space<vmem>>, vector<16xf32>,
        %swap3A_323 = arith.index_cast %scan3A_219 : i32 to index
        %swap3A_324 = arith.constant 48 : index
        %swap3A_325 = tpu.vector_load %arg8[%swap3A_323, %swap3A_324] {strides = array<i32>} : memref<26x834xf32, #tpu.memory_space<vmem>>, vector<16xf32>,
        tpu.vector_store %arg8[%swap3A_323, %swap3A_324], %gather3A_254 {strides = array<i32>} : memref<26x834xf32, #tpu.memory_space<vmem>>, vector<16xf32>,
        %swap3A_326 = arith.index_cast %scan3A_219 : i32 to index
        %swap3A_327 = arith.constant 64 : index
        %swap3A_328 = tpu.vector_load %arg8[%swap3A_326, %swap3A_327] {strides = array<i32>} : memref<26x834xf32, #tpu.memory_space<vmem>>, vector<16xf32>,
        tpu.vector_store %arg8[%swap3A_326, %swap3A_327], %gather3A_260 {strides = array<i32>} : memref<26x834xf32, #tpu.memory_space<vmem>>, vector<16xf32>,
        %swap3A_329 = arith.index_cast %scan3A_219 : i32 to index
        %swap3A_330 = arith.constant 80 : index
        %swap3A_331 = tpu.vector_load %arg8[%swap3A_329, %swap3A_330] {strides = array<i32>} : memref<26x834xf32, #tpu.memory_space<vmem>>, vector<16xf32>,
        tpu.vector_store %arg8[%swap3A_329, %swap3A_330], %gather3A_264 {strides = array<i32>} : memref<26x834xf32, #tpu.memory_space<vmem>>, vector<16xf32>,
        %swap3A_332 = arith.index_cast %scan3A_219 : i32 to index
        %swap3A_333 = arith.constant 96 : index
        %swap3A_334 = tpu.vector_load %arg8[%swap3A_332, %swap3A_333] {strides = array<i32>} : memref<26x834xf32, #tpu.memory_space<vmem>>, vector<16xf32>,
        tpu.vector_store %arg8[%swap3A_332, %swap3A_333], %gather3A_270 {strides = array<i32>} : memref<26x834xf32, #tpu.memory_space<vmem>>, vector<16xf32>,
        %swap3A_335 = arith.index_cast %scan3A_219 : i32 to index
        %swap3A_336 = arith.constant 112 : index
        %swap3A_337 = tpu.vector_load %arg8[%swap3A_335, %swap3A_336] {strides = array<i32>} : memref<26x834xf32, #tpu.memory_space<vmem>>, vector<16xf32>,
        tpu.vector_store %arg8[%swap3A_335, %swap3A_336], %gather3A_274 {strides = array<i32>} : memref<26x834xf32, #tpu.memory_space<vmem>>, vector<16xf32>,
        %swap3A_338 = arith.index_cast %scan3A_219 : i32 to index
        %swap3A_339 = arith.constant 128 : index
        %swap3A_340 = tpu.vector_load %arg8[%swap3A_338, %swap3A_339] {strides = array<i32>} : memref<26x834xf32, #tpu.memory_space<vmem>>, vector<16xf32>,
        tpu.vector_store %arg8[%swap3A_338, %swap3A_339], %gather3A_280 {strides = array<i32>} : memref<26x834xf32, #tpu.memory_space<vmem>>, vector<16xf32>,
        %swap3A_341 = arith.index_cast %scan3A_219 : i32 to index
        %swap3A_342 = arith.constant 144 : index
        %swap3A_343 = tpu.vector_load %arg8[%swap3A_341, %swap3A_342] {strides = array<i32>} : memref<26x834xf32, #tpu.memory_space<vmem>>, vector<16xf32>,
        tpu.vector_store %arg8[%swap3A_341, %swap3A_342], %gather3A_284 {strides = array<i32>} : memref<26x834xf32, #tpu.memory_space<vmem>>, vector<16xf32>,
        %swap3A_344 = arith.index_cast %scan3A_219 : i32 to index
        %swap3A_345 = arith.constant 160 : index
        %swap3A_346 = tpu.vector_load %arg8[%swap3A_344, %swap3A_345] {strides = array<i32>} : memref<26x834xf32, #tpu.memory_space<vmem>>, vector<16xf32>,
        tpu.vector_store %arg8[%swap3A_344, %swap3A_345], %gather3A_290 {strides = array<i32>} : memref<26x834xf32, #tpu.memory_space<vmem>>, vector<16xf32>,
        %swap3A_347 = arith.index_cast %scan3A_219 : i32 to index
        %swap3A_348 = arith.constant 176 : index
        %swap3A_349 = tpu.vector_load %arg8[%swap3A_347, %swap3A_348] {strides = array<i32>} : memref<26x834xf32, #tpu.memory_space<vmem>>, vector<16xf32>,
        tpu.vector_store %arg8[%swap3A_347, %swap3A_348], %gather3A_294 {strides = array<i32>} : memref<26x834xf32, #tpu.memory_space<vmem>>, vector<16xf32>,
        %swap3A_350 = arith.index_cast %scan3A_219 : i32 to index
        %swap3A_351 = arith.constant 192 : index
        %swap3A_352 = tpu.vector_load %arg8[%swap3A_350, %swap3A_351] {strides = array<i32>} : memref<26x834xf32, #tpu.memory_space<vmem>>, vector<16xf32>,
        tpu.vector_store %arg8[%swap3A_350, %swap3A_351], %gather3A_300 {strides = array<i32>} : memref<26x834xf32, #tpu.memory_space<vmem>>, vector<16xf32>,
        %swap3A_353 = arith.index_cast %scan3A_219 : i32 to index
        %swap3A_354 = arith.constant 208 : index
        %swap3A_355 = tpu.vector_load %arg8[%swap3A_353, %swap3A_354] {strides = array<i32>} : memref<26x834xf32, #tpu.memory_space<vmem>>, vector<16xf32>,
        tpu.vector_store %arg8[%swap3A_353, %swap3A_354], %gather3A_304 {strides = array<i32>} : memref<26x834xf32, #tpu.memory_space<vmem>>, vector<16xf32>,
        %swap3A_356 = arith.index_cast %scan3A_219 : i32 to index
        %swap3A_357 = arith.constant 224 : index
        %swap3A_358 = tpu.vector_load %arg8[%swap3A_356, %swap3A_357] {strides = array<i32>} : memref<26x834xf32, #tpu.memory_space<vmem>>, vector<16xf32>,
        tpu.vector_store %arg8[%swap3A_356, %swap3A_357], %gather3A_310 {strides = array<i32>} : memref<26x834xf32, #tpu.memory_space<vmem>>, vector<16xf32>,
        %swap3A_359 = arith.index_cast %scan3A_219 : i32 to index
        %swap3A_360 = arith.constant 240 : index
        %swap3A_361 = tpu.vector_load %arg8[%swap3A_359, %swap3A_360] {strides = array<i32>} : memref<26x834xf32, #tpu.memory_space<vmem>>, vector<16xf32>,
        tpu.vector_store %arg8[%swap3A_359, %swap3A_360], %gather3A_314 {strides = array<i32>} : memref<26x834xf32, #tpu.memory_space<vmem>>, vector<16xf32>,
        %broadcast_in_dim3A_362 = arith.constant 8 : i32
        %broadcast_in_dim3A_363 = vector.broadcast %broadcast_in_dim3A_362 : i32 to vector<16x1xi32>
        %gather3A_364 = vector.shape_cast %broadcast_in_dim3A_363 : vector<16x1xi32> to vector<16xi32>
        %gather3A_365 = tpu.dynamic_gather %mul3A_227[%gather3A_364] in [0] : vector<16xi32>, vector<16xi32> -> vector<16xi32>
        %add3A_366 = arith.addi %gather3A_365, %iota3A : vector<16xi32>
        %gather3A_367 = tpu.vector_load_idx %arg5[%add3A_366] : memref<8192xf32, #tpu.memory_space<vmem>>[vector<16xi32>], vector<16xf32>,
        %add3A_368 = arith.constant 16 : i32
        %add3A_369 = vector.broadcast %add3A_368 : i32 to vector<16xi32>
        %add3A_370 = arith.addi %add3A_366, %add3A_369 : vector<16xi32>
        %gather3A_371 = tpu.vector_load_idx %arg5[%add3A_370] : memref<8192xf32, #tpu.memory_space<vmem>>[vector<16xi32>], vector<16xf32>,
        %broadcast_in_dim3A_372 = arith.constant 9 : i32
        %broadcast_in_dim3A_373 = vector.broadcast %broadcast_in_dim3A_372 : i32 to vector<16x1xi32>
        %gather3A_374 = vector.shape_cast %broadcast_in_dim3A_373 : vector<16x1xi32> to vector<16xi32>
        %gather3A_375 = tpu.dynamic_gather %mul3A_227[%gather3A_374] in [0] : vector<16xi32>, vector<16xi32> -> vector<16xi32>
        %add3A_376 = arith.addi %gather3A_375, %iota3A : vector<16xi32>
        %gather3A_377 = tpu.vector_load_idx %arg5[%add3A_376] : memref<8192xf32, #tpu.memory_space<vmem>>[vector<16xi32>], vector<16xf32>,
        %add3A_378 = arith.constant 16 : i32
        %add3A_379 = vector.broadcast %add3A_378 : i32 to vector<16xi32>
        %add3A_380 = arith.addi %add3A_376, %add3A_379 : vector<16xi32>
        %gather3A_381 = tpu.vector_load_idx %arg5[%add3A_380] : memref<8192xf32, #tpu.memory_space<vmem>>[vector<16xi32>], vector<16xf32>,
        %broadcast_in_dim3A_382 = arith.constant 10 : i32
        %broadcast_in_dim3A_383 = vector.broadcast %broadcast_in_dim3A_382 : i32 to vector<16x1xi32>
        %gather3A_384 = vector.shape_cast %broadcast_in_dim3A_383 : vector<16x1xi32> to vector<16xi32>
        %gather3A_385 = tpu.dynamic_gather %mul3A_227[%gather3A_384] in [0] : vector<16xi32>, vector<16xi32> -> vector<16xi32>
        %add3A_386 = arith.addi %gather3A_385, %iota3A : vector<16xi32>
        %gather3A_387 = tpu.vector_load_idx %arg5[%add3A_386] : memref<8192xf32, #tpu.memory_space<vmem>>[vector<16xi32>], vector<16xf32>,
        %add3A_388 = arith.constant 16 : i32
        %add3A_389 = vector.broadcast %add3A_388 : i32 to vector<16xi32>
        %add3A_390 = arith.addi %add3A_386, %add3A_389 : vector<16xi32>
        %gather3A_391 = tpu.vector_load_idx %arg5[%add3A_390] : memref<8192xf32, #tpu.memory_space<vmem>>[vector<16xi32>], vector<16xf32>,
        %broadcast_in_dim3A_392 = arith.constant 11 : i32
        %broadcast_in_dim3A_393 = vector.broadcast %broadcast_in_dim3A_392 : i32 to vector<16x1xi32>
        %gather3A_394 = vector.shape_cast %broadcast_in_dim3A_393 : vector<16x1xi32> to vector<16xi32>
        %gather3A_395 = tpu.dynamic_gather %mul3A_227[%gather3A_394] in [0] : vector<16xi32>, vector<16xi32> -> vector<16xi32>
        %add3A_396 = arith.addi %gather3A_395, %iota3A : vector<16xi32>
        %gather3A_397 = tpu.vector_load_idx %arg5[%add3A_396] : memref<8192xf32, #tpu.memory_space<vmem>>[vector<16xi32>], vector<16xf32>,
        %add3A_398 = arith.constant 16 : i32
        %add3A_399 = vector.broadcast %add3A_398 : i32 to vector<16xi32>
        %add3A_400 = arith.addi %add3A_396, %add3A_399 : vector<16xi32>
        %gather3A_401 = tpu.vector_load_idx %arg5[%add3A_400] : memref<8192xf32, #tpu.memory_space<vmem>>[vector<16xi32>], vector<16xf32>,
        %broadcast_in_dim3A_402 = arith.constant 12 : i32
        %broadcast_in_dim3A_403 = vector.broadcast %broadcast_in_dim3A_402 : i32 to vector<16x1xi32>
        %gather3A_404 = vector.shape_cast %broadcast_in_dim3A_403 : vector<16x1xi32> to vector<16xi32>
        %gather3A_405 = tpu.dynamic_gather %mul3A_227[%gather3A_404] in [0] : vector<16xi32>, vector<16xi32> -> vector<16xi32>
        %add3A_406 = arith.addi %gather3A_405, %iota3A : vector<16xi32>
        %gather3A_407 = tpu.vector_load_idx %arg5[%add3A_406] : memref<8192xf32, #tpu.memory_space<vmem>>[vector<16xi32>], vector<16xf32>,
        %add3A_408 = arith.constant 16 : i32
        %add3A_409 = vector.broadcast %add3A_408 : i32 to vector<16xi32>
        %add3A_410 = arith.addi %add3A_406, %add3A_409 : vector<16xi32>
        %gather3A_411 = tpu.vector_load_idx %arg5[%add3A_410] : memref<8192xf32, #tpu.memory_space<vmem>>[vector<16xi32>], vector<16xf32>,
        %broadcast_in_dim3A_412 = arith.constant 13 : i32
        %broadcast_in_dim3A_413 = vector.broadcast %broadcast_in_dim3A_412 : i32 to vector<16x1xi32>
        %gather3A_414 = vector.shape_cast %broadcast_in_dim3A_413 : vector<16x1xi32> to vector<16xi32>
        %gather3A_415 = tpu.dynamic_gather %mul3A_227[%gather3A_414] in [0] : vector<16xi32>, vector<16xi32> -> vector<16xi32>
        %add3A_416 = arith.addi %gather3A_415, %iota3A : vector<16xi32>
        %gather3A_417 = tpu.vector_load_idx %arg5[%add3A_416] : memref<8192xf32, #tpu.memory_space<vmem>>[vector<16xi32>], vector<16xf32>,
        %add3A_418 = arith.constant 16 : i32
        %add3A_419 = vector.broadcast %add3A_418 : i32 to vector<16xi32>
        %add3A_420 = arith.addi %add3A_416, %add3A_419 : vector<16xi32>
        %gather3A_421 = tpu.vector_load_idx %arg5[%add3A_420] : memref<8192xf32, #tpu.memory_space<vmem>>[vector<16xi32>], vector<16xf32>,
        %broadcast_in_dim3A_422 = arith.constant 14 : i32
        %broadcast_in_dim3A_423 = vector.broadcast %broadcast_in_dim3A_422 : i32 to vector<16x1xi32>
        %gather3A_424 = vector.shape_cast %broadcast_in_dim3A_423 : vector<16x1xi32> to vector<16xi32>
        %gather3A_425 = tpu.dynamic_gather %mul3A_227[%gather3A_424] in [0] : vector<16xi32>, vector<16xi32> -> vector<16xi32>
        %add3A_426 = arith.addi %gather3A_425, %iota3A : vector<16xi32>
        %gather3A_427 = tpu.vector_load_idx %arg5[%add3A_426] : memref<8192xf32, #tpu.memory_space<vmem>>[vector<16xi32>], vector<16xf32>,
        %add3A_428 = arith.constant 16 : i32
        %add3A_429 = vector.broadcast %add3A_428 : i32 to vector<16xi32>
        %add3A_430 = arith.addi %add3A_426, %add3A_429 : vector<16xi32>
        %gather3A_431 = tpu.vector_load_idx %arg5[%add3A_430] : memref<8192xf32, #tpu.memory_space<vmem>>[vector<16xi32>], vector<16xf32>,
        %broadcast_in_dim3A_432 = arith.constant 15 : i32
        %broadcast_in_dim3A_433 = vector.broadcast %broadcast_in_dim3A_432 : i32 to vector<16x1xi32>
        %gather3A_434 = vector.shape_cast %broadcast_in_dim3A_433 : vector<16x1xi32> to vector<16xi32>
        %gather3A_435 = tpu.dynamic_gather %mul3A_227[%gather3A_434] in [0] : vector<16xi32>, vector<16xi32> -> vector<16xi32>
        %add3A_436 = arith.addi %gather3A_435, %iota3A : vector<16xi32>
        %gather3A_437 = tpu.vector_load_idx %arg5[%add3A_436] : memref<8192xf32, #tpu.memory_space<vmem>>[vector<16xi32>], vector<16xf32>,
        %add3A_438 = arith.constant 16 : i32
        %add3A_439 = vector.broadcast %add3A_438 : i32 to vector<16xi32>
        %add3A_440 = arith.addi %add3A_436, %add3A_439 : vector<16xi32>
        %gather3A_441 = tpu.vector_load_idx %arg5[%add3A_440] : memref<8192xf32, #tpu.memory_space<vmem>>[vector<16xi32>], vector<16xf32>,
        %swap3A_442 = arith.index_cast %scan3A_219 : i32 to index
        %swap3A_443 = arith.constant 256 : index
        %swap3A_444 = tpu.vector_load %arg8[%swap3A_442, %swap3A_443] {strides = array<i32>} : memref<26x834xf32, #tpu.memory_space<vmem>>, vector<16xf32>,
        tpu.vector_store %arg8[%swap3A_442, %swap3A_443], %gather3A_367 {strides = array<i32>} : memref<26x834xf32, #tpu.memory_space<vmem>>, vector<16xf32>,
        %swap3A_445 = arith.index_cast %scan3A_219 : i32 to index
        %swap3A_446 = arith.constant 272 : index
        %swap3A_447 = tpu.vector_load %arg8[%swap3A_445, %swap3A_446] {strides = array<i32>} : memref<26x834xf32, #tpu.memory_space<vmem>>, vector<16xf32>,
        tpu.vector_store %arg8[%swap3A_445, %swap3A_446], %gather3A_371 {strides = array<i32>} : memref<26x834xf32, #tpu.memory_space<vmem>>, vector<16xf32>,
        %swap3A_448 = arith.index_cast %scan3A_219 : i32 to index
        %swap3A_449 = arith.constant 288 : index
        %swap3A_450 = tpu.vector_load %arg8[%swap3A_448, %swap3A_449] {strides = array<i32>} : memref<26x834xf32, #tpu.memory_space<vmem>>, vector<16xf32>,
        tpu.vector_store %arg8[%swap3A_448, %swap3A_449], %gather3A_377 {strides = array<i32>} : memref<26x834xf32, #tpu.memory_space<vmem>>, vector<16xf32>,
        %swap3A_451 = arith.index_cast %scan3A_219 : i32 to index
        %swap3A_452 = arith.constant 304 : index
        %swap3A_453 = tpu.vector_load %arg8[%swap3A_451, %swap3A_452] {strides = array<i32>} : memref<26x834xf32, #tpu.memory_space<vmem>>, vector<16xf32>,
        tpu.vector_store %arg8[%swap3A_451, %swap3A_452], %gather3A_381 {strides = array<i32>} : memref<26x834xf32, #tpu.memory_space<vmem>>, vector<16xf32>,
        %swap3A_454 = arith.index_cast %scan3A_219 : i32 to index
        %swap3A_455 = arith.constant 320 : index
        %swap3A_456 = tpu.vector_load %arg8[%swap3A_454, %swap3A_455] {strides = array<i32>} : memref<26x834xf32, #tpu.memory_space<vmem>>, vector<16xf32>,
        tpu.vector_store %arg8[%swap3A_454, %swap3A_455], %gather3A_387 {strides = array<i32>} : memref<26x834xf32, #tpu.memory_space<vmem>>, vector<16xf32>,
        %swap3A_457 = arith.index_cast %scan3A_219 : i32 to index
        %swap3A_458 = arith.constant 336 : index
        %swap3A_459 = tpu.vector_load %arg8[%swap3A_457, %swap3A_458] {strides = array<i32>} : memref<26x834xf32, #tpu.memory_space<vmem>>, vector<16xf32>,
        tpu.vector_store %arg8[%swap3A_457, %swap3A_458], %gather3A_391 {strides = array<i32>} : memref<26x834xf32, #tpu.memory_space<vmem>>, vector<16xf32>,
        %swap3A_460 = arith.index_cast %scan3A_219 : i32 to index
        %swap3A_461 = arith.constant 352 : index
        %swap3A_462 = tpu.vector_load %arg8[%swap3A_460, %swap3A_461] {strides = array<i32>} : memref<26x834xf32, #tpu.memory_space<vmem>>, vector<16xf32>,
        tpu.vector_store %arg8[%swap3A_460, %swap3A_461], %gather3A_397 {strides = array<i32>} : memref<26x834xf32, #tpu.memory_space<vmem>>, vector<16xf32>,
        %swap3A_463 = arith.index_cast %scan3A_219 : i32 to index
        %swap3A_464 = arith.constant 368 : index
        %swap3A_465 = tpu.vector_load %arg8[%swap3A_463, %swap3A_464] {strides = array<i32>} : memref<26x834xf32, #tpu.memory_space<vmem>>, vector<16xf32>,
        tpu.vector_store %arg8[%swap3A_463, %swap3A_464], %gather3A_401 {strides = array<i32>} : memref<26x834xf32, #tpu.memory_space<vmem>>, vector<16xf32>,
        %swap3A_466 = arith.index_cast %scan3A_219 : i32 to index
        %swap3A_467 = arith.constant 384 : index
        %swap3A_468 = tpu.vector_load %arg8[%swap3A_466, %swap3A_467] {strides = array<i32>} : memref<26x834xf32, #tpu.memory_space<vmem>>, vector<16xf32>,
        tpu.vector_store %arg8[%swap3A_466, %swap3A_467], %gather3A_407 {strides = array<i32>} : memref<26x834xf32, #tpu.memory_space<vmem>>, vector<16xf32>,
        %swap3A_469 = arith.index_cast %scan3A_219 : i32 to index
        %swap3A_470 = arith.constant 400 : index
        %swap3A_471 = tpu.vector_load %arg8[%swap3A_469, %swap3A_470] {strides = array<i32>} : memref<26x834xf32, #tpu.memory_space<vmem>>, vector<16xf32>,
        tpu.vector_store %arg8[%swap3A_469, %swap3A_470], %gather3A_411 {strides = array<i32>} : memref<26x834xf32, #tpu.memory_space<vmem>>, vector<16xf32>,
        %swap3A_472 = arith.index_cast %scan3A_219 : i32 to index
        %swap3A_473 = arith.constant 416 : index
        %swap3A_474 = tpu.vector_load %arg8[%swap3A_472, %swap3A_473] {strides = array<i32>} : memref<26x834xf32, #tpu.memory_space<vmem>>, vector<16xf32>,
        tpu.vector_store %arg8[%swap3A_472, %swap3A_473], %gather3A_417 {strides = array<i32>} : memref<26x834xf32, #tpu.memory_space<vmem>>, vector<16xf32>,
        %swap3A_475 = arith.index_cast %scan3A_219 : i32 to index
        %swap3A_476 = arith.constant 432 : index
        %swap3A_477 = tpu.vector_load %arg8[%swap3A_475, %swap3A_476] {strides = array<i32>} : memref<26x834xf32, #tpu.memory_space<vmem>>, vector<16xf32>,
        tpu.vector_store %arg8[%swap3A_475, %swap3A_476], %gather3A_421 {strides = array<i32>} : memref<26x834xf32, #tpu.memory_space<vmem>>, vector<16xf32>,
        %swap3A_478 = arith.index_cast %scan3A_219 : i32 to index
        %swap3A_479 = arith.constant 448 : index
        %swap3A_480 = tpu.vector_load %arg8[%swap3A_478, %swap3A_479] {strides = array<i32>} : memref<26x834xf32, #tpu.memory_space<vmem>>, vector<16xf32>,
        tpu.vector_store %arg8[%swap3A_478, %swap3A_479], %gather3A_427 {strides = array<i32>} : memref<26x834xf32, #tpu.memory_space<vmem>>, vector<16xf32>,
        %swap3A_481 = arith.index_cast %scan3A_219 : i32 to index
        %swap3A_482 = arith.constant 464 : index
        %swap3A_483 = tpu.vector_load %arg8[%swap3A_481, %swap3A_482] {strides = array<i32>} : memref<26x834xf32, #tpu.memory_space<vmem>>, vector<16xf32>,
        tpu.vector_store %arg8[%swap3A_481, %swap3A_482], %gather3A_431 {strides = array<i32>} : memref<26x834xf32, #tpu.memory_space<vmem>>, vector<16xf32>,
        %swap3A_484 = arith.index_cast %scan3A_219 : i32 to index
        %swap3A_485 = arith.constant 480 : index
        %swap3A_486 = tpu.vector_load %arg8[%swap3A_484, %swap3A_485] {strides = array<i32>} : memref<26x834xf32, #tpu.memory_space<vmem>>, vector<16xf32>,
        tpu.vector_store %arg8[%swap3A_484, %swap3A_485], %gather3A_437 {strides = array<i32>} : memref<26x834xf32, #tpu.memory_space<vmem>>, vector<16xf32>,
        %swap3A_487 = arith.index_cast %scan3A_219 : i32 to index
        %swap3A_488 = arith.constant 496 : index
        %swap3A_489 = tpu.vector_load %arg8[%swap3A_487, %swap3A_488] {strides = array<i32>} : memref<26x834xf32, #tpu.memory_space<vmem>>, vector<16xf32>,
        tpu.vector_store %arg8[%swap3A_487, %swap3A_488], %gather3A_441 {strides = array<i32>} : memref<26x834xf32, #tpu.memory_space<vmem>>, vector<16xf32>,
        %broadcast_in_dim3A_490 = arith.constant 7 : i32
        %broadcast_in_dim3A_491 = vector.broadcast %broadcast_in_dim3A_490 : i32 to vector<16x1xi32>
        %gather3A_492 = vector.shape_cast %broadcast_in_dim3A_491 : vector<16x1xi32> to vector<16xi32>
        %gather3A_493 = tpu.dynamic_gather %mul3A_236[%gather3A_492] in [0] : vector<16xi32>, vector<16xi32> -> vector<16xi32>
        %add3A_494 = arith.addi %gather3A_493, %iota3A : vector<16xi32>
        %gather3A_495 = tpu.vector_load_idx %arg5[%add3A_494] : memref<8192xf32, #tpu.memory_space<vmem>>[vector<16xi32>], vector<16xf32>,
        %add3A_496 = arith.constant 16 : i32
        %add3A_497 = vector.broadcast %add3A_496 : i32 to vector<16xi32>
        %add3A_498 = arith.addi %add3A_494, %add3A_497 : vector<16xi32>
        %gather3A_499 = tpu.vector_load_idx %arg5[%add3A_498] : memref<8192xf32, #tpu.memory_space<vmem>>[vector<16xi32>], vector<16xf32>,
        %broadcast_in_dim3A_500 = arith.constant 8 : i32
        %broadcast_in_dim3A_501 = vector.broadcast %broadcast_in_dim3A_500 : i32 to vector<16x1xi32>
        %gather3A_502 = vector.shape_cast %broadcast_in_dim3A_501 : vector<16x1xi32> to vector<16xi32>
        %gather3A_503 = tpu.dynamic_gather %mul3A_236[%gather3A_502] in [0] : vector<16xi32>, vector<16xi32> -> vector<16xi32>
        %add3A_504 = arith.addi %gather3A_503, %iota3A : vector<16xi32>
        %gather3A_505 = tpu.vector_load_idx %arg5[%add3A_504] : memref<8192xf32, #tpu.memory_space<vmem>>[vector<16xi32>], vector<16xf32>,
        %add3A_506 = arith.constant 16 : i32
        %add3A_507 = vector.broadcast %add3A_506 : i32 to vector<16xi32>
        %add3A_508 = arith.addi %add3A_504, %add3A_507 : vector<16xi32>
        %gather3A_509 = tpu.vector_load_idx %arg5[%add3A_508] : memref<8192xf32, #tpu.memory_space<vmem>>[vector<16xi32>], vector<16xf32>,
        %broadcast_in_dim3A_510 = arith.constant 9 : i32
        %broadcast_in_dim3A_511 = vector.broadcast %broadcast_in_dim3A_510 : i32 to vector<16x1xi32>
        %gather3A_512 = vector.shape_cast %broadcast_in_dim3A_511 : vector<16x1xi32> to vector<16xi32>
        %gather3A_513 = tpu.dynamic_gather %mul3A_236[%gather3A_512] in [0] : vector<16xi32>, vector<16xi32> -> vector<16xi32>
        %add3A_514 = arith.addi %gather3A_513, %iota3A : vector<16xi32>
        %gather3A_515 = tpu.vector_load_idx %arg5[%add3A_514] : memref<8192xf32, #tpu.memory_space<vmem>>[vector<16xi32>], vector<16xf32>,
        %add3A_516 = arith.constant 16 : i32
        %add3A_517 = vector.broadcast %add3A_516 : i32 to vector<16xi32>
        %add3A_518 = arith.addi %add3A_514, %add3A_517 : vector<16xi32>
        %gather3A_519 = tpu.vector_load_idx %arg5[%add3A_518] : memref<8192xf32, #tpu.memory_space<vmem>>[vector<16xi32>], vector<16xf32>,
        %broadcast_in_dim3A_520 = arith.constant 10 : i32
        %broadcast_in_dim3A_521 = vector.broadcast %broadcast_in_dim3A_520 : i32 to vector<16x1xi32>
        %gather3A_522 = vector.shape_cast %broadcast_in_dim3A_521 : vector<16x1xi32> to vector<16xi32>
        %gather3A_523 = tpu.dynamic_gather %mul3A_236[%gather3A_522] in [0] : vector<16xi32>, vector<16xi32> -> vector<16xi32>
        %add3A_524 = arith.addi %gather3A_523, %iota3A : vector<16xi32>
        %gather3A_525 = tpu.vector_load_idx %arg5[%add3A_524] : memref<8192xf32, #tpu.memory_space<vmem>>[vector<16xi32>], vector<16xf32>,
        %add3A_526 = arith.constant 16 : i32
        %add3A_527 = vector.broadcast %add3A_526 : i32 to vector<16xi32>
        %add3A_528 = arith.addi %add3A_524, %add3A_527 : vector<16xi32>
        %gather3A_529 = tpu.vector_load_idx %arg5[%add3A_528] : memref<8192xf32, #tpu.memory_space<vmem>>[vector<16xi32>], vector<16xf32>,
        %broadcast_in_dim3A_530 = arith.constant 11 : i32
        %broadcast_in_dim3A_531 = vector.broadcast %broadcast_in_dim3A_530 : i32 to vector<16x1xi32>
        %gather3A_532 = vector.shape_cast %broadcast_in_dim3A_531 : vector<16x1xi32> to vector<16xi32>
        %gather3A_533 = tpu.dynamic_gather %mul3A_236[%gather3A_532] in [0] : vector<16xi32>, vector<16xi32> -> vector<16xi32>
        %add3A_534 = arith.addi %gather3A_533, %iota3A : vector<16xi32>
        %gather3A_535 = tpu.vector_load_idx %arg5[%add3A_534] : memref<8192xf32, #tpu.memory_space<vmem>>[vector<16xi32>], vector<16xf32>,
        %add3A_536 = arith.constant 16 : i32
        %add3A_537 = vector.broadcast %add3A_536 : i32 to vector<16xi32>
        %add3A_538 = arith.addi %add3A_534, %add3A_537 : vector<16xi32>
        %gather3A_539 = tpu.vector_load_idx %arg5[%add3A_538] : memref<8192xf32, #tpu.memory_space<vmem>>[vector<16xi32>], vector<16xf32>,
        %broadcast_in_dim3A_540 = arith.constant 12 : i32
        %broadcast_in_dim3A_541 = vector.broadcast %broadcast_in_dim3A_540 : i32 to vector<16x1xi32>
        %gather3A_542 = vector.shape_cast %broadcast_in_dim3A_541 : vector<16x1xi32> to vector<16xi32>
        %gather3A_543 = tpu.dynamic_gather %mul3A_236[%gather3A_542] in [0] : vector<16xi32>, vector<16xi32> -> vector<16xi32>
        %add3A_544 = arith.addi %gather3A_543, %iota3A : vector<16xi32>
        %gather3A_545 = tpu.vector_load_idx %arg5[%add3A_544] : memref<8192xf32, #tpu.memory_space<vmem>>[vector<16xi32>], vector<16xf32>,
        %add3A_546 = arith.constant 16 : i32
        %add3A_547 = vector.broadcast %add3A_546 : i32 to vector<16xi32>
        %add3A_548 = arith.addi %add3A_544, %add3A_547 : vector<16xi32>
        %gather3A_549 = tpu.vector_load_idx %arg5[%add3A_548] : memref<8192xf32, #tpu.memory_space<vmem>>[vector<16xi32>], vector<16xf32>,
        %broadcast_in_dim3A_550 = arith.constant 13 : i32
        %broadcast_in_dim3A_551 = vector.broadcast %broadcast_in_dim3A_550 : i32 to vector<16x1xi32>
        %gather3A_552 = vector.shape_cast %broadcast_in_dim3A_551 : vector<16x1xi32> to vector<16xi32>
        %gather3A_553 = tpu.dynamic_gather %mul3A_236[%gather3A_552] in [0] : vector<16xi32>, vector<16xi32> -> vector<16xi32>
        %add3A_554 = arith.addi %gather3A_553, %iota3A : vector<16xi32>
        %gather3A_555 = tpu.vector_load_idx %arg5[%add3A_554] : memref<8192xf32, #tpu.memory_space<vmem>>[vector<16xi32>], vector<16xf32>,
        %add3A_556 = arith.constant 16 : i32
        %add3A_557 = vector.broadcast %add3A_556 : i32 to vector<16xi32>
        %add3A_558 = arith.addi %add3A_554, %add3A_557 : vector<16xi32>
        %gather3A_559 = tpu.vector_load_idx %arg5[%add3A_558] : memref<8192xf32, #tpu.memory_space<vmem>>[vector<16xi32>], vector<16xf32>,
        %broadcast_in_dim3A_560 = arith.constant 14 : i32
        %broadcast_in_dim3A_561 = vector.broadcast %broadcast_in_dim3A_560 : i32 to vector<16x1xi32>
        %gather3A_562 = vector.shape_cast %broadcast_in_dim3A_561 : vector<16x1xi32> to vector<16xi32>
        %gather3A_563 = tpu.dynamic_gather %mul3A_236[%gather3A_562] in [0] : vector<16xi32>, vector<16xi32> -> vector<16xi32>
        %add3A_564 = arith.addi %gather3A_563, %iota3A : vector<16xi32>
        %gather3A_565 = tpu.vector_load_idx %arg5[%add3A_564] : memref<8192xf32, #tpu.memory_space<vmem>>[vector<16xi32>], vector<16xf32>,
        %add3A_566 = arith.constant 16 : i32
        %add3A_567 = vector.broadcast %add3A_566 : i32 to vector<16xi32>
        %add3A_568 = arith.addi %add3A_564, %add3A_567 : vector<16xi32>
        %gather3A_569 = tpu.vector_load_idx %arg5[%add3A_568] : memref<8192xf32, #tpu.memory_space<vmem>>[vector<16xi32>], vector<16xf32>,
        %swap3A_570 = arith.index_cast %scan3A_219 : i32 to index
        %swap3A_571 = arith.constant 512 : index
        %swap3A_572 = tpu.vector_load %arg8[%swap3A_570, %swap3A_571] {strides = array<i32>} : memref<26x834xf32, #tpu.memory_space<vmem>>, vector<16xf32>,
        tpu.vector_store %arg8[%swap3A_570, %swap3A_571], %gather3A_495 {strides = array<i32>} : memref<26x834xf32, #tpu.memory_space<vmem>>, vector<16xf32>,
        %swap3A_573 = arith.index_cast %scan3A_219 : i32 to index
        %swap3A_574 = arith.constant 528 : index
        %swap3A_575 = tpu.vector_load %arg8[%swap3A_573, %swap3A_574] {strides = array<i32>} : memref<26x834xf32, #tpu.memory_space<vmem>>, vector<16xf32>,
        tpu.vector_store %arg8[%swap3A_573, %swap3A_574], %gather3A_499 {strides = array<i32>} : memref<26x834xf32, #tpu.memory_space<vmem>>, vector<16xf32>,
        %swap3A_576 = arith.index_cast %scan3A_219 : i32 to index
        %swap3A_577 = arith.constant 544 : index
        %swap3A_578 = tpu.vector_load %arg8[%swap3A_576, %swap3A_577] {strides = array<i32>} : memref<26x834xf32, #tpu.memory_space<vmem>>, vector<16xf32>,
        tpu.vector_store %arg8[%swap3A_576, %swap3A_577], %gather3A_505 {strides = array<i32>} : memref<26x834xf32, #tpu.memory_space<vmem>>, vector<16xf32>,
        %swap3A_579 = arith.index_cast %scan3A_219 : i32 to index
        %swap3A_580 = arith.constant 560 : index
        %swap3A_581 = tpu.vector_load %arg8[%swap3A_579, %swap3A_580] {strides = array<i32>} : memref<26x834xf32, #tpu.memory_space<vmem>>, vector<16xf32>,
        tpu.vector_store %arg8[%swap3A_579, %swap3A_580], %gather3A_509 {strides = array<i32>} : memref<26x834xf32, #tpu.memory_space<vmem>>, vector<16xf32>,
        %swap3A_582 = arith.index_cast %scan3A_219 : i32 to index
        %swap3A_583 = arith.constant 576 : index
        %swap3A_584 = tpu.vector_load %arg8[%swap3A_582, %swap3A_583] {strides = array<i32>} : memref<26x834xf32, #tpu.memory_space<vmem>>, vector<16xf32>,
        tpu.vector_store %arg8[%swap3A_582, %swap3A_583], %gather3A_515 {strides = array<i32>} : memref<26x834xf32, #tpu.memory_space<vmem>>, vector<16xf32>,
        %swap3A_585 = arith.index_cast %scan3A_219 : i32 to index
        %swap3A_586 = arith.constant 592 : index
        %swap3A_587 = tpu.vector_load %arg8[%swap3A_585, %swap3A_586] {strides = array<i32>} : memref<26x834xf32, #tpu.memory_space<vmem>>, vector<16xf32>,
        tpu.vector_store %arg8[%swap3A_585, %swap3A_586], %gather3A_519 {strides = array<i32>} : memref<26x834xf32, #tpu.memory_space<vmem>>, vector<16xf32>,
        %swap3A_588 = arith.index_cast %scan3A_219 : i32 to index
        %swap3A_589 = arith.constant 608 : index
        %swap3A_590 = tpu.vector_load %arg8[%swap3A_588, %swap3A_589] {strides = array<i32>} : memref<26x834xf32, #tpu.memory_space<vmem>>, vector<16xf32>,
        tpu.vector_store %arg8[%swap3A_588, %swap3A_589], %gather3A_525 {strides = array<i32>} : memref<26x834xf32, #tpu.memory_space<vmem>>, vector<16xf32>,
        %swap3A_591 = arith.index_cast %scan3A_219 : i32 to index
        %swap3A_592 = arith.constant 624 : index
        %swap3A_593 = tpu.vector_load %arg8[%swap3A_591, %swap3A_592] {strides = array<i32>} : memref<26x834xf32, #tpu.memory_space<vmem>>, vector<16xf32>,
        tpu.vector_store %arg8[%swap3A_591, %swap3A_592], %gather3A_529 {strides = array<i32>} : memref<26x834xf32, #tpu.memory_space<vmem>>, vector<16xf32>,
        %swap3A_594 = arith.index_cast %scan3A_219 : i32 to index
        %swap3A_595 = arith.constant 640 : index
        %swap3A_596 = tpu.vector_load %arg8[%swap3A_594, %swap3A_595] {strides = array<i32>} : memref<26x834xf32, #tpu.memory_space<vmem>>, vector<16xf32>,
        tpu.vector_store %arg8[%swap3A_594, %swap3A_595], %gather3A_535 {strides = array<i32>} : memref<26x834xf32, #tpu.memory_space<vmem>>, vector<16xf32>,
        %swap3A_597 = arith.index_cast %scan3A_219 : i32 to index
        %swap3A_598 = arith.constant 656 : index
        %swap3A_599 = tpu.vector_load %arg8[%swap3A_597, %swap3A_598] {strides = array<i32>} : memref<26x834xf32, #tpu.memory_space<vmem>>, vector<16xf32>,
        tpu.vector_store %arg8[%swap3A_597, %swap3A_598], %gather3A_539 {strides = array<i32>} : memref<26x834xf32, #tpu.memory_space<vmem>>, vector<16xf32>,
        %swap3A_600 = arith.index_cast %scan3A_219 : i32 to index
        %swap3A_601 = arith.constant 672 : index
        %swap3A_602 = tpu.vector_load %arg8[%swap3A_600, %swap3A_601] {strides = array<i32>} : memref<26x834xf32, #tpu.memory_space<vmem>>, vector<16xf32>,
        tpu.vector_store %arg8[%swap3A_600, %swap3A_601], %gather3A_545 {strides = array<i32>} : memref<26x834xf32, #tpu.memory_space<vmem>>, vector<16xf32>,
        %swap3A_603 = arith.index_cast %scan3A_219 : i32 to index
        %swap3A_604 = arith.constant 688 : index
        %swap3A_605 = tpu.vector_load %arg8[%swap3A_603, %swap3A_604] {strides = array<i32>} : memref<26x834xf32, #tpu.memory_space<vmem>>, vector<16xf32>,
        tpu.vector_store %arg8[%swap3A_603, %swap3A_604], %gather3A_549 {strides = array<i32>} : memref<26x834xf32, #tpu.memory_space<vmem>>, vector<16xf32>,
        %swap3A_606 = arith.index_cast %scan3A_219 : i32 to index
        %swap3A_607 = arith.constant 704 : index
        %swap3A_608 = tpu.vector_load %arg8[%swap3A_606, %swap3A_607] {strides = array<i32>} : memref<26x834xf32, #tpu.memory_space<vmem>>, vector<16xf32>,
        tpu.vector_store %arg8[%swap3A_606, %swap3A_607], %gather3A_555 {strides = array<i32>} : memref<26x834xf32, #tpu.memory_space<vmem>>, vector<16xf32>,
        %swap3A_609 = arith.index_cast %scan3A_219 : i32 to index
        %swap3A_610 = arith.constant 720 : index
        %swap3A_611 = tpu.vector_load %arg8[%swap3A_609, %swap3A_610] {strides = array<i32>} : memref<26x834xf32, #tpu.memory_space<vmem>>, vector<16xf32>,
        tpu.vector_store %arg8[%swap3A_609, %swap3A_610], %gather3A_559 {strides = array<i32>} : memref<26x834xf32, #tpu.memory_space<vmem>>, vector<16xf32>,
        %swap3A_612 = arith.index_cast %scan3A_219 : i32 to index
        %swap3A_613 = arith.constant 736 : index
        %swap3A_614 = tpu.vector_load %arg8[%swap3A_612, %swap3A_613] {strides = array<i32>} : memref<26x834xf32, #tpu.memory_space<vmem>>, vector<16xf32>,
        tpu.vector_store %arg8[%swap3A_612, %swap3A_613], %gather3A_565 {strides = array<i32>} : memref<26x834xf32, #tpu.memory_space<vmem>>, vector<16xf32>,
        %swap3A_615 = arith.index_cast %scan3A_219 : i32 to index
        %swap3A_616 = arith.constant 752 : index
        %swap3A_617 = tpu.vector_load %arg8[%swap3A_615, %swap3A_616] {strides = array<i32>} : memref<26x834xf32, #tpu.memory_space<vmem>>, vector<16xf32>,
        tpu.vector_store %arg8[%swap3A_615, %swap3A_616], %gather3A_569 {strides = array<i32>} : memref<26x834xf32, #tpu.memory_space<vmem>>, vector<16xf32>,
        %broadcast_in_dim3A_618 = arith.constant 15 : i32
        %broadcast_in_dim3A_619 = vector.broadcast %broadcast_in_dim3A_618 : i32 to vector<16x1xi32>
        %gather3A_620 = vector.shape_cast %broadcast_in_dim3A_619 : vector<16x1xi32> to vector<16xi32>
        %gather3A_621 = tpu.dynamic_gather %mul3A_236[%gather3A_620] in [0] : vector<16xi32>, vector<16xi32> -> vector<16xi32>
        %add3A_622 = arith.addi %gather3A_621, %iota3A : vector<16xi32>
        %gather3A_623 = tpu.vector_load_idx %arg5[%add3A_622] : memref<8192xf32, #tpu.memory_space<vmem>>[vector<16xi32>], vector<16xf32>,
        %add3A_624 = arith.constant 16 : i32
        %add3A_625 = vector.broadcast %add3A_624 : i32 to vector<16xi32>
        %add3A_626 = arith.addi %add3A_622, %add3A_625 : vector<16xi32>
        %gather3A_627 = tpu.vector_load_idx %arg5[%add3A_626] : memref<8192xf32, #tpu.memory_space<vmem>>[vector<16xi32>], vector<16xf32>,
        %swap3A_628 = arith.index_cast %scan3A_219 : i32 to index
        %swap3A_629 = arith.constant 768 : index
        %swap3A_630 = tpu.vector_load %arg8[%swap3A_628, %swap3A_629] {strides = array<i32>} : memref<26x834xf32, #tpu.memory_space<vmem>>, vector<16xf32>,
        tpu.vector_store %arg8[%swap3A_628, %swap3A_629], %gather3A_623 {strides = array<i32>} : memref<26x834xf32, #tpu.memory_space<vmem>>, vector<16xf32>,
        %swap3A_631 = arith.index_cast %scan3A_219 : i32 to index
        %swap3A_632 = arith.constant 784 : index
        %swap3A_633 = tpu.vector_load %arg8[%swap3A_631, %swap3A_632] {strides = array<i32>} : memref<26x834xf32, #tpu.memory_space<vmem>>, vector<16xf32>,
        tpu.vector_store %arg8[%swap3A_631, %swap3A_632], %gather3A_627 {strides = array<i32>} : memref<26x834xf32, #tpu.memory_space<vmem>>, vector<16xf32>,
        %add3A_634 = arith.constant 174 : i32
        %add3A_635 = arith.addi %add3A_634, %scan3A_219 : i32
        %get3A_636 = arith.index_cast %add3A_635 : i32 to index
        %get3A_637 = arith.constant 25 : index
        %get3A_638 = tpu.vector_load %arg6[%get3A_636, %get3A_637] {strides = array<i32>} : memref<200x64xf32, #tpu.memory_space<vmem>>, vector<16xf32>,
        %swap3A_639 = arith.index_cast %scan3A_219 : i32 to index
        %swap3A_640 = arith.constant 800 : index
        %swap3A_641 = tpu.vector_load %arg8[%swap3A_639, %swap3A_640] {strides = array<i32>} : memref<26x834xf32, #tpu.memory_space<vmem>>, vector<16xf32>,
        tpu.vector_store %arg8[%swap3A_639, %swap3A_640], %get3A_638 {strides = array<i32>} : memref<26x834xf32, #tpu.memory_space<vmem>>, vector<16xf32>,
        %add3A_642 = arith.constant 174 : i32
        %add3A_643 = arith.addi %add3A_642, %scan3A_219 : i32
        %get3A_644 = arith.index_cast %add3A_643 : i32 to index
        %get3A_645 = arith.constant 41 : index
        %get3A_646 = tpu.vector_load %arg6[%get3A_644, %get3A_645] {strides = array<i32>} : memref<200x64xf32, #tpu.memory_space<vmem>>, vector<16xf32>,
        %swap3A_647 = arith.index_cast %scan3A_219 : i32 to index
        %swap3A_648 = arith.constant 816 : index
        %swap3A_649 = tpu.vector_load %arg8[%swap3A_647, %swap3A_648] {strides = array<i32>} : memref<26x834xf32, #tpu.memory_space<vmem>>, vector<16xf32>,
        tpu.vector_store %arg8[%swap3A_647, %swap3A_648], %get3A_646 {strides = array<i32>} : memref<26x834xf32, #tpu.memory_space<vmem>>, vector<16xf32>,
        %add3A_650 = arith.constant 174 : i32
        %add3A_651 = arith.addi %add3A_650, %scan3A_219 : i32
        %get3A_652 = arith.index_cast %add3A_651 : i32 to index
        %get3A_653 = arith.constant 43 : index
        %get3A_654 = tpu.vector_load %arg6[%get3A_652, %get3A_653] {strides = array<i32>} : memref<200x64xf32, #tpu.memory_space<vmem>>, vector<16xf32>,
        %swap3A_655 = arith.index_cast %scan3A_219 : i32 to index
        %swap3A_656 = arith.constant 818 : index
        %swap3A_657 = tpu.vector_load %arg8[%swap3A_655, %swap3A_656] {strides = array<i32>} : memref<26x834xf32, #tpu.memory_space<vmem>>, vector<16xf32>,
        tpu.vector_store %arg8[%swap3A_655, %swap3A_656], %get3A_654 {strides = array<i32>} : memref<26x834xf32, #tpu.memory_space<vmem>>, vector<16xf32>,
      }
      %scan3A_210 = arith.constant 26 : i32
      %dma_start3A_211 = arith.constant 24 : i32
      %dma_start3A_212 = arith.constant 0 : i32
      %dma_start3A_213 = tpu.memref_slice %arg4[%add3A_174, %dma_start3A_211, %dma_start3A_212] : memref<1024x50x834xf32, #tpu.memory_space<hbm>> -> memref<1x26x834xf32, #tpu.memory_space<hbm>>
      %dma_start3A_214 = tpu.memref_squeeze %dma_start3A_213 : memref<1x26x834xf32, #tpu.memory_space<hbm>> -> memref<26x834xf32, #tpu.memory_space<hbm>>
      %dma_start3A_215 = arith.constant 24 : i32
      %dma_start3A_216 = arith.constant 0 : i32
      %dma_start3A_217 = tpu.memref_slice %arg4[%add3A_174, %dma_start3A_215, %dma_start3A_216] : memref<1024x50x834xf32, #tpu.memory_space<hbm>> -> memref<1x26x834xf32, #tpu.memory_space<hbm>>
      %dma_start3A_218 = tpu.memref_squeeze %dma_start3A_217 : memref<1x26x834xf32, #tpu.memory_space<hbm>> -> memref<26x834xf32, #tpu.memory_space<hbm>>
      tpu.enqueue_dma source(%arg8 : memref<26x834xf32, #tpu.memory_space<vmem>>) target(%dma_start3A_218 : memref<26x834xf32, #tpu.memory_space<hbm>>) target_semaphore(%arg10 : memref<!tpu.dma_semaphore, #tpu.memory_space<semaphore_mem>>)
    }
    %scan3A_11 = arith.constant 8 : i32
    %dma_wait3A = arith.constant 0 : i32
    %dma_wait3A_12 = arith.constant 0 : i32
    %dma_wait3A_13 = tpu.memref_slice %arg4[%mul3A_2, %dma_wait3A, %dma_wait3A_12] : memref<1024x50x834xf32, #tpu.memory_space<hbm>> -> memref<1x24x834xf32, #tpu.memory_space<hbm>>
    %dma_wait3A_14 = tpu.memref_squeeze %dma_wait3A_13 : memref<1x24x834xf32, #tpu.memory_space<hbm>> -> memref<24x834xf32, #tpu.memory_space<hbm>>
    %dma_wait3A_15 = arith.constant 0 : i32
    %dma_wait3A_16 = arith.constant 0 : i32
    %dma_wait3A_17 = tpu.memref_slice %arg4[%mul3A_2, %dma_wait3A_15, %dma_wait3A_16] : memref<1024x50x834xf32, #tpu.memory_space<hbm>> -> memref<1x24x834xf32, #tpu.memory_space<hbm>>
    %dma_wait3A_18 = tpu.memref_squeeze %dma_wait3A_17 : memref<1x24x834xf32, #tpu.memory_space<hbm>> -> memref<24x834xf32, #tpu.memory_space<hbm>>
    tpu.wait_dma2 semaphore(%arg9 : memref<!tpu.dma_semaphore, #tpu.memory_space<semaphore_mem>>) src(%arg7 : memref<24x834xf32, #tpu.memory_space<vmem>>) dst(%dma_wait3A_18 : memref<24x834xf32, #tpu.memory_space<hbm>>)
    %dma_wait3A_19 = arith.constant 24 : i32
    %dma_wait3A_20 = arith.constant 0 : i32
    %dma_wait3A_21 = tpu.memref_slice %arg4[%mul3A_2, %dma_wait3A_19, %dma_wait3A_20] : memref<1024x50x834xf32, #tpu.memory_space<hbm>> -> memref<1x26x834xf32, #tpu.memory_space<hbm>>
    %dma_wait3A_22 = tpu.memref_squeeze %dma_wait3A_21 : memref<1x26x834xf32, #tpu.memory_space<hbm>> -> memref<26x834xf32, #tpu.memory_space<hbm>>
    %dma_wait3A_23 = arith.constant 24 : i32
    %dma_wait3A_24 = arith.constant 0 : i32
    %dma_wait3A_25 = tpu.memref_slice %arg4[%mul3A_2, %dma_wait3A_23, %dma_wait3A_24] : memref<1024x50x834xf32, #tpu.memory_space<hbm>> -> memref<1x26x834xf32, #tpu.memory_space<hbm>>
    %dma_wait3A_26 = tpu.memref_squeeze %dma_wait3A_25 : memref<1x26x834xf32, #tpu.memory_space<hbm>> -> memref<26x834xf32, #tpu.memory_space<hbm>>
    tpu.wait_dma2 semaphore(%arg10 : memref<!tpu.dma_semaphore, #tpu.memory_space<semaphore_mem>>) src(%arg8 : memref<26x834xf32, #tpu.memory_space<vmem>>) dst(%dma_wait3A_26 : memref<26x834xf32, #tpu.memory_space<hbm>>)
    return
  }
}

module attributes {stable_mosaic.version = 14 : i64} {
  func.func @_tc_setup_body(%arg0: i32, %arg1: memref<3200x50xi32, #tpu.memory_space<vmem>>, %arg2: memref<3200x4xf32, #tpu.memory_space<vmem>>, %arg3: memref<3200x1xi32, #tpu.memory_space<vmem>>, %arg4: memref<3200x1xf32, #tpu.memory_space<vmem>>, %arg5: memref<3200x1xf32, #tpu.memory_space<vmem>>, %arg6: memref<16x16xf32, #tpu.memory_space<vmem>>, %arg7: memref<16x16xf32, #tpu.memory_space<vmem>>, %arg8: memref<16x16xf32, #tpu.memory_space<vmem>>, %arg9: memref<4x16xf32, #tpu.memory_space<vmem>>, %arg10: memref<1x16xf32, #tpu.memory_space<vmem>>, %arg11: memref<50x25xf32, #tpu.memory_space<vmem>>, %arg12: memref<50x25xf32, #tpu.memory_space<vmem>>, %arg13: memref<3200x64xf32, #tpu.memory_space<vmem>>, %arg14: memref<256x32xf32, #tpu.memory_space<vmem>>) attributes {dimension_semantics = [#tpu.dimension_semantics<arbitrary>], iteration_bounds = array<i64: 16>, scalar_prefetch = 0 : i64, scratch_operands = 0 : i64, tpu.core_type = #tpu.core_type<tc>, window_params = [{transform_indices = @transform_0, window_bounds = array<i64: 3200, 50>}, {transform_indices = @transform_1, window_bounds = array<i64: 3200, 4>}, {transform_indices = @transform_2, window_bounds = array<i64: 3200, 1>}, {transform_indices = @transform_3, window_bounds = array<i64: 3200, 1>}, {transform_indices = @transform_4, window_bounds = array<i64: 3200, 1>}, {pipeline_mode = #tpu.pipeline_mode<synchronous>, transform_indices = @transform_5, window_bounds = array<i64: 16, 16>}, {pipeline_mode = #tpu.pipeline_mode<synchronous>, transform_indices = @transform_6, window_bounds = array<i64: 16, 16>}, {pipeline_mode = #tpu.pipeline_mode<synchronous>, transform_indices = @transform_7, window_bounds = array<i64: 16, 16>}, {pipeline_mode = #tpu.pipeline_mode<synchronous>, transform_indices = @transform_8, window_bounds = array<i64: 4, 16>}, {pipeline_mode = #tpu.pipeline_mode<synchronous>, transform_indices = @transform_9, window_bounds = array<i64: 1, 16>}, {pipeline_mode = #tpu.pipeline_mode<synchronous>, transform_indices = @transform_10, window_bounds = array<i64: 50, 25>}, {pipeline_mode = #tpu.pipeline_mode<synchronous>, transform_indices = @transform_11, window_bounds = array<i64: 50, 25>}, {transform_indices = @transform_12, window_bounds = array<i64: 3200, 64>}, {pipeline_mode = #tpu.pipeline_mode<synchronous>, transform_indices = @transform_13, window_bounds = array<i64: 256, 32>}]} {
    %get3A = arith.constant 0 : index
    %get3A_0 = arith.constant 0 : index
    %get3A_1 = vector.load %arg1[%get3A, %get3A_0] : memref<3200x50xi32, #tpu.memory_space<vmem>>, vector<3200x50xi32>
    %convert_element_type3A = arith.sitofp %get3A_1 : vector<3200x50xi32> to vector<3200x50xf32>
    %get3A_2 = arith.constant 0 : index
    %get3A_3 = arith.constant 0 : index
    %get3A_4 = vector.load %arg11[%get3A_2, %get3A_3] : memref<50x25xf32, #tpu.memory_space<vmem>>, vector<50x25xf32>
    %dot_general3A = arith.constant dense<0.000000e+00> : vector<3200x25xf32>
    %dot_general3A_5 = tpu.matmul %convert_element_type3A, %get3A_4, %dot_general3A {dimension_numbers = #tpu.dot_dimension_numbers<[1], [0], [0], [1], [0, 0, 1, 1], [], []>, transpose_lhs_hint = false} : vector<3200x50xf32>, vector<50x25xf32>, vector<3200x25xf32> -> vector<3200x25xf32>
    %get3A_6 = arith.constant 0 : index
    %get3A_7 = arith.constant 0 : index
    %get3A_8 = vector.load %arg12[%get3A_6, %get3A_7] : memref<50x25xf32, #tpu.memory_space<vmem>>, vector<50x25xf32>
    %dot_general3A_9 = arith.constant dense<0.000000e+00> : vector<3200x25xf32>
    %dot_general3A_10 = tpu.matmul %convert_element_type3A, %get3A_8, %dot_general3A_9 {dimension_numbers = #tpu.dot_dimension_numbers<[1], [0], [0], [1], [0, 0, 1, 1], [], []>, transpose_lhs_hint = false} : vector<3200x50xf32>, vector<50x25xf32>, vector<3200x25xf32> -> vector<3200x25xf32>
    %mul3A = arith.constant 1.600000e+01 : f32
    %mul3A_11 = vector.broadcast %mul3A : f32 to vector<3200x25xf32>
    %mul3A_12 = arith.mulf %dot_general3A_5, %mul3A_11 : vector<3200x25xf32>
    %add3A = arith.addf %mul3A_12, %dot_general3A_10 : vector<3200x25xf32>
    %swap3A = arith.constant 0 : index
    %swap3A_13 = arith.constant 0 : index
    %swap3A_14 = vector.load %arg13[%swap3A, %swap3A_13] : memref<3200x64xf32, #tpu.memory_space<vmem>>, vector<3200x25xf32>
    tpu.vector_store %arg13[%swap3A, %swap3A_13], %add3A {strides = array<i32>} : memref<3200x64xf32, #tpu.memory_space<vmem>>, vector<3200x25xf32>,
    %get3A_15 = arith.constant 0 : index
    %get3A_16 = arith.constant 0 : index
    %get3A_17 = vector.load %arg2[%get3A_15, %get3A_16] : memref<3200x4xf32, #tpu.memory_space<vmem>>, vector<3200x4xf32>
    %get3A_18 = arith.constant 0 : index
    %get3A_19 = arith.constant 0 : index
    %get3A_20 = vector.load %arg9[%get3A_18, %get3A_19] : memref<4x16xf32, #tpu.memory_space<vmem>>, vector<4x16xf32>
    %dot_general3A_21 = arith.constant dense<0.000000e+00> : vector<3200x16xf32>
    %dot_general3A_22 = tpu.matmul %get3A_17, %get3A_20, %dot_general3A_21 {dimension_numbers = #tpu.dot_dimension_numbers<[1], [0], [0], [1], [0, 0, 1, 1], [], []>, transpose_lhs_hint = false} : vector<3200x4xf32>, vector<4x16xf32>, vector<3200x16xf32> -> vector<3200x16xf32>
    %get3A_23 = arith.constant 0 : index
    %get3A_24 = arith.constant 0 : index
    %get3A_25 = vector.load %arg10[%get3A_23, %get3A_24] : memref<1x16xf32, #tpu.memory_space<vmem>>, vector<1x16xf32>
    %add3A_26 = vector.broadcast %get3A_25 : vector<1x16xf32> to vector<3200x16xf32>
    %add3A_27 = arith.addf %dot_general3A_22, %add3A_26 : vector<3200x16xf32>
    %get3A_28 = arith.constant 0 : index
    %get3A_29 = arith.constant 0 : index
    %get3A_30 = vector.load %arg3[%get3A_28, %get3A_29] : memref<3200x1xi32, #tpu.memory_space<vmem>>, vector<3200x1xi32>
    %iota3A = tpu.iota {dimensions = array<i32: 1>} : vector<3200x16xi32>
    %eq3A = vector.broadcast %get3A_30 : vector<3200x1xi32> to vector<3200x16xi32>
    %eq3A_31 = arith.cmpi eq, %eq3A, %iota3A : vector<3200x16xi32>
    %convert_element_type3A_32 = arith.extui %eq3A_31 : vector<3200x16xi1> to vector<3200x16xi32>
    %convert_element_type3A_33 = arith.sitofp %convert_element_type3A_32 : vector<3200x16xi32> to vector<3200x16xf32>
    %get3A_34 = arith.constant 0 : index
    %get3A_35 = arith.constant 0 : index
    %get3A_36 = vector.load %arg8[%get3A_34, %get3A_35] : memref<16x16xf32, #tpu.memory_space<vmem>>, vector<16x16xf32>
    %dot_general3A_37 = arith.constant dense<0.000000e+00> : vector<3200x16xf32>
    %dot_general3A_38 = tpu.matmul %convert_element_type3A_33, %get3A_36, %dot_general3A_37 {dimension_numbers = #tpu.dot_dimension_numbers<[1], [0], [0], [1], [0, 0, 1, 1], [], []>, transpose_lhs_hint = false} : vector<3200x16xf32>, vector<16x16xf32>, vector<3200x16xf32> -> vector<3200x16xf32>
    %swap3A_39 = arith.constant 0 : index
    %swap3A_40 = arith.constant 25 : index
    %swap3A_41 = vector.load %arg13[%swap3A_39, %swap3A_40] : memref<3200x64xf32, #tpu.memory_space<vmem>>, vector<3200x16xf32>
    tpu.vector_store %arg13[%swap3A_39, %swap3A_40], %add3A_27 {strides = array<i32>} : memref<3200x64xf32, #tpu.memory_space<vmem>>, vector<3200x16xf32>,
    %swap3A_42 = arith.constant 0 : index
    %swap3A_43 = arith.constant 41 : index
    %swap3A_44 = vector.load %arg13[%swap3A_42, %swap3A_43] : memref<3200x64xf32, #tpu.memory_space<vmem>>, vector<3200x16xf32>
    tpu.vector_store %arg13[%swap3A_42, %swap3A_43], %dot_general3A_38 {strides = array<i32>} : memref<3200x64xf32, #tpu.memory_space<vmem>>, vector<3200x16xf32>,
    %get3A_45 = arith.constant 0 : index
    %get3A_46 = arith.constant 0 : index
    %get3A_47 = vector.load %arg4[%get3A_45, %get3A_46] : memref<3200x1xf32, #tpu.memory_space<vmem>>, vector<3200x1xf32>
    %swap3A_48 = arith.constant 0 : index
    %swap3A_49 = arith.constant 57 : index
    %swap3A_50 = vector.load %arg13[%swap3A_48, %swap3A_49] : memref<3200x64xf32, #tpu.memory_space<vmem>>, vector<3200x1xf32>
    tpu.vector_store %arg13[%swap3A_48, %swap3A_49], %get3A_47 {strides = array<i32>} : memref<3200x64xf32, #tpu.memory_space<vmem>>, vector<3200x1xf32>,
    %get3A_51 = arith.constant 0 : index
    %get3A_52 = arith.constant 0 : index
    %get3A_53 = vector.load %arg5[%get3A_51, %get3A_52] : memref<3200x1xf32, #tpu.memory_space<vmem>>, vector<3200x1xf32>
    %swap3A_54 = arith.constant 0 : index
    %swap3A_55 = arith.constant 58 : index
    %swap3A_56 = vector.load %arg13[%swap3A_54, %swap3A_55] : memref<3200x64xf32, #tpu.memory_space<vmem>>, vector<3200x1xf32>
    tpu.vector_store %arg13[%swap3A_54, %swap3A_55], %get3A_53 {strides = array<i32>} : memref<3200x64xf32, #tpu.memory_space<vmem>>, vector<3200x1xf32>,
    %broadcast_in_dim3A = arith.constant 0.000000e+00 : f32
    %broadcast_in_dim3A_57 = vector.broadcast %broadcast_in_dim3A : f32 to vector<3200x5xf32>
    %swap3A_58 = arith.constant 0 : index
    %swap3A_59 = arith.constant 59 : index
    %swap3A_60 = vector.load %arg13[%swap3A_58, %swap3A_59] : memref<3200x64xf32, #tpu.memory_space<vmem>>, vector<3200x5xf32>
    tpu.vector_store %arg13[%swap3A_58, %swap3A_59], %broadcast_in_dim3A_57 {strides = array<i32>} : memref<3200x64xf32, #tpu.memory_space<vmem>>, vector<3200x5xf32>,
    %iota3A_61 = tpu.iota {dimensions = array<i32: 0>} : vector<256x16xi32>
    %iota3A_62 = tpu.iota {dimensions = array<i32: 1>} : vector<256x16xi32>
    %jit3A = arith.constant 16 : i32
    %div3A = vector.broadcast %jit3A : i32 to vector<256x16xi32>
    %div3A_63 = arith.divsi %iota3A_61, %div3A : vector<256x16xi32>
    %sign3A = arith.constant 0 : i32
    %sign3A_64 = vector.broadcast %sign3A : i32 to vector<256x16xi32>
    %sign3A_65 = arith.cmpi sgt, %iota3A_61, %sign3A_64 : vector<256x16xi32>
    %sign3A_66 = arith.extui %sign3A_65 : vector<256x16xi1> to vector<256x16xi32>
    %sign3A_67 = arith.constant 0 : i32
    %sign3A_68 = vector.broadcast %sign3A_67 : i32 to vector<256x16xi32>
    %sign3A_69 = arith.cmpi slt, %iota3A_61, %sign3A_68 : vector<256x16xi32>
    %sign3A_70 = arith.extui %sign3A_69 : vector<256x16xi1> to vector<256x16xi32>
    %sign3A_71 = arith.subi %sign3A_66, %sign3A_70 : vector<256x16xi32>
    %sign3A_72 = arith.constant 0 : i32
    %sign3A_73 = arith.cmpi sgt, %jit3A, %sign3A_72 : i32
    %sign3A_74 = arith.extui %sign3A_73 : i1 to i32
    %sign3A_75 = arith.constant 0 : i32
    %sign3A_76 = arith.cmpi slt, %jit3A, %sign3A_75 : i32
    %sign3A_77 = arith.extui %sign3A_76 : i1 to i32
    %sign3A_78 = arith.subi %sign3A_74, %sign3A_77 : i32
    %ne3A = vector.broadcast %sign3A_78 : i32 to vector<256x16xi32>
    %ne3A_79 = arith.cmpi ne, %sign3A_71, %ne3A : vector<256x16xi32>
    %rem3A = vector.broadcast %jit3A : i32 to vector<256x16xi32>
    %rem3A_80 = arith.remsi %iota3A_61, %rem3A : vector<256x16xi32>
    %ne3A_81 = arith.constant 0 : i32
    %ne3A_82 = vector.broadcast %ne3A_81 : i32 to vector<256x16xi32>
    %ne3A_83 = arith.cmpi ne, %rem3A_80, %ne3A_82 : vector<256x16xi32>
    %and3A = arith.andi %ne3A_79, %ne3A_83 : vector<256x16xi1>
    %sub3A = arith.constant 1 : i32
    %sub3A_84 = vector.broadcast %sub3A : i32 to vector<256x16xi32>
    %sub3A_85 = arith.subi %div3A_63, %sub3A_84 : vector<256x16xi32>
    %select_n3A = arith.select %and3A, %sub3A_85, %div3A_63 : vector<256x16xi1>, vector<256x16xi32>
    %eq3A_86 = arith.cmpi eq, %select_n3A, %iota3A_62 : vector<256x16xi32>
    %convert_element_type3A_87 = arith.extui %eq3A_86 : vector<256x16xi1> to vector<256x16xi32>
    %convert_element_type3A_88 = arith.sitofp %convert_element_type3A_87 : vector<256x16xi32> to vector<256x16xf32>
    %jit3A_89 = arith.constant 16 : i32
    %eq3A_90 = arith.constant 0 : i32
    %eq3A_91 = arith.cmpi eq, %jit3A_89, %eq3A_90 : i32
    %jit3A_92 = arith.constant 1 : i32
    %select_n3A_93 = arith.select %eq3A_91, %jit3A_92, %jit3A_89 : i32
    %rem3A_94 = vector.broadcast %select_n3A_93 : i32 to vector<256x16xi32>
    %rem3A_95 = arith.remsi %iota3A_61, %rem3A_94 : vector<256x16xi32>
    %ne3A_96 = arith.constant 0 : i32
    %ne3A_97 = vector.broadcast %ne3A_96 : i32 to vector<256x16xi32>
    %ne3A_98 = arith.cmpi ne, %rem3A_95, %ne3A_97 : vector<256x16xi32>
    %lt3A = arith.constant 0 : i32
    %lt3A_99 = vector.broadcast %lt3A : i32 to vector<256x16xi32>
    %lt3A_100 = arith.cmpi slt, %rem3A_95, %lt3A_99 : vector<256x16xi32>
    %lt3A_101 = arith.constant 0 : i32
    %lt3A_102 = arith.cmpi slt, %select_n3A_93, %lt3A_101 : i32
    %ne3A_103 = vector.broadcast %lt3A_102 : i1 to vector<256x16xi1>
    %ne3A_104 = vector.broadcast %ne3A_103 : vector<256x16xi1> to vector<256x16xi1>
    %ne3A_105 = arith.xori %lt3A_100, %ne3A_104 : vector<256x16xi1>
    %and3A_106 = arith.andi %ne3A_105, %ne3A_98 : vector<256x16xi1>
    %add3A_107 = vector.broadcast %select_n3A_93 : i32 to vector<256x16xi32>
    %add3A_108 = arith.addi %rem3A_95, %add3A_107 : vector<256x16xi32>
    %select_n3A_109 = arith.select %and3A_106, %add3A_108, %rem3A_95 : vector<256x16xi1>, vector<256x16xi32>
    %eq3A_110 = arith.cmpi eq, %select_n3A_109, %iota3A_62 : vector<256x16xi32>
    %convert_element_type3A_111 = arith.extui %eq3A_110 : vector<256x16xi1> to vector<256x16xi32>
    %convert_element_type3A_112 = arith.sitofp %convert_element_type3A_111 : vector<256x16xi32> to vector<256x16xf32>
    %get3A_113 = arith.constant 0 : index
    %get3A_114 = arith.constant 0 : index
    %get3A_115 = vector.load %arg6[%get3A_113, %get3A_114] : memref<16x16xf32, #tpu.memory_space<vmem>>, vector<16x16xf32>
    %dot_general3A_116 = arith.constant dense<0.000000e+00> : vector<256x16xf32>
    %dot_general3A_117 = tpu.matmul %convert_element_type3A_88, %get3A_115, %dot_general3A_116 {dimension_numbers = #tpu.dot_dimension_numbers<[1], [0], [0], [1], [0, 0, 1, 1], [], []>, transpose_lhs_hint = false} : vector<256x16xf32>, vector<16x16xf32>, vector<256x16xf32> -> vector<256x16xf32>
    %swap3A_118 = arith.constant 0 : index
    %swap3A_119 = arith.constant 0 : index
    %swap3A_120 = vector.load %arg14[%swap3A_118, %swap3A_119] : memref<256x32xf32, #tpu.memory_space<vmem>>, vector<256x16xf32>
    tpu.vector_store %arg14[%swap3A_118, %swap3A_119], %dot_general3A_117 {strides = array<i32>} : memref<256x32xf32, #tpu.memory_space<vmem>>, vector<256x16xf32>,
    %get3A_121 = arith.constant 0 : index
    %get3A_122 = arith.constant 0 : index
    %get3A_123 = vector.load %arg7[%get3A_121, %get3A_122] : memref<16x16xf32, #tpu.memory_space<vmem>>, vector<16x16xf32>
    %dot_general3A_124 = arith.constant dense<0.000000e+00> : vector<256x16xf32>
    %dot_general3A_125 = tpu.matmul %convert_element_type3A_112, %get3A_123, %dot_general3A_124 {dimension_numbers = #tpu.dot_dimension_numbers<[1], [0], [0], [1], [0, 0, 1, 1], [], []>, transpose_lhs_hint = false} : vector<256x16xf32>, vector<16x16xf32>, vector<256x16xf32> -> vector<256x16xf32>
    %swap3A_126 = arith.constant 0 : index
    %swap3A_127 = arith.constant 16 : index
    %swap3A_128 = vector.load %arg14[%swap3A_126, %swap3A_127] : memref<256x32xf32, #tpu.memory_space<vmem>>, vector<256x16xf32>
    tpu.vector_store %arg14[%swap3A_126, %swap3A_127], %dot_general3A_125 {strides = array<i32>} : memref<256x32xf32, #tpu.memory_space<vmem>>, vector<256x16xf32>,
    return
  }
  func.func @transform_0(%arg0: i32) -> (i32, i32) {
    %c0_i32 = arith.constant 0 : i32
    %c0_i32_0 = arith.constant 0 : i32
    return %arg0, %c0_i32 : i32, i32
  }
  func.func @transform_1(%arg0: i32) -> (i32, i32) {
    %c0_i32 = arith.constant 0 : i32
    %c0_i32_0 = arith.constant 0 : i32
    return %arg0, %c0_i32 : i32, i32
  }
  func.func @transform_2(%arg0: i32) -> (i32, i32) {
    %c0_i32 = arith.constant 0 : i32
    %c0_i32_0 = arith.constant 0 : i32
    return %arg0, %c0_i32 : i32, i32
  }
  func.func @transform_3(%arg0: i32) -> (i32, i32) {
    %c0_i32 = arith.constant 0 : i32
    %c0_i32_0 = arith.constant 0 : i32
    return %arg0, %c0_i32 : i32, i32
  }
  func.func @transform_4(%arg0: i32) -> (i32, i32) {
    %c0_i32 = arith.constant 0 : i32
    %c0_i32_0 = arith.constant 0 : i32
    return %arg0, %c0_i32 : i32, i32
  }
  func.func @transform_5(%arg0: i32) -> (i32, i32) {
    %c0_i32 = arith.constant 0 : i32
    %c0_i32_0 = arith.constant 0 : i32
    %c0_i32_1 = arith.constant 0 : i32
    return %c0_i32, %c0_i32_0 : i32, i32
  }
  func.func @transform_6(%arg0: i32) -> (i32, i32) {
    %c0_i32 = arith.constant 0 : i32
    %c0_i32_0 = arith.constant 0 : i32
    %c0_i32_1 = arith.constant 0 : i32
    return %c0_i32, %c0_i32_0 : i32, i32
  }
  func.func @transform_7(%arg0: i32) -> (i32, i32) {
    %c0_i32 = arith.constant 0 : i32
    %c0_i32_0 = arith.constant 0 : i32
    %c0_i32_1 = arith.constant 0 : i32
    return %c0_i32, %c0_i32_0 : i32, i32
  }
  func.func @transform_8(%arg0: i32) -> (i32, i32) {
    %c0_i32 = arith.constant 0 : i32
    %c0_i32_0 = arith.constant 0 : i32
    %c0_i32_1 = arith.constant 0 : i32
    return %c0_i32, %c0_i32_0 : i32, i32
  }
  func.func @transform_9(%arg0: i32) -> (i32, i32) {
    %c0_i32 = arith.constant 0 : i32
    %c0_i32_0 = arith.constant 0 : i32
    %c0_i32_1 = arith.constant 0 : i32
    return %c0_i32, %c0_i32_0 : i32, i32
  }
  func.func @transform_10(%arg0: i32) -> (i32, i32) {
    %c0_i32 = arith.constant 0 : i32
    %c0_i32_0 = arith.constant 0 : i32
    %c0_i32_1 = arith.constant 0 : i32
    return %c0_i32, %c0_i32_0 : i32, i32
  }
  func.func @transform_11(%arg0: i32) -> (i32, i32) {
    %c0_i32 = arith.constant 0 : i32
    %c0_i32_0 = arith.constant 0 : i32
    %c0_i32_1 = arith.constant 0 : i32
    return %c0_i32, %c0_i32_0 : i32, i32
  }
  func.func @transform_12(%arg0: i32) -> (i32, i32) {
    %c0_i32 = arith.constant 0 : i32
    %c0_i32_0 = arith.constant 0 : i32
    return %arg0, %c0_i32 : i32, i32
  }
  func.func @transform_13(%arg0: i32) -> (i32, i32) {
    %c0_i32 = arith.constant 0 : i32
    %c0_i32_0 = arith.constant 0 : i32
    %c0_i32_1 = arith.constant 0 : i32
    return %c0_i32, %c0_i32_0 : i32, i32
  }
}

</mosaic_0001>

<sc_bundles>
// kernel: kernel.4.cloned.1.call-start
scs
__scs_entry_jumppad:
0x0: {  	(pc) =	sbr.rel $0x88, $3  }
0x1: {  	(tag) =	ssettag $0x0;
	lr =	simm.s32 $0x1  }
0x2: {  	[smem:$0x3F97] =	sst lr;
	_ =	strace $0xD0000000  }
0x3: {  	_ = 	snop  }
0x4: {  	_ = 	snop  }
0x5: {  	_ = 	snop  }
0x6: {  	_ = 	snop  }
0x7: {  	_ = 	snop  }
__scs_overlays_trampoline_lowered:
0x8: {  	[smem:$0x3FA6] =	sst s0  }
0x9: {  	[smem:$0x3FA7] =	sst s1  }
0xa: {  	[smem:$0x3FA8] =	sst s2  }
0xb: {  	[smem:$0x3FA9] =	sst s3  }
0xc: {  	[smem:$0x3FAA] =	sst s4  }
0xd: {  	[smem:$0x3FAB] =	sst s5  }
0xe: {  	[smem:$0x3FAC] =	sst s6  }
0xf: {  	[smem:$0x3FAD] =	sst s7  }
0x10: {  	[smem:$0x3FAE] =	sst s8  }
0x11: {  	[smem:$0x3FAF] =	sst s9;
	s0 =	simm.s32 @!p0 $0x0  }
0x12: {  	s1 =	sld [smem:$0x3F95];
	s0 =	simm.s32 @p0 $0x1  }
0x13: {  	[smem:$0x3FB0] =	sst s0;
	s0 =	simm.s32 @!p1 $0x0  }
0x14: {  	s2 =	sld [smem:$0x3F94];
	s0 =	simm.s32 @p1 $0x1  }
0x15: {  	[smem:$0x3FB1] =	sst s0;
	s0 =	simm.s32 @!p2 $0x0  }
0x16: {  	s3 =	sld [smem:$0x3FDB];
	s0 =	simm.s32 @p2 $0x1  }
0x17: {  	s4 =	simm.s32 $0x1BF5;
	[smem:$0x3FB3] =	sst s0  }
0x18: {  	s0 =	sld [smem:$0x3F96];
	_ =	swait.ge [sflag:s4], $0x0  }
0x19: {  	s7 =	sld [smem:$0x3F97]  }
0x1a: {  	s8 =	sadd.s32 $0xFFFFE003, lr  }
0x1b: {  	s9 =	sadd.s32 $0xFFFFFEF7, lr;
	s5 =	simm.s32 $0xFFFFFFFF;
	p2 =	slt.u32 s8, $0xFFFFF086  }
0x1c: {  	p1 =	slt.u32 s9, $0xF7A;
	s5 =	simm.s32 @!p2 $0x0  }
0x1d: {  	s5 =	simm.s32 @p1 $0x1;
	p0 =	seq.s32 s7, s2  }
0x1e: {  	s7 =	smul.u32 @!p0 $0xF7A, s2;
	p2 =	seq.s32 @!p0 s5, $0x0  }
0x1f: {  	s9 =	smul.u32 $0xF7A, s1;
	s8 =	simm.s32 @!p0 $0x1BF5;
	p2 =	por !p2, p0  }
0x20: {  	[sflag:s8] =	ssyncset.s32 @!p0 $0xFFFFF086;
	s6 =	sadd.s32 @!p0 s3, s7;
	s7 =	simm.s32 @!p0 $0x108  }
0x21: {  	s3 =	sadd.s32 s3, s9;
	s6 =	sadd.s32 @!p0 $0x88, s6;
	s7 =	simm.s32 @p2 $0x1082  }
0x22: {  	[simem:s7], [sflag:s8] =	dma.local @!p0 [hbm:s6], $0xF7A  }
0x23: {  	s9 =	sor.u32 $0xD0000000, s2;
	s6 =	simm.s32 $0x108;
	_ =	swait.ge @!p0 [sflag:s8], $0x0  }
0x24: {  	s3 =	sadd.s32 $0x88, s3;
	s6 =	simm.s32 @!p1 $0x1082;
	[sflag:s4] =	ssyncset.s32 $0xFFFFF086  }
0x25: {  	[simem:s6], [sflag:s4] =	dma.local [hbm:s3], $0xF7A  }
0x26: {  	[smem:$0x3F97] =	sst s1;
	(tag) =	ssettag s2;
	_ =	strace s9  }
0x27: {  	s1 =	sld [smem:$0x3FA7]  }
0x28: {  	s2 =	sld [smem:$0x3FA8]  }
0x29: {  	s4 =	sld [smem:$0x3FAA]  }
0x2a: {  	p0 =	seq.s32 s5, $0x0;
	s5 =	sld [smem:$0x3FAB]  }
0x2b: {  	s6 =	sld [smem:$0x3FAC]  }
0x2c: {  	s7 =	sld [smem:$0x3FAD]  }
0x2d: {  	s3 =	simm.s32 $0x108;
	s8 =	sld [smem:$0x3FAE]  }
0x2e: {  	s3 =	simm.s32 @!p0 $0x1082;
	s9 =	sld [smem:$0x3FAF]  }
0x2f: {  	lr =	sadd.s32 s0, s3;
	s0 =	sld [smem:$0x3FA6]  }
0x30: {  	s3 =	sld [smem:$0x3FA9]  }
0x31: {  	[smem:$0x3FB2] =	sst s10  }
0x32: {  	s10 =	sld [smem:$0x3FB0];
	_ =	sdelay $0x3  }
0x33: {  	p0 =	seq.s32 s10, $0x1;
	s10 =	sld [smem:$0x3FB2];
	_ =	sdelay $0x3  }
0x34: {  	[smem:$0x3FB2] =	sst s10  }
0x35: {  	s10 =	sld [smem:$0x3FB1];
	_ =	sdelay $0x3  }
0x36: {  	p1 =	seq.s32 s10, $0x1;
	s10 =	sld [smem:$0x3FB2];
	_ =	sdelay $0x3  }
0x37: {  	[smem:$0x3FB2] =	sst s10  }
0x38: {  	s10 =	sld [smem:$0x3FB3]  }
0x39: {  	_ = 	snop;
	(pc) =	sbr.ind lr, $3  }
0x3a: {  	_ = 	snop  }
0x3b: {  	_ = 	snop  }
0x3c: {  	p2 =	seq.s32 s10, $0x1;
	s10 =	sld [smem:$0x3FB2]  }
0x3d: {  	_ =	shalt  }
0x3e: {  	_ =	shalt  }
0x3f: {  	_ =	shalt  }
0x40: {  	_ =	shalt  }
0x41: {  	_ =	shalt  }
0x42: {  	_ =	shalt  }
0x43: {  	_ =	shalt  }
0x44: {  	_ =	shalt  }
0x45: {  	_ =	shalt  }
0x46: {  	_ =	shalt  }
0x47: {  	_ =	shalt  }
0x48: {  	_ =	shalt  }
0x49: {  	_ =	shalt  }
0x4a: {  	_ =	shalt  }
0x4b: {  	_ =	shalt  }
0x4c: {  	_ =	shalt  }
0x4d: {  	_ =	shalt  }
0x4e: {  	_ =	shalt  }
0x4f: {  	_ =	shalt  }
0x50: {  	_ =	shalt  }
0x51: {  	_ =	shalt  }
0x52: {  	_ =	shalt  }
0x53: {  	_ =	shalt  }
0x54: {  	_ =	shalt  }
0x55: {  	_ =	shalt  }
0x56: {  	_ =	shalt  }
0x57: {  	_ =	shalt  }
0x58: {  	_ =	shalt  }
0x59: {  	_ =	shalt  }
0x5a: {  	_ =	shalt  }
0x5b: {  	_ =	shalt  }
0x5c: {  	_ =	shalt  }
0x5d: {  	_ =	shalt  }
0x5e: {  	_ =	shalt  }
0x5f: {  	_ =	shalt  }
0x60: {  	_ =	shalt  }
0x61: {  	_ =	shalt  }
0x62: {  	_ =	shalt  }
0x63: {  	_ =	shalt  }
0x64: {  	_ =	shalt  }
0x65: {  	_ =	shalt  }
0x66: {  	_ =	shalt  }
0x67: {  	_ =	shalt  }
0x68: {  	_ =	shalt  }
0x69: {  	_ =	shalt  }
0x6a: {  	_ =	shalt  }
0x6b: {  	_ =	shalt  }
0x6c: {  	_ =	shalt  }
0x6d: {  	_ =	shalt  }
0x6e: {  	_ =	shalt  }
0x6f: {  	_ =	shalt  }
0x70: {  	_ =	shalt  }
0x71: {  	_ =	shalt  }
0x72: {  	_ =	shalt  }
0x73: {  	_ =	shalt  }
0x74: {  	_ =	shalt  }
0x75: {  	_ =	shalt  }
0x76: {  	_ =	shalt  }
0x77: {  	_ =	shalt  }
0x78: {  	_ =	shalt  }
0x79: {  	_ =	shalt  }
0x7a: {  	_ =	shalt  }
0x7b: {  	_ =	shalt  }
0x7c: {  	_ =	shalt  }
0x7d: {  	_ =	shalt  }
0x7e: {  	_ =	shalt  }
0x7f: {  	_ =	shalt  }
0x80: {  	_ =	shalt  }
0x81: {  	_ =	shalt  }
0x82: {  	_ =	shalt  }
0x83: {  	_ =	shalt  }
0x84: {  	_ =	shalt  }
0x85: {  	_ =	shalt  }
0x86: {  	_ =	shalt  }
0x87: {  	_ =	shalt  }
.Lfunc_end0:
.L_simem_size_0:
called_computation_lowered:
.L_overlay_start_0:
0x88: {  	s2 =	sld [smem:$0x3FD9]  }
0x89: {  	s3 =	sld [smem:$0x3FFE];
	_ =	sdelay $0x1  }
0x8a: {  	s1 =	srdreg.scid  }
0x8b: {  	s0 =	sand.u32 $0x1, s1  }
0x8c: {  	s17 =	sshll.u32 s0, $0xA;
	s2 =	sadd.s32 s3, s2  }
0x8d: {  	s2 =	sadd.s32 s2, s17  }
0x8e: {  	[smem:$0x3FBE] =	sst s2  }
0x8f: {  	_ = 	snop  }
0x90: {  	s2 =	sld [smem:$0x3FD0];
	(tm) =	ssettm $0x1  }
0x91: {  	s18 =	sld [smem:$0x3FFB];
	_ =	sdelay $0x3  }
0x92: {  	_ =	strace s18  }
0x93: {  	s3 =	sld [smem:$0x3FFC];
	_ =	sdelay $0x3  }
0x94: {  	_ =	strace s3  }
0x95: {  	s3 =	sld [smem:$0x3FFD];
	_ =	sdelay $0x3  }
0x96: {  	_ =	strace s3  }
0x97: {  	_ =	strace $0x8FFFFFFF  }
0x98: {  	s19 =	sld [smem:$0x3FDB];
	_ =	sdelay $0x1  }
0x99: {  	s4 =	simm.s32 $_scs_section_size  }
0x9a: {  	s5 =	simm.s32 $_size__tile_overlayer_lowered;
	s6 =	simm.s32 $_tile_overlayer_lowered  }
0x9b: {  	s22 =	simm.s32 $0x1BFF;
	s21 =	sshll.u32 s6, $0x1;
	s3 =	sadd.s32 s4, s19  }
0x9c: {  	s7 =	simm.s32 $0x0;
	s20 =	sshll.u32 s5, $0x1;
	s5 =	sadd.s32 s21, s3  }
0x9d: {  	[timem:s7], [sflag:s22] =	dma.local [hbm:s5], s20  }
0x9e: {  	_ =	swait.ge [sflag:s22], s20  }
0x9f: {  	s4 =	ssub.s32 $0x0, s20;
	[sflag:s22] =	ssyncset.done $0x0  }
0xa0: {  	[sflag:s22] =	ssyncadd.s32 s4;
	_ =	sdelay $0x1  }
0xa1: {  	s23 =	simm.s32 $0x1B8B  }
0xa2: {  	_ =	swait.ge [sflag:s23], $0x1  }
0xa3: {  	[sflag:s23] =	ssyncset.done $0x0  }
0xa4: {  	s25 =	simm.s32 $0x1B8E;
	s24 =	sld [smem:$0x3FFE];
	[sflag:s23] =	ssyncadd.s32 $0xFFFFFFFF  }
0xa5: {  	s26 =	simm.s32 $execute0_lowered;
	[smem:$0x3FD2] =	sst s25  }
0xa6: {  	s5 =	sshll.u32 s26, $0x1;
	_ =	strace $0x80000046;
	[dreg:$0x1] =	wrdreg $0xFFFFFFFF  }
0xa7: {  	s28 =	simm.s32 $_size_execute0_lowered;
	s3 =	sadd.s32 s3, s5;
	[dreg:$0x0] =	wrdreg $0x0  }
0xa8: {  	s5 =	sshll.u32 s28, $0x1;
	[dreg:$0x2] =	wrdreg s3  }
0xa9: {  	[dreg:$0x3] =	wrdreg s5  }
0xaa: {  	[dreg:$0x4] =	wrdreg $0xC0  }
0xab: {  	_ =	task [dreg:s7], $0x5FFFF  }
0xac: {  	[dreg:$0x1] =	wrdreg $0xFFFFFFFF  }
0xad: {  	[dreg:$0x0] =	wrdreg $0x60  }
0xae: {  	[dreg:$0x2] =	wrdreg s24  }
0xaf: {  	[dreg:$0x3] =	wrdreg s2  }
0xb0: {  	[dreg:$0x4] =	wrdreg $0x9  }
0xb1: {  	_ =	task.clear_ibuf [dreg:s7], $0x5FFFF;
	_ =	strace $0x90000046  }
0xb2: {  	s29 =	simm.s32 $0x9;
	_ =	strace $0x80000048  }
0xb3: {  	_ =	swait.ge [sflag:s29], $0x1  }
0xb4: {  	[sflag:s29] =	ssyncadd.s32 $0xFFFFFFFF  }
0xb5: {  	_ =	strace $0x90000048  }
0xb6: {  	_ =	sfence  }
0xb7: {  	s30 =	sld [smem:$0x0];
	_ =	sdelay $0x2  }
0xb8: {  	s31 =	sshll.u32 s1, $0xD;
	s1 =	sshrl.u32 s1, $0x2  }
0xb9: {  	s3 =	sand.u32 $0x4000, s31;
	s1 =	sadd.s32 s1, s30  }
0xba: {  	s0 =	sor.u32 s3, s0;
	s1 =	sshll.u32 s1, $0x11  }
0xbb: {  	s0 =	sor.u32 s1, s0  }
0xbc: {  	s0 =	sadd.s32 $0x8F2B, s0  }
0xbd: {  	[sflag:s0] =	ssyncadd.remote.s32 $0x1  }
0xbe: {  	_ =	sfence.sel $0xFFFF  }
0xbf: {  	[dreg:$0x0] =	wrdreg $0xFFFFFFFF;
	(pc) =	sbr.abs _section_cstart, $3  }
0xc0: {  	[dreg:$0x1] =	wrdreg $0xFFFFFFFF  }
0xc1: {  	_ =	task.clear_ibuf [dreg:s7], $0x2FFFF;
	_ =	strace $0x9FFFFFFF  }
0xc2: {  	(tm) =	ssettm $0x7FFFFFFF  }
0xc3: {  	_ =	shalt  }
tec
execute0_lowered:
.L_overlay_start_1:
0x0: {  	(tag) =	ssettag $0x1  }
0x1: {  	s5 =	rddreg [dreg:$0x0]  }
0x2: {  	s1 =	rddreg [dreg:$0x1]  }
0x3: {  	s0 =	rddreg [dreg:$0x2];
	s3 =	simm.s32 $0x0;
	s4 =	srdreg.scid  }
0x4: {  	s2 =	stileid.u32;
	s10 =	simm.s32 $0x2000;
	s11 =	simm.s32 $0x8400  }
0x5: {  	v0 =	vimm.s32 $0x5;
	v1 =	vimm.s32 $0x0;
	v2 =	vlaneseq.u32;
	s12 =	simm.s32 $0xD800;
	s13 =	simm.s32 $0x1;
	s14 =	simm.s32 $0x2  }
0x6: {  	v4 =	vimm.s32 $0x1;
	v5 =	vimm.s32 $0x2;
	v6 =	vimm.s32 $0x3;
	s15 =	simm.s32 $0x0;
	[smem:$0x7FF] =	sst s3;
	s6 =	sand.u32 $0x1, s4  }
0x7: {  	v7 =	vimm.s32 $0x4;
	v8 =	vimm.s32 $0x6;
	v9 =	vimm.s32 $0x7;
	s8 =	sshll.u32 s2, $0x1;
	s4 =	sadd.s32 $0x321200, s5;
	s7 =	ssub.s32 $0x2, s6  }
0x8: {  	v10 =	vimm.s32 $0x8;
	v11 =	vimm.s32 $0x9;
	v12 =	vimm.s32 $0xA;
	s5 =	sadd.s32 $0x3E9200, s5;
	s8 =	sor.u32 s6, s8;
	s9 =	sshrl.u32 s7, $0x1  }
0x9: {  	v13 =	vimm.s32 $0xB;
	v14 =	vimm.s32 $0xC;
	v15 =	vimm.s32 $0xD;
	_ =	strace $0x80000047;
	s6 =	sshll.u32 s8, $0x5;
	s9 =	ssub.s32 s7, s9  }
0xa: {  	v16 =	vimm.s32 $0xE;
	v17 =	vimm.s32 $0xF;
	v3 =	vor.u32 $0x10, v2;
	s7 =	smul.u32 $0x640, s8;
	s8 =	smax.u32 s9, $0x1;
	s9 =	simm.s32 $0x3  }
.LBB2_1:
0xb: {  	[tilespmem:s3], [sflag:$0x3] =	stream.linear.gather [hbm4b:s1+s3], $0x2000, $0x38;
	[tilespmem:$0x14800] =	vst v63  }
0xc: {  	_ =	swait.ge [sflag:s9], $0x2000  }
0xd: {  	[sflag:s9] =	ssyncset.done $0x0  }
0xe: {  	s16 =	simm.s32 $0x0;
	[sflag:s9] =	ssyncadd.s32 $0xFFFFE000  }
.LBB2_2:
0xf: {  	s17 =	smul.u32 $0xC8, s16;
	_ =	sdelay $0x1  }
0x10: {  	s17 =	sadd.s32 s7, s17  }
0x11: {  	s17 =	sshll.u32 s17, $0x4  }
0x12: {  	s17 =	sadd.s32 s4, s17  }
0x13: {  	[tilespmem:s10], [sflag:$0x3] =	stream.linear.gather [hbm4b:s17+s3], $0x6400, $0x38;
	[tilespmem:$0x14800] =	vst v63  }
0x14: {  	_ =	swait.ge [sflag:s9], $0x6400  }
0x15: {  	p0 =	seq.s32 s16, $0x0;
	[sflag:s9] =	ssyncset.done $0x0  }
0x16: {  	s18 =	simm.s32 @!p0 $0x1;
	[sflag:s9] =	ssyncadd.s32 $0xFFFF9C00  }
0x17: {  	s31 =	sshll.u32 s16, $0x2;
	_ =	swait.ge @!p0 [sflag:s18], $0x5400  }
0x18: {  	s19 =	simm.s32 $0x202B;
	s20 =	simm.s32 $0x0;
	[sflag:s18] =	ssyncset.done @!p0 $0x0  }
0x19: {  	s17 =	sadd.s32 s6, s31;
	[sflag:s18] =	ssyncadd.s32 @!p0 $0xFFFFAC00;
	s18 =	simm.s32 $0x0  }
.LBB2_3:
0x1a: {  	v18 =	vld [tilespmem:s19+$0xFFFFFFD5];
	_ =	sdelay $0x4  }
0x1b: {  	v18 =	vtrunc.f32 v18  }
0x1c: {  	v18 =	vcvt.f32.s32 v18;
	_ =	sdelay $0x1  }
0x1d: {  	v18 =	vshll.u32 v18, $0x5  }
0x1e: {  	v19 =	vperm.xlane v18, v1;
	_ =	sdelay $0x1  }
0x1f: {  	v21 =	vperm.xlane v18, v4;
	v20 =	vadd.s32 v2, v19  }
0x20: {  	v19 =	vadd.s32 v3, v19  }
0x21: {  	v23 =	vperm.xlane v18, v5;
	v22 =	vadd.s32 v2, v21  }
0x22: {  	v21 =	vadd.s32 v3, v21  }
0x23: {  	v24 =	vld [tilespmem:s19+$0xFFFFFFDE];
	v26 =	vperm.xlane v18, v6;
	v25 =	vadd.s32 v2, v23  }
0x24: {  	v23 =	vadd.s32 v3, v23;
	v20 =	vld.idx.msk [tilespmem:v20+s3+$0x0], $0xffff  }
0x25: {  	v28 =	vperm.xlane v18, v7;
	v27 =	vadd.s32 v2, v26;
	v19 =	vld.idx.msk [tilespmem:v19+s3+$0x0], $0xffff  }
0x26: {  	v26 =	vadd.s32 v3, v26;
	v22 =	vld.idx.msk [tilespmem:v22+s3+$0x0], $0xffff  }
0x27: {  	v30 =	vperm.xlane v18, v0;
	v29 =	vadd.s32 v2, v28;
	v21 =	vld.idx.msk [tilespmem:v21+s3+$0x0], $0xffff  }
0x28: {  	v28 =	vadd.s32 v3, v28;
	v25 =	vld.idx.msk [tilespmem:v25+s3+$0x0], $0xffff  }
0x29: {  	v32 =	vperm.xlane v18, v8;
	v31 =	vadd.s32 v2, v30;
	v23 =	vld.idx.msk [tilespmem:v23+s3+$0x0], $0xffff  }
0x2a: {  	v30 =	vadd.s32 v3, v30;
	v27 =	vld.idx.msk [tilespmem:v27+s3+$0x0], $0xffff  }
0x2b: {  	v34 =	vperm.xlane v18, v9;
	v33 =	vadd.s32 v2, v32;
	v26 =	vld.idx.msk [tilespmem:v26+s3+$0x0], $0xffff  }
0x2c: {  	v32 =	vadd.s32 v3, v32;
	v29 =	vld.idx.msk [tilespmem:v29+s3+$0x0], $0xffff  }
0x2d: {  	v35 =	vadd.s32 v2, v34;
	v28 =	vld.idx.msk [tilespmem:v28+s3+$0x0], $0xffff  }
0x2e: {  	s21 =	sshrl.u32 s20, $0x3;
	v34 =	vadd.s32 v3, v34;
	v31 =	vld.idx.msk [tilespmem:v31+s3+$0x0], $0xffff  }
0x2f: {  	s21 =	smul.u32 $0x7000, s21;
	v30 =	vld.idx.msk [tilespmem:v30+s3+$0x0], $0xffff  }
0x30: {  	v33 =	vld.idx.msk [tilespmem:v33+s3+$0x0], $0xffff  }
0x31: {  	s22 =	sand.u32 $0x380, s18;
	s21 =	sshra.s32 s21, $0x2;
	v32 =	vld.idx.msk [tilespmem:v32+s3+$0x0], $0xffff  }
0x32: {  	s21 =	sor.u32 s22, s21;
	v35 =	vld.idx.msk [tilespmem:v35+s3+$0x0], $0xffff  }
0x33: {  	v34 =	vld.idx.msk [tilespmem:v34+s3+$0x0], $0xffff;
	[tilespmem:s21+$0x8400] =	vst v20  }
0x34: {  	[tilespmem:s21+$0x8410] =	vst v19  }
0x35: {  	[tilespmem:s21+$0x8420] =	vst v22  }
0x36: {  	[tilespmem:s21+$0x8430] =	vst v21  }
0x37: {  	[tilespmem:s21+$0x8440] =	vst v25  }
0x38: {  	[tilespmem:s21+$0x8450] =	vst v23  }
0x39: {  	[tilespmem:s21+$0x8460] =	vst v27  }
0x3a: {  	[tilespmem:s21+$0x8470] =	vst v26  }
0x3b: {  	[tilespmem:s21+$0x8800] =	vst v29  }
0x3c: {  	v36 =	vperm.xlane v18, v11;
	[tilespmem:s21+$0x8810] =	vst v28  }
0x3d: {  	v38 =	vperm.xlane v18, v12;
	[tilespmem:s21+$0x8820] =	vst v31  }
0x3e: {  	v40 =	vperm.xlane v18, v13;
	v37 =	vadd.s32 v2, v36;
	[tilespmem:s21+$0x8830] =	vst v30  }
0x3f: {  	v42 =	vperm.xlane v18, v14;
	v39 =	vadd.s32 v2, v38;
	[tilespmem:s21+$0x8840] =	vst v33  }
0x40: {  	v46 =	vperm.xlane v18, v16;
	v41 =	vadd.s32 v2, v40;
	[tilespmem:s21+$0x8850] =	vst v32  }
0x41: {  	v43 =	vadd.s32 v2, v42;
	[tilespmem:s21+$0x8860] =	vst v35  }
0x42: {  	v47 =	vadd.s32 v2, v46;
	[tilespmem:s21+$0x8870] =	vst v34  }
0x43: {  	v21 =	vadd.s32 v3, v36;
	v22 =	vld.idx.msk [tilespmem:v37+s3+$0x0], $0xffff  }
0x44: {  	v23 =	vadd.s32 v3, v38;
	v25 =	vld.idx.msk [tilespmem:v39+s3+$0x0], $0xffff  }
0x45: {  	v44 =	vperm.xlane v18, v15;
	v26 =	vadd.s32 v3, v40;
	v27 =	vld.idx.msk [tilespmem:v41+s3+$0x0], $0xffff  }
0x46: {  	v28 =	vadd.s32 v3, v42;
	v29 =	vld.idx.msk [tilespmem:v43+s3+$0x0], $0xffff  }
0x47: {  	v19 =	vperm.xlane v18, v10;
	v30 =	vadd.s32 v3, v44;
	v33 =	vld.idx.msk [tilespmem:v47+s3+$0x0], $0xffff  }
0x48: {  	v32 =	vadd.s32 v3, v46;
	v21 =	vld.idx.msk [tilespmem:v21+s3+$0x0], $0xffff  }
0x49: {  	v31 =	vadd.s32 v2, v19;
	v23 =	vld.idx.msk [tilespmem:v23+s3+$0x0], $0xffff  }
0x4a: {  	v18 =	vperm.xlane v18, v17;
	v19 =	vadd.s32 v3, v19;
	v26 =	vld.idx.msk [tilespmem:v26+s3+$0x0], $0xffff  }
0x4b: {  	v45 =	vadd.s32 v2, v44;
	v28 =	vld.idx.msk [tilespmem:v28+s3+$0x0], $0xffff  }
0x4c: {  	v48 =	vadd.s32 v2, v18;
	v30 =	vld.idx.msk [tilespmem:v30+s3+$0x0], $0xffff  }
0x4d: {  	v18 =	vadd.s32 v3, v18;
	v32 =	vld.idx.msk [tilespmem:v32+s3+$0x0], $0xffff  }
0x4e: {  	v20 =	vld.idx.msk [tilespmem:v31+s3+$0x0], $0xffff  }
0x4f: {  	v19 =	vld.idx.msk [tilespmem:v19+s3+$0x0], $0xffff  }
0x50: {  	v31 =	vld.idx.msk [tilespmem:v45+s3+$0x0], $0xffff  }
0x51: {  	v34 =	vld.idx.msk [tilespmem:v48+s3+$0x0], $0xffff  }
0x52: {  	v18 =	vld.idx.msk [tilespmem:v18+s3+$0x0], $0xffff;
	[tilespmem:s21+$0x8C20] =	vst v22  }
0x53: {  	[tilespmem:s21+$0x8C40] =	vst v25  }
0x54: {  	[tilespmem:s21+$0x8C60] =	vst v27  }
0x55: {  	[tilespmem:s21+$0x9000] =	vst v29  }
0x56: {  	[tilespmem:s21+$0x9040] =	vst v33  }
0x57: {  	[tilespmem:s21+$0x8C10] =	vst v19;
	v19 =	vtrunc.f32 v24  }
0x58: {  	[tilespmem:s21+$0x8C30] =	vst v21;
	v19 =	vcvt.f32.s32 v19  }
0x59: {  	[tilespmem:s21+$0x8C50] =	vst v23  }
0x5a: {  	[tilespmem:s21+$0x8C70] =	vst v26;
	v19 =	vshll.u32 v19, $0x5  }
0x5b: {  	[tilespmem:s21+$0x9010] =	vst v28;
	v49 =	vperm.xlane v19, v9  }
0x5c: {  	[tilespmem:s21+$0x9030] =	vst v30  }
0x5d: {  	[tilespmem:s21+$0x9050] =	vst v32;
	v51 =	vperm.xlane v19, v10;
	v50 =	vadd.s32 v2, v49  }
0x5e: {  	[tilespmem:s21+$0x8C00] =	vst v20;
	v20 =	vadd.s32 v3, v49  }
0x5f: {  	[tilespmem:s21+$0x9020] =	vst v31;
	v53 =	vperm.xlane v19, v11;
	v52 =	vadd.s32 v2, v51  }
0x60: {  	[tilespmem:s21+$0x9060] =	vst v34;
	v22 =	vadd.s32 v3, v51  }
0x61: {  	[tilespmem:s21+$0x9070] =	vst v18;
	v54 =	vperm.xlane v19, v12;
	v18 =	vadd.s32 v2, v53  }
0x62: {  	v24 =	vadd.s32 v3, v53;
	v21 =	vld.idx.msk [tilespmem:v50+s3+$0x0], $0xffff  }
0x63: {  	v56 =	vperm.xlane v19, v13;
	v55 =	vadd.s32 v2, v54;
	v20 =	vld.idx.msk [tilespmem:v20+s3+$0x0], $0xffff  }
0x64: {  	v25 =	vadd.s32 v3, v54;
	v23 =	vld.idx.msk [tilespmem:v52+s3+$0x0], $0xffff  }
0x65: {  	v58 =	vperm.xlane v19, v14;
	v57 =	vadd.s32 v2, v56;
	v22 =	vld.idx.msk [tilespmem:v22+s3+$0x0], $0xffff  }
0x66: {  	v27 =	vadd.s32 v3, v56;
	v18 =	vld.idx.msk [tilespmem:v18+s3+$0x0], $0xffff  }
0x67: {  	v60 =	vperm.xlane v19, v15;
	v59 =	vadd.s32 v2, v58;
	v24 =	vld.idx.msk [tilespmem:v24+s3+$0x0], $0xffff  }
0x68: {  	v29 =	vadd.s32 v3, v58;
	v26 =	vld.idx.msk [tilespmem:v55+s3+$0x0], $0xffff  }
0x69: {  	v62 =	vperm.xlane v19, v16;
	v61 =	vadd.s32 v2, v60;
	v25 =	vld.idx.msk [tilespmem:v25+s3+$0x0], $0xffff  }
0x6a: {  	v31 =	vadd.s32 v3, v60;
	v28 =	vld.idx.msk [tilespmem:v57+s3+$0x0], $0xffff  }
0x6b: {  	v63 =	vadd.s32 v2, v62;
	v27 =	vld.idx.msk [tilespmem:v27+s3+$0x0], $0xffff  }
0x6c: {  	v33 =	vadd.s32 v3, v62;
	v30 =	vld.idx.msk [tilespmem:v59+s3+$0x0], $0xffff  }
0x6d: {  	v29 =	vld.idx.msk [tilespmem:v29+s3+$0x0], $0xffff  }
0x6e: {  	v32 =	vld.idx.msk [tilespmem:v61+s3+$0x0], $0xffff  }
0x6f: {  	v31 =	vld.idx.msk [tilespmem:v31+s3+$0x0], $0xffff  }
0x70: {  	v34 =	vld.idx.msk [tilespmem:v63+s3+$0x0], $0xffff  }
0x71: {  	v33 =	vld.idx.msk [tilespmem:v33+s3+$0x0], $0xffff;
	[tilespmem:s21+$0x9400] =	vst v21  }
0x72: {  	[tilespmem:s21+$0x9410] =	vst v20  }
0x73: {  	[tilespmem:s21+$0x9420] =	vst v23  }
0x74: {  	[tilespmem:s21+$0x9430] =	vst v22  }
0x75: {  	[tilespmem:s21+$0x9440] =	vst v18  }
0x76: {  	[tilespmem:s21+$0x9450] =	vst v24  }
0x77: {  	[tilespmem:s21+$0x9460] =	vst v26  }
0x78: {  	[tilespmem:s21+$0x9470] =	vst v25  }
0x79: {  	[tilespmem:s21+$0x9800] =	vst v28  }
0x7a: {  	[tilespmem:s21+$0x9810] =	vst v27;
	v18 =	vperm.xlane v19, v17  }
0x7b: {  	[tilespmem:s21+$0x9820] =	vst v30  }
0x7c: {  	[tilespmem:s21+$0x9830] =	vst v29;
	v19 =	vadd.s32 v2, v18  }
0x7d: {  	[tilespmem:s21+$0x9840] =	vst v32;
	v18 =	vadd.s32 v3, v18  }
0x7e: {  	[tilespmem:s21+$0x9850] =	vst v31  }
0x7f: {  	[tilespmem:s21+$0x9860] =	vst v34  }
0x80: {  	[tilespmem:s21+$0x9870] =	vst v33  }
0x81: {  	v19 =	vld.idx.msk [tilespmem:v19+s3+$0x0], $0xffff  }
0x82: {  	v18 =	vld.idx.msk [tilespmem:v18+s3+$0x0], $0xffff;
	_ =	sdelay $0x3  }
0x83: {  	[tilespmem:s21+$0x9C00] =	vst v19  }
0x84: {  	[tilespmem:s21+$0x9C10] =	vst v18  }
0x85: {  	v18 =	vld [tilespmem:s19+$0xFFFFFFEE];
	_ =	sdelay $0x4  }
0x86: {  	[tilespmem:s21+$0x9C20] =	vst v18  }
0x87: {  	v18 =	vld [tilespmem:s19+$0xFFFFFFFE];
	_ =	sdelay $0x4  }
0x88: {  	[tilespmem:s21+$0x9C30] =	vst v18  }
0x89: {  	p1 =	sne.s32 s20, $0x17;
	v18 =	vld [tilespmem:s19+$0x0]  }
.Ltmp0:
0x8a: {  	_ = 	snop;
	(pc) =	sbr.rel @p1 .LBB2_3-.Ltmp0, $2  }
0x8b: {  	_ =	sdelay $0x2  }
0x8c: {  	s18 =	sadd.s32 $0x80, s18;
	s20 =	sadd.s32 $0x1, s20;
	s19 =	sadd.s32 $0x80, s19;
	[tilespmem:s21+$0x9C32] =	vst v18  }
0x8d: {  	s17 =	smul.u32 $0xC400, s17;
	_ =	sdelay $0x1  }
0x8e: {  	s17 =	sshrl.u32 s17, $0x3  }
0x8f: {  	s18 =	simm.s32 @!p0 $0x2;
	s17 =	sadd.s32 s5, s17  }
0x90: {  	[hbm4b:s17+s3] =	stream.linear.scatter [tilespmem:s11], [sflag:$0x1], $0x5400, $0x38;
	[tilespmem:$0x14800] =	vst v63  }
0x91: {  	_ =	swait.ge @!p0 [sflag:s18], $0x7000  }
0x92: {  	s19 =	simm.s32 $0x2C2B;
	[sflag:s18] =	ssyncset.done @!p0 $0x0  }
0x93: {  	s20 =	simm.s32 $0x0;
	[sflag:s18] =	ssyncadd.s32 @!p0 $0xFFFF9000;
	s18 =	simm.s32 $0x0  }
.LBB2_5:
0x94: {  	v18 =	vld [tilespmem:s19+$0xFFFFFFD5];
	_ =	sdelay $0x4  }
0x95: {  	v18 =	vtrunc.f32 v18  }
0x96: {  	v18 =	vcvt.f32.s32 v18;
	_ =	sdelay $0x1  }
0x97: {  	v18 =	vshll.u32 v18, $0x5  }
0x98: {  	v19 =	vperm.xlane v18, v1;
	_ =	sdelay $0x1  }
0x99: {  	v21 =	vperm.xlane v18, v4;
	v20 =	vadd.s32 v2, v19  }
0x9a: {  	v19 =	vadd.s32 v3, v19  }
0x9b: {  	v23 =	vperm.xlane v18, v5;
	v22 =	vadd.s32 v2, v21  }
0x9c: {  	v21 =	vadd.s32 v3, v21  }
0x9d: {  	v24 =	vld [tilespmem:s19+$0xFFFFFFDE];
	v26 =	vperm.xlane v18, v6;
	v25 =	vadd.s32 v2, v23  }
0x9e: {  	v23 =	vadd.s32 v3, v23;
	v20 =	vld.idx.msk [tilespmem:v20+s3+$0x0], $0xffff  }
0x9f: {  	v28 =	vperm.xlane v18, v7;
	v27 =	vadd.s32 v2, v26;
	v19 =	vld.idx.msk [tilespmem:v19+s3+$0x0], $0xffff  }
0xa0: {  	v26 =	vadd.s32 v3, v26;
	v22 =	vld.idx.msk [tilespmem:v22+s3+$0x0], $0xffff  }
0xa1: {  	v30 =	vperm.xlane v18, v0;
	v29 =	vadd.s32 v2, v28;
	v21 =	vld.idx.msk [tilespmem:v21+s3+$0x0], $0xffff  }
0xa2: {  	v28 =	vadd.s32 v3, v28;
	v25 =	vld.idx.msk [tilespmem:v25+s3+$0x0], $0xffff  }
0xa3: {  	v32 =	vperm.xlane v18, v8;
	v31 =	vadd.s32 v2, v30;
	v23 =	vld.idx.msk [tilespmem:v23+s3+$0x0], $0xffff  }
0xa4: {  	v30 =	vadd.s32 v3, v30;
	v27 =	vld.idx.msk [tilespmem:v27+s3+$0x0], $0xffff  }
0xa5: {  	v34 =	vperm.xlane v18, v9;
	v33 =	vadd.s32 v2, v32;
	v26 =	vld.idx.msk [tilespmem:v26+s3+$0x0], $0xffff  }
0xa6: {  	v32 =	vadd.s32 v3, v32;
	v29 =	vld.idx.msk [tilespmem:v29+s3+$0x0], $0xffff  }
0xa7: {  	v35 =	vadd.s32 v2, v34;
	v28 =	vld.idx.msk [tilespmem:v28+s3+$0x0], $0xffff  }
0xa8: {  	s21 =	sshrl.u32 s20, $0x3;
	v34 =	vadd.s32 v3, v34;
	v31 =	vld.idx.msk [tilespmem:v31+s3+$0x0], $0xffff  }
0xa9: {  	s21 =	smul.u32 $0x7000, s21;
	v30 =	vld.idx.msk [tilespmem:v30+s3+$0x0], $0xffff  }
0xaa: {  	v33 =	vld.idx.msk [tilespmem:v33+s3+$0x0], $0xffff  }
0xab: {  	s22 =	sand.u32 $0x380, s18;
	s21 =	sshra.s32 s21, $0x2;
	v32 =	vld.idx.msk [tilespmem:v32+s3+$0x0], $0xffff  }
0xac: {  	s21 =	sor.u32 s22, s21;
	v35 =	vld.idx.msk [tilespmem:v35+s3+$0x0], $0xffff  }
0xad: {  	v34 =	vld.idx.msk [tilespmem:v34+s3+$0x0], $0xffff;
	[tilespmem:s21+$0xD800] =	vst v20  }
0xae: {  	[tilespmem:s21+$0xD810] =	vst v19  }
0xaf: {  	[tilespmem:s21+$0xD820] =	vst v22  }
0xb0: {  	[tilespmem:s21+$0xD830] =	vst v21  }
0xb1: {  	[tilespmem:s21+$0xD840] =	vst v25  }
0xb2: {  	[tilespmem:s21+$0xD850] =	vst v23  }
0xb3: {  	[tilespmem:s21+$0xD860] =	vst v27  }
0xb4: {  	[tilespmem:s21+$0xD870] =	vst v26  }
0xb5: {  	[tilespmem:s21+$0xDC00] =	vst v29  }
0xb6: {  	v36 =	vperm.xlane v18, v11;
	[tilespmem:s21+$0xDC10] =	vst v28  }
0xb7: {  	v38 =	vperm.xlane v18, v12;
	[tilespmem:s21+$0xDC20] =	vst v31  }
0xb8: {  	v40 =	vperm.xlane v18, v13;
	v37 =	vadd.s32 v2, v36;
	[tilespmem:s21+$0xDC30] =	vst v30  }
0xb9: {  	v42 =	vperm.xlane v18, v14;
	v39 =	vadd.s32 v2, v38;
	[tilespmem:s21+$0xDC40] =	vst v33  }
0xba: {  	v46 =	vperm.xlane v18, v16;
	v41 =	vadd.s32 v2, v40;
	[tilespmem:s21+$0xDC50] =	vst v32  }
0xbb: {  	v43 =	vadd.s32 v2, v42;
	[tilespmem:s21+$0xDC60] =	vst v35  }
0xbc: {  	v47 =	vadd.s32 v2, v46;
	[tilespmem:s21+$0xDC70] =	vst v34  }
0xbd: {  	v21 =	vadd.s32 v3, v36;
	v22 =	vld.idx.msk [tilespmem:v37+s3+$0x0], $0xffff  }
0xbe: {  	v23 =	vadd.s32 v3, v38;
	v25 =	vld.idx.msk [tilespmem:v39+s3+$0x0], $0xffff  }
0xbf: {  	v44 =	vperm.xlane v18, v15;
	v26 =	vadd.s32 v3, v40;
	v27 =	vld.idx.msk [tilespmem:v41+s3+$0x0], $0xffff  }
0xc0: {  	v28 =	vadd.s32 v3, v42;
	v29 =	vld.idx.msk [tilespmem:v43+s3+$0x0], $0xffff  }
0xc1: {  	v19 =	vperm.xlane v18, v10;
	v30 =	vadd.s32 v3, v44;
	v33 =	vld.idx.msk [tilespmem:v47+s3+$0x0], $0xffff  }
0xc2: {  	v32 =	vadd.s32 v3, v46;
	v21 =	vld.idx.msk [tilespmem:v21+s3+$0x0], $0xffff  }
0xc3: {  	v31 =	vadd.s32 v2, v19;
	v23 =	vld.idx.msk [tilespmem:v23+s3+$0x0], $0xffff  }
0xc4: {  	v18 =	vperm.xlane v18, v17;
	v19 =	vadd.s32 v3, v19;
	v26 =	vld.idx.msk [tilespmem:v26+s3+$0x0], $0xffff  }
0xc5: {  	v45 =	vadd.s32 v2, v44;
	v28 =	vld.idx.msk [tilespmem:v28+s3+$0x0], $0xffff  }
0xc6: {  	v48 =	vadd.s32 v2, v18;
	v30 =	vld.idx.msk [tilespmem:v30+s3+$0x0], $0xffff  }
0xc7: {  	v18 =	vadd.s32 v3, v18;
	v32 =	vld.idx.msk [tilespmem:v32+s3+$0x0], $0xffff  }
0xc8: {  	v20 =	vld.idx.msk [tilespmem:v31+s3+$0x0], $0xffff  }
0xc9: {  	v19 =	vld.idx.msk [tilespmem:v19+s3+$0x0], $0xffff  }
0xca: {  	v31 =	vld.idx.msk [tilespmem:v45+s3+$0x0], $0xffff  }
0xcb: {  	v34 =	vld.idx.msk [tilespmem:v48+s3+$0x0], $0xffff  }
0xcc: {  	v18 =	vld.idx.msk [tilespmem:v18+s3+$0x0], $0xffff;
	[tilespmem:s21+$0xE020] =	vst v22  }
0xcd: {  	[tilespmem:s21+$0xE040] =	vst v25  }
0xce: {  	[tilespmem:s21+$0xE060] =	vst v27  }
0xcf: {  	[tilespmem:s21+$0xE400] =	vst v29  }
0xd0: {  	[tilespmem:s21+$0xE440] =	vst v33  }
0xd1: {  	[tilespmem:s21+$0xE010] =	vst v19;
	v19 =	vtrunc.f32 v24  }
0xd2: {  	[tilespmem:s21+$0xE030] =	vst v21;
	v19 =	vcvt.f32.s32 v19  }
0xd3: {  	[tilespmem:s21+$0xE050] =	vst v23  }
0xd4: {  	[tilespmem:s21+$0xE070] =	vst v26;
	v19 =	vshll.u32 v19, $0x5  }
0xd5: {  	[tilespmem:s21+$0xE410] =	vst v28;
	v49 =	vperm.xlane v19, v9  }
0xd6: {  	[tilespmem:s21+$0xE430] =	vst v30  }
0xd7: {  	[tilespmem:s21+$0xE450] =	vst v32;
	v51 =	vperm.xlane v19, v10;
	v50 =	vadd.s32 v2, v49  }
0xd8: {  	[tilespmem:s21+$0xE000] =	vst v20;
	v20 =	vadd.s32 v3, v49  }
0xd9: {  	[tilespmem:s21+$0xE420] =	vst v31;
	v53 =	vperm.xlane v19, v11;
	v52 =	vadd.s32 v2, v51  }
0xda: {  	[tilespmem:s21+$0xE460] =	vst v34;
	v22 =	vadd.s32 v3, v51  }
0xdb: {  	[tilespmem:s21+$0xE470] =	vst v18;
	v54 =	vperm.xlane v19, v12;
	v18 =	vadd.s32 v2, v53  }
0xdc: {  	v24 =	vadd.s32 v3, v53;
	v21 =	vld.idx.msk [tilespmem:v50+s3+$0x0], $0xffff  }
0xdd: {  	v56 =	vperm.xlane v19, v13;
	v55 =	vadd.s32 v2, v54;
	v20 =	vld.idx.msk [tilespmem:v20+s3+$0x0], $0xffff  }
0xde: {  	v25 =	vadd.s32 v3, v54;
	v23 =	vld.idx.msk [tilespmem:v52+s3+$0x0], $0xffff  }
0xdf: {  	v58 =	vperm.xlane v19, v14;
	v57 =	vadd.s32 v2, v56;
	v22 =	vld.idx.msk [tilespmem:v22+s3+$0x0], $0xffff  }
0xe0: {  	v27 =	vadd.s32 v3, v56;
	v18 =	vld.idx.msk [tilespmem:v18+s3+$0x0], $0xffff  }
0xe1: {  	v60 =	vperm.xlane v19, v15;
	v59 =	vadd.s32 v2, v58;
	v24 =	vld.idx.msk [tilespmem:v24+s3+$0x0], $0xffff  }
0xe2: {  	v29 =	vadd.s32 v3, v58;
	v26 =	vld.idx.msk [tilespmem:v55+s3+$0x0], $0xffff  }
0xe3: {  	v62 =	vperm.xlane v19, v16;
	v61 =	vadd.s32 v2, v60;
	v25 =	vld.idx.msk [tilespmem:v25+s3+$0x0], $0xffff  }
0xe4: {  	v31 =	vadd.s32 v3, v60;
	v28 =	vld.idx.msk [tilespmem:v57+s3+$0x0], $0xffff  }
0xe5: {  	v63 =	vadd.s32 v2, v62;
	v27 =	vld.idx.msk [tilespmem:v27+s3+$0x0], $0xffff  }
0xe6: {  	v33 =	vadd.s32 v3, v62;
	v30 =	vld.idx.msk [tilespmem:v59+s3+$0x0], $0xffff  }
0xe7: {  	v29 =	vld.idx.msk [tilespmem:v29+s3+$0x0], $0xffff  }
0xe8: {  	v32 =	vld.idx.msk [tilespmem:v61+s3+$0x0], $0xffff  }
0xe9: {  	v31 =	vld.idx.msk [tilespmem:v31+s3+$0x0], $0xffff  }
0xea: {  	v34 =	vld.idx.msk [tilespmem:v63+s3+$0x0], $0xffff  }
0xeb: {  	v33 =	vld.idx.msk [tilespmem:v33+s3+$0x0], $0xffff;
	[tilespmem:s21+$0xE800] =	vst v21  }
0xec: {  	[tilespmem:s21+$0xE810] =	vst v20  }
0xed: {  	[tilespmem:s21+$0xE820] =	vst v23  }
0xee: {  	[tilespmem:s21+$0xE830] =	vst v22  }
0xef: {  	[tilespmem:s21+$0xE840] =	vst v18  }
0xf0: {  	[tilespmem:s21+$0xE850] =	vst v24  }
0xf1: {  	[tilespmem:s21+$0xE860] =	vst v26  }
0xf2: {  	[tilespmem:s21+$0xE870] =	vst v25  }
0xf3: {  	[tilespmem:s21+$0xEC00] =	vst v28  }
0xf4: {  	[tilespmem:s21+$0xEC10] =	vst v27;
	v18 =	vperm.xlane v19, v17  }
0xf5: {  	[tilespmem:s21+$0xEC20] =	vst v30  }
0xf6: {  	[tilespmem:s21+$0xEC30] =	vst v29;
	v19 =	vadd.s32 v2, v18  }
0xf7: {  	[tilespmem:s21+$0xEC40] =	vst v32;
	v18 =	vadd.s32 v3, v18  }
0xf8: {  	[tilespmem:s21+$0xEC50] =	vst v31  }
0xf9: {  	[tilespmem:s21+$0xEC60] =	vst v34  }
0xfa: {  	[tilespmem:s21+$0xEC70] =	vst v33  }
0xfb: {  	v19 =	vld.idx.msk [tilespmem:v19+s3+$0x0], $0xffff  }
0xfc: {  	v18 =	vld.idx.msk [tilespmem:v18+s3+$0x0], $0xffff;
	_ =	sdelay $0x3  }
0xfd: {  	[tilespmem:s21+$0xF000] =	vst v19  }
0xfe: {  	[tilespmem:s21+$0xF010] =	vst v18  }
0xff: {  	v18 =	vld [tilespmem:s19+$0xFFFFFFEE];
	_ =	sdelay $0x4  }
0x100: {  	[tilespmem:s21+$0xF020] =	vst v18  }
0x101: {  	v18 =	vld [tilespmem:s19+$0xFFFFFFFE];
	_ =	sdelay $0x4  }
0x102: {  	[tilespmem:s21+$0xF030] =	vst v18  }
0x103: {  	p0 =	sne.s32 s20, $0x19;
	v18 =	vld [tilespmem:s19+$0x0]  }
.Ltmp1:
0x104: {  	_ = 	snop;
	(pc) =	sbr.rel @p0 .LBB2_5-.Ltmp1, $2  }
0x105: {  	_ =	sdelay $0x2  }
0x106: {  	s18 =	sadd.s32 $0x80, s18;
	s20 =	sadd.s32 $0x1, s20;
	s19 =	sadd.s32 $0x80, s19;
	[tilespmem:s21+$0xF032] =	vst v18  }
0x107: {  	s19 =	sadd.s32 $0xA80, s17;
	s18 =	simm.s32 $0x0  }
0x108: {  	[hbm4b:s19+s18] =	stream.linear.scatter [tilespmem:s12], [sflag:$0x2], $0x7000, $0x38;
	[tilespmem:$0x14800] =	vst v63  }
0x109: {  	_ =	swait.ge [sflag:s13], $0x5400  }
0x10a: {  	s20 =	simm.s32 $0x392B;
	[sflag:s13] =	ssyncset.done $0x0  }
0x10b: {  	s21 =	simm.s32 $0x0;
	s19 =	sadd.s32 $0x1880, s17;
	[sflag:s13] =	ssyncadd.s32 $0xFFFFAC00  }
.LBB2_7:
0x10c: {  	v18 =	vld [tilespmem:s20+$0xFFFFFFD5];
	_ =	sdelay $0x4  }
0x10d: {  	v18 =	vtrunc.f32 v18  }
0x10e: {  	v18 =	vcvt.f32.s32 v18;
	_ =	sdelay $0x1  }
0x10f: {  	v18 =	vshll.u32 v18, $0x5  }
0x110: {  	v19 =	vperm.xlane v18, v1;
	_ =	sdelay $0x1  }
0x111: {  	v21 =	vperm.xlane v18, v4;
	v20 =	vadd.s32 v2, v19  }
0x112: {  	v19 =	vadd.s32 v3, v19  }
0x113: {  	v23 =	vperm.xlane v18, v5;
	v22 =	vadd.s32 v2, v21  }
0x114: {  	v21 =	vadd.s32 v3, v21  }
0x115: {  	v24 =	vld [tilespmem:s20+$0xFFFFFFDE];
	v26 =	vperm.xlane v18, v6;
	v25 =	vadd.s32 v2, v23  }
0x116: {  	v23 =	vadd.s32 v3, v23;
	v20 =	vld.idx.msk [tilespmem:v20+s3+$0x0], $0xffff  }
0x117: {  	v28 =	vperm.xlane v18, v7;
	v27 =	vadd.s32 v2, v26;
	v19 =	vld.idx.msk [tilespmem:v19+s3+$0x0], $0xffff  }
0x118: {  	v26 =	vadd.s32 v3, v26;
	v22 =	vld.idx.msk [tilespmem:v22+s3+$0x0], $0xffff  }
0x119: {  	v30 =	vperm.xlane v18, v0;
	v29 =	vadd.s32 v2, v28;
	v21 =	vld.idx.msk [tilespmem:v21+s3+$0x0], $0xffff  }
0x11a: {  	v28 =	vadd.s32 v3, v28;
	v25 =	vld.idx.msk [tilespmem:v25+s3+$0x0], $0xffff  }
0x11b: {  	v32 =	vperm.xlane v18, v8;
	v31 =	vadd.s32 v2, v30;
	v23 =	vld.idx.msk [tilespmem:v23+s3+$0x0], $0xffff  }
0x11c: {  	v30 =	vadd.s32 v3, v30;
	v27 =	vld.idx.msk [tilespmem:v27+s3+$0x0], $0xffff  }
0x11d: {  	v34 =	vperm.xlane v18, v9;
	v33 =	vadd.s32 v2, v32;
	v26 =	vld.idx.msk [tilespmem:v26+s3+$0x0], $0xffff  }
0x11e: {  	v32 =	vadd.s32 v3, v32;
	v29 =	vld.idx.msk [tilespmem:v29+s3+$0x0], $0xffff  }
0x11f: {  	v35 =	vadd.s32 v2, v34;
	v28 =	vld.idx.msk [tilespmem:v28+s3+$0x0], $0xffff  }
0x120: {  	s22 =	sshrl.u32 s21, $0x3;
	v34 =	vadd.s32 v3, v34;
	v31 =	vld.idx.msk [tilespmem:v31+s3+$0x0], $0xffff  }
0x121: {  	s22 =	smul.u32 $0x7000, s22;
	v30 =	vld.idx.msk [tilespmem:v30+s3+$0x0], $0xffff  }
0x122: {  	v33 =	vld.idx.msk [tilespmem:v33+s3+$0x0], $0xffff  }
0x123: {  	s23 =	sand.u32 $0x380, s18;
	s22 =	sshra.s32 s22, $0x2;
	v32 =	vld.idx.msk [tilespmem:v32+s3+$0x0], $0xffff  }
0x124: {  	s22 =	sor.u32 s23, s22;
	v35 =	vld.idx.msk [tilespmem:v35+s3+$0x0], $0xffff  }
0x125: {  	v34 =	vld.idx.msk [tilespmem:v34+s3+$0x0], $0xffff;
	[tilespmem:s22+$0x8400] =	vst v20  }
0x126: {  	[tilespmem:s22+$0x8410] =	vst v19  }
0x127: {  	[tilespmem:s22+$0x8420] =	vst v22  }
0x128: {  	[tilespmem:s22+$0x8430] =	vst v21  }
0x129: {  	[tilespmem:s22+$0x8440] =	vst v25  }
0x12a: {  	[tilespmem:s22+$0x8450] =	vst v23  }
0x12b: {  	[tilespmem:s22+$0x8460] =	vst v27  }
0x12c: {  	[tilespmem:s22+$0x8470] =	vst v26  }
0x12d: {  	[tilespmem:s22+$0x8800] =	vst v29  }
0x12e: {  	v36 =	vperm.xlane v18, v11;
	[tilespmem:s22+$0x8810] =	vst v28  }
0x12f: {  	v38 =	vperm.xlane v18, v12;
	[tilespmem:s22+$0x8820] =	vst v31  }
0x130: {  	v40 =	vperm.xlane v18, v13;
	v37 =	vadd.s32 v2, v36;
	[tilespmem:s22+$0x8830] =	vst v30  }
0x131: {  	v42 =	vperm.xlane v18, v14;
	v39 =	vadd.s32 v2, v38;
	[tilespmem:s22+$0x8840] =	vst v33  }
0x132: {  	v46 =	vperm.xlane v18, v16;
	v41 =	vadd.s32 v2, v40;
	[tilespmem:s22+$0x8850] =	vst v32  }
0x133: {  	v43 =	vadd.s32 v2, v42;
	[tilespmem:s22+$0x8860] =	vst v35  }
0x134: {  	v47 =	vadd.s32 v2, v46;
	[tilespmem:s22+$0x8870] =	vst v34  }
0x135: {  	v21 =	vadd.s32 v3, v36;
	v22 =	vld.idx.msk [tilespmem:v37+s3+$0x0], $0xffff  }
0x136: {  	v23 =	vadd.s32 v3, v38;
	v25 =	vld.idx.msk [tilespmem:v39+s3+$0x0], $0xffff  }
0x137: {  	v44 =	vperm.xlane v18, v15;
	v26 =	vadd.s32 v3, v40;
	v27 =	vld.idx.msk [tilespmem:v41+s3+$0x0], $0xffff  }
0x138: {  	v28 =	vadd.s32 v3, v42;
	v29 =	vld.idx.msk [tilespmem:v43+s3+$0x0], $0xffff  }
0x139: {  	v19 =	vperm.xlane v18, v10;
	v30 =	vadd.s32 v3, v44;
	v33 =	vld.idx.msk [tilespmem:v47+s3+$0x0], $0xffff  }
0x13a: {  	v32 =	vadd.s32 v3, v46;
	v21 =	vld.idx.msk [tilespmem:v21+s3+$0x0], $0xffff  }
0x13b: {  	v31 =	vadd.s32 v2, v19;
	v23 =	vld.idx.msk [tilespmem:v23+s3+$0x0], $0xffff  }
0x13c: {  	v18 =	vperm.xlane v18, v17;
	v19 =	vadd.s32 v3, v19;
	v26 =	vld.idx.msk [tilespmem:v26+s3+$0x0], $0xffff  }
0x13d: {  	v45 =	vadd.s32 v2, v44;
	v28 =	vld.idx.msk [tilespmem:v28+s3+$0x0], $0xffff  }
0x13e: {  	v48 =	vadd.s32 v2, v18;
	v30 =	vld.idx.msk [tilespmem:v30+s3+$0x0], $0xffff  }
0x13f: {  	v18 =	vadd.s32 v3, v18;
	v32 =	vld.idx.msk [tilespmem:v32+s3+$0x0], $0xffff  }
0x140: {  	v20 =	vld.idx.msk [tilespmem:v31+s3+$0x0], $0xffff  }
0x141: {  	v19 =	vld.idx.msk [tilespmem:v19+s3+$0x0], $0xffff  }
0x142: {  	v31 =	vld.idx.msk [tilespmem:v45+s3+$0x0], $0xffff  }
0x143: {  	v34 =	vld.idx.msk [tilespmem:v48+s3+$0x0], $0xffff  }
0x144: {  	v18 =	vld.idx.msk [tilespmem:v18+s3+$0x0], $0xffff;
	[tilespmem:s22+$0x8C20] =	vst v22  }
0x145: {  	[tilespmem:s22+$0x8C40] =	vst v25  }
0x146: {  	[tilespmem:s22+$0x8C60] =	vst v27  }
0x147: {  	[tilespmem:s22+$0x9000] =	vst v29  }
0x148: {  	[tilespmem:s22+$0x9040] =	vst v33  }
0x149: {  	[tilespmem:s22+$0x8C10] =	vst v19;
	v19 =	vtrunc.f32 v24  }
0x14a: {  	[tilespmem:s22+$0x8C30] =	vst v21;
	v19 =	vcvt.f32.s32 v19  }
0x14b: {  	[tilespmem:s22+$0x8C50] =	vst v23  }
0x14c: {  	[tilespmem:s22+$0x8C70] =	vst v26;
	v19 =	vshll.u32 v19, $0x5  }
0x14d: {  	[tilespmem:s22+$0x9010] =	vst v28;
	v49 =	vperm.xlane v19, v9  }
0x14e: {  	[tilespmem:s22+$0x9030] =	vst v30  }
0x14f: {  	[tilespmem:s22+$0x9050] =	vst v32;
	v51 =	vperm.xlane v19, v10;
	v50 =	vadd.s32 v2, v49  }
0x150: {  	[tilespmem:s22+$0x8C00] =	vst v20;
	v20 =	vadd.s32 v3, v49  }
0x151: {  	[tilespmem:s22+$0x9020] =	vst v31;
	v53 =	vperm.xlane v19, v11;
	v52 =	vadd.s32 v2, v51  }
0x152: {  	[tilespmem:s22+$0x9060] =	vst v34;
	v22 =	vadd.s32 v3, v51  }
0x153: {  	[tilespmem:s22+$0x9070] =	vst v18;
	v54 =	vperm.xlane v19, v12;
	v18 =	vadd.s32 v2, v53  }
0x154: {  	v24 =	vadd.s32 v3, v53;
	v21 =	vld.idx.msk [tilespmem:v50+s3+$0x0], $0xffff  }
0x155: {  	v56 =	vperm.xlane v19, v13;
	v55 =	vadd.s32 v2, v54;
	v20 =	vld.idx.msk [tilespmem:v20+s3+$0x0], $0xffff  }
0x156: {  	v25 =	vadd.s32 v3, v54;
	v23 =	vld.idx.msk [tilespmem:v52+s3+$0x0], $0xffff  }
0x157: {  	v58 =	vperm.xlane v19, v14;
	v57 =	vadd.s32 v2, v56;
	v22 =	vld.idx.msk [tilespmem:v22+s3+$0x0], $0xffff  }
0x158: {  	v27 =	vadd.s32 v3, v56;
	v18 =	vld.idx.msk [tilespmem:v18+s3+$0x0], $0xffff  }
0x159: {  	v60 =	vperm.xlane v19, v15;
	v59 =	vadd.s32 v2, v58;
	v24 =	vld.idx.msk [tilespmem:v24+s3+$0x0], $0xffff  }
0x15a: {  	v29 =	vadd.s32 v3, v58;
	v26 =	vld.idx.msk [tilespmem:v55+s3+$0x0], $0xffff  }
0x15b: {  	v62 =	vperm.xlane v19, v16;
	v61 =	vadd.s32 v2, v60;
	v25 =	vld.idx.msk [tilespmem:v25+s3+$0x0], $0xffff  }
0x15c: {  	v31 =	vadd.s32 v3, v60;
	v28 =	vld.idx.msk [tilespmem:v57+s3+$0x0], $0xffff  }
0x15d: {  	v63 =	vadd.s32 v2, v62;
	v27 =	vld.idx.msk [tilespmem:v27+s3+$0x0], $0xffff  }
0x15e: {  	v33 =	vadd.s32 v3, v62;
	v30 =	vld.idx.msk [tilespmem:v59+s3+$0x0], $0xffff  }
0x15f: {  	v29 =	vld.idx.msk [tilespmem:v29+s3+$0x0], $0xffff  }
0x160: {  	v32 =	vld.idx.msk [tilespmem:v61+s3+$0x0], $0xffff  }
0x161: {  	v31 =	vld.idx.msk [tilespmem:v31+s3+$0x0], $0xffff  }
0x162: {  	v34 =	vld.idx.msk [tilespmem:v63+s3+$0x0], $0xffff  }
0x163: {  	v33 =	vld.idx.msk [tilespmem:v33+s3+$0x0], $0xffff;
	[tilespmem:s22+$0x9400] =	vst v21  }
0x164: {  	[tilespmem:s22+$0x9410] =	vst v20  }
0x165: {  	[tilespmem:s22+$0x9420] =	vst v23  }
0x166: {  	[tilespmem:s22+$0x9430] =	vst v22  }
0x167: {  	[tilespmem:s22+$0x9440] =	vst v18  }
0x168: {  	[tilespmem:s22+$0x9450] =	vst v24  }
0x169: {  	[tilespmem:s22+$0x9460] =	vst v26  }
0x16a: {  	[tilespmem:s22+$0x9470] =	vst v25  }
0x16b: {  	[tilespmem:s22+$0x9800] =	vst v28  }
0x16c: {  	[tilespmem:s22+$0x9810] =	vst v27;
	v18 =	vperm.xlane v19, v17  }
0x16d: {  	[tilespmem:s22+$0x9820] =	vst v30  }
0x16e: {  	[tilespmem:s22+$0x9830] =	vst v29;
	v19 =	vadd.s32 v2, v18  }
0x16f: {  	[tilespmem:s22+$0x9840] =	vst v32;
	v18 =	vadd.s32 v3, v18  }
0x170: {  	[tilespmem:s22+$0x9850] =	vst v31  }
0x171: {  	[tilespmem:s22+$0x9860] =	vst v34  }
0x172: {  	[tilespmem:s22+$0x9870] =	vst v33  }
0x173: {  	v19 =	vld.idx.msk [tilespmem:v19+s3+$0x0], $0xffff  }
0x174: {  	v18 =	vld.idx.msk [tilespmem:v18+s3+$0x0], $0xffff;
	_ =	sdelay $0x3  }
0x175: {  	[tilespmem:s22+$0x9C00] =	vst v19  }
0x176: {  	[tilespmem:s22+$0x9C10] =	vst v18  }
0x177: {  	v18 =	vld [tilespmem:s20+$0xFFFFFFEE];
	_ =	sdelay $0x4  }
0x178: {  	[tilespmem:s22+$0x9C20] =	vst v18  }
0x179: {  	v18 =	vld [tilespmem:s20+$0xFFFFFFFE];
	_ =	sdelay $0x4  }
0x17a: {  	[tilespmem:s22+$0x9C30] =	vst v18  }
0x17b: {  	p0 =	sne.s32 s21, $0x17;
	v18 =	vld [tilespmem:s20+$0x0]  }
.Ltmp2:
0x17c: {  	_ = 	snop;
	(pc) =	sbr.rel @p0 .LBB2_7-.Ltmp2, $2  }
0x17d: {  	_ =	sdelay $0x2  }
0x17e: {  	s18 =	sadd.s32 $0x80, s18;
	s21 =	sadd.s32 $0x1, s21;
	s20 =	sadd.s32 $0x80, s20;
	[tilespmem:s22+$0x9C32] =	vst v18  }
0x17f: {  	s18 =	simm.s32 $0x0  }
0x180: {  	[hbm4b:s19+s18] =	stream.linear.scatter [tilespmem:s11], [sflag:$0x1], $0x5400, $0x38;
	[tilespmem:$0x14800] =	vst v63  }
0x181: {  	_ =	swait.ge [sflag:s14], $0x7000  }
0x182: {  	s20 =	simm.s32 $0x452B;
	[sflag:s14] =	ssyncset.done $0x0  }
0x183: {  	s21 =	simm.s32 $0x0;
	s19 =	sadd.s32 $0x2300, s17;
	[sflag:s14] =	ssyncadd.s32 $0xFFFF9000  }
.LBB2_9:
0x184: {  	v18 =	vld [tilespmem:s20+$0xFFFFFFD5];
	_ =	sdelay $0x4  }
0x185: {  	v18 =	vtrunc.f32 v18  }
0x186: {  	v18 =	vcvt.f32.s32 v18;
	_ =	sdelay $0x1  }
0x187: {  	v18 =	vshll.u32 v18, $0x5  }
0x188: {  	v19 =	vperm.xlane v18, v1;
	_ =	sdelay $0x1  }
0x189: {  	v21 =	vperm.xlane v18, v4;
	v20 =	vadd.s32 v2, v19  }
0x18a: {  	v19 =	vadd.s32 v3, v19  }
0x18b: {  	v23 =	vperm.xlane v18, v5;
	v22 =	vadd.s32 v2, v21  }
0x18c: {  	v21 =	vadd.s32 v3, v21  }
0x18d: {  	v24 =	vld [tilespmem:s20+$0xFFFFFFDE];
	v26 =	vperm.xlane v18, v6;
	v25 =	vadd.s32 v2, v23  }
0x18e: {  	v23 =	vadd.s32 v3, v23;
	v20 =	vld.idx.msk [tilespmem:v20+s3+$0x0], $0xffff  }
0x18f: {  	v28 =	vperm.xlane v18, v7;
	v27 =	vadd.s32 v2, v26;
	v19 =	vld.idx.msk [tilespmem:v19+s3+$0x0], $0xffff  }
0x190: {  	v26 =	vadd.s32 v3, v26;
	v22 =	vld.idx.msk [tilespmem:v22+s3+$0x0], $0xffff  }
0x191: {  	v30 =	vperm.xlane v18, v0;
	v29 =	vadd.s32 v2, v28;
	v21 =	vld.idx.msk [tilespmem:v21+s3+$0x0], $0xffff  }
0x192: {  	v28 =	vadd.s32 v3, v28;
	v25 =	vld.idx.msk [tilespmem:v25+s3+$0x0], $0xffff  }
0x193: {  	v32 =	vperm.xlane v18, v8;
	v31 =	vadd.s32 v2, v30;
	v23 =	vld.idx.msk [tilespmem:v23+s3+$0x0], $0xffff  }
0x194: {  	v30 =	vadd.s32 v3, v30;
	v27 =	vld.idx.msk [tilespmem:v27+s3+$0x0], $0xffff  }
0x195: {  	v34 =	vperm.xlane v18, v9;
	v33 =	vadd.s32 v2, v32;
	v26 =	vld.idx.msk [tilespmem:v26+s3+$0x0], $0xffff  }
0x196: {  	v32 =	vadd.s32 v3, v32;
	v29 =	vld.idx.msk [tilespmem:v29+s3+$0x0], $0xffff  }
0x197: {  	v35 =	vadd.s32 v2, v34;
	v28 =	vld.idx.msk [tilespmem:v28+s3+$0x0], $0xffff  }
0x198: {  	s22 =	sshrl.u32 s21, $0x3;
	v34 =	vadd.s32 v3, v34;
	v31 =	vld.idx.msk [tilespmem:v31+s3+$0x0], $0xffff  }
0x199: {  	s22 =	smul.u32 $0x7000, s22;
	v30 =	vld.idx.msk [tilespmem:v30+s3+$0x0], $0xffff  }
0x19a: {  	v33 =	vld.idx.msk [tilespmem:v33+s3+$0x0], $0xffff  }
0x19b: {  	s23 =	sand.u32 $0x380, s18;
	s22 =	sshra.s32 s22, $0x2;
	v32 =	vld.idx.msk [tilespmem:v32+s3+$0x0], $0xffff  }
0x19c: {  	s22 =	sor.u32 s23, s22;
	v35 =	vld.idx.msk [tilespmem:v35+s3+$0x0], $0xffff  }
0x19d: {  	v34 =	vld.idx.msk [tilespmem:v34+s3+$0x0], $0xffff;
	[tilespmem:s22+$0xD800] =	vst v20  }
0x19e: {  	[tilespmem:s22+$0xD810] =	vst v19  }
0x19f: {  	[tilespmem:s22+$0xD820] =	vst v22  }
0x1a0: {  	[tilespmem:s22+$0xD830] =	vst v21  }
0x1a1: {  	[tilespmem:s22+$0xD840] =	vst v25  }
0x1a2: {  	[tilespmem:s22+$0xD850] =	vst v23  }
0x1a3: {  	[tilespmem:s22+$0xD860] =	vst v27  }
0x1a4: {  	[tilespmem:s22+$0xD870] =	vst v26  }
0x1a5: {  	[tilespmem:s22+$0xDC00] =	vst v29  }
0x1a6: {  	v36 =	vperm.xlane v18, v11;
	[tilespmem:s22+$0xDC10] =	vst v28  }
0x1a7: {  	v38 =	vperm.xlane v18, v12;
	[tilespmem:s22+$0xDC20] =	vst v31  }
0x1a8: {  	v40 =	vperm.xlane v18, v13;
	v37 =	vadd.s32 v2, v36;
	[tilespmem:s22+$0xDC30] =	vst v30  }
0x1a9: {  	v42 =	vperm.xlane v18, v14;
	v39 =	vadd.s32 v2, v38;
	[tilespmem:s22+$0xDC40] =	vst v33  }
0x1aa: {  	v46 =	vperm.xlane v18, v16;
	v41 =	vadd.s32 v2, v40;
	[tilespmem:s22+$0xDC50] =	vst v32  }
0x1ab: {  	v43 =	vadd.s32 v2, v42;
	[tilespmem:s22+$0xDC60] =	vst v35  }
0x1ac: {  	v47 =	vadd.s32 v2, v46;
	[tilespmem:s22+$0xDC70] =	vst v34  }
0x1ad: {  	v21 =	vadd.s32 v3, v36;
	v22 =	vld.idx.msk [tilespmem:v37+s3+$0x0], $0xffff  }
0x1ae: {  	v23 =	vadd.s32 v3, v38;
	v25 =	vld.idx.msk [tilespmem:v39+s3+$0x0], $0xffff  }
0x1af: {  	v44 =	vperm.xlane v18, v15;
	v26 =	vadd.s32 v3, v40;
	v27 =	vld.idx.msk [tilespmem:v41+s3+$0x0], $0xffff  }
0x1b0: {  	v28 =	vadd.s32 v3, v42;
	v29 =	vld.idx.msk [tilespmem:v43+s3+$0x0], $0xffff  }
0x1b1: {  	v19 =	vperm.xlane v18, v10;
	v30 =	vadd.s32 v3, v44;
	v33 =	vld.idx.msk [tilespmem:v47+s3+$0x0], $0xffff  }
0x1b2: {  	v32 =	vadd.s32 v3, v46;
	v21 =	vld.idx.msk [tilespmem:v21+s3+$0x0], $0xffff  }
0x1b3: {  	v31 =	vadd.s32 v2, v19;
	v23 =	vld.idx.msk [tilespmem:v23+s3+$0x0], $0xffff  }
0x1b4: {  	v18 =	vperm.xlane v18, v17;
	v19 =	vadd.s32 v3, v19;
	v26 =	vld.idx.msk [tilespmem:v26+s3+$0x0], $0xffff  }
0x1b5: {  	v45 =	vadd.s32 v2, v44;
	v28 =	vld.idx.msk [tilespmem:v28+s3+$0x0], $0xffff  }
0x1b6: {  	v48 =	vadd.s32 v2, v18;
	v30 =	vld.idx.msk [tilespmem:v30+s3+$0x0], $0xffff  }
0x1b7: {  	v18 =	vadd.s32 v3, v18;
	v32 =	vld.idx.msk [tilespmem:v32+s3+$0x0], $0xffff  }
0x1b8: {  	v20 =	vld.idx.msk [tilespmem:v31+s3+$0x0], $0xffff  }
0x1b9: {  	v19 =	vld.idx.msk [tilespmem:v19+s3+$0x0], $0xffff  }
0x1ba: {  	v31 =	vld.idx.msk [tilespmem:v45+s3+$0x0], $0xffff  }
0x1bb: {  	v34 =	vld.idx.msk [tilespmem:v48+s3+$0x0], $0xffff  }
0x1bc: {  	v18 =	vld.idx.msk [tilespmem:v18+s3+$0x0], $0xffff;
	[tilespmem:s22+$0xE020] =	vst v22  }
0x1bd: {  	[tilespmem:s22+$0xE040] =	vst v25  }
0x1be: {  	[tilespmem:s22+$0xE060] =	vst v27  }
0x1bf: {  	[tilespmem:s22+$0xE400] =	vst v29  }
0x1c0: {  	[tilespmem:s22+$0xE440] =	vst v33  }
0x1c1: {  	[tilespmem:s22+$0xE010] =	vst v19;
	v19 =	vtrunc.f32 v24  }
0x1c2: {  	[tilespmem:s22+$0xE030] =	vst v21;
	v19 =	vcvt.f32.s32 v19  }
0x1c3: {  	[tilespmem:s22+$0xE050] =	vst v23  }
0x1c4: {  	[tilespmem:s22+$0xE070] =	vst v26;
	v19 =	vshll.u32 v19, $0x5  }
0x1c5: {  	[tilespmem:s22+$0xE410] =	vst v28;
	v49 =	vperm.xlane v19, v9  }
0x1c6: {  	[tilespmem:s22+$0xE430] =	vst v30  }
0x1c7: {  	[tilespmem:s22+$0xE450] =	vst v32;
	v51 =	vperm.xlane v19, v10;
	v50 =	vadd.s32 v2, v49  }
0x1c8: {  	[tilespmem:s22+$0xE000] =	vst v20;
	v20 =	vadd.s32 v3, v49  }
0x1c9: {  	[tilespmem:s22+$0xE420] =	vst v31;
	v53 =	vperm.xlane v19, v11;
	v52 =	vadd.s32 v2, v51  }
0x1ca: {  	[tilespmem:s22+$0xE460] =	vst v34;
	v22 =	vadd.s32 v3, v51  }
0x1cb: {  	[tilespmem:s22+$0xE470] =	vst v18;
	v54 =	vperm.xlane v19, v12;
	v18 =	vadd.s32 v2, v53  }
0x1cc: {  	v24 =	vadd.s32 v3, v53;
	v21 =	vld.idx.msk [tilespmem:v50+s3+$0x0], $0xffff  }
0x1cd: {  	v56 =	vperm.xlane v19, v13;
	v55 =	vadd.s32 v2, v54;
	v20 =	vld.idx.msk [tilespmem:v20+s3+$0x0], $0xffff  }
0x1ce: {  	v25 =	vadd.s32 v3, v54;
	v23 =	vld.idx.msk [tilespmem:v52+s3+$0x0], $0xffff  }
0x1cf: {  	v58 =	vperm.xlane v19, v14;
	v57 =	vadd.s32 v2, v56;
	v22 =	vld.idx.msk [tilespmem:v22+s3+$0x0], $0xffff  }
0x1d0: {  	v27 =	vadd.s32 v3, v56;
	v18 =	vld.idx.msk [tilespmem:v18+s3+$0x0], $0xffff  }
0x1d1: {  	v60 =	vperm.xlane v19, v15;
	v59 =	vadd.s32 v2, v58;
	v24 =	vld.idx.msk [tilespmem:v24+s3+$0x0], $0xffff  }
0x1d2: {  	v29 =	vadd.s32 v3, v58;
	v26 =	vld.idx.msk [tilespmem:v55+s3+$0x0], $0xffff  }
0x1d3: {  	v62 =	vperm.xlane v19, v16;
	v61 =	vadd.s32 v2, v60;
	v25 =	vld.idx.msk [tilespmem:v25+s3+$0x0], $0xffff  }
0x1d4: {  	v31 =	vadd.s32 v3, v60;
	v28 =	vld.idx.msk [tilespmem:v57+s3+$0x0], $0xffff  }
0x1d5: {  	v63 =	vadd.s32 v2, v62;
	v27 =	vld.idx.msk [tilespmem:v27+s3+$0x0], $0xffff  }
0x1d6: {  	v33 =	vadd.s32 v3, v62;
	v30 =	vld.idx.msk [tilespmem:v59+s3+$0x0], $0xffff  }
0x1d7: {  	v29 =	vld.idx.msk [tilespmem:v29+s3+$0x0], $0xffff  }
0x1d8: {  	v32 =	vld.idx.msk [tilespmem:v61+s3+$0x0], $0xffff  }
0x1d9: {  	v31 =	vld.idx.msk [tilespmem:v31+s3+$0x0], $0xffff  }
0x1da: {  	v34 =	vld.idx.msk [tilespmem:v63+s3+$0x0], $0xffff  }
0x1db: {  	v33 =	vld.idx.msk [tilespmem:v33+s3+$0x0], $0xffff;
	[tilespmem:s22+$0xE800] =	vst v21  }
0x1dc: {  	[tilespmem:s22+$0xE810] =	vst v20  }
0x1dd: {  	[tilespmem:s22+$0xE820] =	vst v23  }
0x1de: {  	[tilespmem:s22+$0xE830] =	vst v22  }
0x1df: {  	[tilespmem:s22+$0xE840] =	vst v18  }
0x1e0: {  	[tilespmem:s22+$0xE850] =	vst v24  }
0x1e1: {  	[tilespmem:s22+$0xE860] =	vst v26  }
0x1e2: {  	[tilespmem:s22+$0xE870] =	vst v25  }
0x1e3: {  	[tilespmem:s22+$0xEC00] =	vst v28  }
0x1e4: {  	[tilespmem:s22+$0xEC10] =	vst v27;
	v18 =	vperm.xlane v19, v17  }
0x1e5: {  	[tilespmem:s22+$0xEC20] =	vst v30  }
0x1e6: {  	[tilespmem:s22+$0xEC30] =	vst v29;
	v19 =	vadd.s32 v2, v18  }
0x1e7: {  	[tilespmem:s22+$0xEC40] =	vst v32;
	v18 =	vadd.s32 v3, v18  }
0x1e8: {  	[tilespmem:s22+$0xEC50] =	vst v31  }
0x1e9: {  	[tilespmem:s22+$0xEC60] =	vst v34  }
0x1ea: {  	[tilespmem:s22+$0xEC70] =	vst v33  }
0x1eb: {  	v19 =	vld.idx.msk [tilespmem:v19+s3+$0x0], $0xffff  }
0x1ec: {  	v18 =	vld.idx.msk [tilespmem:v18+s3+$0x0], $0xffff;
	_ =	sdelay $0x3  }
0x1ed: {  	[tilespmem:s22+$0xF000] =	vst v19  }
0x1ee: {  	[tilespmem:s22+$0xF010] =	vst v18  }
0x1ef: {  	v18 =	vld [tilespmem:s20+$0xFFFFFFEE];
	_ =	sdelay $0x4  }
0x1f0: {  	[tilespmem:s22+$0xF020] =	vst v18  }
0x1f1: {  	v18 =	vld [tilespmem:s20+$0xFFFFFFFE];
	_ =	sdelay $0x4  }
0x1f2: {  	[tilespmem:s22+$0xF030] =	vst v18  }
0x1f3: {  	p0 =	sne.s32 s21, $0x19;
	v18 =	vld [tilespmem:s20+$0x0]  }
.Ltmp3:
0x1f4: {  	_ = 	snop;
	(pc) =	sbr.rel @p0 .LBB2_9-.Ltmp3, $2  }
0x1f5: {  	_ =	sdelay $0x2  }
0x1f6: {  	s18 =	sadd.s32 $0x80, s18;
	s21 =	sadd.s32 $0x1, s21;
	s20 =	sadd.s32 $0x80, s20;
	[tilespmem:s22+$0xF032] =	vst v18  }
0x1f7: {  	s18 =	simm.s32 $0x0  }
0x1f8: {  	[hbm4b:s19+s18] =	stream.linear.scatter [tilespmem:s12], [sflag:$0x2], $0x7000, $0x38;
	[tilespmem:$0x14800] =	vst v63  }
0x1f9: {  	_ =	swait.ge [sflag:s13], $0x5400  }
0x1fa: {  	s20 =	simm.s32 $0x522B;
	[sflag:s13] =	ssyncset.done $0x0  }
0x1fb: {  	s21 =	simm.s32 $0x0;
	s19 =	sadd.s32 $0x3100, s17;
	[sflag:s13] =	ssyncadd.s32 $0xFFFFAC00  }
.LBB2_11:
0x1fc: {  	v18 =	vld [tilespmem:s20+$0xFFFFFFD5];
	_ =	sdelay $0x4  }
0x1fd: {  	v18 =	vtrunc.f32 v18  }
0x1fe: {  	v18 =	vcvt.f32.s32 v18;
	_ =	sdelay $0x1  }
0x1ff: {  	v18 =	vshll.u32 v18, $0x5  }
0x200: {  	v19 =	vperm.xlane v18, v1;
	_ =	sdelay $0x1  }
0x201: {  	v21 =	vperm.xlane v18, v4;
	v20 =	vadd.s32 v2, v19  }
0x202: {  	v19 =	vadd.s32 v3, v19  }
0x203: {  	v23 =	vperm.xlane v18, v5;
	v22 =	vadd.s32 v2, v21  }
0x204: {  	v21 =	vadd.s32 v3, v21  }
0x205: {  	v24 =	vld [tilespmem:s20+$0xFFFFFFDE];
	v26 =	vperm.xlane v18, v6;
	v25 =	vadd.s32 v2, v23  }
0x206: {  	v23 =	vadd.s32 v3, v23;
	v20 =	vld.idx.msk [tilespmem:v20+s3+$0x0], $0xffff  }
0x207: {  	v28 =	vperm.xlane v18, v7;
	v27 =	vadd.s32 v2, v26;
	v19 =	vld.idx.msk [tilespmem:v19+s3+$0x0], $0xffff  }
0x208: {  	v26 =	vadd.s32 v3, v26;
	v22 =	vld.idx.msk [tilespmem:v22+s3+$0x0], $0xffff  }
0x209: {  	v30 =	vperm.xlane v18, v0;
	v29 =	vadd.s32 v2, v28;
	v21 =	vld.idx.msk [tilespmem:v21+s3+$0x0], $0xffff  }
0x20a: {  	v28 =	vadd.s32 v3, v28;
	v25 =	vld.idx.msk [tilespmem:v25+s3+$0x0], $0xffff  }
0x20b: {  	v32 =	vperm.xlane v18, v8;
	v31 =	vadd.s32 v2, v30;
	v23 =	vld.idx.msk [tilespmem:v23+s3+$0x0], $0xffff  }
0x20c: {  	v30 =	vadd.s32 v3, v30;
	v27 =	vld.idx.msk [tilespmem:v27+s3+$0x0], $0xffff  }
0x20d: {  	v34 =	vperm.xlane v18, v9;
	v33 =	vadd.s32 v2, v32;
	v26 =	vld.idx.msk [tilespmem:v26+s3+$0x0], $0xffff  }
0x20e: {  	v32 =	vadd.s32 v3, v32;
	v29 =	vld.idx.msk [tilespmem:v29+s3+$0x0], $0xffff  }
0x20f: {  	v35 =	vadd.s32 v2, v34;
	v28 =	vld.idx.msk [tilespmem:v28+s3+$0x0], $0xffff  }
0x210: {  	s22 =	sshrl.u32 s21, $0x3;
	v34 =	vadd.s32 v3, v34;
	v31 =	vld.idx.msk [tilespmem:v31+s3+$0x0], $0xffff  }
0x211: {  	s22 =	smul.u32 $0x7000, s22;
	v30 =	vld.idx.msk [tilespmem:v30+s3+$0x0], $0xffff  }
0x212: {  	v33 =	vld.idx.msk [tilespmem:v33+s3+$0x0], $0xffff  }
0x213: {  	s23 =	sand.u32 $0x380, s18;
	s22 =	sshra.s32 s22, $0x2;
	v32 =	vld.idx.msk [tilespmem:v32+s3+$0x0], $0xffff  }
0x214: {  	s22 =	sor.u32 s23, s22;
	v35 =	vld.idx.msk [tilespmem:v35+s3+$0x0], $0xffff  }
0x215: {  	v34 =	vld.idx.msk [tilespmem:v34+s3+$0x0], $0xffff;
	[tilespmem:s22+$0x8400] =	vst v20  }
0x216: {  	[tilespmem:s22+$0x8410] =	vst v19  }
0x217: {  	[tilespmem:s22+$0x8420] =	vst v22  }
0x218: {  	[tilespmem:s22+$0x8430] =	vst v21  }
0x219: {  	[tilespmem:s22+$0x8440] =	vst v25  }
0x21a: {  	[tilespmem:s22+$0x8450] =	vst v23  }
0x21b: {  	[tilespmem:s22+$0x8460] =	vst v27  }
0x21c: {  	[tilespmem:s22+$0x8470] =	vst v26  }
0x21d: {  	[tilespmem:s22+$0x8800] =	vst v29  }
0x21e: {  	v36 =	vperm.xlane v18, v11;
	[tilespmem:s22+$0x8810] =	vst v28  }
0x21f: {  	v38 =	vperm.xlane v18, v12;
	[tilespmem:s22+$0x8820] =	vst v31  }
0x220: {  	v40 =	vperm.xlane v18, v13;
	v37 =	vadd.s32 v2, v36;
	[tilespmem:s22+$0x8830] =	vst v30  }
0x221: {  	v42 =	vperm.xlane v18, v14;
	v39 =	vadd.s32 v2, v38;
	[tilespmem:s22+$0x8840] =	vst v33  }
0x222: {  	v46 =	vperm.xlane v18, v16;
	v41 =	vadd.s32 v2, v40;
	[tilespmem:s22+$0x8850] =	vst v32  }
0x223: {  	v43 =	vadd.s32 v2, v42;
	[tilespmem:s22+$0x8860] =	vst v35  }
0x224: {  	v47 =	vadd.s32 v2, v46;
	[tilespmem:s22+$0x8870] =	vst v34  }
0x225: {  	v21 =	vadd.s32 v3, v36;
	v22 =	vld.idx.msk [tilespmem:v37+s3+$0x0], $0xffff  }
0x226: {  	v23 =	vadd.s32 v3, v38;
	v25 =	vld.idx.msk [tilespmem:v39+s3+$0x0], $0xffff  }
0x227: {  	v44 =	vperm.xlane v18, v15;
	v26 =	vadd.s32 v3, v40;
	v27 =	vld.idx.msk [tilespmem:v41+s3+$0x0], $0xffff  }
0x228: {  	v28 =	vadd.s32 v3, v42;
	v29 =	vld.idx.msk [tilespmem:v43+s3+$0x0], $0xffff  }
0x229: {  	v19 =	vperm.xlane v18, v10;
	v30 =	vadd.s32 v3, v44;
	v33 =	vld.idx.msk [tilespmem:v47+s3+$0x0], $0xffff  }
0x22a: {  	v32 =	vadd.s32 v3, v46;
	v21 =	vld.idx.msk [tilespmem:v21+s3+$0x0], $0xffff  }
0x22b: {  	v31 =	vadd.s32 v2, v19;
	v23 =	vld.idx.msk [tilespmem:v23+s3+$0x0], $0xffff  }
0x22c: {  	v18 =	vperm.xlane v18, v17;
	v19 =	vadd.s32 v3, v19;
	v26 =	vld.idx.msk [tilespmem:v26+s3+$0x0], $0xffff  }
0x22d: {  	v45 =	vadd.s32 v2, v44;
	v28 =	vld.idx.msk [tilespmem:v28+s3+$0x0], $0xffff  }
0x22e: {  	v48 =	vadd.s32 v2, v18;
	v30 =	vld.idx.msk [tilespmem:v30+s3+$0x0], $0xffff  }
0x22f: {  	v18 =	vadd.s32 v3, v18;
	v32 =	vld.idx.msk [tilespmem:v32+s3+$0x0], $0xffff  }
0x230: {  	v20 =	vld.idx.msk [tilespmem:v31+s3+$0x0], $0xffff  }
0x231: {  	v19 =	vld.idx.msk [tilespmem:v19+s3+$0x0], $0xffff  }
0x232: {  	v31 =	vld.idx.msk [tilespmem:v45+s3+$0x0], $0xffff  }
0x233: {  	v34 =	vld.idx.msk [tilespmem:v48+s3+$0x0], $0xffff  }
0x234: {  	v18 =	vld.idx.msk [tilespmem:v18+s3+$0x0], $0xffff;
	[tilespmem:s22+$0x8C20] =	vst v22  }
0x235: {  	[tilespmem:s22+$0x8C40] =	vst v25  }
0x236: {  	[tilespmem:s22+$0x8C60] =	vst v27  }
0x237: {  	[tilespmem:s22+$0x9000] =	vst v29  }
0x238: {  	[tilespmem:s22+$0x9040] =	vst v33  }
0x239: {  	[tilespmem:s22+$0x8C10] =	vst v19;
	v19 =	vtrunc.f32 v24  }
0x23a: {  	[tilespmem:s22+$0x8C30] =	vst v21;
	v19 =	vcvt.f32.s32 v19  }
0x23b: {  	[tilespmem:s22+$0x8C50] =	vst v23  }
0x23c: {  	[tilespmem:s22+$0x8C70] =	vst v26;
	v19 =	vshll.u32 v19, $0x5  }
0x23d: {  	[tilespmem:s22+$0x9010] =	vst v28;
	v49 =	vperm.xlane v19, v9  }
0x23e: {  	[tilespmem:s22+$0x9030] =	vst v30  }
0x23f: {  	[tilespmem:s22+$0x9050] =	vst v32;
	v51 =	vperm.xlane v19, v10;
	v50 =	vadd.s32 v2, v49  }
0x240: {  	[tilespmem:s22+$0x8C00] =	vst v20;
	v20 =	vadd.s32 v3, v49  }
0x241: {  	[tilespmem:s22+$0x9020] =	vst v31;
	v53 =	vperm.xlane v19, v11;
	v52 =	vadd.s32 v2, v51  }
0x242: {  	[tilespmem:s22+$0x9060] =	vst v34;
	v22 =	vadd.s32 v3, v51  }
0x243: {  	[tilespmem:s22+$0x9070] =	vst v18;
	v54 =	vperm.xlane v19, v12;
	v18 =	vadd.s32 v2, v53  }
0x244: {  	v24 =	vadd.s32 v3, v53;
	v21 =	vld.idx.msk [tilespmem:v50+s3+$0x0], $0xffff  }
0x245: {  	v56 =	vperm.xlane v19, v13;
	v55 =	vadd.s32 v2, v54;
	v20 =	vld.idx.msk [tilespmem:v20+s3+$0x0], $0xffff  }
0x246: {  	v25 =	vadd.s32 v3, v54;
	v23 =	vld.idx.msk [tilespmem:v52+s3+$0x0], $0xffff  }
0x247: {  	v58 =	vperm.xlane v19, v14;
	v57 =	vadd.s32 v2, v56;
	v22 =	vld.idx.msk [tilespmem:v22+s3+$0x0], $0xffff  }
0x248: {  	v27 =	vadd.s32 v3, v56;
	v18 =	vld.idx.msk [tilespmem:v18+s3+$0x0], $0xffff  }
0x249: {  	v60 =	vperm.xlane v19, v15;
	v59 =	vadd.s32 v2, v58;
	v24 =	vld.idx.msk [tilespmem:v24+s3+$0x0], $0xffff  }
0x24a: {  	v29 =	vadd.s32 v3, v58;
	v26 =	vld.idx.msk [tilespmem:v55+s3+$0x0], $0xffff  }
0x24b: {  	v62 =	vperm.xlane v19, v16;
	v61 =	vadd.s32 v2, v60;
	v25 =	vld.idx.msk [tilespmem:v25+s3+$0x0], $0xffff  }
0x24c: {  	v31 =	vadd.s32 v3, v60;
	v28 =	vld.idx.msk [tilespmem:v57+s3+$0x0], $0xffff  }
0x24d: {  	v63 =	vadd.s32 v2, v62;
	v27 =	vld.idx.msk [tilespmem:v27+s3+$0x0], $0xffff  }
0x24e: {  	v33 =	vadd.s32 v3, v62;
	v30 =	vld.idx.msk [tilespmem:v59+s3+$0x0], $0xffff  }
0x24f: {  	v29 =	vld.idx.msk [tilespmem:v29+s3+$0x0], $0xffff  }
0x250: {  	v32 =	vld.idx.msk [tilespmem:v61+s3+$0x0], $0xffff  }
0x251: {  	v31 =	vld.idx.msk [tilespmem:v31+s3+$0x0], $0xffff  }
0x252: {  	v34 =	vld.idx.msk [tilespmem:v63+s3+$0x0], $0xffff  }
0x253: {  	v33 =	vld.idx.msk [tilespmem:v33+s3+$0x0], $0xffff;
	[tilespmem:s22+$0x9400] =	vst v21  }
0x254: {  	[tilespmem:s22+$0x9410] =	vst v20  }
0x255: {  	[tilespmem:s22+$0x9420] =	vst v23  }
0x256: {  	[tilespmem:s22+$0x9430] =	vst v22  }
0x257: {  	[tilespmem:s22+$0x9440] =	vst v18  }
0x258: {  	[tilespmem:s22+$0x9450] =	vst v24  }
0x259: {  	[tilespmem:s22+$0x9460] =	vst v26  }
0x25a: {  	[tilespmem:s22+$0x9470] =	vst v25  }
0x25b: {  	[tilespmem:s22+$0x9800] =	vst v28  }
0x25c: {  	[tilespmem:s22+$0x9810] =	vst v27;
	v18 =	vperm.xlane v19, v17  }
0x25d: {  	[tilespmem:s22+$0x9820] =	vst v30  }
0x25e: {  	[tilespmem:s22+$0x9830] =	vst v29;
	v19 =	vadd.s32 v2, v18  }
0x25f: {  	[tilespmem:s22+$0x9840] =	vst v32;
	v18 =	vadd.s32 v3, v18  }
0x260: {  	[tilespmem:s22+$0x9850] =	vst v31  }
0x261: {  	[tilespmem:s22+$0x9860] =	vst v34  }
0x262: {  	[tilespmem:s22+$0x9870] =	vst v33  }
0x263: {  	v19 =	vld.idx.msk [tilespmem:v19+s3+$0x0], $0xffff  }
0x264: {  	v18 =	vld.idx.msk [tilespmem:v18+s3+$0x0], $0xffff;
	_ =	sdelay $0x3  }
0x265: {  	[tilespmem:s22+$0x9C00] =	vst v19  }
0x266: {  	[tilespmem:s22+$0x9C10] =	vst v18  }
0x267: {  	v18 =	vld [tilespmem:s20+$0xFFFFFFEE];
	_ =	sdelay $0x4  }
0x268: {  	[tilespmem:s22+$0x9C20] =	vst v18  }
0x269: {  	v18 =	vld [tilespmem:s20+$0xFFFFFFFE];
	_ =	sdelay $0x4  }
0x26a: {  	[tilespmem:s22+$0x9C30] =	vst v18  }
0x26b: {  	p0 =	sne.s32 s21, $0x17;
	v18 =	vld [tilespmem:s20+$0x0]  }
.Ltmp4:
0x26c: {  	_ = 	snop;
	(pc) =	sbr.rel @p0 .LBB2_11-.Ltmp4, $2  }
0x26d: {  	_ =	sdelay $0x2  }
0x26e: {  	s18 =	sadd.s32 $0x80, s18;
	s21 =	sadd.s32 $0x1, s21;
	s20 =	sadd.s32 $0x80, s20;
	[tilespmem:s22+$0x9C32] =	vst v18  }
0x26f: {  	s18 =	simm.s32 $0x0  }
0x270: {  	[hbm4b:s19+s18] =	stream.linear.scatter [tilespmem:s11], [sflag:$0x1], $0x5400, $0x38;
	[tilespmem:$0x14800] =	vst v63  }
0x271: {  	_ =	swait.ge [sflag:s14], $0x7000  }
0x272: {  	s20 =	simm.s32 $0x5E2B;
	[sflag:s14] =	ssyncset.done $0x0  }
0x273: {  	s21 =	simm.s32 $0x0;
	s19 =	sadd.s32 $0x3B80, s17;
	[sflag:s14] =	ssyncadd.s32 $0xFFFF9000  }
.LBB2_13:
0x274: {  	v18 =	vld [tilespmem:s20+$0xFFFFFFD5];
	_ =	sdelay $0x4  }
0x275: {  	v18 =	vtrunc.f32 v18  }
0x276: {  	v18 =	vcvt.f32.s32 v18;
	_ =	sdelay $0x1  }
0x277: {  	v18 =	vshll.u32 v18, $0x5  }
0x278: {  	v19 =	vperm.xlane v18, v1;
	_ =	sdelay $0x1  }
0x279: {  	v21 =	vperm.xlane v18, v4;
	v20 =	vadd.s32 v2, v19  }
0x27a: {  	v19 =	vadd.s32 v3, v19  }
0x27b: {  	v23 =	vperm.xlane v18, v5;
	v22 =	vadd.s32 v2, v21  }
0x27c: {  	v21 =	vadd.s32 v3, v21  }
0x27d: {  	v24 =	vld [tilespmem:s20+$0xFFFFFFDE];
	v26 =	vperm.xlane v18, v6;
	v25 =	vadd.s32 v2, v23  }
0x27e: {  	v23 =	vadd.s32 v3, v23;
	v20 =	vld.idx.msk [tilespmem:v20+s3+$0x0], $0xffff  }
0x27f: {  	v28 =	vperm.xlane v18, v7;
	v27 =	vadd.s32 v2, v26;
	v19 =	vld.idx.msk [tilespmem:v19+s3+$0x0], $0xffff  }
0x280: {  	v26 =	vadd.s32 v3, v26;
	v22 =	vld.idx.msk [tilespmem:v22+s3+$0x0], $0xffff  }
0x281: {  	v30 =	vperm.xlane v18, v0;
	v29 =	vadd.s32 v2, v28;
	v21 =	vld.idx.msk [tilespmem:v21+s3+$0x0], $0xffff  }
0x282: {  	v28 =	vadd.s32 v3, v28;
	v25 =	vld.idx.msk [tilespmem:v25+s3+$0x0], $0xffff  }
0x283: {  	v32 =	vperm.xlane v18, v8;
	v31 =	vadd.s32 v2, v30;
	v23 =	vld.idx.msk [tilespmem:v23+s3+$0x0], $0xffff  }
0x284: {  	v30 =	vadd.s32 v3, v30;
	v27 =	vld.idx.msk [tilespmem:v27+s3+$0x0], $0xffff  }
0x285: {  	v34 =	vperm.xlane v18, v9;
	v33 =	vadd.s32 v2, v32;
	v26 =	vld.idx.msk [tilespmem:v26+s3+$0x0], $0xffff  }
0x286: {  	v32 =	vadd.s32 v3, v32;
	v29 =	vld.idx.msk [tilespmem:v29+s3+$0x0], $0xffff  }
0x287: {  	v35 =	vadd.s32 v2, v34;
	v28 =	vld.idx.msk [tilespmem:v28+s3+$0x0], $0xffff  }
0x288: {  	s22 =	sshrl.u32 s21, $0x3;
	v34 =	vadd.s32 v3, v34;
	v31 =	vld.idx.msk [tilespmem:v31+s3+$0x0], $0xffff  }
0x289: {  	s22 =	smul.u32 $0x7000, s22;
	v30 =	vld.idx.msk [tilespmem:v30+s3+$0x0], $0xffff  }
0x28a: {  	v33 =	vld.idx.msk [tilespmem:v33+s3+$0x0], $0xffff  }
0x28b: {  	s23 =	sand.u32 $0x380, s18;
	s22 =	sshra.s32 s22, $0x2;
	v32 =	vld.idx.msk [tilespmem:v32+s3+$0x0], $0xffff  }
0x28c: {  	s22 =	sor.u32 s23, s22;
	v35 =	vld.idx.msk [tilespmem:v35+s3+$0x0], $0xffff  }
0x28d: {  	v34 =	vld.idx.msk [tilespmem:v34+s3+$0x0], $0xffff;
	[tilespmem:s22+$0xD800] =	vst v20  }
0x28e: {  	[tilespmem:s22+$0xD810] =	vst v19  }
0x28f: {  	[tilespmem:s22+$0xD820] =	vst v22  }
0x290: {  	[tilespmem:s22+$0xD830] =	vst v21  }
0x291: {  	[tilespmem:s22+$0xD840] =	vst v25  }
0x292: {  	[tilespmem:s22+$0xD850] =	vst v23  }
0x293: {  	[tilespmem:s22+$0xD860] =	vst v27  }
0x294: {  	[tilespmem:s22+$0xD870] =	vst v26  }
0x295: {  	[tilespmem:s22+$0xDC00] =	vst v29  }
0x296: {  	v36 =	vperm.xlane v18, v11;
	[tilespmem:s22+$0xDC10] =	vst v28  }
0x297: {  	v38 =	vperm.xlane v18, v12;
	[tilespmem:s22+$0xDC20] =	vst v31  }
0x298: {  	v40 =	vperm.xlane v18, v13;
	v37 =	vadd.s32 v2, v36;
	[tilespmem:s22+$0xDC30] =	vst v30  }
0x299: {  	v42 =	vperm.xlane v18, v14;
	v39 =	vadd.s32 v2, v38;
	[tilespmem:s22+$0xDC40] =	vst v33  }
0x29a: {  	v46 =	vperm.xlane v18, v16;
	v41 =	vadd.s32 v2, v40;
	[tilespmem:s22+$0xDC50] =	vst v32  }
0x29b: {  	v43 =	vadd.s32 v2, v42;
	[tilespmem:s22+$0xDC60] =	vst v35  }
0x29c: {  	v47 =	vadd.s32 v2, v46;
	[tilespmem:s22+$0xDC70] =	vst v34  }
0x29d: {  	v21 =	vadd.s32 v3, v36;
	v22 =	vld.idx.msk [tilespmem:v37+s3+$0x0], $0xffff  }
0x29e: {  	v23 =	vadd.s32 v3, v38;
	v25 =	vld.idx.msk [tilespmem:v39+s3+$0x0], $0xffff  }
0x29f: {  	v44 =	vperm.xlane v18, v15;
	v26 =	vadd.s32 v3, v40;
	v27 =	vld.idx.msk [tilespmem:v41+s3+$0x0], $0xffff  }
0x2a0: {  	v28 =	vadd.s32 v3, v42;
	v29 =	vld.idx.msk [tilespmem:v43+s3+$0x0], $0xffff  }
0x2a1: {  	v19 =	vperm.xlane v18, v10;
	v30 =	vadd.s32 v3, v44;
	v33 =	vld.idx.msk [tilespmem:v47+s3+$0x0], $0xffff  }
0x2a2: {  	v32 =	vadd.s32 v3, v46;
	v21 =	vld.idx.msk [tilespmem:v21+s3+$0x0], $0xffff  }
0x2a3: {  	v31 =	vadd.s32 v2, v19;
	v23 =	vld.idx.msk [tilespmem:v23+s3+$0x0], $0xffff  }
0x2a4: {  	v18 =	vperm.xlane v18, v17;
	v19 =	vadd.s32 v3, v19;
	v26 =	vld.idx.msk [tilespmem:v26+s3+$0x0], $0xffff  }
0x2a5: {  	v45 =	vadd.s32 v2, v44;
	v28 =	vld.idx.msk [tilespmem:v28+s3+$0x0], $0xffff  }
0x2a6: {  	v48 =	vadd.s32 v2, v18;
	v30 =	vld.idx.msk [tilespmem:v30+s3+$0x0], $0xffff  }
0x2a7: {  	v18 =	vadd.s32 v3, v18;
	v32 =	vld.idx.msk [tilespmem:v32+s3+$0x0], $0xffff  }
0x2a8: {  	v20 =	vld.idx.msk [tilespmem:v31+s3+$0x0], $0xffff  }
0x2a9: {  	v19 =	vld.idx.msk [tilespmem:v19+s3+$0x0], $0xffff  }
0x2aa: {  	v31 =	vld.idx.msk [tilespmem:v45+s3+$0x0], $0xffff  }
0x2ab: {  	v34 =	vld.idx.msk [tilespmem:v48+s3+$0x0], $0xffff  }
0x2ac: {  	v18 =	vld.idx.msk [tilespmem:v18+s3+$0x0], $0xffff;
	[tilespmem:s22+$0xE020] =	vst v22  }
0x2ad: {  	[tilespmem:s22+$0xE040] =	vst v25  }
0x2ae: {  	[tilespmem:s22+$0xE060] =	vst v27  }
0x2af: {  	[tilespmem:s22+$0xE400] =	vst v29  }
0x2b0: {  	[tilespmem:s22+$0xE440] =	vst v33  }
0x2b1: {  	[tilespmem:s22+$0xE010] =	vst v19;
	v19 =	vtrunc.f32 v24  }
0x2b2: {  	[tilespmem:s22+$0xE030] =	vst v21;
	v19 =	vcvt.f32.s32 v19  }
0x2b3: {  	[tilespmem:s22+$0xE050] =	vst v23  }
0x2b4: {  	[tilespmem:s22+$0xE070] =	vst v26;
	v19 =	vshll.u32 v19, $0x5  }
0x2b5: {  	[tilespmem:s22+$0xE410] =	vst v28;
	v49 =	vperm.xlane v19, v9  }
0x2b6: {  	[tilespmem:s22+$0xE430] =	vst v30  }
0x2b7: {  	[tilespmem:s22+$0xE450] =	vst v32;
	v51 =	vperm.xlane v19, v10;
	v50 =	vadd.s32 v2, v49  }
0x2b8: {  	[tilespmem:s22+$0xE000] =	vst v20;
	v20 =	vadd.s32 v3, v49  }
0x2b9: {  	[tilespmem:s22+$0xE420] =	vst v31;
	v53 =	vperm.xlane v19, v11;
	v52 =	vadd.s32 v2, v51  }
0x2ba: {  	[tilespmem:s22+$0xE460] =	vst v34;
	v22 =	vadd.s32 v3, v51  }
0x2bb: {  	[tilespmem:s22+$0xE470] =	vst v18;
	v54 =	vperm.xlane v19, v12;
	v18 =	vadd.s32 v2, v53  }
0x2bc: {  	v24 =	vadd.s32 v3, v53;
	v21 =	vld.idx.msk [tilespmem:v50+s3+$0x0], $0xffff  }
0x2bd: {  	v56 =	vperm.xlane v19, v13;
	v55 =	vadd.s32 v2, v54;
	v20 =	vld.idx.msk [tilespmem:v20+s3+$0x0], $0xffff  }
0x2be: {  	v25 =	vadd.s32 v3, v54;
	v23 =	vld.idx.msk [tilespmem:v52+s3+$0x0], $0xffff  }
0x2bf: {  	v58 =	vperm.xlane v19, v14;
	v57 =	vadd.s32 v2, v56;
	v22 =	vld.idx.msk [tilespmem:v22+s3+$0x0], $0xffff  }
0x2c0: {  	v27 =	vadd.s32 v3, v56;
	v18 =	vld.idx.msk [tilespmem:v18+s3+$0x0], $0xffff  }
0x2c1: {  	v60 =	vperm.xlane v19, v15;
	v59 =	vadd.s32 v2, v58;
	v24 =	vld.idx.msk [tilespmem:v24+s3+$0x0], $0xffff  }
0x2c2: {  	v29 =	vadd.s32 v3, v58;
	v26 =	vld.idx.msk [tilespmem:v55+s3+$0x0], $0xffff  }
0x2c3: {  	v62 =	vperm.xlane v19, v16;
	v61 =	vadd.s32 v2, v60;
	v25 =	vld.idx.msk [tilespmem:v25+s3+$0x0], $0xffff  }
0x2c4: {  	v31 =	vadd.s32 v3, v60;
	v28 =	vld.idx.msk [tilespmem:v57+s3+$0x0], $0xffff  }
0x2c5: {  	v63 =	vadd.s32 v2, v62;
	v27 =	vld.idx.msk [tilespmem:v27+s3+$0x0], $0xffff  }
0x2c6: {  	v33 =	vadd.s32 v3, v62;
	v30 =	vld.idx.msk [tilespmem:v59+s3+$0x0], $0xffff  }
0x2c7: {  	v29 =	vld.idx.msk [tilespmem:v29+s3+$0x0], $0xffff  }
0x2c8: {  	v32 =	vld.idx.msk [tilespmem:v61+s3+$0x0], $0xffff  }
0x2c9: {  	v31 =	vld.idx.msk [tilespmem:v31+s3+$0x0], $0xffff  }
0x2ca: {  	v34 =	vld.idx.msk [tilespmem:v63+s3+$0x0], $0xffff  }
0x2cb: {  	v33 =	vld.idx.msk [tilespmem:v33+s3+$0x0], $0xffff;
	[tilespmem:s22+$0xE800] =	vst v21  }
0x2cc: {  	[tilespmem:s22+$0xE810] =	vst v20  }
0x2cd: {  	[tilespmem:s22+$0xE820] =	vst v23  }
0x2ce: {  	[tilespmem:s22+$0xE830] =	vst v22  }
0x2cf: {  	[tilespmem:s22+$0xE840] =	vst v18  }
0x2d0: {  	[tilespmem:s22+$0xE850] =	vst v24  }
0x2d1: {  	[tilespmem:s22+$0xE860] =	vst v26  }
0x2d2: {  	[tilespmem:s22+$0xE870] =	vst v25  }
0x2d3: {  	[tilespmem:s22+$0xEC00] =	vst v28  }
0x2d4: {  	[tilespmem:s22+$0xEC10] =	vst v27;
	v18 =	vperm.xlane v19, v17  }
0x2d5: {  	[tilespmem:s22+$0xEC20] =	vst v30  }
0x2d6: {  	[tilespmem:s22+$0xEC30] =	vst v29;
	v19 =	vadd.s32 v2, v18  }
0x2d7: {  	[tilespmem:s22+$0xEC40] =	vst v32;
	v18 =	vadd.s32 v3, v18  }
0x2d8: {  	[tilespmem:s22+$0xEC50] =	vst v31  }
0x2d9: {  	[tilespmem:s22+$0xEC60] =	vst v34  }
0x2da: {  	[tilespmem:s22+$0xEC70] =	vst v33  }
0x2db: {  	v19 =	vld.idx.msk [tilespmem:v19+s3+$0x0], $0xffff  }
0x2dc: {  	v18 =	vld.idx.msk [tilespmem:v18+s3+$0x0], $0xffff;
	_ =	sdelay $0x3  }
0x2dd: {  	[tilespmem:s22+$0xF000] =	vst v19  }
0x2de: {  	[tilespmem:s22+$0xF010] =	vst v18  }
0x2df: {  	v18 =	vld [tilespmem:s20+$0xFFFFFFEE];
	_ =	sdelay $0x4  }
0x2e0: {  	[tilespmem:s22+$0xF020] =	vst v18  }
0x2e1: {  	v18 =	vld [tilespmem:s20+$0xFFFFFFFE];
	_ =	sdelay $0x4  }
0x2e2: {  	[tilespmem:s22+$0xF030] =	vst v18  }
0x2e3: {  	p0 =	sne.s32 s21, $0x19;
	v18 =	vld [tilespmem:s20+$0x0]  }
.Ltmp5:
0x2e4: {  	_ = 	snop;
	(pc) =	sbr.rel @p0 .LBB2_13-.Ltmp5, $2  }
0x2e5: {  	_ =	sdelay $0x2  }
0x2e6: {  	s18 =	sadd.s32 $0x80, s18;
	s21 =	sadd.s32 $0x1, s21;
	s20 =	sadd.s32 $0x80, s20;
	[tilespmem:s22+$0xF032] =	vst v18  }
0x2e7: {  	s18 =	simm.s32 $0x0  }
0x2e8: {  	[hbm4b:s19+s18] =	stream.linear.scatter [tilespmem:s12], [sflag:$0x2], $0x7000, $0x38;
	[tilespmem:$0x14800] =	vst v63  }
0x2e9: {  	_ =	swait.ge [sflag:s13], $0x5400  }
0x2ea: {  	s20 =	simm.s32 $0x0;
	[sflag:s13] =	ssyncset.done $0x0  }
0x2eb: {  	s21 =	simm.s32 $0x0;
	s19 =	sadd.s32 $0x4980, s17;
	[sflag:s13] =	ssyncadd.s32 $0xFFFFAC00  }
.LBB2_15:
0x2ec: {  	s22 =	sshra.s32 s20, $0x2  }
0x2ed: {  	v18 =	vld [tilespmem:s22+$0x6B00];
	_ =	sdelay $0x4  }
0x2ee: {  	v18 =	vtrunc.f32 v18  }
0x2ef: {  	v18 =	vcvt.f32.s32 v18;
	_ =	sdelay $0x1  }
0x2f0: {  	v18 =	vshll.u32 v18, $0x5  }
0x2f1: {  	v19 =	vperm.xlane v18, v1;
	_ =	sdelay $0x1  }
0x2f2: {  	v21 =	vperm.xlane v18, v4;
	v20 =	vadd.s32 v2, v19  }
0x2f3: {  	v19 =	vadd.s32 v3, v19  }
0x2f4: {  	v23 =	vperm.xlane v18, v5;
	v22 =	vadd.s32 v2, v21  }
0x2f5: {  	v21 =	vadd.s32 v3, v21  }
0x2f6: {  	v24 =	vld [tilespmem:s22+$0x6B09];
	v26 =	vperm.xlane v18, v6;
	v25 =	vadd.s32 v2, v23  }
0x2f7: {  	v23 =	vadd.s32 v3, v23;
	v20 =	vld.idx.msk [tilespmem:v20+s3+$0x0], $0xffff  }
0x2f8: {  	v28 =	vperm.xlane v18, v7;
	v27 =	vadd.s32 v2, v26;
	v19 =	vld.idx.msk [tilespmem:v19+s3+$0x0], $0xffff  }
0x2f9: {  	v26 =	vadd.s32 v3, v26;
	v22 =	vld.idx.msk [tilespmem:v22+s3+$0x0], $0xffff  }
0x2fa: {  	v30 =	vperm.xlane v18, v0;
	v29 =	vadd.s32 v2, v28;
	v21 =	vld.idx.msk [tilespmem:v21+s3+$0x0], $0xffff  }
0x2fb: {  	v28 =	vadd.s32 v3, v28;
	v25 =	vld.idx.msk [tilespmem:v25+s3+$0x0], $0xffff  }
0x2fc: {  	v32 =	vperm.xlane v18, v8;
	v31 =	vadd.s32 v2, v30;
	v23 =	vld.idx.msk [tilespmem:v23+s3+$0x0], $0xffff  }
0x2fd: {  	v30 =	vadd.s32 v3, v30;
	v27 =	vld.idx.msk [tilespmem:v27+s3+$0x0], $0xffff  }
0x2fe: {  	v34 =	vperm.xlane v18, v9;
	v33 =	vadd.s32 v2, v32;
	v26 =	vld.idx.msk [tilespmem:v26+s3+$0x0], $0xffff  }
0x2ff: {  	v32 =	vadd.s32 v3, v32;
	v29 =	vld.idx.msk [tilespmem:v29+s3+$0x0], $0xffff  }
0x300: {  	v35 =	vadd.s32 v2, v34;
	v28 =	vld.idx.msk [tilespmem:v28+s3+$0x0], $0xffff  }
0x301: {  	s23 =	sshrl.u32 s21, $0x3;
	v34 =	vadd.s32 v3, v34;
	v31 =	vld.idx.msk [tilespmem:v31+s3+$0x0], $0xffff  }
0x302: {  	s23 =	smul.u32 $0x7000, s23;
	v30 =	vld.idx.msk [tilespmem:v30+s3+$0x0], $0xffff  }
0x303: {  	v33 =	vld.idx.msk [tilespmem:v33+s3+$0x0], $0xffff  }
0x304: {  	s24 =	sand.u32 $0x380, s18;
	s23 =	sshra.s32 s23, $0x2;
	v32 =	vld.idx.msk [tilespmem:v32+s3+$0x0], $0xffff  }
0x305: {  	s23 =	sor.u32 s24, s23;
	v35 =	vld.idx.msk [tilespmem:v35+s3+$0x0], $0xffff  }
0x306: {  	v34 =	vld.idx.msk [tilespmem:v34+s3+$0x0], $0xffff;
	[tilespmem:s23+$0x8400] =	vst v20  }
0x307: {  	[tilespmem:s23+$0x8410] =	vst v19  }
0x308: {  	[tilespmem:s23+$0x8420] =	vst v22  }
0x309: {  	[tilespmem:s23+$0x8430] =	vst v21  }
0x30a: {  	[tilespmem:s23+$0x8440] =	vst v25  }
0x30b: {  	[tilespmem:s23+$0x8450] =	vst v23  }
0x30c: {  	[tilespmem:s23+$0x8460] =	vst v27  }
0x30d: {  	[tilespmem:s23+$0x8470] =	vst v26  }
0x30e: {  	[tilespmem:s23+$0x8800] =	vst v29  }
0x30f: {  	v36 =	vperm.xlane v18, v11;
	[tilespmem:s23+$0x8810] =	vst v28  }
0x310: {  	v38 =	vperm.xlane v18, v12;
	[tilespmem:s23+$0x8820] =	vst v31  }
0x311: {  	v40 =	vperm.xlane v18, v13;
	v37 =	vadd.s32 v2, v36;
	[tilespmem:s23+$0x8830] =	vst v30  }
0x312: {  	v42 =	vperm.xlane v18, v14;
	v39 =	vadd.s32 v2, v38;
	[tilespmem:s23+$0x8840] =	vst v33  }
0x313: {  	v46 =	vperm.xlane v18, v16;
	v41 =	vadd.s32 v2, v40;
	[tilespmem:s23+$0x8850] =	vst v32  }
0x314: {  	v43 =	vadd.s32 v2, v42;
	[tilespmem:s23+$0x8860] =	vst v35  }
0x315: {  	v47 =	vadd.s32 v2, v46;
	[tilespmem:s23+$0x8870] =	vst v34  }
0x316: {  	v21 =	vadd.s32 v3, v36;
	v22 =	vld.idx.msk [tilespmem:v37+s3+$0x0], $0xffff  }
0x317: {  	v23 =	vadd.s32 v3, v38;
	v25 =	vld.idx.msk [tilespmem:v39+s3+$0x0], $0xffff  }
0x318: {  	v44 =	vperm.xlane v18, v15;
	v26 =	vadd.s32 v3, v40;
	v27 =	vld.idx.msk [tilespmem:v41+s3+$0x0], $0xffff  }
0x319: {  	v28 =	vadd.s32 v3, v42;
	v29 =	vld.idx.msk [tilespmem:v43+s3+$0x0], $0xffff  }
0x31a: {  	v19 =	vperm.xlane v18, v10;
	v30 =	vadd.s32 v3, v44;
	v33 =	vld.idx.msk [tilespmem:v47+s3+$0x0], $0xffff  }
0x31b: {  	v32 =	vadd.s32 v3, v46;
	v21 =	vld.idx.msk [tilespmem:v21+s3+$0x0], $0xffff  }
0x31c: {  	v31 =	vadd.s32 v2, v19;
	v23 =	vld.idx.msk [tilespmem:v23+s3+$0x0], $0xffff  }
0x31d: {  	v18 =	vperm.xlane v18, v17;
	v19 =	vadd.s32 v3, v19;
	v26 =	vld.idx.msk [tilespmem:v26+s3+$0x0], $0xffff  }
0x31e: {  	v45 =	vadd.s32 v2, v44;
	v28 =	vld.idx.msk [tilespmem:v28+s3+$0x0], $0xffff  }
0x31f: {  	v48 =	vadd.s32 v2, v18;
	v30 =	vld.idx.msk [tilespmem:v30+s3+$0x0], $0xffff  }
0x320: {  	v18 =	vadd.s32 v3, v18;
	v32 =	vld.idx.msk [tilespmem:v32+s3+$0x0], $0xffff  }
0x321: {  	v20 =	vld.idx.msk [tilespmem:v31+s3+$0x0], $0xffff  }
0x322: {  	v19 =	vld.idx.msk [tilespmem:v19+s3+$0x0], $0xffff  }
0x323: {  	v31 =	vld.idx.msk [tilespmem:v45+s3+$0x0], $0xffff  }
0x324: {  	v34 =	vld.idx.msk [tilespmem:v48+s3+$0x0], $0xffff  }
0x325: {  	v18 =	vld.idx.msk [tilespmem:v18+s3+$0x0], $0xffff;
	[tilespmem:s23+$0x8C20] =	vst v22  }
0x326: {  	[tilespmem:s23+$0x8C40] =	vst v25  }
0x327: {  	[tilespmem:s23+$0x8C60] =	vst v27  }
0x328: {  	[tilespmem:s23+$0x9000] =	vst v29  }
0x329: {  	[tilespmem:s23+$0x9040] =	vst v33  }
0x32a: {  	[tilespmem:s23+$0x8C10] =	vst v19;
	v19 =	vtrunc.f32 v24  }
0x32b: {  	[tilespmem:s23+$0x8C30] =	vst v21;
	v19 =	vcvt.f32.s32 v19  }
0x32c: {  	[tilespmem:s23+$0x8C50] =	vst v23  }
0x32d: {  	[tilespmem:s23+$0x8C70] =	vst v26;
	v19 =	vshll.u32 v19, $0x5  }
0x32e: {  	[tilespmem:s23+$0x9010] =	vst v28;
	v49 =	vperm.xlane v19, v9  }
0x32f: {  	[tilespmem:s23+$0x9030] =	vst v30  }
0x330: {  	[tilespmem:s23+$0x9050] =	vst v32;
	v51 =	vperm.xlane v19, v10;
	v50 =	vadd.s32 v2, v49  }
0x331: {  	[tilespmem:s23+$0x8C00] =	vst v20;
	v20 =	vadd.s32 v3, v49  }
0x332: {  	[tilespmem:s23+$0x9020] =	vst v31;
	v53 =	vperm.xlane v19, v11;
	v52 =	vadd.s32 v2, v51  }
0x333: {  	[tilespmem:s23+$0x9060] =	vst v34;
	v22 =	vadd.s32 v3, v51  }
0x334: {  	[tilespmem:s23+$0x9070] =	vst v18;
	v54 =	vperm.xlane v19, v12;
	v18 =	vadd.s32 v2, v53  }
0x335: {  	v24 =	vadd.s32 v3, v53;
	v21 =	vld.idx.msk [tilespmem:v50+s3+$0x0], $0xffff  }
0x336: {  	v56 =	vperm.xlane v19, v13;
	v55 =	vadd.s32 v2, v54;
	v20 =	vld.idx.msk [tilespmem:v20+s3+$0x0], $0xffff  }
0x337: {  	v25 =	vadd.s32 v3, v54;
	v23 =	vld.idx.msk [tilespmem:v52+s3+$0x0], $0xffff  }
0x338: {  	v58 =	vperm.xlane v19, v14;
	v57 =	vadd.s32 v2, v56;
	v22 =	vld.idx.msk [tilespmem:v22+s3+$0x0], $0xffff  }
0x339: {  	v27 =	vadd.s32 v3, v56;
	v18 =	vld.idx.msk [tilespmem:v18+s3+$0x0], $0xffff  }
0x33a: {  	v60 =	vperm.xlane v19, v15;
	v59 =	vadd.s32 v2, v58;
	v24 =	vld.idx.msk [tilespmem:v24+s3+$0x0], $0xffff  }
0x33b: {  	v29 =	vadd.s32 v3, v58;
	v26 =	vld.idx.msk [tilespmem:v55+s3+$0x0], $0xffff  }
0x33c: {  	v62 =	vperm.xlane v19, v16;
	v61 =	vadd.s32 v2, v60;
	v25 =	vld.idx.msk [tilespmem:v25+s3+$0x0], $0xffff  }
0x33d: {  	v31 =	vadd.s32 v3, v60;
	v28 =	vld.idx.msk [tilespmem:v57+s3+$0x0], $0xffff  }
0x33e: {  	v63 =	vadd.s32 v2, v62;
	v27 =	vld.idx.msk [tilespmem:v27+s3+$0x0], $0xffff  }
0x33f: {  	v33 =	vadd.s32 v3, v62;
	v30 =	vld.idx.msk [tilespmem:v59+s3+$0x0], $0xffff  }
0x340: {  	v29 =	vld.idx.msk [tilespmem:v29+s3+$0x0], $0xffff  }
0x341: {  	v32 =	vld.idx.msk [tilespmem:v61+s3+$0x0], $0xffff  }
0x342: {  	v31 =	vld.idx.msk [tilespmem:v31+s3+$0x0], $0xffff  }
0x343: {  	v34 =	vld.idx.msk [tilespmem:v63+s3+$0x0], $0xffff  }
0x344: {  	v33 =	vld.idx.msk [tilespmem:v33+s3+$0x0], $0xffff;
	[tilespmem:s23+$0x9400] =	vst v21  }
0x345: {  	[tilespmem:s23+$0x9410] =	vst v20  }
0x346: {  	[tilespmem:s23+$0x9420] =	vst v23  }
0x347: {  	[tilespmem:s23+$0x9430] =	vst v22  }
0x348: {  	[tilespmem:s23+$0x9440] =	vst v18  }
0x349: {  	[tilespmem:s23+$0x9450] =	vst v24  }
0x34a: {  	[tilespmem:s23+$0x9460] =	vst v26  }
0x34b: {  	[tilespmem:s23+$0x9470] =	vst v25  }
0x34c: {  	[tilespmem:s23+$0x9800] =	vst v28  }
0x34d: {  	[tilespmem:s23+$0x9810] =	vst v27;
	v18 =	vperm.xlane v19, v17  }
0x34e: {  	[tilespmem:s23+$0x9820] =	vst v30  }
0x34f: {  	[tilespmem:s23+$0x9830] =	vst v29;
	v19 =	vadd.s32 v2, v18  }
0x350: {  	[tilespmem:s23+$0x9840] =	vst v32;
	v18 =	vadd.s32 v3, v18  }
0x351: {  	[tilespmem:s23+$0x9850] =	vst v31  }
0x352: {  	[tilespmem:s23+$0x9860] =	vst v34  }
0x353: {  	[tilespmem:s23+$0x9870] =	vst v33  }
0x354: {  	v19 =	vld.idx.msk [tilespmem:v19+s3+$0x0], $0xffff  }
0x355: {  	v18 =	vld.idx.msk [tilespmem:v18+s3+$0x0], $0xffff;
	_ =	sdelay $0x3  }
0x356: {  	[tilespmem:s23+$0x9C00] =	vst v19  }
0x357: {  	[tilespmem:s23+$0x9C10] =	vst v18  }
0x358: {  	v18 =	vld [tilespmem:s22+$0x6B19];
	_ =	sdelay $0x4  }
0x359: {  	[tilespmem:s23+$0x9C20] =	vst v18  }
0x35a: {  	v18 =	vld [tilespmem:s22+$0x6B29];
	_ =	sdelay $0x4  }
0x35b: {  	[tilespmem:s23+$0x9C30] =	vst v18  }
0x35c: {  	p0 =	sne.s32 s20, $0x2E00;
	v18 =	vld [tilespmem:s22+$0x6B2B]  }
.Ltmp6:
0x35d: {  	_ = 	snop;
	(pc) =	sbr.rel @p0 .LBB2_15-.Ltmp6, $2  }
0x35e: {  	_ =	sdelay $0x2  }
0x35f: {  	s21 =	sadd.s32 $0x1, s21;
	s18 =	sadd.s32 $0x80, s18;
	s20 =	sadd.s32 $0x200, s20;
	[tilespmem:s23+$0x9C32] =	vst v18  }
0x360: {  	s18 =	simm.s32 $0x0  }
0x361: {  	[hbm4b:s19+s18] =	stream.linear.scatter [tilespmem:s11], [sflag:$0x1], $0x5400, $0x38;
	[tilespmem:$0x14800] =	vst v63  }
0x362: {  	_ =	swait.ge [sflag:s14], $0x7000  }
0x363: {  	s17 =	sadd.s32 $0x5400, s17;
	[sflag:s14] =	ssyncset.done $0x0  }
0x364: {  	s20 =	simm.s32 $0x0;
	s19 =	simm.s32 $0x0;
	[sflag:s14] =	ssyncadd.s32 $0xFFFF9000  }
.LBB2_17:
0x365: {  	s21 =	sshra.s32 s19, $0x2  }
0x366: {  	v18 =	vld [tilespmem:s21+$0x7700];
	_ =	sdelay $0x4  }
0x367: {  	v18 =	vtrunc.f32 v18  }
0x368: {  	v18 =	vcvt.f32.s32 v18;
	_ =	sdelay $0x1  }
0x369: {  	v18 =	vshll.u32 v18, $0x5  }
0x36a: {  	v19 =	vperm.xlane v18, v1;
	_ =	sdelay $0x1  }
0x36b: {  	v21 =	vperm.xlane v18, v4;
	v20 =	vadd.s32 v2, v19  }
0x36c: {  	v19 =	vadd.s32 v3, v19  }
0x36d: {  	v23 =	vperm.xlane v18, v5;
	v22 =	vadd.s32 v2, v21  }
0x36e: {  	v21 =	vadd.s32 v3, v21  }
0x36f: {  	v24 =	vld [tilespmem:s21+$0x7709];
	v26 =	vperm.xlane v18, v6;
	v25 =	vadd.s32 v2, v23  }
0x370: {  	v23 =	vadd.s32 v3, v23;
	v20 =	vld.idx.msk [tilespmem:v20+s3+$0x0], $0xffff  }
0x371: {  	v28 =	vperm.xlane v18, v7;
	v27 =	vadd.s32 v2, v26;
	v19 =	vld.idx.msk [tilespmem:v19+s3+$0x0], $0xffff  }
0x372: {  	v26 =	vadd.s32 v3, v26;
	v22 =	vld.idx.msk [tilespmem:v22+s3+$0x0], $0xffff  }
0x373: {  	v30 =	vperm.xlane v18, v0;
	v29 =	vadd.s32 v2, v28;
	v21 =	vld.idx.msk [tilespmem:v21+s3+$0x0], $0xffff  }
0x374: {  	v28 =	vadd.s32 v3, v28;
	v25 =	vld.idx.msk [tilespmem:v25+s3+$0x0], $0xffff  }
0x375: {  	v32 =	vperm.xlane v18, v8;
	v31 =	vadd.s32 v2, v30;
	v23 =	vld.idx.msk [tilespmem:v23+s3+$0x0], $0xffff  }
0x376: {  	v30 =	vadd.s32 v3, v30;
	v27 =	vld.idx.msk [tilespmem:v27+s3+$0x0], $0xffff  }
0x377: {  	v34 =	vperm.xlane v18, v9;
	v33 =	vadd.s32 v2, v32;
	v26 =	vld.idx.msk [tilespmem:v26+s3+$0x0], $0xffff  }
0x378: {  	v32 =	vadd.s32 v3, v32;
	v29 =	vld.idx.msk [tilespmem:v29+s3+$0x0], $0xffff  }
0x379: {  	v35 =	vadd.s32 v2, v34;
	v28 =	vld.idx.msk [tilespmem:v28+s3+$0x0], $0xffff  }
0x37a: {  	s22 =	sshrl.u32 s20, $0x3;
	v34 =	vadd.s32 v3, v34;
	v31 =	vld.idx.msk [tilespmem:v31+s3+$0x0], $0xffff  }
0x37b: {  	s22 =	smul.u32 $0x7000, s22;
	v30 =	vld.idx.msk [tilespmem:v30+s3+$0x0], $0xffff  }
0x37c: {  	v33 =	vld.idx.msk [tilespmem:v33+s3+$0x0], $0xffff  }
0x37d: {  	s23 =	sand.u32 $0x380, s18;
	s22 =	sshra.s32 s22, $0x2;
	v32 =	vld.idx.msk [tilespmem:v32+s3+$0x0], $0xffff  }
0x37e: {  	s22 =	sor.u32 s23, s22;
	v35 =	vld.idx.msk [tilespmem:v35+s3+$0x0], $0xffff  }
0x37f: {  	v34 =	vld.idx.msk [tilespmem:v34+s3+$0x0], $0xffff;
	[tilespmem:s22+$0xD800] =	vst v20  }
0x380: {  	[tilespmem:s22+$0xD810] =	vst v19  }
0x381: {  	[tilespmem:s22+$0xD820] =	vst v22  }
0x382: {  	[tilespmem:s22+$0xD830] =	vst v21  }
0x383: {  	[tilespmem:s22+$0xD840] =	vst v25  }
0x384: {  	[tilespmem:s22+$0xD850] =	vst v23  }
0x385: {  	[tilespmem:s22+$0xD860] =	vst v27  }
0x386: {  	[tilespmem:s22+$0xD870] =	vst v26  }
0x387: {  	[tilespmem:s22+$0xDC00] =	vst v29  }
0x388: {  	v36 =	vperm.xlane v18, v11;
	[tilespmem:s22+$0xDC10] =	vst v28  }
0x389: {  	v38 =	vperm.xlane v18, v12;
	[tilespmem:s22+$0xDC20] =	vst v31  }
0x38a: {  	v40 =	vperm.xlane v18, v13;
	v37 =	vadd.s32 v2, v36;
	[tilespmem:s22+$0xDC30] =	vst v30  }
0x38b: {  	v42 =	vperm.xlane v18, v14;
	v39 =	vadd.s32 v2, v38;
	[tilespmem:s22+$0xDC40] =	vst v33  }
0x38c: {  	v46 =	vperm.xlane v18, v16;
	v41 =	vadd.s32 v2, v40;
	[tilespmem:s22+$0xDC50] =	vst v32  }
0x38d: {  	v43 =	vadd.s32 v2, v42;
	[tilespmem:s22+$0xDC60] =	vst v35  }
0x38e: {  	v47 =	vadd.s32 v2, v46;
	[tilespmem:s22+$0xDC70] =	vst v34  }
0x38f: {  	v21 =	vadd.s32 v3, v36;
	v22 =	vld.idx.msk [tilespmem:v37+s3+$0x0], $0xffff  }
0x390: {  	v23 =	vadd.s32 v3, v38;
	v25 =	vld.idx.msk [tilespmem:v39+s3+$0x0], $0xffff  }
0x391: {  	v44 =	vperm.xlane v18, v15;
	v26 =	vadd.s32 v3, v40;
	v27 =	vld.idx.msk [tilespmem:v41+s3+$0x0], $0xffff  }
0x392: {  	v28 =	vadd.s32 v3, v42;
	v29 =	vld.idx.msk [tilespmem:v43+s3+$0x0], $0xffff  }
0x393: {  	v19 =	vperm.xlane v18, v10;
	v30 =	vadd.s32 v3, v44;
	v33 =	vld.idx.msk [tilespmem:v47+s3+$0x0], $0xffff  }
0x394: {  	v32 =	vadd.s32 v3, v46;
	v21 =	vld.idx.msk [tilespmem:v21+s3+$0x0], $0xffff  }
0x395: {  	v31 =	vadd.s32 v2, v19;
	v23 =	vld.idx.msk [tilespmem:v23+s3+$0x0], $0xffff  }
0x396: {  	v18 =	vperm.xlane v18, v17;
	v19 =	vadd.s32 v3, v19;
	v26 =	vld.idx.msk [tilespmem:v26+s3+$0x0], $0xffff  }
0x397: {  	v45 =	vadd.s32 v2, v44;
	v28 =	vld.idx.msk [tilespmem:v28+s3+$0x0], $0xffff  }
0x398: {  	v48 =	vadd.s32 v2, v18;
	v30 =	vld.idx.msk [tilespmem:v30+s3+$0x0], $0xffff  }
0x399: {  	v18 =	vadd.s32 v3, v18;
	v32 =	vld.idx.msk [tilespmem:v32+s3+$0x0], $0xffff  }
0x39a: {  	v20 =	vld.idx.msk [tilespmem:v31+s3+$0x0], $0xffff  }
0x39b: {  	v19 =	vld.idx.msk [tilespmem:v19+s3+$0x0], $0xffff  }
0x39c: {  	v31 =	vld.idx.msk [tilespmem:v45+s3+$0x0], $0xffff  }
0x39d: {  	v34 =	vld.idx.msk [tilespmem:v48+s3+$0x0], $0xffff  }
0x39e: {  	v18 =	vld.idx.msk [tilespmem:v18+s3+$0x0], $0xffff;
	[tilespmem:s22+$0xE020] =	vst v22  }
0x39f: {  	[tilespmem:s22+$0xE040] =	vst v25  }
0x3a0: {  	[tilespmem:s22+$0xE060] =	vst v27  }
0x3a1: {  	[tilespmem:s22+$0xE400] =	vst v29  }
0x3a2: {  	[tilespmem:s22+$0xE440] =	vst v33  }
0x3a3: {  	[tilespmem:s22+$0xE010] =	vst v19;
	v19 =	vtrunc.f32 v24  }
0x3a4: {  	[tilespmem:s22+$0xE030] =	vst v21;
	v19 =	vcvt.f32.s32 v19  }
0x3a5: {  	[tilespmem:s22+$0xE050] =	vst v23  }
0x3a6: {  	[tilespmem:s22+$0xE070] =	vst v26;
	v19 =	vshll.u32 v19, $0x5  }
0x3a7: {  	[tilespmem:s22+$0xE410] =	vst v28;
	v49 =	vperm.xlane v19, v9  }
0x3a8: {  	[tilespmem:s22+$0xE430] =	vst v30  }
0x3a9: {  	[tilespmem:s22+$0xE450] =	vst v32;
	v51 =	vperm.xlane v19, v10;
	v50 =	vadd.s32 v2, v49  }
0x3aa: {  	[tilespmem:s22+$0xE000] =	vst v20;
	v20 =	vadd.s32 v3, v49  }
0x3ab: {  	[tilespmem:s22+$0xE420] =	vst v31;
	v53 =	vperm.xlane v19, v11;
	v52 =	vadd.s32 v2, v51  }
0x3ac: {  	[tilespmem:s22+$0xE460] =	vst v34;
	v22 =	vadd.s32 v3, v51  }
0x3ad: {  	[tilespmem:s22+$0xE470] =	vst v18;
	v54 =	vperm.xlane v19, v12;
	v18 =	vadd.s32 v2, v53  }
0x3ae: {  	v24 =	vadd.s32 v3, v53;
	v21 =	vld.idx.msk [tilespmem:v50+s3+$0x0], $0xffff  }
0x3af: {  	v56 =	vperm.xlane v19, v13;
	v55 =	vadd.s32 v2, v54;
	v20 =	vld.idx.msk [tilespmem:v20+s3+$0x0], $0xffff  }
0x3b0: {  	v25 =	vadd.s32 v3, v54;
	v23 =	vld.idx.msk [tilespmem:v52+s3+$0x0], $0xffff  }
0x3b1: {  	v58 =	vperm.xlane v19, v14;
	v57 =	vadd.s32 v2, v56;
	v22 =	vld.idx.msk [tilespmem:v22+s3+$0x0], $0xffff  }
0x3b2: {  	v27 =	vadd.s32 v3, v56;
	v18 =	vld.idx.msk [tilespmem:v18+s3+$0x0], $0xffff  }
0x3b3: {  	v60 =	vperm.xlane v19, v15;
	v59 =	vadd.s32 v2, v58;
	v24 =	vld.idx.msk [tilespmem:v24+s3+$0x0], $0xffff  }
0x3b4: {  	v29 =	vadd.s32 v3, v58;
	v26 =	vld.idx.msk [tilespmem:v55+s3+$0x0], $0xffff  }
0x3b5: {  	v62 =	vperm.xlane v19, v16;
	v61 =	vadd.s32 v2, v60;
	v25 =	vld.idx.msk [tilespmem:v25+s3+$0x0], $0xffff  }
0x3b6: {  	v31 =	vadd.s32 v3, v60;
	v28 =	vld.idx.msk [tilespmem:v57+s3+$0x0], $0xffff  }
0x3b7: {  	v63 =	vadd.s32 v2, v62;
	v27 =	vld.idx.msk [tilespmem:v27+s3+$0x0], $0xffff  }
0x3b8: {  	v33 =	vadd.s32 v3, v62;
	v30 =	vld.idx.msk [tilespmem:v59+s3+$0x0], $0xffff  }
0x3b9: {  	v29 =	vld.idx.msk [tilespmem:v29+s3+$0x0], $0xffff  }
0x3ba: {  	v32 =	vld.idx.msk [tilespmem:v61+s3+$0x0], $0xffff  }
0x3bb: {  	v31 =	vld.idx.msk [tilespmem:v31+s3+$0x0], $0xffff  }
0x3bc: {  	v34 =	vld.idx.msk [tilespmem:v63+s3+$0x0], $0xffff  }
0x3bd: {  	v33 =	vld.idx.msk [tilespmem:v33+s3+$0x0], $0xffff;
	[tilespmem:s22+$0xE800] =	vst v21  }
0x3be: {  	[tilespmem:s22+$0xE810] =	vst v20  }
0x3bf: {  	[tilespmem:s22+$0xE820] =	vst v23  }
0x3c0: {  	[tilespmem:s22+$0xE830] =	vst v22  }
0x3c1: {  	[tilespmem:s22+$0xE840] =	vst v18  }
0x3c2: {  	[tilespmem:s22+$0xE850] =	vst v24  }
0x3c3: {  	[tilespmem:s22+$0xE860] =	vst v26  }
0x3c4: {  	[tilespmem:s22+$0xE870] =	vst v25  }
0x3c5: {  	[tilespmem:s22+$0xEC00] =	vst v28  }
0x3c6: {  	[tilespmem:s22+$0xEC10] =	vst v27;
	v18 =	vperm.xlane v19, v17  }
0x3c7: {  	[tilespmem:s22+$0xEC20] =	vst v30  }
0x3c8: {  	[tilespmem:s22+$0xEC30] =	vst v29;
	v19 =	vadd.s32 v2, v18  }
0x3c9: {  	[tilespmem:s22+$0xEC40] =	vst v32;
	v18 =	vadd.s32 v3, v18  }
0x3ca: {  	[tilespmem:s22+$0xEC50] =	vst v31  }
0x3cb: {  	[tilespmem:s22+$0xEC60] =	vst v34  }
0x3cc: {  	[tilespmem:s22+$0xEC70] =	vst v33  }
0x3cd: {  	v19 =	vld.idx.msk [tilespmem:v19+s3+$0x0], $0xffff  }
0x3ce: {  	v18 =	vld.idx.msk [tilespmem:v18+s3+$0x0], $0xffff;
	_ =	sdelay $0x3  }
0x3cf: {  	[tilespmem:s22+$0xF000] =	vst v19  }
0x3d0: {  	[tilespmem:s22+$0xF010] =	vst v18  }
0x3d1: {  	v18 =	vld [tilespmem:s21+$0x7719];
	_ =	sdelay $0x4  }
0x3d2: {  	[tilespmem:s22+$0xF020] =	vst v18  }
0x3d3: {  	v18 =	vld [tilespmem:s21+$0x7729];
	_ =	sdelay $0x4  }
0x3d4: {  	[tilespmem:s22+$0xF030] =	vst v18  }
0x3d5: {  	p0 =	sne.s32 s19, $0x3200;
	v18 =	vld [tilespmem:s21+$0x772B]  }
.Ltmp7:
0x3d6: {  	_ = 	snop;
	(pc) =	sbr.rel @p0 .LBB2_17-.Ltmp7, $2  }
0x3d7: {  	_ =	sdelay $0x2  }
0x3d8: {  	s20 =	sadd.s32 $0x1, s20;
	s18 =	sadd.s32 $0x80, s18;
	s19 =	sadd.s32 $0x200, s19;
	[tilespmem:s22+$0xF032] =	vst v18  }
0x3d9: {  	s16 =	sadd.s32 $0x1, s16  }
0x3da: {  	p0 =	sne.s32 s16, $0x8  }
.Ltmp8:
0x3db: {  	_ = 	snop;
	(pc) =	sbr.rel @p0 .LBB2_2-.Ltmp8, $2  }
0x3dc: {  	_ =	sdelay $0x2  }
0x3dd: {  	[hbm4b:s17+s3] =	stream.linear.scatter [tilespmem:s12], [sflag:$0x2], $0x7000, $0x38;
	[tilespmem:$0x14800] =	vst v63  }
0x3de: {  	s15 =	sadd.s32 $0x1, s15  }
0x3df: {  	_ =	swait.ge [sflag:s13], $0x5400;
	p0 =	sne.s32 s15, s8  }
.Ltmp9:
0x3e0: {  	[sflag:s13] =	ssyncset.done $0x0;
	(pc) =	sbr.rel @p0 .LBB2_1-.Ltmp9, $4  }
0x3e1: {  	[sflag:s13] =	ssyncadd.s32 $0xFFFFAC00  }
0x3e2: {  	_ =	swait.ge [sflag:s14], $0x7000  }
0x3e3: {  	[sflag:s14] =	ssyncset.done $0x0  }
0x3e4: {  	[sflag:s14] =	ssyncadd.s32 $0xFFFF9000  }
0x3e5: {  	_ =	sfence.sel $0x180000  }
0x3e6: {  	[bflag:$0x0] =	sbarrier.arrive $0xFFFF  }
0x3e7: {  	p0 =	sne.s32 s2, $0x0;
	_ =	strace $0x90000047  }
0x3e8: {  	s0 =	sadd.s32 @!p0 $0x100000, s0;
	[bflag:$0x2] =	sbarrier.arrive $0xFFFF  }
0x3e9: {  	[sflag:s0] =	ssyncadd.tile.s32 @!p0 $0x1;
	_ =	shalt  }
.Lfunc_end2:
_tile_overlayer_lowered:
.L_overlay_start_2:
0x3ea: {  	(tag) =	ssettag $0x2  }
0x3eb: {  	s0 =	rddreg [dreg:$0x0];
	s2 =	stileid.u32  }
0x3ec: {  	s1 =	rddreg [dreg:$0x1];
	p0 =	sne.s32 s2, $0x0  }
0x3ed: {  	s3 =	rddreg [dreg:$0x2];
	[bflag:$0x3] =	sbarrier.arrive $0xFFFF;
	s2 =	simm.s32 @!p0 $0x1C03  }
0x3ee: {  	[timem:s3], [sflag:s2] =	dma.local @!p0 [hbm:s0], s1  }
0x3ef: {  	s0 =	simm.s32 @!p0 $0x3  }
0x3f0: {  	_ =	swait.ge @!p0 [sflag:s0], s1  }
0x3f1: {  	s1 =	ssub.s32 @!p0 $0x0, s1;
	[sflag:s0] =	ssyncset.done @!p0 $0x0  }
0x3f2: {  	[sflag:s0] =	ssyncadd.s32 @!p0 s1  }
0x3f3: {  	[bflag:$0x3] =	sbarrier.arrive $0xFFFF  }
0x3f4: {  	_ =	shalt  }

</sc_bundles>
